<compile_context>
chip_gen: v7x
topology: tpu7x:2x2x1
jax: 0.10.2.dev20260603
libtpu: 0.0.44.dev20260713+nightly
codegen_flags: <defaults>
</compile_context>

<pallas_src>
import jax
import jax.numpy as jnp
from jax import lax
from jax.experimental import pallas as pl
from jax.experimental.pallas import tpu as pltpu
from jax.experimental.pallas import tpu_sc as plsc

D_MODEL = 1024
BATCH = 4
SEQ_LEN = 4096
SCALE = 32.0

NC, NS, L = 2, 16, 16
NW = NC * NS
B = BATCH * SEQ_LEN
B_PER_W = B // NW
C = 32
N_CHUNKS = B_PER_W // C
NBUF = 3
LOOKAHEAD = 2
VECS_PER_ROW = D_MODEL // L


def _emb_body(table_hbm, idx_hbm, out_hbm, idx_v, *rest):
    bufs = rest[:NBUF]
    gsems = rest[NBUF:2 * NBUF]
    ssems = rest[2 * NBUF:]

    wid = lax.axis_index("s") * NC + lax.axis_index("c")
    base = wid * B_PER_W
    pltpu.sync_copy(idx_hbm.at[pl.ds(base, B_PER_W)], idx_v)

    def start_gather(c, b):
        pltpu.async_copy(
            table_hbm.at[idx_v.at[pl.ds(c * C, C)]], bufs[b], gsems[b]
        )

    def wait_gather(b):
        pltpu.make_async_copy(
            table_hbm.at[idx_v.at[pl.ds(0, C)]], bufs[b], gsems[b]
        ).wait()

    def start_store(c, b):
        pltpu.async_copy(bufs[b], out_hbm.at[pl.ds(base + c * C, C)], ssems[b])

    def wait_store(b):
        pltpu.make_async_copy(bufs[b], out_hbm.at[pl.ds(0, C)], ssems[b]).wait()

    def scale_buf(b):
        buf = bufs[b]

        @plsc.parallel_loop(0, C, unroll=1)
        def _(r):
            for j in range(VECS_PER_ROW):
                sl = pl.ds(j * L, L)
                buf[r, sl] = buf[r, sl] * SCALE

    for c0 in range(LOOKAHEAD):
        start_gather(c0, c0)

    def outer(g, carry):
        for k in range(NBUF):
            c = NBUF * g + k
            bn = (k + LOOKAHEAD) % NBUF

            @pl.when(jnp.logical_and(c >= NBUF - LOOKAHEAD,
                                     c + LOOKAHEAD < N_CHUNKS))
            def _():
                wait_store(bn)

            @pl.when(c + LOOKAHEAD < N_CHUNKS)
            def _():
                start_gather(c + LOOKAHEAD, bn)

            @pl.when(c < N_CHUNKS)
            def _():
                wait_gather(k)
                scale_buf(k)
                start_store(c, k)
        return carry

    lax.fori_loop(0, -(-N_CHUNKS // NBUF), outer, 0)

    for b in range(NBUF):
        wait_store(b)


_mesh = plsc.VectorSubcoreMesh(
    core_axis_name="c", subcore_axis_name="s", num_cores=NC, num_subcores=NS
)

_emb = pl.kernel(
    _emb_body,
    out_type=jax.ShapeDtypeStruct((B, D_MODEL), jnp.float32),
    mesh=_mesh,
    scratch_types=(
        [pltpu.VMEM((B_PER_W,), jnp.int32)]
        + [pltpu.VMEM((C, D_MODEL), jnp.float32) for _ in range(NBUF)]
        + [pltpu.SemaphoreType.DMA for _ in range(2 * NBUF)]
    ),
)


@jax.jit
def kernel(x, W):
    xf = x.reshape(-1).astype(jnp.int32)
    out = _emb(W, xf)
    return out.reshape(x.shape[0], x.shape[1], D_MODEL)

# --- scband reference (transcript-rebuilt; emitter-appended) ---
"""Pipeline reference for scband-token-embedding-4037269258443 (READ-ONLY COPY).

The authoritative reference and input builder live on the scoring server;
editing this copy changes nothing except your own understanding.
"""

import jax, jax.numpy as jnp
import numpy as np

VOCAB_SIZE = 100000
D_MODEL = 1024
BATCH = 4
SEQ_LEN = 4096


def setup_inputs(seed: int = 0) -> dict:
    key = jax.random.key(seed)
    k_idx, k_w = jax.random.split(key)
    x = jax.random.randint(k_idx, (BATCH, SEQ_LEN), 0, VOCAB_SIZE, dtype=jnp.int64 if jax.config.jax_enable_x64 else jnp.int32)
    W = jax.random.normal(k_w, (VOCAB_SIZE, D_MODEL), dtype=jnp.float32) * 0.02
    return {"x": x, "W": W}


def reference(x, W):
    # Token embedding lookup: (batch, seq_len) -> (batch, seq_len, d_model)
    # Standard transformer scaling by sqrt(d_model).
    emb = jnp.take(W, x, axis=0)
    return emb * jnp.sqrt(jnp.asarray(D_MODEL, dtype=emb.dtype))

if __name__ == "__main__":
    import jax
    _d = setup_inputs()
    print(jax.jit(kernel)(*tuple(_d.values())))

</pallas_src>

<mosaic_0001>
#map = affine_map<(d0, d1) -> (0, 0)>
#map1 = affine_map<(d0, d1) -> (0)>
module attributes {stable_mosaic.version = 14 : i64} {
  func.func @_emb_body(%arg0: i32, %arg1: i32, %arg2: memref<100000x1024xf32, #tpu.memory_space<hbm>>, %arg3: memref<16384xi32, #tpu.memory_space<hbm>>, %arg4: memref<16384x1024xf32, #tpu.memory_space<hbm>>, %arg5: memref<512xi32, #tpu.memory_space<vmem>>, %arg6: memref<32x1024xf32, #tpu.memory_space<vmem>>, %arg7: memref<32x1024xf32, #tpu.memory_space<vmem>>, %arg8: memref<32x1024xf32, #tpu.memory_space<vmem>>, %arg9: memref<!tpu.dma_semaphore, #tpu.memory_space<semaphore_mem>>, %arg10: memref<!tpu.dma_semaphore, #tpu.memory_space<semaphore_mem>>, %arg11: memref<!tpu.dma_semaphore, #tpu.memory_space<semaphore_mem>>, %arg12: memref<!tpu.dma_semaphore, #tpu.memory_space<semaphore_mem>>, %arg13: memref<!tpu.dma_semaphore, #tpu.memory_space<semaphore_mem>>, %arg14: memref<!tpu.dma_semaphore, #tpu.memory_space<semaphore_mem>>) attributes {dimension_semantics = [#tpu.dimension_semantics<core_parallel>, #tpu.dimension_semantics<subcore_parallel>], iteration_bounds = array<i64: 2, 16>, scalar_prefetch = 0 : i64, scratch_operands = 10 : i64, tpu.core_type = #tpu.core_type<sc_vector_subcore>, window_params = [{transform_indices = #map}, {transform_indices = #map1}, {transform_indices = #map}]} {
    %mul3A = arith.constant 2 : i32
    %mul3A_0 = arith.muli %arg1, %mul3A : i32
    %add3A = arith.addi %mul3A_0, %arg0 : i32
    %mul3A_1 = arith.constant 512 : i32
    %mul3A_2 = arith.muli %add3A, %mul3A_1 : i32
    "tpu.region"() ({
      %run_scoped3A = tpu.sem_alloc : memref<!tpu.dma_semaphore, #tpu.memory_space<semaphore_mem>>
      %dma_start3A_34 = tpu.memref_slice %arg3[%mul3A_2] : memref<16384xi32, #tpu.memory_space<hbm>> -> memref<512xi32, #tpu.memory_space<hbm>>
      %dma_start3A_35 = tpu.memref_slice %arg3[%mul3A_2] : memref<16384xi32, #tpu.memory_space<hbm>> -> memref<512xi32, #tpu.memory_space<hbm>>
      tpu.enqueue_dma source(%dma_start3A_35 : memref<512xi32, #tpu.memory_space<hbm>>) target(%arg5 : memref<512xi32, #tpu.memory_space<vmem>>) target_semaphore(%run_scoped3A : memref<!tpu.dma_semaphore, #tpu.memory_space<semaphore_mem>>)
      %dma_wait3A_36 = tpu.memref_slice %arg3[%mul3A_2] : memref<16384xi32, #tpu.memory_space<hbm>> -> memref<512xi32, #tpu.memory_space<hbm>>
      %dma_wait3A_37 = tpu.memref_slice %arg3[%mul3A_2] : memref<16384xi32, #tpu.memory_space<hbm>> -> memref<512xi32, #tpu.memory_space<hbm>>
      tpu.wait_dma2 semaphore(%run_scoped3A : memref<!tpu.dma_semaphore, #tpu.memory_space<semaphore_mem>>) src(%dma_wait3A_37 : memref<512xi32, #tpu.memory_space<hbm>>) dst(%arg5 : memref<512xi32, #tpu.memory_space<vmem>>)
      tpu.yield
    }) : () -> ()
    %dma_start3A = arith.constant 0 : i32
    %dma_start3A_3 = tpu.memref_slice %arg5[%dma_start3A] : memref<512xi32, #tpu.memory_space<vmem>> -> memref<32xi32, #tpu.memory_space<vmem>>
    %dma_start3A_4 = arith.constant 0 : i32
    %dma_start3A_5 = arith.constant 0 : i32
    %dma_start3A_6 = tpu.memref_slice %arg2[%dma_start3A_4, %dma_start3A_5] : memref<100000x1024xf32, #tpu.memory_space<hbm>> -> memref<100000x1024xf32, #tpu.memory_space<hbm>>
    tpu.enqueue_indirect_dma source(%dma_start3A_6 : memref<100000x1024xf32, #tpu.memory_space<hbm>>) target(%arg6 : memref<32x1024xf32, #tpu.memory_space<vmem>>) offsets(%dma_start3A_3 : memref<32xi32, #tpu.memory_space<vmem>>) semaphore(%arg9 : memref<!tpu.dma_semaphore, #tpu.memory_space<semaphore_mem>>)
    %dma_start3A_7 = arith.constant 32 : i32
    %dma_start3A_8 = tpu.memref_slice %arg5[%dma_start3A_7] : memref<512xi32, #tpu.memory_space<vmem>> -> memref<32xi32, #tpu.memory_space<vmem>>
    %dma_start3A_9 = arith.constant 0 : i32
    %dma_start3A_10 = arith.constant 0 : i32
    %dma_start3A_11 = tpu.memref_slice %arg2[%dma_start3A_9, %dma_start3A_10] : memref<100000x1024xf32, #tpu.memory_space<hbm>> -> memref<100000x1024xf32, #tpu.memory_space<hbm>>
    tpu.enqueue_indirect_dma source(%dma_start3A_11 : memref<100000x1024xf32, #tpu.memory_space<hbm>>) target(%arg7 : memref<32x1024xf32, #tpu.memory_space<vmem>>) offsets(%dma_start3A_8 : memref<32xi32, #tpu.memory_space<vmem>>) semaphore(%arg10 : memref<!tpu.dma_semaphore, #tpu.memory_space<semaphore_mem>>)
    %scan3A = arith.constant 0 : i32
    %scan3A_12 = arith.constant 0 : i32
    %scan3A_13 = arith.constant 6 : i32
    %scan3A_14 = arith.addi %scan3A_12, %scan3A_13 : i32
    %scan3A_15 = arith.constant 1 : i32
    scf.for %scan3A_34 = %scan3A_12 to %scan3A_14 step %scan3A_15  : i32 {
      %mul3A_35 = arith.constant 3 : i32
      %mul3A_36 = arith.muli %mul3A_35, %scan3A_34 : i32
      %add3A_37 = arith.constant 0 : i32
      %add3A_38 = arith.addi %mul3A_36, %add3A_37 : i32
      %ge3A = arith.constant 1 : i32
      %ge3A_39 = arith.cmpi sge, %add3A_38, %ge3A : i32
      %add3A_40 = arith.constant 2 : i32
      %add3A_41 = arith.addi %add3A_38, %add3A_40 : i32
      %lt3A = arith.constant 16 : i32
      %lt3A_42 = arith.cmpi slt, %add3A_41, %lt3A : i32
      %and3A = arith.andi %ge3A_39, %lt3A_42 : i1
      %convert_element_type3A = arith.extui %and3A : i1 to i32
      %cond3A = arith.constant 0 : i32
      %cond3A_43 = arith.cmpi ne, %convert_element_type3A, %cond3A : i32
      scf.if %cond3A_43 {
        %dma_wait3A_108 = arith.constant 0 : i32
        %dma_wait3A_109 = arith.constant 0 : i32
        %dma_wait3A_110 = tpu.memref_slice %arg4[%dma_wait3A_108, %dma_wait3A_109] : memref<16384x1024xf32, #tpu.memory_space<hbm>> -> memref<32x1024xf32, #tpu.memory_space<hbm>>
        %dma_wait3A_111 = arith.constant 0 : i32
        %dma_wait3A_112 = arith.constant 0 : i32
        %dma_wait3A_113 = tpu.memref_slice %arg4[%dma_wait3A_111, %dma_wait3A_112] : memref<16384x1024xf32, #tpu.memory_space<hbm>> -> memref<32x1024xf32, #tpu.memory_space<hbm>>
        tpu.wait_dma2 semaphore(%arg14 : memref<!tpu.dma_semaphore, #tpu.memory_space<semaphore_mem>>) src(%arg8 : memref<32x1024xf32, #tpu.memory_space<vmem>>) dst(%dma_wait3A_113 : memref<32x1024xf32, #tpu.memory_space<hbm>>)
      } else {
      }
      %add3A_44 = arith.constant 2 : i32
      %add3A_45 = arith.addi %add3A_38, %add3A_44 : i32
      %lt3A_46 = arith.constant 16 : i32
      %lt3A_47 = arith.cmpi slt, %add3A_45, %lt3A_46 : i32
      %convert_element_type3A_48 = arith.extui %lt3A_47 : i1 to i32
      %cond3A_49 = arith.constant 0 : i32
      %cond3A_50 = arith.cmpi ne, %convert_element_type3A_48, %cond3A_49 : i32
      scf.if %cond3A_50 {
        %add3A_108 = arith.constant 2 : i32
        %add3A_109 = arith.addi %add3A_38, %add3A_108 : i32
        %mul3A_110 = arith.constant 32 : i32
        %mul3A_111 = arith.muli %add3A_109, %mul3A_110 : i32
        %dma_start3A_112 = tpu.memref_slice %arg5[%mul3A_111] : memref<512xi32, #tpu.memory_space<vmem>> -> memref<32xi32, #tpu.memory_space<vmem>>
        %dma_start3A_113 = arith.constant 0 : i32
        %dma_start3A_114 = arith.constant 0 : i32
        %dma_start3A_115 = tpu.memref_slice %arg2[%dma_start3A_113, %dma_start3A_114] : memref<100000x1024xf32, #tpu.memory_space<hbm>> -> memref<100000x1024xf32, #tpu.memory_space<hbm>>
        tpu.enqueue_indirect_dma source(%dma_start3A_115 : memref<100000x1024xf32, #tpu.memory_space<hbm>>) target(%arg8 : memref<32x1024xf32, #tpu.memory_space<vmem>>) offsets(%dma_start3A_112 : memref<32xi32, #tpu.memory_space<vmem>>) semaphore(%arg11 : memref<!tpu.dma_semaphore, #tpu.memory_space<semaphore_mem>>)
      } else {
      }
      %lt3A_51 = arith.constant 16 : i32
      %lt3A_52 = arith.cmpi slt, %add3A_38, %lt3A_51 : i32
      %convert_element_type3A_53 = arith.extui %lt3A_52 : i1 to i32
      %cond3A_54 = arith.constant 0 : i32
      %cond3A_55 = arith.cmpi ne, %convert_element_type3A_53, %cond3A_54 : i32
      scf.if %cond3A_55 {
        %dma_wait3A_108 = arith.constant 0 : i32
        %dma_wait3A_109 = tpu.memref_slice %arg5[%dma_wait3A_108] : memref<512xi32, #tpu.memory_space<vmem>> -> memref<32xi32, #tpu.memory_space<vmem>>
        %dma_wait3A_110 = arith.constant 0 : i32
        %dma_wait3A_111 = arith.constant 0 : i32
        %dma_wait3A_112 = tpu.memref_slice %arg2[%dma_wait3A_110, %dma_wait3A_111] : memref<100000x1024xf32, #tpu.memory_space<hbm>> -> memref<100000x1024xf32, #tpu.memory_space<hbm>>
        tpu.wait_indirect_dma semaphore(%arg9 : memref<!tpu.dma_semaphore, #tpu.memory_space<semaphore_mem>>) src(%dma_wait3A_112 : memref<100000x1024xf32, #tpu.memory_space<hbm>>) dst(%arg6 : memref<32x1024xf32, #tpu.memory_space<vmem>>)
        %parallel_loop3A = arith.constant 0 : i32
        %parallel_loop3A_113 = arith.constant 32 : i32
        %parallel_loop3A_114 = arith.constant 1 : i32
        scf.for %parallel_loop3A_122 = %parallel_loop3A to %parallel_loop3A_113 step %parallel_loop3A_114  : i32 {
          %parallel_loop3A_123 = arith.index_cast %parallel_loop3A_122 : i32 to index
          %parallel_loop3A_124 = arith.constant 0 : index
          %parallel_loop3A_125 = tpu.vector_load %arg6[%parallel_loop3A_123, %parallel_loop3A_124] {strides = array<i32>} : memref<32x1024xf32, #tpu.memory_space<vmem>>, vector<1x16xf32>,
          %parallel_loop3A_126 = vector.shape_cast %parallel_loop3A_125 : vector<1x16xf32> to vector<16xf32>
          %parallel_loop3A_127 = arith.constant 3.200000e+01 : f32
          %parallel_loop3A_128 = vector.broadcast %parallel_loop3A_127 : f32 to vector<16xf32>
          %parallel_loop3A_129 = arith.mulf %parallel_loop3A_126, %parallel_loop3A_128 : vector<16xf32>
          %parallel_loop3A_130 = arith.index_cast %parallel_loop3A_122 : i32 to index
          %parallel_loop3A_131 = arith.constant 0 : index
          %parallel_loop3A_132 = tpu.vector_load %arg6[%parallel_loop3A_130, %parallel_loop3A_131] {strides = array<i32>} : memref<32x1024xf32, #tpu.memory_space<vmem>>, vector<1x16xf32>,
          %parallel_loop3A_133 = vector.shape_cast %parallel_loop3A_132 : vector<1x16xf32> to vector<16xf32>
          %parallel_loop3A_134 = vector.shape_cast %parallel_loop3A_129 : vector<16xf32> to vector<1x16xf32>
          tpu.vector_store %arg6[%parallel_loop3A_130, %parallel_loop3A_131], %parallel_loop3A_134 {strides = array<i32>} : memref<32x1024xf32, #tpu.memory_space<vmem>>, vector<1x16xf32>,
          %parallel_loop3A_135 = arith.index_cast %parallel_loop3A_122 : i32 to index
          %parallel_loop3A_136 = arith.constant 16 : index
          %parallel_loop3A_137 = tpu.vector_load %arg6[%parallel_loop3A_135, %parallel_loop3A_136] {strides = array<i32>} : memref<32x1024xf32, #tpu.memory_space<vmem>>, vector<1x16xf32>,
          %parallel_loop3A_138 = vector.shape_cast %parallel_loop3A_137 : vector<1x16xf32> to vector<16xf32>
          %parallel_loop3A_139 = arith.constant 3.200000e+01 : f32
          %parallel_loop3A_140 = vector.broadcast %parallel_loop3A_139 : f32 to vector<16xf32>
          %parallel_loop3A_141 = arith.mulf %parallel_loop3A_138, %parallel_loop3A_140 : vector<16xf32>
          %parallel_loop3A_142 = arith.index_cast %parallel_loop3A_122 : i32 to index
          %parallel_loop3A_143 = arith.constant 16 : index
          %parallel_loop3A_144 = tpu.vector_load %arg6[%parallel_loop3A_142, %parallel_loop3A_143] {strides = array<i32>} : memref<32x1024xf32, #tpu.memory_space<vmem>>, vector<1x16xf32>,
          %parallel_loop3A_145 = vector.shape_cast %parallel_loop3A_144 : vector<1x16xf32> to vector<16xf32>
          %parallel_loop3A_146 = vector.shape_cast %parallel_loop3A_141 : vector<16xf32> to vector<1x16xf32>
          tpu.vector_store %arg6[%parallel_loop3A_142, %parallel_loop3A_143], %parallel_loop3A_146 {strides = array<i32>} : memref<32x1024xf32, #tpu.memory_space<vmem>>, vector<1x16xf32>,
          %parallel_loop3A_147 = arith.index_cast %parallel_loop3A_122 : i32 to index
          %parallel_loop3A_148 = arith.constant 32 : index
          %parallel_loop3A_149 = tpu.vector_load %arg6[%parallel_loop3A_147, %parallel_loop3A_148] {strides = array<i32>} : memref<32x1024xf32, #tpu.memory_space<vmem>>, vector<1x16xf32>,
          %parallel_loop3A_150 = vector.shape_cast %parallel_loop3A_149 : vector<1x16xf32> to vector<16xf32>
          %parallel_loop3A_151 = arith.constant 3.200000e+01 : f32
          %parallel_loop3A_152 = vector.broadcast %parallel_loop3A_151 : f32 to vector<16xf32>
          %parallel_loop3A_153 = arith.mulf %parallel_loop3A_150, %parallel_loop3A_152 : vector<16xf32>
          %parallel_loop3A_154 = arith.index_cast %parallel_loop3A_122 : i32 to index
          %parallel_loop3A_155 = arith.constant 32 : index
          %parallel_loop3A_156 = tpu.vector_load %arg6[%parallel_loop3A_154, %parallel_loop3A_155] {strides = array<i32>} : memref<32x1024xf32, #tpu.memory_space<vmem>>, vector<1x16xf32>,
          %parallel_loop3A_157 = vector.shape_cast %parallel_loop3A_156 : vector<1x16xf32> to vector<16xf32>
          %parallel_loop3A_158 = vector.shape_cast %parallel_loop3A_153 : vector<16xf32> to vector<1x16xf32>
          tpu.vector_store %arg6[%parallel_loop3A_154, %parallel_loop3A_155], %parallel_loop3A_158 {strides = array<i32>} : memref<32x1024xf32, #tpu.memory_space<vmem>>, vector<1x16xf32>,
          %parallel_loop3A_159 = arith.index_cast %parallel_loop3A_122 : i32 to index
          %parallel_loop3A_160 = arith.constant 48 : index
          %parallel_loop3A_161 = tpu.vector_load %arg6[%parallel_loop3A_159, %parallel_loop3A_160] {strides = array<i32>} : memref<32x1024xf32, #tpu.memory_space<vmem>>, vector<1x16xf32>,
          %parallel_loop3A_162 = vector.shape_cast %parallel_loop3A_161 : vector<1x16xf32> to vector<16xf32>
          %parallel_loop3A_163 = arith.constant 3.200000e+01 : f32
          %parallel_loop3A_164 = vector.broadcast %parallel_loop3A_163 : f32 to vector<16xf32>
          %parallel_loop3A_165 = arith.mulf %parallel_loop3A_162, %parallel_loop3A_164 : vector<16xf32>
          %parallel_loop3A_166 = arith.index_cast %parallel_loop3A_122 : i32 to index
          %parallel_loop3A_167 = arith.constant 48 : index
          %parallel_loop3A_168 = tpu.vector_load %arg6[%parallel_loop3A_166, %parallel_loop3A_167] {strides = array<i32>} : memref<32x1024xf32, #tpu.memory_space<vmem>>, vector<1x16xf32>,
          %parallel_loop3A_169 = vector.shape_cast %parallel_loop3A_168 : vector<1x16xf32> to vector<16xf32>
          %parallel_loop3A_170 = vector.shape_cast %parallel_loop3A_165 : vector<16xf32> to vector<1x16xf32>
          tpu.vector_store %arg6[%parallel_loop3A_166, %parallel_loop3A_167], %parallel_loop3A_170 {strides = array<i32>} : memref<32x1024xf32, #tpu.memory_space<vmem>>, vector<1x16xf32>,
          %parallel_loop3A_171 = arith.index_cast %parallel_loop3A_122 : i32 to index
          %parallel_loop3A_172 = arith.constant 64 : index
          %parallel_loop3A_173 = tpu.vector_load %arg6[%parallel_loop3A_171, %parallel_loop3A_172] {strides = array<i32>} : memref<32x1024xf32, #tpu.memory_space<vmem>>, vector<1x16xf32>,
          %parallel_loop3A_174 = vector.shape_cast %parallel_loop3A_173 : vector<1x16xf32> to vector<16xf32>
          %parallel_loop3A_175 = arith.constant 3.200000e+01 : f32
          %parallel_loop3A_176 = vector.broadcast %parallel_loop3A_175 : f32 to vector<16xf32>
          %parallel_loop3A_177 = arith.mulf %parallel_loop3A_174, %parallel_loop3A_176 : vector<16xf32>
          %parallel_loop3A_178 = arith.index_cast %parallel_loop3A_122 : i32 to index
          %parallel_loop3A_179 = arith.constant 64 : index
          %parallel_loop3A_180 = tpu.vector_load %arg6[%parallel_loop3A_178, %parallel_loop3A_179] {strides = array<i32>} : memref<32x1024xf32, #tpu.memory_space<vmem>>, vector<1x16xf32>,
          %parallel_loop3A_181 = vector.shape_cast %parallel_loop3A_180 : vector<1x16xf32> to vector<16xf32>
          %parallel_loop3A_182 = vector.shape_cast %parallel_loop3A_177 : vector<16xf32> to vector<1x16xf32>
          tpu.vector_store %arg6[%parallel_loop3A_178, %parallel_loop3A_179], %parallel_loop3A_182 {strides = array<i32>} : memref<32x1024xf32, #tpu.memory_space<vmem>>, vector<1x16xf32>,
          %parallel_loop3A_183 = arith.index_cast %parallel_loop3A_122 : i32 to index
          %parallel_loop3A_184 = arith.constant 80 : index
          %parallel_loop3A_185 = tpu.vector_load %arg6[%parallel_loop3A_183, %parallel_loop3A_184] {strides = array<i32>} : memref<32x1024xf32, #tpu.memory_space<vmem>>, vector<1x16xf32>,
          %parallel_loop3A_186 = vector.shape_cast %parallel_loop3A_185 : vector<1x16xf32> to vector<16xf32>
          %parallel_loop3A_187 = arith.constant 3.200000e+01 : f32
          %parallel_loop3A_188 = vector.broadcast %parallel_loop3A_187 : f32 to vector<16xf32>
          %parallel_loop3A_189 = arith.mulf %parallel_loop3A_186, %parallel_loop3A_188 : vector<16xf32>
          %parallel_loop3A_190 = arith.index_cast %parallel_loop3A_122 : i32 to index
          %parallel_loop3A_191 = arith.constant 80 : index
          %parallel_loop3A_192 = tpu.vector_load %arg6[%parallel_loop3A_190, %parallel_loop3A_191] {strides = array<i32>} : memref<32x1024xf32, #tpu.memory_space<vmem>>, vector<1x16xf32>,
          %parallel_loop3A_193 = vector.shape_cast %parallel_loop3A_192 : vector<1x16xf32> to vector<16xf32>
          %parallel_loop3A_194 = vector.shape_cast %parallel_loop3A_189 : vector<16xf32> to vector<1x16xf32>
          tpu.vector_store %arg6[%parallel_loop3A_190, %parallel_loop3A_191], %parallel_loop3A_194 {strides = array<i32>} : memref<32x1024xf32, #tpu.memory_space<vmem>>, vector<1x16xf32>,
          %parallel_loop3A_195 = arith.index_cast %parallel_loop3A_122 : i32 to index
          %parallel_loop3A_196 = arith.constant 96 : index
          %parallel_loop3A_197 = tpu.vector_load %arg6[%parallel_loop3A_195, %parallel_loop3A_196] {strides = array<i32>} : memref<32x1024xf32, #tpu.memory_space<vmem>>, vector<1x16xf32>,
          %parallel_loop3A_198 = vector.shape_cast %parallel_loop3A_197 : vector<1x16xf32> to vector<16xf32>
          %parallel_loop3A_199 = arith.constant 3.200000e+01 : f32
          %parallel_loop3A_200 = vector.broadcast %parallel_loop3A_199 : f32 to vector<16xf32>
          %parallel_loop3A_201 = arith.mulf %parallel_loop3A_198, %parallel_loop3A_200 : vector<16xf32>
          %parallel_loop3A_202 = arith.index_cast %parallel_loop3A_122 : i32 to index
          %parallel_loop3A_203 = arith.constant 96 : index
          %parallel_loop3A_204 = tpu.vector_load %arg6[%parallel_loop3A_202, %parallel_loop3A_203] {strides = array<i32>} : memref<32x1024xf32, #tpu.memory_space<vmem>>, vector<1x16xf32>,
          %parallel_loop3A_205 = vector.shape_cast %parallel_loop3A_204 : vector<1x16xf32> to vector<16xf32>
          %parallel_loop3A_206 = vector.shape_cast %parallel_loop3A_201 : vector<16xf32> to vector<1x16xf32>
          tpu.vector_store %arg6[%parallel_loop3A_202, %parallel_loop3A_203], %parallel_loop3A_206 {strides = array<i32>} : memref<32x1024xf32, #tpu.memory_space<vmem>>, vector<1x16xf32>,
          %parallel_loop3A_207 = arith.index_cast %parallel_loop3A_122 : i32 to index
          %parallel_loop3A_208 = arith.constant 112 : index
          %parallel_loop3A_209 = tpu.vector_load %arg6[%parallel_loop3A_207, %parallel_loop3A_208] {strides = array<i32>} : memref<32x1024xf32, #tpu.memory_space<vmem>>, vector<1x16xf32>,
          %parallel_loop3A_210 = vector.shape_cast %parallel_loop3A_209 : vector<1x16xf32> to vector<16xf32>
          %parallel_loop3A_211 = arith.constant 3.200000e+01 : f32
          %parallel_loop3A_212 = vector.broadcast %parallel_loop3A_211 : f32 to vector<16xf32>
          %parallel_loop3A_213 = arith.mulf %parallel_loop3A_210, %parallel_loop3A_212 : vector<16xf32>
          %parallel_loop3A_214 = arith.index_cast %parallel_loop3A_122 : i32 to index
          %parallel_loop3A_215 = arith.constant 112 : index
          %parallel_loop3A_216 = tpu.vector_load %arg6[%parallel_loop3A_214, %parallel_loop3A_215] {strides = array<i32>} : memref<32x1024xf32, #tpu.memory_space<vmem>>, vector<1x16xf32>,
          %parallel_loop3A_217 = vector.shape_cast %parallel_loop3A_216 : vector<1x16xf32> to vector<16xf32>
          %parallel_loop3A_218 = vector.shape_cast %parallel_loop3A_213 : vector<16xf32> to vector<1x16xf32>
          tpu.vector_store %arg6[%parallel_loop3A_214, %parallel_loop3A_215], %parallel_loop3A_218 {strides = array<i32>} : memref<32x1024xf32, #tpu.memory_space<vmem>>, vector<1x16xf32>,
          %parallel_loop3A_219 = arith.index_cast %parallel_loop3A_122 : i32 to index
          %parallel_loop3A_220 = arith.constant 128 : index
          %parallel_loop3A_221 = tpu.vector_load %arg6[%parallel_loop3A_219, %parallel_loop3A_220] {strides = array<i32>} : memref<32x1024xf32, #tpu.memory_space<vmem>>, vector<1x16xf32>,
          %parallel_loop3A_222 = vector.shape_cast %parallel_loop3A_221 : vector<1x16xf32> to vector<16xf32>
          %parallel_loop3A_223 = arith.constant 3.200000e+01 : f32
          %parallel_loop3A_224 = vector.broadcast %parallel_loop3A_223 : f32 to vector<16xf32>
          %parallel_loop3A_225 = arith.mulf %parallel_loop3A_222, %parallel_loop3A_224 : vector<16xf32>
          %parallel_loop3A_226 = arith.index_cast %parallel_loop3A_122 : i32 to index
          %parallel_loop3A_227 = arith.constant 128 : index
          %parallel_loop3A_228 = tpu.vector_load %arg6[%parallel_loop3A_226, %parallel_loop3A_227] {strides = array<i32>} : memref<32x1024xf32, #tpu.memory_space<vmem>>, vector<1x16xf32>,
          %parallel_loop3A_229 = vector.shape_cast %parallel_loop3A_228 : vector<1x16xf32> to vector<16xf32>
          %parallel_loop3A_230 = vector.shape_cast %parallel_loop3A_225 : vector<16xf32> to vector<1x16xf32>
          tpu.vector_store %arg6[%parallel_loop3A_226, %parallel_loop3A_227], %parallel_loop3A_230 {strides = array<i32>} : memref<32x1024xf32, #tpu.memory_space<vmem>>, vector<1x16xf32>,
          %parallel_loop3A_231 = arith.index_cast %parallel_loop3A_122 : i32 to index
          %parallel_loop3A_232 = arith.constant 144 : index
          %parallel_loop3A_233 = tpu.vector_load %arg6[%parallel_loop3A_231, %parallel_loop3A_232] {strides = array<i32>} : memref<32x1024xf32, #tpu.memory_space<vmem>>, vector<1x16xf32>,
          %parallel_loop3A_234 = vector.shape_cast %parallel_loop3A_233 : vector<1x16xf32> to vector<16xf32>
          %parallel_loop3A_235 = arith.constant 3.200000e+01 : f32
          %parallel_loop3A_236 = vector.broadcast %parallel_loop3A_235 : f32 to vector<16xf32>
          %parallel_loop3A_237 = arith.mulf %parallel_loop3A_234, %parallel_loop3A_236 : vector<16xf32>
          %parallel_loop3A_238 = arith.index_cast %parallel_loop3A_122 : i32 to index
          %parallel_loop3A_239 = arith.constant 144 : index
          %parallel_loop3A_240 = tpu.vector_load %arg6[%parallel_loop3A_238, %parallel_loop3A_239] {strides = array<i32>} : memref<32x1024xf32, #tpu.memory_space<vmem>>, vector<1x16xf32>,
          %parallel_loop3A_241 = vector.shape_cast %parallel_loop3A_240 : vector<1x16xf32> to vector<16xf32>
          %parallel_loop3A_242 = vector.shape_cast %parallel_loop3A_237 : vector<16xf32> to vector<1x16xf32>
          tpu.vector_store %arg6[%parallel_loop3A_238, %parallel_loop3A_239], %parallel_loop3A_242 {strides = array<i32>} : memref<32x1024xf32, #tpu.memory_space<vmem>>, vector<1x16xf32>,
          %parallel_loop3A_243 = arith.index_cast %parallel_loop3A_122 : i32 to index
          %parallel_loop3A_244 = arith.constant 160 : index
          %parallel_loop3A_245 = tpu.vector_load %arg6[%parallel_loop3A_243, %parallel_loop3A_244] {strides = array<i32>} : memref<32x1024xf32, #tpu.memory_space<vmem>>, vector<1x16xf32>,
          %parallel_loop3A_246 = vector.shape_cast %parallel_loop3A_245 : vector<1x16xf32> to vector<16xf32>
          %parallel_loop3A_247 = arith.constant 3.200000e+01 : f32
          %parallel_loop3A_248 = vector.broadcast %parallel_loop3A_247 : f32 to vector<16xf32>
          %parallel_loop3A_249 = arith.mulf %parallel_loop3A_246, %parallel_loop3A_248 : vector<16xf32>
          %parallel_loop3A_250 = arith.index_cast %parallel_loop3A_122 : i32 to index
          %parallel_loop3A_251 = arith.constant 160 : index
          %parallel_loop3A_252 = tpu.vector_load %arg6[%parallel_loop3A_250, %parallel_loop3A_251] {strides = array<i32>} : memref<32x1024xf32, #tpu.memory_space<vmem>>, vector<1x16xf32>,
          %parallel_loop3A_253 = vector.shape_cast %parallel_loop3A_252 : vector<1x16xf32> to vector<16xf32>
          %parallel_loop3A_254 = vector.shape_cast %parallel_loop3A_249 : vector<16xf32> to vector<1x16xf32>
          tpu.vector_store %arg6[%parallel_loop3A_250, %parallel_loop3A_251], %parallel_loop3A_254 {strides = array<i32>} : memref<32x1024xf32, #tpu.memory_space<vmem>>, vector<1x16xf32>,
          %parallel_loop3A_255 = arith.index_cast %parallel_loop3A_122 : i32 to index
          %parallel_loop3A_256 = arith.constant 176 : index
          %parallel_loop3A_257 = tpu.vector_load %arg6[%parallel_loop3A_255, %parallel_loop3A_256] {strides = array<i32>} : memref<32x1024xf32, #tpu.memory_space<vmem>>, vector<1x16xf32>,
          %parallel_loop3A_258 = vector.shape_cast %parallel_loop3A_257 : vector<1x16xf32> to vector<16xf32>
          %parallel_loop3A_259 = arith.constant 3.200000e+01 : f32
          %parallel_loop3A_260 = vector.broadcast %parallel_loop3A_259 : f32 to vector<16xf32>
          %parallel_loop3A_261 = arith.mulf %parallel_loop3A_258, %parallel_loop3A_260 : vector<16xf32>
          %parallel_loop3A_262 = arith.index_cast %parallel_loop3A_122 : i32 to index
          %parallel_loop3A_263 = arith.constant 176 : index
          %parallel_loop3A_264 = tpu.vector_load %arg6[%parallel_loop3A_262, %parallel_loop3A_263] {strides = array<i32>} : memref<32x1024xf32, #tpu.memory_space<vmem>>, vector<1x16xf32>,
          %parallel_loop3A_265 = vector.shape_cast %parallel_loop3A_264 : vector<1x16xf32> to vector<16xf32>
          %parallel_loop3A_266 = vector.shape_cast %parallel_loop3A_261 : vector<16xf32> to vector<1x16xf32>
          tpu.vector_store %arg6[%parallel_loop3A_262, %parallel_loop3A_263], %parallel_loop3A_266 {strides = array<i32>} : memref<32x1024xf32, #tpu.memory_space<vmem>>, vector<1x16xf32>,
          %parallel_loop3A_267 = arith.index_cast %parallel_loop3A_122 : i32 to index
          %parallel_loop3A_268 = arith.constant 192 : index
          %parallel_loop3A_269 = tpu.vector_load %arg6[%parallel_loop3A_267, %parallel_loop3A_268] {strides = array<i32>} : memref<32x1024xf32, #tpu.memory_space<vmem>>, vector<1x16xf32>,
          %parallel_loop3A_270 = vector.shape_cast %parallel_loop3A_269 : vector<1x16xf32> to vector<16xf32>
          %parallel_loop3A_271 = arith.constant 3.200000e+01 : f32
          %parallel_loop3A_272 = vector.broadcast %parallel_loop3A_271 : f32 to vector<16xf32>
          %parallel_loop3A_273 = arith.mulf %parallel_loop3A_270, %parallel_loop3A_272 : vector<16xf32>
          %parallel_loop3A_274 = arith.index_cast %parallel_loop3A_122 : i32 to index
          %parallel_loop3A_275 = arith.constant 192 : index
          %parallel_loop3A_276 = tpu.vector_load %arg6[%parallel_loop3A_274, %parallel_loop3A_275] {strides = array<i32>} : memref<32x1024xf32, #tpu.memory_space<vmem>>, vector<1x16xf32>,
          %parallel_loop3A_277 = vector.shape_cast %parallel_loop3A_276 : vector<1x16xf32> to vector<16xf32>
          %parallel_loop3A_278 = vector.shape_cast %parallel_loop3A_273 : vector<16xf32> to vector<1x16xf32>
          tpu.vector_store %arg6[%parallel_loop3A_274, %parallel_loop3A_275], %parallel_loop3A_278 {strides = array<i32>} : memref<32x1024xf32, #tpu.memory_space<vmem>>, vector<1x16xf32>,
          %parallel_loop3A_279 = arith.index_cast %parallel_loop3A_122 : i32 to index
          %parallel_loop3A_280 = arith.constant 208 : index
          %parallel_loop3A_281 = tpu.vector_load %arg6[%parallel_loop3A_279, %parallel_loop3A_280] {strides = array<i32>} : memref<32x1024xf32, #tpu.memory_space<vmem>>, vector<1x16xf32>,
          %parallel_loop3A_282 = vector.shape_cast %parallel_loop3A_281 : vector<1x16xf32> to vector<16xf32>
          %parallel_loop3A_283 = arith.constant 3.200000e+01 : f32
          %parallel_loop3A_284 = vector.broadcast %parallel_loop3A_283 : f32 to vector<16xf32>
          %parallel_loop3A_285 = arith.mulf %parallel_loop3A_282, %parallel_loop3A_284 : vector<16xf32>
          %parallel_loop3A_286 = arith.index_cast %parallel_loop3A_122 : i32 to index
          %parallel_loop3A_287 = arith.constant 208 : index
          %parallel_loop3A_288 = tpu.vector_load %arg6[%parallel_loop3A_286, %parallel_loop3A_287] {strides = array<i32>} : memref<32x1024xf32, #tpu.memory_space<vmem>>, vector<1x16xf32>,
          %parallel_loop3A_289 = vector.shape_cast %parallel_loop3A_288 : vector<1x16xf32> to vector<16xf32>
          %parallel_loop3A_290 = vector.shape_cast %parallel_loop3A_285 : vector<16xf32> to vector<1x16xf32>
          tpu.vector_store %arg6[%parallel_loop3A_286, %parallel_loop3A_287], %parallel_loop3A_290 {strides = array<i32>} : memref<32x1024xf32, #tpu.memory_space<vmem>>, vector<1x16xf32>,
          %parallel_loop3A_291 = arith.index_cast %parallel_loop3A_122 : i32 to index
          %parallel_loop3A_292 = arith.constant 224 : index
          %parallel_loop3A_293 = tpu.vector_load %arg6[%parallel_loop3A_291, %parallel_loop3A_292] {strides = array<i32>} : memref<32x1024xf32, #tpu.memory_space<vmem>>, vector<1x16xf32>,
          %parallel_loop3A_294 = vector.shape_cast %parallel_loop3A_293 : vector<1x16xf32> to vector<16xf32>
          %parallel_loop3A_295 = arith.constant 3.200000e+01 : f32
          %parallel_loop3A_296 = vector.broadcast %parallel_loop3A_295 : f32 to vector<16xf32>
          %parallel_loop3A_297 = arith.mulf %parallel_loop3A_294, %parallel_loop3A_296 : vector<16xf32>
          %parallel_loop3A_298 = arith.index_cast %parallel_loop3A_122 : i32 to index
          %parallel_loop3A_299 = arith.constant 224 : index
          %parallel_loop3A_300 = tpu.vector_load %arg6[%parallel_loop3A_298, %parallel_loop3A_299] {strides = array<i32>} : memref<32x1024xf32, #tpu.memory_space<vmem>>, vector<1x16xf32>,
          %parallel_loop3A_301 = vector.shape_cast %parallel_loop3A_300 : vector<1x16xf32> to vector<16xf32>
          %parallel_loop3A_302 = vector.shape_cast %parallel_loop3A_297 : vector<16xf32> to vector<1x16xf32>
          tpu.vector_store %arg6[%parallel_loop3A_298, %parallel_loop3A_299], %parallel_loop3A_302 {strides = array<i32>} : memref<32x1024xf32, #tpu.memory_space<vmem>>, vector<1x16xf32>,
          %parallel_loop3A_303 = arith.index_cast %parallel_loop3A_122 : i32 to index
          %parallel_loop3A_304 = arith.constant 240 : index
          %parallel_loop3A_305 = tpu.vector_load %arg6[%parallel_loop3A_303, %parallel_loop3A_304] {strides = array<i32>} : memref<32x1024xf32, #tpu.memory_space<vmem>>, vector<1x16xf32>,
          %parallel_loop3A_306 = vector.shape_cast %parallel_loop3A_305 : vector<1x16xf32> to vector<16xf32>
          %parallel_loop3A_307 = arith.constant 3.200000e+01 : f32
          %parallel_loop3A_308 = vector.broadcast %parallel_loop3A_307 : f32 to vector<16xf32>
          %parallel_loop3A_309 = arith.mulf %parallel_loop3A_306, %parallel_loop3A_308 : vector<16xf32>
          %parallel_loop3A_310 = arith.index_cast %parallel_loop3A_122 : i32 to index
          %parallel_loop3A_311 = arith.constant 240 : index
          %parallel_loop3A_312 = tpu.vector_load %arg6[%parallel_loop3A_310, %parallel_loop3A_311] {strides = array<i32>} : memref<32x1024xf32, #tpu.memory_space<vmem>>, vector<1x16xf32>,
          %parallel_loop3A_313 = vector.shape_cast %parallel_loop3A_312 : vector<1x16xf32> to vector<16xf32>
          %parallel_loop3A_314 = vector.shape_cast %parallel_loop3A_309 : vector<16xf32> to vector<1x16xf32>
          tpu.vector_store %arg6[%parallel_loop3A_310, %parallel_loop3A_311], %parallel_loop3A_314 {strides = array<i32>} : memref<32x1024xf32, #tpu.memory_space<vmem>>, vector<1x16xf32>,
          %parallel_loop3A_315 = arith.index_cast %parallel_loop3A_122 : i32 to index
          %parallel_loop3A_316 = arith.constant 256 : index
          %parallel_loop3A_317 = tpu.vector_load %arg6[%parallel_loop3A_315, %parallel_loop3A_316] {strides = array<i32>} : memref<32x1024xf32, #tpu.memory_space<vmem>>, vector<1x16xf32>,
          %parallel_loop3A_318 = vector.shape_cast %parallel_loop3A_317 : vector<1x16xf32> to vector<16xf32>
          %parallel_loop3A_319 = arith.constant 3.200000e+01 : f32
          %parallel_loop3A_320 = vector.broadcast %parallel_loop3A_319 : f32 to vector<16xf32>
          %parallel_loop3A_321 = arith.mulf %parallel_loop3A_318, %parallel_loop3A_320 : vector<16xf32>
          %parallel_loop3A_322 = arith.index_cast %parallel_loop3A_122 : i32 to index
          %parallel_loop3A_323 = arith.constant 256 : index
          %parallel_loop3A_324 = tpu.vector_load %arg6[%parallel_loop3A_322, %parallel_loop3A_323] {strides = array<i32>} : memref<32x1024xf32, #tpu.memory_space<vmem>>, vector<1x16xf32>,
          %parallel_loop3A_325 = vector.shape_cast %parallel_loop3A_324 : vector<1x16xf32> to vector<16xf32>
          %parallel_loop3A_326 = vector.shape_cast %parallel_loop3A_321 : vector<16xf32> to vector<1x16xf32>
          tpu.vector_store %arg6[%parallel_loop3A_322, %parallel_loop3A_323], %parallel_loop3A_326 {strides = array<i32>} : memref<32x1024xf32, #tpu.memory_space<vmem>>, vector<1x16xf32>,
          %parallel_loop3A_327 = arith.index_cast %parallel_loop3A_122 : i32 to index
          %parallel_loop3A_328 = arith.constant 272 : index
          %parallel_loop3A_329 = tpu.vector_load %arg6[%parallel_loop3A_327, %parallel_loop3A_328] {strides = array<i32>} : memref<32x1024xf32, #tpu.memory_space<vmem>>, vector<1x16xf32>,
          %parallel_loop3A_330 = vector.shape_cast %parallel_loop3A_329 : vector<1x16xf32> to vector<16xf32>
          %parallel_loop3A_331 = arith.constant 3.200000e+01 : f32
          %parallel_loop3A_332 = vector.broadcast %parallel_loop3A_331 : f32 to vector<16xf32>
          %parallel_loop3A_333 = arith.mulf %parallel_loop3A_330, %parallel_loop3A_332 : vector<16xf32>
          %parallel_loop3A_334 = arith.index_cast %parallel_loop3A_122 : i32 to index
          %parallel_loop3A_335 = arith.constant 272 : index
          %parallel_loop3A_336 = tpu.vector_load %arg6[%parallel_loop3A_334, %parallel_loop3A_335] {strides = array<i32>} : memref<32x1024xf32, #tpu.memory_space<vmem>>, vector<1x16xf32>,
          %parallel_loop3A_337 = vector.shape_cast %parallel_loop3A_336 : vector<1x16xf32> to vector<16xf32>
          %parallel_loop3A_338 = vector.shape_cast %parallel_loop3A_333 : vector<16xf32> to vector<1x16xf32>
          tpu.vector_store %arg6[%parallel_loop3A_334, %parallel_loop3A_335], %parallel_loop3A_338 {strides = array<i32>} : memref<32x1024xf32, #tpu.memory_space<vmem>>, vector<1x16xf32>,
          %parallel_loop3A_339 = arith.index_cast %parallel_loop3A_122 : i32 to index
          %parallel_loop3A_340 = arith.constant 288 : index
          %parallel_loop3A_341 = tpu.vector_load %arg6[%parallel_loop3A_339, %parallel_loop3A_340] {strides = array<i32>} : memref<32x1024xf32, #tpu.memory_space<vmem>>, vector<1x16xf32>,
          %parallel_loop3A_342 = vector.shape_cast %parallel_loop3A_341 : vector<1x16xf32> to vector<16xf32>
          %parallel_loop3A_343 = arith.constant 3.200000e+01 : f32
          %parallel_loop3A_344 = vector.broadcast %parallel_loop3A_343 : f32 to vector<16xf32>
          %parallel_loop3A_345 = arith.mulf %parallel_loop3A_342, %parallel_loop3A_344 : vector<16xf32>
          %parallel_loop3A_346 = arith.index_cast %parallel_loop3A_122 : i32 to index
          %parallel_loop3A_347 = arith.constant 288 : index
          %parallel_loop3A_348 = tpu.vector_load %arg6[%parallel_loop3A_346, %parallel_loop3A_347] {strides = array<i32>} : memref<32x1024xf32, #tpu.memory_space<vmem>>, vector<1x16xf32>,
          %parallel_loop3A_349 = vector.shape_cast %parallel_loop3A_348 : vector<1x16xf32> to vector<16xf32>
          %parallel_loop3A_350 = vector.shape_cast %parallel_loop3A_345 : vector<16xf32> to vector<1x16xf32>
          tpu.vector_store %arg6[%parallel_loop3A_346, %parallel_loop3A_347], %parallel_loop3A_350 {strides = array<i32>} : memref<32x1024xf32, #tpu.memory_space<vmem>>, vector<1x16xf32>,
          %parallel_loop3A_351 = arith.index_cast %parallel_loop3A_122 : i32 to index
          %parallel_loop3A_352 = arith.constant 304 : index
          %parallel_loop3A_353 = tpu.vector_load %arg6[%parallel_loop3A_351, %parallel_loop3A_352] {strides = array<i32>} : memref<32x1024xf32, #tpu.memory_space<vmem>>, vector<1x16xf32>,
          %parallel_loop3A_354 = vector.shape_cast %parallel_loop3A_353 : vector<1x16xf32> to vector<16xf32>
          %parallel_loop3A_355 = arith.constant 3.200000e+01 : f32
          %parallel_loop3A_356 = vector.broadcast %parallel_loop3A_355 : f32 to vector<16xf32>
          %parallel_loop3A_357 = arith.mulf %parallel_loop3A_354, %parallel_loop3A_356 : vector<16xf32>
          %parallel_loop3A_358 = arith.index_cast %parallel_loop3A_122 : i32 to index
          %parallel_loop3A_359 = arith.constant 304 : index
          %parallel_loop3A_360 = tpu.vector_load %arg6[%parallel_loop3A_358, %parallel_loop3A_359] {strides = array<i32>} : memref<32x1024xf32, #tpu.memory_space<vmem>>, vector<1x16xf32>,
          %parallel_loop3A_361 = vector.shape_cast %parallel_loop3A_360 : vector<1x16xf32> to vector<16xf32>
          %parallel_loop3A_362 = vector.shape_cast %parallel_loop3A_357 : vector<16xf32> to vector<1x16xf32>
          tpu.vector_store %arg6[%parallel_loop3A_358, %parallel_loop3A_359], %parallel_loop3A_362 {strides = array<i32>} : memref<32x1024xf32, #tpu.memory_space<vmem>>, vector<1x16xf32>,
          %parallel_loop3A_363 = arith.index_cast %parallel_loop3A_122 : i32 to index
          %parallel_loop3A_364 = arith.constant 320 : index
          %parallel_loop3A_365 = tpu.vector_load %arg6[%parallel_loop3A_363, %parallel_loop3A_364] {strides = array<i32>} : memref<32x1024xf32, #tpu.memory_space<vmem>>, vector<1x16xf32>,
          %parallel_loop3A_366 = vector.shape_cast %parallel_loop3A_365 : vector<1x16xf32> to vector<16xf32>
          %parallel_loop3A_367 = arith.constant 3.200000e+01 : f32
          %parallel_loop3A_368 = vector.broadcast %parallel_loop3A_367 : f32 to vector<16xf32>
          %parallel_loop3A_369 = arith.mulf %parallel_loop3A_366, %parallel_loop3A_368 : vector<16xf32>
          %parallel_loop3A_370 = arith.index_cast %parallel_loop3A_122 : i32 to index
          %parallel_loop3A_371 = arith.constant 320 : index
          %parallel_loop3A_372 = tpu.vector_load %arg6[%parallel_loop3A_370, %parallel_loop3A_371] {strides = array<i32>} : memref<32x1024xf32, #tpu.memory_space<vmem>>, vector<1x16xf32>,
          %parallel_loop3A_373 = vector.shape_cast %parallel_loop3A_372 : vector<1x16xf32> to vector<16xf32>
          %parallel_loop3A_374 = vector.shape_cast %parallel_loop3A_369 : vector<16xf32> to vector<1x16xf32>
          tpu.vector_store %arg6[%parallel_loop3A_370, %parallel_loop3A_371], %parallel_loop3A_374 {strides = array<i32>} : memref<32x1024xf32, #tpu.memory_space<vmem>>, vector<1x16xf32>,
          %parallel_loop3A_375 = arith.index_cast %parallel_loop3A_122 : i32 to index
          %parallel_loop3A_376 = arith.constant 336 : index
          %parallel_loop3A_377 = tpu.vector_load %arg6[%parallel_loop3A_375, %parallel_loop3A_376] {strides = array<i32>} : memref<32x1024xf32, #tpu.memory_space<vmem>>, vector<1x16xf32>,
          %parallel_loop3A_378 = vector.shape_cast %parallel_loop3A_377 : vector<1x16xf32> to vector<16xf32>
          %parallel_loop3A_379 = arith.constant 3.200000e+01 : f32
          %parallel_loop3A_380 = vector.broadcast %parallel_loop3A_379 : f32 to vector<16xf32>
          %parallel_loop3A_381 = arith.mulf %parallel_loop3A_378, %parallel_loop3A_380 : vector<16xf32>
          %parallel_loop3A_382 = arith.index_cast %parallel_loop3A_122 : i32 to index
          %parallel_loop3A_383 = arith.constant 336 : index
          %parallel_loop3A_384 = tpu.vector_load %arg6[%parallel_loop3A_382, %parallel_loop3A_383] {strides = array<i32>} : memref<32x1024xf32, #tpu.memory_space<vmem>>, vector<1x16xf32>,
          %parallel_loop3A_385 = vector.shape_cast %parallel_loop3A_384 : vector<1x16xf32> to vector<16xf32>
          %parallel_loop3A_386 = vector.shape_cast %parallel_loop3A_381 : vector<16xf32> to vector<1x16xf32>
          tpu.vector_store %arg6[%parallel_loop3A_382, %parallel_loop3A_383], %parallel_loop3A_386 {strides = array<i32>} : memref<32x1024xf32, #tpu.memory_space<vmem>>, vector<1x16xf32>,
          %parallel_loop3A_387 = arith.index_cast %parallel_loop3A_122 : i32 to index
          %parallel_loop3A_388 = arith.constant 352 : index
          %parallel_loop3A_389 = tpu.vector_load %arg6[%parallel_loop3A_387, %parallel_loop3A_388] {strides = array<i32>} : memref<32x1024xf32, #tpu.memory_space<vmem>>, vector<1x16xf32>,
          %parallel_loop3A_390 = vector.shape_cast %parallel_loop3A_389 : vector<1x16xf32> to vector<16xf32>
          %parallel_loop3A_391 = arith.constant 3.200000e+01 : f32
          %parallel_loop3A_392 = vector.broadcast %parallel_loop3A_391 : f32 to vector<16xf32>
          %parallel_loop3A_393 = arith.mulf %parallel_loop3A_390, %parallel_loop3A_392 : vector<16xf32>
          %parallel_loop3A_394 = arith.index_cast %parallel_loop3A_122 : i32 to index
          %parallel_loop3A_395 = arith.constant 352 : index
          %parallel_loop3A_396 = tpu.vector_load %arg6[%parallel_loop3A_394, %parallel_loop3A_395] {strides = array<i32>} : memref<32x1024xf32, #tpu.memory_space<vmem>>, vector<1x16xf32>,
          %parallel_loop3A_397 = vector.shape_cast %parallel_loop3A_396 : vector<1x16xf32> to vector<16xf32>
          %parallel_loop3A_398 = vector.shape_cast %parallel_loop3A_393 : vector<16xf32> to vector<1x16xf32>
          tpu.vector_store %arg6[%parallel_loop3A_394, %parallel_loop3A_395], %parallel_loop3A_398 {strides = array<i32>} : memref<32x1024xf32, #tpu.memory_space<vmem>>, vector<1x16xf32>,
          %parallel_loop3A_399 = arith.index_cast %parallel_loop3A_122 : i32 to index
          %parallel_loop3A_400 = arith.constant 368 : index
          %parallel_loop3A_401 = tpu.vector_load %arg6[%parallel_loop3A_399, %parallel_loop3A_400] {strides = array<i32>} : memref<32x1024xf32, #tpu.memory_space<vmem>>, vector<1x16xf32>,
          %parallel_loop3A_402 = vector.shape_cast %parallel_loop3A_401 : vector<1x16xf32> to vector<16xf32>
          %parallel_loop3A_403 = arith.constant 3.200000e+01 : f32
          %parallel_loop3A_404 = vector.broadcast %parallel_loop3A_403 : f32 to vector<16xf32>
          %parallel_loop3A_405 = arith.mulf %parallel_loop3A_402, %parallel_loop3A_404 : vector<16xf32>
          %parallel_loop3A_406 = arith.index_cast %parallel_loop3A_122 : i32 to index
          %parallel_loop3A_407 = arith.constant 368 : index
          %parallel_loop3A_408 = tpu.vector_load %arg6[%parallel_loop3A_406, %parallel_loop3A_407] {strides = array<i32>} : memref<32x1024xf32, #tpu.memory_space<vmem>>, vector<1x16xf32>,
          %parallel_loop3A_409 = vector.shape_cast %parallel_loop3A_408 : vector<1x16xf32> to vector<16xf32>
          %parallel_loop3A_410 = vector.shape_cast %parallel_loop3A_405 : vector<16xf32> to vector<1x16xf32>
          tpu.vector_store %arg6[%parallel_loop3A_406, %parallel_loop3A_407], %parallel_loop3A_410 {strides = array<i32>} : memref<32x1024xf32, #tpu.memory_space<vmem>>, vector<1x16xf32>,
          %parallel_loop3A_411 = arith.index_cast %parallel_loop3A_122 : i32 to index
          %parallel_loop3A_412 = arith.constant 384 : index
          %parallel_loop3A_413 = tpu.vector_load %arg6[%parallel_loop3A_411, %parallel_loop3A_412] {strides = array<i32>} : memref<32x1024xf32, #tpu.memory_space<vmem>>, vector<1x16xf32>,
          %parallel_loop3A_414 = vector.shape_cast %parallel_loop3A_413 : vector<1x16xf32> to vector<16xf32>
          %parallel_loop3A_415 = arith.constant 3.200000e+01 : f32
          %parallel_loop3A_416 = vector.broadcast %parallel_loop3A_415 : f32 to vector<16xf32>
          %parallel_loop3A_417 = arith.mulf %parallel_loop3A_414, %parallel_loop3A_416 : vector<16xf32>
          %parallel_loop3A_418 = arith.index_cast %parallel_loop3A_122 : i32 to index
          %parallel_loop3A_419 = arith.constant 384 : index
          %parallel_loop3A_420 = tpu.vector_load %arg6[%parallel_loop3A_418, %parallel_loop3A_419] {strides = array<i32>} : memref<32x1024xf32, #tpu.memory_space<vmem>>, vector<1x16xf32>,
          %parallel_loop3A_421 = vector.shape_cast %parallel_loop3A_420 : vector<1x16xf32> to vector<16xf32>
          %parallel_loop3A_422 = vector.shape_cast %parallel_loop3A_417 : vector<16xf32> to vector<1x16xf32>
          tpu.vector_store %arg6[%parallel_loop3A_418, %parallel_loop3A_419], %parallel_loop3A_422 {strides = array<i32>} : memref<32x1024xf32, #tpu.memory_space<vmem>>, vector<1x16xf32>,
          %parallel_loop3A_423 = arith.index_cast %parallel_loop3A_122 : i32 to index
          %parallel_loop3A_424 = arith.constant 400 : index
          %parallel_loop3A_425 = tpu.vector_load %arg6[%parallel_loop3A_423, %parallel_loop3A_424] {strides = array<i32>} : memref<32x1024xf32, #tpu.memory_space<vmem>>, vector<1x16xf32>,
          %parallel_loop3A_426 = vector.shape_cast %parallel_loop3A_425 : vector<1x16xf32> to vector<16xf32>
          %parallel_loop3A_427 = arith.constant 3.200000e+01 : f32
          %parallel_loop3A_428 = vector.broadcast %parallel_loop3A_427 : f32 to vector<16xf32>
          %parallel_loop3A_429 = arith.mulf %parallel_loop3A_426, %parallel_loop3A_428 : vector<16xf32>
          %parallel_loop3A_430 = arith.index_cast %parallel_loop3A_122 : i32 to index
          %parallel_loop3A_431 = arith.constant 400 : index
          %parallel_loop3A_432 = tpu.vector_load %arg6[%parallel_loop3A_430, %parallel_loop3A_431] {strides = array<i32>} : memref<32x1024xf32, #tpu.memory_space<vmem>>, vector<1x16xf32>,
          %parallel_loop3A_433 = vector.shape_cast %parallel_loop3A_432 : vector<1x16xf32> to vector<16xf32>
          %parallel_loop3A_434 = vector.shape_cast %parallel_loop3A_429 : vector<16xf32> to vector<1x16xf32>
          tpu.vector_store %arg6[%parallel_loop3A_430, %parallel_loop3A_431], %parallel_loop3A_434 {strides = array<i32>} : memref<32x1024xf32, #tpu.memory_space<vmem>>, vector<1x16xf32>,
          %parallel_loop3A_435 = arith.index_cast %parallel_loop3A_122 : i32 to index
          %parallel_loop3A_436 = arith.constant 416 : index
          %parallel_loop3A_437 = tpu.vector_load %arg6[%parallel_loop3A_435, %parallel_loop3A_436] {strides = array<i32>} : memref<32x1024xf32, #tpu.memory_space<vmem>>, vector<1x16xf32>,
          %parallel_loop3A_438 = vector.shape_cast %parallel_loop3A_437 : vector<1x16xf32> to vector<16xf32>
          %parallel_loop3A_439 = arith.constant 3.200000e+01 : f32
          %parallel_loop3A_440 = vector.broadcast %parallel_loop3A_439 : f32 to vector<16xf32>
          %parallel_loop3A_441 = arith.mulf %parallel_loop3A_438, %parallel_loop3A_440 : vector<16xf32>
          %parallel_loop3A_442 = arith.index_cast %parallel_loop3A_122 : i32 to index
          %parallel_loop3A_443 = arith.constant 416 : index
          %parallel_loop3A_444 = tpu.vector_load %arg6[%parallel_loop3A_442, %parallel_loop3A_443] {strides = array<i32>} : memref<32x1024xf32, #tpu.memory_space<vmem>>, vector<1x16xf32>,
          %parallel_loop3A_445 = vector.shape_cast %parallel_loop3A_444 : vector<1x16xf32> to vector<16xf32>
          %parallel_loop3A_446 = vector.shape_cast %parallel_loop3A_441 : vector<16xf32> to vector<1x16xf32>
          tpu.vector_store %arg6[%parallel_loop3A_442, %parallel_loop3A_443], %parallel_loop3A_446 {strides = array<i32>} : memref<32x1024xf32, #tpu.memory_space<vmem>>, vector<1x16xf32>,
          %parallel_loop3A_447 = arith.index_cast %parallel_loop3A_122 : i32 to index
          %parallel_loop3A_448 = arith.constant 432 : index
          %parallel_loop3A_449 = tpu.vector_load %arg6[%parallel_loop3A_447, %parallel_loop3A_448] {strides = array<i32>} : memref<32x1024xf32, #tpu.memory_space<vmem>>, vector<1x16xf32>,
          %parallel_loop3A_450 = vector.shape_cast %parallel_loop3A_449 : vector<1x16xf32> to vector<16xf32>
          %parallel_loop3A_451 = arith.constant 3.200000e+01 : f32
          %parallel_loop3A_452 = vector.broadcast %parallel_loop3A_451 : f32 to vector<16xf32>
          %parallel_loop3A_453 = arith.mulf %parallel_loop3A_450, %parallel_loop3A_452 : vector<16xf32>
          %parallel_loop3A_454 = arith.index_cast %parallel_loop3A_122 : i32 to index
          %parallel_loop3A_455 = arith.constant 432 : index
          %parallel_loop3A_456 = tpu.vector_load %arg6[%parallel_loop3A_454, %parallel_loop3A_455] {strides = array<i32>} : memref<32x1024xf32, #tpu.memory_space<vmem>>, vector<1x16xf32>,
          %parallel_loop3A_457 = vector.shape_cast %parallel_loop3A_456 : vector<1x16xf32> to vector<16xf32>
          %parallel_loop3A_458 = vector.shape_cast %parallel_loop3A_453 : vector<16xf32> to vector<1x16xf32>
          tpu.vector_store %arg6[%parallel_loop3A_454, %parallel_loop3A_455], %parallel_loop3A_458 {strides = array<i32>} : memref<32x1024xf32, #tpu.memory_space<vmem>>, vector<1x16xf32>,
          %parallel_loop3A_459 = arith.index_cast %parallel_loop3A_122 : i32 to index
          %parallel_loop3A_460 = arith.constant 448 : index
          %parallel_loop3A_461 = tpu.vector_load %arg6[%parallel_loop3A_459, %parallel_loop3A_460] {strides = array<i32>} : memref<32x1024xf32, #tpu.memory_space<vmem>>, vector<1x16xf32>,
          %parallel_loop3A_462 = vector.shape_cast %parallel_loop3A_461 : vector<1x16xf32> to vector<16xf32>
          %parallel_loop3A_463 = arith.constant 3.200000e+01 : f32
          %parallel_loop3A_464 = vector.broadcast %parallel_loop3A_463 : f32 to vector<16xf32>
          %parallel_loop3A_465 = arith.mulf %parallel_loop3A_462, %parallel_loop3A_464 : vector<16xf32>
          %parallel_loop3A_466 = arith.index_cast %parallel_loop3A_122 : i32 to index
          %parallel_loop3A_467 = arith.constant 448 : index
          %parallel_loop3A_468 = tpu.vector_load %arg6[%parallel_loop3A_466, %parallel_loop3A_467] {strides = array<i32>} : memref<32x1024xf32, #tpu.memory_space<vmem>>, vector<1x16xf32>,
          %parallel_loop3A_469 = vector.shape_cast %parallel_loop3A_468 : vector<1x16xf32> to vector<16xf32>
          %parallel_loop3A_470 = vector.shape_cast %parallel_loop3A_465 : vector<16xf32> to vector<1x16xf32>
          tpu.vector_store %arg6[%parallel_loop3A_466, %parallel_loop3A_467], %parallel_loop3A_470 {strides = array<i32>} : memref<32x1024xf32, #tpu.memory_space<vmem>>, vector<1x16xf32>,
          %parallel_loop3A_471 = arith.index_cast %parallel_loop3A_122 : i32 to index
          %parallel_loop3A_472 = arith.constant 464 : index
          %parallel_loop3A_473 = tpu.vector_load %arg6[%parallel_loop3A_471, %parallel_loop3A_472] {strides = array<i32>} : memref<32x1024xf32, #tpu.memory_space<vmem>>, vector<1x16xf32>,
          %parallel_loop3A_474 = vector.shape_cast %parallel_loop3A_473 : vector<1x16xf32> to vector<16xf32>
          %parallel_loop3A_475 = arith.constant 3.200000e+01 : f32
          %parallel_loop3A_476 = vector.broadcast %parallel_loop3A_475 : f32 to vector<16xf32>
          %parallel_loop3A_477 = arith.mulf %parallel_loop3A_474, %parallel_loop3A_476 : vector<16xf32>
          %parallel_loop3A_478 = arith.index_cast %parallel_loop3A_122 : i32 to index
          %parallel_loop3A_479 = arith.constant 464 : index
          %parallel_loop3A_480 = tpu.vector_load %arg6[%parallel_loop3A_478, %parallel_loop3A_479] {strides = array<i32>} : memref<32x1024xf32, #tpu.memory_space<vmem>>, vector<1x16xf32>,
          %parallel_loop3A_481 = vector.shape_cast %parallel_loop3A_480 : vector<1x16xf32> to vector<16xf32>
          %parallel_loop3A_482 = vector.shape_cast %parallel_loop3A_477 : vector<16xf32> to vector<1x16xf32>
          tpu.vector_store %arg6[%parallel_loop3A_478, %parallel_loop3A_479], %parallel_loop3A_482 {strides = array<i32>} : memref<32x1024xf32, #tpu.memory_space<vmem>>, vector<1x16xf32>,
          %parallel_loop3A_483 = arith.index_cast %parallel_loop3A_122 : i32 to index
          %parallel_loop3A_484 = arith.constant 480 : index
          %parallel_loop3A_485 = tpu.vector_load %arg6[%parallel_loop3A_483, %parallel_loop3A_484] {strides = array<i32>} : memref<32x1024xf32, #tpu.memory_space<vmem>>, vector<1x16xf32>,
          %parallel_loop3A_486 = vector.shape_cast %parallel_loop3A_485 : vector<1x16xf32> to vector<16xf32>
          %parallel_loop3A_487 = arith.constant 3.200000e+01 : f32
          %parallel_loop3A_488 = vector.broadcast %parallel_loop3A_487 : f32 to vector<16xf32>
          %parallel_loop3A_489 = arith.mulf %parallel_loop3A_486, %parallel_loop3A_488 : vector<16xf32>
          %parallel_loop3A_490 = arith.index_cast %parallel_loop3A_122 : i32 to index
          %parallel_loop3A_491 = arith.constant 480 : index
          %parallel_loop3A_492 = tpu.vector_load %arg6[%parallel_loop3A_490, %parallel_loop3A_491] {strides = array<i32>} : memref<32x1024xf32, #tpu.memory_space<vmem>>, vector<1x16xf32>,
          %parallel_loop3A_493 = vector.shape_cast %parallel_loop3A_492 : vector<1x16xf32> to vector<16xf32>
          %parallel_loop3A_494 = vector.shape_cast %parallel_loop3A_489 : vector<16xf32> to vector<1x16xf32>
          tpu.vector_store %arg6[%parallel_loop3A_490, %parallel_loop3A_491], %parallel_loop3A_494 {strides = array<i32>} : memref<32x1024xf32, #tpu.memory_space<vmem>>, vector<1x16xf32>,
          %parallel_loop3A_495 = arith.index_cast %parallel_loop3A_122 : i32 to index
          %parallel_loop3A_496 = arith.constant 496 : index
          %parallel_loop3A_497 = tpu.vector_load %arg6[%parallel_loop3A_495, %parallel_loop3A_496] {strides = array<i32>} : memref<32x1024xf32, #tpu.memory_space<vmem>>, vector<1x16xf32>,
          %parallel_loop3A_498 = vector.shape_cast %parallel_loop3A_497 : vector<1x16xf32> to vector<16xf32>
          %parallel_loop3A_499 = arith.constant 3.200000e+01 : f32
          %parallel_loop3A_500 = vector.broadcast %parallel_loop3A_499 : f32 to vector<16xf32>
          %parallel_loop3A_501 = arith.mulf %parallel_loop3A_498, %parallel_loop3A_500 : vector<16xf32>
          %parallel_loop3A_502 = arith.index_cast %parallel_loop3A_122 : i32 to index
          %parallel_loop3A_503 = arith.constant 496 : index
          %parallel_loop3A_504 = tpu.vector_load %arg6[%parallel_loop3A_502, %parallel_loop3A_503] {strides = array<i32>} : memref<32x1024xf32, #tpu.memory_space<vmem>>, vector<1x16xf32>,
          %parallel_loop3A_505 = vector.shape_cast %parallel_loop3A_504 : vector<1x16xf32> to vector<16xf32>
          %parallel_loop3A_506 = vector.shape_cast %parallel_loop3A_501 : vector<16xf32> to vector<1x16xf32>
          tpu.vector_store %arg6[%parallel_loop3A_502, %parallel_loop3A_503], %parallel_loop3A_506 {strides = array<i32>} : memref<32x1024xf32, #tpu.memory_space<vmem>>, vector<1x16xf32>,
          %parallel_loop3A_507 = arith.index_cast %parallel_loop3A_122 : i32 to index
          %parallel_loop3A_508 = arith.constant 512 : index
          %parallel_loop3A_509 = tpu.vector_load %arg6[%parallel_loop3A_507, %parallel_loop3A_508] {strides = array<i32>} : memref<32x1024xf32, #tpu.memory_space<vmem>>, vector<1x16xf32>,
          %parallel_loop3A_510 = vector.shape_cast %parallel_loop3A_509 : vector<1x16xf32> to vector<16xf32>
          %parallel_loop3A_511 = arith.constant 3.200000e+01 : f32
          %parallel_loop3A_512 = vector.broadcast %parallel_loop3A_511 : f32 to vector<16xf32>
          %parallel_loop3A_513 = arith.mulf %parallel_loop3A_510, %parallel_loop3A_512 : vector<16xf32>
          %parallel_loop3A_514 = arith.index_cast %parallel_loop3A_122 : i32 to index
          %parallel_loop3A_515 = arith.constant 512 : index
          %parallel_loop3A_516 = tpu.vector_load %arg6[%parallel_loop3A_514, %parallel_loop3A_515] {strides = array<i32>} : memref<32x1024xf32, #tpu.memory_space<vmem>>, vector<1x16xf32>,
          %parallel_loop3A_517 = vector.shape_cast %parallel_loop3A_516 : vector<1x16xf32> to vector<16xf32>
          %parallel_loop3A_518 = vector.shape_cast %parallel_loop3A_513 : vector<16xf32> to vector<1x16xf32>
          tpu.vector_store %arg6[%parallel_loop3A_514, %parallel_loop3A_515], %parallel_loop3A_518 {strides = array<i32>} : memref<32x1024xf32, #tpu.memory_space<vmem>>, vector<1x16xf32>,
          %parallel_loop3A_519 = arith.index_cast %parallel_loop3A_122 : i32 to index
          %parallel_loop3A_520 = arith.constant 528 : index
          %parallel_loop3A_521 = tpu.vector_load %arg6[%parallel_loop3A_519, %parallel_loop3A_520] {strides = array<i32>} : memref<32x1024xf32, #tpu.memory_space<vmem>>, vector<1x16xf32>,
          %parallel_loop3A_522 = vector.shape_cast %parallel_loop3A_521 : vector<1x16xf32> to vector<16xf32>
          %parallel_loop3A_523 = arith.constant 3.200000e+01 : f32
          %parallel_loop3A_524 = vector.broadcast %parallel_loop3A_523 : f32 to vector<16xf32>
          %parallel_loop3A_525 = arith.mulf %parallel_loop3A_522, %parallel_loop3A_524 : vector<16xf32>
          %parallel_loop3A_526 = arith.index_cast %parallel_loop3A_122 : i32 to index
          %parallel_loop3A_527 = arith.constant 528 : index
          %parallel_loop3A_528 = tpu.vector_load %arg6[%parallel_loop3A_526, %parallel_loop3A_527] {strides = array<i32>} : memref<32x1024xf32, #tpu.memory_space<vmem>>, vector<1x16xf32>,
          %parallel_loop3A_529 = vector.shape_cast %parallel_loop3A_528 : vector<1x16xf32> to vector<16xf32>
          %parallel_loop3A_530 = vector.shape_cast %parallel_loop3A_525 : vector<16xf32> to vector<1x16xf32>
          tpu.vector_store %arg6[%parallel_loop3A_526, %parallel_loop3A_527], %parallel_loop3A_530 {strides = array<i32>} : memref<32x1024xf32, #tpu.memory_space<vmem>>, vector<1x16xf32>,
          %parallel_loop3A_531 = arith.index_cast %parallel_loop3A_122 : i32 to index
          %parallel_loop3A_532 = arith.constant 544 : index
          %parallel_loop3A_533 = tpu.vector_load %arg6[%parallel_loop3A_531, %parallel_loop3A_532] {strides = array<i32>} : memref<32x1024xf32, #tpu.memory_space<vmem>>, vector<1x16xf32>,
          %parallel_loop3A_534 = vector.shape_cast %parallel_loop3A_533 : vector<1x16xf32> to vector<16xf32>
          %parallel_loop3A_535 = arith.constant 3.200000e+01 : f32
          %parallel_loop3A_536 = vector.broadcast %parallel_loop3A_535 : f32 to vector<16xf32>
          %parallel_loop3A_537 = arith.mulf %parallel_loop3A_534, %parallel_loop3A_536 : vector<16xf32>
          %parallel_loop3A_538 = arith.index_cast %parallel_loop3A_122 : i32 to index
          %parallel_loop3A_539 = arith.constant 544 : index
          %parallel_loop3A_540 = tpu.vector_load %arg6[%parallel_loop3A_538, %parallel_loop3A_539] {strides = array<i32>} : memref<32x1024xf32, #tpu.memory_space<vmem>>, vector<1x16xf32>,
          %parallel_loop3A_541 = vector.shape_cast %parallel_loop3A_540 : vector<1x16xf32> to vector<16xf32>
          %parallel_loop3A_542 = vector.shape_cast %parallel_loop3A_537 : vector<16xf32> to vector<1x16xf32>
          tpu.vector_store %arg6[%parallel_loop3A_538, %parallel_loop3A_539], %parallel_loop3A_542 {strides = array<i32>} : memref<32x1024xf32, #tpu.memory_space<vmem>>, vector<1x16xf32>,
          %parallel_loop3A_543 = arith.index_cast %parallel_loop3A_122 : i32 to index
          %parallel_loop3A_544 = arith.constant 560 : index
          %parallel_loop3A_545 = tpu.vector_load %arg6[%parallel_loop3A_543, %parallel_loop3A_544] {strides = array<i32>} : memref<32x1024xf32, #tpu.memory_space<vmem>>, vector<1x16xf32>,
          %parallel_loop3A_546 = vector.shape_cast %parallel_loop3A_545 : vector<1x16xf32> to vector<16xf32>
          %parallel_loop3A_547 = arith.constant 3.200000e+01 : f32
          %parallel_loop3A_548 = vector.broadcast %parallel_loop3A_547 : f32 to vector<16xf32>
          %parallel_loop3A_549 = arith.mulf %parallel_loop3A_546, %parallel_loop3A_548 : vector<16xf32>
          %parallel_loop3A_550 = arith.index_cast %parallel_loop3A_122 : i32 to index
          %parallel_loop3A_551 = arith.constant 560 : index
          %parallel_loop3A_552 = tpu.vector_load %arg6[%parallel_loop3A_550, %parallel_loop3A_551] {strides = array<i32>} : memref<32x1024xf32, #tpu.memory_space<vmem>>, vector<1x16xf32>,
          %parallel_loop3A_553 = vector.shape_cast %parallel_loop3A_552 : vector<1x16xf32> to vector<16xf32>
          %parallel_loop3A_554 = vector.shape_cast %parallel_loop3A_549 : vector<16xf32> to vector<1x16xf32>
          tpu.vector_store %arg6[%parallel_loop3A_550, %parallel_loop3A_551], %parallel_loop3A_554 {strides = array<i32>} : memref<32x1024xf32, #tpu.memory_space<vmem>>, vector<1x16xf32>,
          %parallel_loop3A_555 = arith.index_cast %parallel_loop3A_122 : i32 to index
          %parallel_loop3A_556 = arith.constant 576 : index
          %parallel_loop3A_557 = tpu.vector_load %arg6[%parallel_loop3A_555, %parallel_loop3A_556] {strides = array<i32>} : memref<32x1024xf32, #tpu.memory_space<vmem>>, vector<1x16xf32>,
          %parallel_loop3A_558 = vector.shape_cast %parallel_loop3A_557 : vector<1x16xf32> to vector<16xf32>
          %parallel_loop3A_559 = arith.constant 3.200000e+01 : f32
          %parallel_loop3A_560 = vector.broadcast %parallel_loop3A_559 : f32 to vector<16xf32>
          %parallel_loop3A_561 = arith.mulf %parallel_loop3A_558, %parallel_loop3A_560 : vector<16xf32>
          %parallel_loop3A_562 = arith.index_cast %parallel_loop3A_122 : i32 to index
          %parallel_loop3A_563 = arith.constant 576 : index
          %parallel_loop3A_564 = tpu.vector_load %arg6[%parallel_loop3A_562, %parallel_loop3A_563] {strides = array<i32>} : memref<32x1024xf32, #tpu.memory_space<vmem>>, vector<1x16xf32>,
          %parallel_loop3A_565 = vector.shape_cast %parallel_loop3A_564 : vector<1x16xf32> to vector<16xf32>
          %parallel_loop3A_566 = vector.shape_cast %parallel_loop3A_561 : vector<16xf32> to vector<1x16xf32>
          tpu.vector_store %arg6[%parallel_loop3A_562, %parallel_loop3A_563], %parallel_loop3A_566 {strides = array<i32>} : memref<32x1024xf32, #tpu.memory_space<vmem>>, vector<1x16xf32>,
          %parallel_loop3A_567 = arith.index_cast %parallel_loop3A_122 : i32 to index
          %parallel_loop3A_568 = arith.constant 592 : index
          %parallel_loop3A_569 = tpu.vector_load %arg6[%parallel_loop3A_567, %parallel_loop3A_568] {strides = array<i32>} : memref<32x1024xf32, #tpu.memory_space<vmem>>, vector<1x16xf32>,
          %parallel_loop3A_570 = vector.shape_cast %parallel_loop3A_569 : vector<1x16xf32> to vector<16xf32>
          %parallel_loop3A_571 = arith.constant 3.200000e+01 : f32
          %parallel_loop3A_572 = vector.broadcast %parallel_loop3A_571 : f32 to vector<16xf32>
          %parallel_loop3A_573 = arith.mulf %parallel_loop3A_570, %parallel_loop3A_572 : vector<16xf32>
          %parallel_loop3A_574 = arith.index_cast %parallel_loop3A_122 : i32 to index
          %parallel_loop3A_575 = arith.constant 592 : index
          %parallel_loop3A_576 = tpu.vector_load %arg6[%parallel_loop3A_574, %parallel_loop3A_575] {strides = array<i32>} : memref<32x1024xf32, #tpu.memory_space<vmem>>, vector<1x16xf32>,
          %parallel_loop3A_577 = vector.shape_cast %parallel_loop3A_576 : vector<1x16xf32> to vector<16xf32>
          %parallel_loop3A_578 = vector.shape_cast %parallel_loop3A_573 : vector<16xf32> to vector<1x16xf32>
          tpu.vector_store %arg6[%parallel_loop3A_574, %parallel_loop3A_575], %parallel_loop3A_578 {strides = array<i32>} : memref<32x1024xf32, #tpu.memory_space<vmem>>, vector<1x16xf32>,
          %parallel_loop3A_579 = arith.index_cast %parallel_loop3A_122 : i32 to index
          %parallel_loop3A_580 = arith.constant 608 : index
          %parallel_loop3A_581 = tpu.vector_load %arg6[%parallel_loop3A_579, %parallel_loop3A_580] {strides = array<i32>} : memref<32x1024xf32, #tpu.memory_space<vmem>>, vector<1x16xf32>,
          %parallel_loop3A_582 = vector.shape_cast %parallel_loop3A_581 : vector<1x16xf32> to vector<16xf32>
          %parallel_loop3A_583 = arith.constant 3.200000e+01 : f32
          %parallel_loop3A_584 = vector.broadcast %parallel_loop3A_583 : f32 to vector<16xf32>
          %parallel_loop3A_585 = arith.mulf %parallel_loop3A_582, %parallel_loop3A_584 : vector<16xf32>
          %parallel_loop3A_586 = arith.index_cast %parallel_loop3A_122 : i32 to index
          %parallel_loop3A_587 = arith.constant 608 : index
          %parallel_loop3A_588 = tpu.vector_load %arg6[%parallel_loop3A_586, %parallel_loop3A_587] {strides = array<i32>} : memref<32x1024xf32, #tpu.memory_space<vmem>>, vector<1x16xf32>,
          %parallel_loop3A_589 = vector.shape_cast %parallel_loop3A_588 : vector<1x16xf32> to vector<16xf32>
          %parallel_loop3A_590 = vector.shape_cast %parallel_loop3A_585 : vector<16xf32> to vector<1x16xf32>
          tpu.vector_store %arg6[%parallel_loop3A_586, %parallel_loop3A_587], %parallel_loop3A_590 {strides = array<i32>} : memref<32x1024xf32, #tpu.memory_space<vmem>>, vector<1x16xf32>,
          %parallel_loop3A_591 = arith.index_cast %parallel_loop3A_122 : i32 to index
          %parallel_loop3A_592 = arith.constant 624 : index
          %parallel_loop3A_593 = tpu.vector_load %arg6[%parallel_loop3A_591, %parallel_loop3A_592] {strides = array<i32>} : memref<32x1024xf32, #tpu.memory_space<vmem>>, vector<1x16xf32>,
          %parallel_loop3A_594 = vector.shape_cast %parallel_loop3A_593 : vector<1x16xf32> to vector<16xf32>
          %parallel_loop3A_595 = arith.constant 3.200000e+01 : f32
          %parallel_loop3A_596 = vector.broadcast %parallel_loop3A_595 : f32 to vector<16xf32>
          %parallel_loop3A_597 = arith.mulf %parallel_loop3A_594, %parallel_loop3A_596 : vector<16xf32>
          %parallel_loop3A_598 = arith.index_cast %parallel_loop3A_122 : i32 to index
          %parallel_loop3A_599 = arith.constant 624 : index
          %parallel_loop3A_600 = tpu.vector_load %arg6[%parallel_loop3A_598, %parallel_loop3A_599] {strides = array<i32>} : memref<32x1024xf32, #tpu.memory_space<vmem>>, vector<1x16xf32>,
          %parallel_loop3A_601 = vector.shape_cast %parallel_loop3A_600 : vector<1x16xf32> to vector<16xf32>
          %parallel_loop3A_602 = vector.shape_cast %parallel_loop3A_597 : vector<16xf32> to vector<1x16xf32>
          tpu.vector_store %arg6[%parallel_loop3A_598, %parallel_loop3A_599], %parallel_loop3A_602 {strides = array<i32>} : memref<32x1024xf32, #tpu.memory_space<vmem>>, vector<1x16xf32>,
          %parallel_loop3A_603 = arith.index_cast %parallel_loop3A_122 : i32 to index
          %parallel_loop3A_604 = arith.constant 640 : index
          %parallel_loop3A_605 = tpu.vector_load %arg6[%parallel_loop3A_603, %parallel_loop3A_604] {strides = array<i32>} : memref<32x1024xf32, #tpu.memory_space<vmem>>, vector<1x16xf32>,
          %parallel_loop3A_606 = vector.shape_cast %parallel_loop3A_605 : vector<1x16xf32> to vector<16xf32>
          %parallel_loop3A_607 = arith.constant 3.200000e+01 : f32
          %parallel_loop3A_608 = vector.broadcast %parallel_loop3A_607 : f32 to vector<16xf32>
          %parallel_loop3A_609 = arith.mulf %parallel_loop3A_606, %parallel_loop3A_608 : vector<16xf32>
          %parallel_loop3A_610 = arith.index_cast %parallel_loop3A_122 : i32 to index
          %parallel_loop3A_611 = arith.constant 640 : index
          %parallel_loop3A_612 = tpu.vector_load %arg6[%parallel_loop3A_610, %parallel_loop3A_611] {strides = array<i32>} : memref<32x1024xf32, #tpu.memory_space<vmem>>, vector<1x16xf32>,
          %parallel_loop3A_613 = vector.shape_cast %parallel_loop3A_612 : vector<1x16xf32> to vector<16xf32>
          %parallel_loop3A_614 = vector.shape_cast %parallel_loop3A_609 : vector<16xf32> to vector<1x16xf32>
          tpu.vector_store %arg6[%parallel_loop3A_610, %parallel_loop3A_611], %parallel_loop3A_614 {strides = array<i32>} : memref<32x1024xf32, #tpu.memory_space<vmem>>, vector<1x16xf32>,
          %parallel_loop3A_615 = arith.index_cast %parallel_loop3A_122 : i32 to index
          %parallel_loop3A_616 = arith.constant 656 : index
          %parallel_loop3A_617 = tpu.vector_load %arg6[%parallel_loop3A_615, %parallel_loop3A_616] {strides = array<i32>} : memref<32x1024xf32, #tpu.memory_space<vmem>>, vector<1x16xf32>,
          %parallel_loop3A_618 = vector.shape_cast %parallel_loop3A_617 : vector<1x16xf32> to vector<16xf32>
          %parallel_loop3A_619 = arith.constant 3.200000e+01 : f32
          %parallel_loop3A_620 = vector.broadcast %parallel_loop3A_619 : f32 to vector<16xf32>
          %parallel_loop3A_621 = arith.mulf %parallel_loop3A_618, %parallel_loop3A_620 : vector<16xf32>
          %parallel_loop3A_622 = arith.index_cast %parallel_loop3A_122 : i32 to index
          %parallel_loop3A_623 = arith.constant 656 : index
          %parallel_loop3A_624 = tpu.vector_load %arg6[%parallel_loop3A_622, %parallel_loop3A_623] {strides = array<i32>} : memref<32x1024xf32, #tpu.memory_space<vmem>>, vector<1x16xf32>,
          %parallel_loop3A_625 = vector.shape_cast %parallel_loop3A_624 : vector<1x16xf32> to vector<16xf32>
          %parallel_loop3A_626 = vector.shape_cast %parallel_loop3A_621 : vector<16xf32> to vector<1x16xf32>
          tpu.vector_store %arg6[%parallel_loop3A_622, %parallel_loop3A_623], %parallel_loop3A_626 {strides = array<i32>} : memref<32x1024xf32, #tpu.memory_space<vmem>>, vector<1x16xf32>,
          %parallel_loop3A_627 = arith.index_cast %parallel_loop3A_122 : i32 to index
          %parallel_loop3A_628 = arith.constant 672 : index
          %parallel_loop3A_629 = tpu.vector_load %arg6[%parallel_loop3A_627, %parallel_loop3A_628] {strides = array<i32>} : memref<32x1024xf32, #tpu.memory_space<vmem>>, vector<1x16xf32>,
          %parallel_loop3A_630 = vector.shape_cast %parallel_loop3A_629 : vector<1x16xf32> to vector<16xf32>
          %parallel_loop3A_631 = arith.constant 3.200000e+01 : f32
          %parallel_loop3A_632 = vector.broadcast %parallel_loop3A_631 : f32 to vector<16xf32>
          %parallel_loop3A_633 = arith.mulf %parallel_loop3A_630, %parallel_loop3A_632 : vector<16xf32>
          %parallel_loop3A_634 = arith.index_cast %parallel_loop3A_122 : i32 to index
          %parallel_loop3A_635 = arith.constant 672 : index
          %parallel_loop3A_636 = tpu.vector_load %arg6[%parallel_loop3A_634, %parallel_loop3A_635] {strides = array<i32>} : memref<32x1024xf32, #tpu.memory_space<vmem>>, vector<1x16xf32>,
          %parallel_loop3A_637 = vector.shape_cast %parallel_loop3A_636 : vector<1x16xf32> to vector<16xf32>
          %parallel_loop3A_638 = vector.shape_cast %parallel_loop3A_633 : vector<16xf32> to vector<1x16xf32>
          tpu.vector_store %arg6[%parallel_loop3A_634, %parallel_loop3A_635], %parallel_loop3A_638 {strides = array<i32>} : memref<32x1024xf32, #tpu.memory_space<vmem>>, vector<1x16xf32>,
          %parallel_loop3A_639 = arith.index_cast %parallel_loop3A_122 : i32 to index
          %parallel_loop3A_640 = arith.constant 688 : index
          %parallel_loop3A_641 = tpu.vector_load %arg6[%parallel_loop3A_639, %parallel_loop3A_640] {strides = array<i32>} : memref<32x1024xf32, #tpu.memory_space<vmem>>, vector<1x16xf32>,
          %parallel_loop3A_642 = vector.shape_cast %parallel_loop3A_641 : vector<1x16xf32> to vector<16xf32>
          %parallel_loop3A_643 = arith.constant 3.200000e+01 : f32
          %parallel_loop3A_644 = vector.broadcast %parallel_loop3A_643 : f32 to vector<16xf32>
          %parallel_loop3A_645 = arith.mulf %parallel_loop3A_642, %parallel_loop3A_644 : vector<16xf32>
          %parallel_loop3A_646 = arith.index_cast %parallel_loop3A_122 : i32 to index
          %parallel_loop3A_647 = arith.constant 688 : index
          %parallel_loop3A_648 = tpu.vector_load %arg6[%parallel_loop3A_646, %parallel_loop3A_647] {strides = array<i32>} : memref<32x1024xf32, #tpu.memory_space<vmem>>, vector<1x16xf32>,
          %parallel_loop3A_649 = vector.shape_cast %parallel_loop3A_648 : vector<1x16xf32> to vector<16xf32>
          %parallel_loop3A_650 = vector.shape_cast %parallel_loop3A_645 : vector<16xf32> to vector<1x16xf32>
          tpu.vector_store %arg6[%parallel_loop3A_646, %parallel_loop3A_647], %parallel_loop3A_650 {strides = array<i32>} : memref<32x1024xf32, #tpu.memory_space<vmem>>, vector<1x16xf32>,
          %parallel_loop3A_651 = arith.index_cast %parallel_loop3A_122 : i32 to index
          %parallel_loop3A_652 = arith.constant 704 : index
          %parallel_loop3A_653 = tpu.vector_load %arg6[%parallel_loop3A_651, %parallel_loop3A_652] {strides = array<i32>} : memref<32x1024xf32, #tpu.memory_space<vmem>>, vector<1x16xf32>,
          %parallel_loop3A_654 = vector.shape_cast %parallel_loop3A_653 : vector<1x16xf32> to vector<16xf32>
          %parallel_loop3A_655 = arith.constant 3.200000e+01 : f32
          %parallel_loop3A_656 = vector.broadcast %parallel_loop3A_655 : f32 to vector<16xf32>
          %parallel_loop3A_657 = arith.mulf %parallel_loop3A_654, %parallel_loop3A_656 : vector<16xf32>
          %parallel_loop3A_658 = arith.index_cast %parallel_loop3A_122 : i32 to index
          %parallel_loop3A_659 = arith.constant 704 : index
          %parallel_loop3A_660 = tpu.vector_load %arg6[%parallel_loop3A_658, %parallel_loop3A_659] {strides = array<i32>} : memref<32x1024xf32, #tpu.memory_space<vmem>>, vector<1x16xf32>,
          %parallel_loop3A_661 = vector.shape_cast %parallel_loop3A_660 : vector<1x16xf32> to vector<16xf32>
          %parallel_loop3A_662 = vector.shape_cast %parallel_loop3A_657 : vector<16xf32> to vector<1x16xf32>
          tpu.vector_store %arg6[%parallel_loop3A_658, %parallel_loop3A_659], %parallel_loop3A_662 {strides = array<i32>} : memref<32x1024xf32, #tpu.memory_space<vmem>>, vector<1x16xf32>,
          %parallel_loop3A_663 = arith.index_cast %parallel_loop3A_122 : i32 to index
          %parallel_loop3A_664 = arith.constant 720 : index
          %parallel_loop3A_665 = tpu.vector_load %arg6[%parallel_loop3A_663, %parallel_loop3A_664] {strides = array<i32>} : memref<32x1024xf32, #tpu.memory_space<vmem>>, vector<1x16xf32>,
          %parallel_loop3A_666 = vector.shape_cast %parallel_loop3A_665 : vector<1x16xf32> to vector<16xf32>
          %parallel_loop3A_667 = arith.constant 3.200000e+01 : f32
          %parallel_loop3A_668 = vector.broadcast %parallel_loop3A_667 : f32 to vector<16xf32>
          %parallel_loop3A_669 = arith.mulf %parallel_loop3A_666, %parallel_loop3A_668 : vector<16xf32>
          %parallel_loop3A_670 = arith.index_cast %parallel_loop3A_122 : i32 to index
          %parallel_loop3A_671 = arith.constant 720 : index
          %parallel_loop3A_672 = tpu.vector_load %arg6[%parallel_loop3A_670, %parallel_loop3A_671] {strides = array<i32>} : memref<32x1024xf32, #tpu.memory_space<vmem>>, vector<1x16xf32>,
          %parallel_loop3A_673 = vector.shape_cast %parallel_loop3A_672 : vector<1x16xf32> to vector<16xf32>
          %parallel_loop3A_674 = vector.shape_cast %parallel_loop3A_669 : vector<16xf32> to vector<1x16xf32>
          tpu.vector_store %arg6[%parallel_loop3A_670, %parallel_loop3A_671], %parallel_loop3A_674 {strides = array<i32>} : memref<32x1024xf32, #tpu.memory_space<vmem>>, vector<1x16xf32>,
          %parallel_loop3A_675 = arith.index_cast %parallel_loop3A_122 : i32 to index
          %parallel_loop3A_676 = arith.constant 736 : index
          %parallel_loop3A_677 = tpu.vector_load %arg6[%parallel_loop3A_675, %parallel_loop3A_676] {strides = array<i32>} : memref<32x1024xf32, #tpu.memory_space<vmem>>, vector<1x16xf32>,
          %parallel_loop3A_678 = vector.shape_cast %parallel_loop3A_677 : vector<1x16xf32> to vector<16xf32>
          %parallel_loop3A_679 = arith.constant 3.200000e+01 : f32
          %parallel_loop3A_680 = vector.broadcast %parallel_loop3A_679 : f32 to vector<16xf32>
          %parallel_loop3A_681 = arith.mulf %parallel_loop3A_678, %parallel_loop3A_680 : vector<16xf32>
          %parallel_loop3A_682 = arith.index_cast %parallel_loop3A_122 : i32 to index
          %parallel_loop3A_683 = arith.constant 736 : index
          %parallel_loop3A_684 = tpu.vector_load %arg6[%parallel_loop3A_682, %parallel_loop3A_683] {strides = array<i32>} : memref<32x1024xf32, #tpu.memory_space<vmem>>, vector<1x16xf32>,
          %parallel_loop3A_685 = vector.shape_cast %parallel_loop3A_684 : vector<1x16xf32> to vector<16xf32>
          %parallel_loop3A_686 = vector.shape_cast %parallel_loop3A_681 : vector<16xf32> to vector<1x16xf32>
          tpu.vector_store %arg6[%parallel_loop3A_682, %parallel_loop3A_683], %parallel_loop3A_686 {strides = array<i32>} : memref<32x1024xf32, #tpu.memory_space<vmem>>, vector<1x16xf32>,
          %parallel_loop3A_687 = arith.index_cast %parallel_loop3A_122 : i32 to index
          %parallel_loop3A_688 = arith.constant 752 : index
          %parallel_loop3A_689 = tpu.vector_load %arg6[%parallel_loop3A_687, %parallel_loop3A_688] {strides = array<i32>} : memref<32x1024xf32, #tpu.memory_space<vmem>>, vector<1x16xf32>,
          %parallel_loop3A_690 = vector.shape_cast %parallel_loop3A_689 : vector<1x16xf32> to vector<16xf32>
          %parallel_loop3A_691 = arith.constant 3.200000e+01 : f32
          %parallel_loop3A_692 = vector.broadcast %parallel_loop3A_691 : f32 to vector<16xf32>
          %parallel_loop3A_693 = arith.mulf %parallel_loop3A_690, %parallel_loop3A_692 : vector<16xf32>
          %parallel_loop3A_694 = arith.index_cast %parallel_loop3A_122 : i32 to index
          %parallel_loop3A_695 = arith.constant 752 : index
          %parallel_loop3A_696 = tpu.vector_load %arg6[%parallel_loop3A_694, %parallel_loop3A_695] {strides = array<i32>} : memref<32x1024xf32, #tpu.memory_space<vmem>>, vector<1x16xf32>,
          %parallel_loop3A_697 = vector.shape_cast %parallel_loop3A_696 : vector<1x16xf32> to vector<16xf32>
          %parallel_loop3A_698 = vector.shape_cast %parallel_loop3A_693 : vector<16xf32> to vector<1x16xf32>
          tpu.vector_store %arg6[%parallel_loop3A_694, %parallel_loop3A_695], %parallel_loop3A_698 {strides = array<i32>} : memref<32x1024xf32, #tpu.memory_space<vmem>>, vector<1x16xf32>,
          %parallel_loop3A_699 = arith.index_cast %parallel_loop3A_122 : i32 to index
          %parallel_loop3A_700 = arith.constant 768 : index
          %parallel_loop3A_701 = tpu.vector_load %arg6[%parallel_loop3A_699, %parallel_loop3A_700] {strides = array<i32>} : memref<32x1024xf32, #tpu.memory_space<vmem>>, vector<1x16xf32>,
          %parallel_loop3A_702 = vector.shape_cast %parallel_loop3A_701 : vector<1x16xf32> to vector<16xf32>
          %parallel_loop3A_703 = arith.constant 3.200000e+01 : f32
          %parallel_loop3A_704 = vector.broadcast %parallel_loop3A_703 : f32 to vector<16xf32>
          %parallel_loop3A_705 = arith.mulf %parallel_loop3A_702, %parallel_loop3A_704 : vector<16xf32>
          %parallel_loop3A_706 = arith.index_cast %parallel_loop3A_122 : i32 to index
          %parallel_loop3A_707 = arith.constant 768 : index
          %parallel_loop3A_708 = tpu.vector_load %arg6[%parallel_loop3A_706, %parallel_loop3A_707] {strides = array<i32>} : memref<32x1024xf32, #tpu.memory_space<vmem>>, vector<1x16xf32>,
          %parallel_loop3A_709 = vector.shape_cast %parallel_loop3A_708 : vector<1x16xf32> to vector<16xf32>
          %parallel_loop3A_710 = vector.shape_cast %parallel_loop3A_705 : vector<16xf32> to vector<1x16xf32>
          tpu.vector_store %arg6[%parallel_loop3A_706, %parallel_loop3A_707], %parallel_loop3A_710 {strides = array<i32>} : memref<32x1024xf32, #tpu.memory_space<vmem>>, vector<1x16xf32>,
          %parallel_loop3A_711 = arith.index_cast %parallel_loop3A_122 : i32 to index
          %parallel_loop3A_712 = arith.constant 784 : index
          %parallel_loop3A_713 = tpu.vector_load %arg6[%parallel_loop3A_711, %parallel_loop3A_712] {strides = array<i32>} : memref<32x1024xf32, #tpu.memory_space<vmem>>, vector<1x16xf32>,
          %parallel_loop3A_714 = vector.shape_cast %parallel_loop3A_713 : vector<1x16xf32> to vector<16xf32>
          %parallel_loop3A_715 = arith.constant 3.200000e+01 : f32
          %parallel_loop3A_716 = vector.broadcast %parallel_loop3A_715 : f32 to vector<16xf32>
          %parallel_loop3A_717 = arith.mulf %parallel_loop3A_714, %parallel_loop3A_716 : vector<16xf32>
          %parallel_loop3A_718 = arith.index_cast %parallel_loop3A_122 : i32 to index
          %parallel_loop3A_719 = arith.constant 784 : index
          %parallel_loop3A_720 = tpu.vector_load %arg6[%parallel_loop3A_718, %parallel_loop3A_719] {strides = array<i32>} : memref<32x1024xf32, #tpu.memory_space<vmem>>, vector<1x16xf32>,
          %parallel_loop3A_721 = vector.shape_cast %parallel_loop3A_720 : vector<1x16xf32> to vector<16xf32>
          %parallel_loop3A_722 = vector.shape_cast %parallel_loop3A_717 : vector<16xf32> to vector<1x16xf32>
          tpu.vector_store %arg6[%parallel_loop3A_718, %parallel_loop3A_719], %parallel_loop3A_722 {strides = array<i32>} : memref<32x1024xf32, #tpu.memory_space<vmem>>, vector<1x16xf32>,
          %parallel_loop3A_723 = arith.index_cast %parallel_loop3A_122 : i32 to index
          %parallel_loop3A_724 = arith.constant 800 : index
          %parallel_loop3A_725 = tpu.vector_load %arg6[%parallel_loop3A_723, %parallel_loop3A_724] {strides = array<i32>} : memref<32x1024xf32, #tpu.memory_space<vmem>>, vector<1x16xf32>,
          %parallel_loop3A_726 = vector.shape_cast %parallel_loop3A_725 : vector<1x16xf32> to vector<16xf32>
          %parallel_loop3A_727 = arith.constant 3.200000e+01 : f32
          %parallel_loop3A_728 = vector.broadcast %parallel_loop3A_727 : f32 to vector<16xf32>
          %parallel_loop3A_729 = arith.mulf %parallel_loop3A_726, %parallel_loop3A_728 : vector<16xf32>
          %parallel_loop3A_730 = arith.index_cast %parallel_loop3A_122 : i32 to index
          %parallel_loop3A_731 = arith.constant 800 : index
          %parallel_loop3A_732 = tpu.vector_load %arg6[%parallel_loop3A_730, %parallel_loop3A_731] {strides = array<i32>} : memref<32x1024xf32, #tpu.memory_space<vmem>>, vector<1x16xf32>,
          %parallel_loop3A_733 = vector.shape_cast %parallel_loop3A_732 : vector<1x16xf32> to vector<16xf32>
          %parallel_loop3A_734 = vector.shape_cast %parallel_loop3A_729 : vector<16xf32> to vector<1x16xf32>
          tpu.vector_store %arg6[%parallel_loop3A_730, %parallel_loop3A_731], %parallel_loop3A_734 {strides = array<i32>} : memref<32x1024xf32, #tpu.memory_space<vmem>>, vector<1x16xf32>,
          %parallel_loop3A_735 = arith.index_cast %parallel_loop3A_122 : i32 to index
          %parallel_loop3A_736 = arith.constant 816 : index
          %parallel_loop3A_737 = tpu.vector_load %arg6[%parallel_loop3A_735, %parallel_loop3A_736] {strides = array<i32>} : memref<32x1024xf32, #tpu.memory_space<vmem>>, vector<1x16xf32>,
          %parallel_loop3A_738 = vector.shape_cast %parallel_loop3A_737 : vector<1x16xf32> to vector<16xf32>
          %parallel_loop3A_739 = arith.constant 3.200000e+01 : f32
          %parallel_loop3A_740 = vector.broadcast %parallel_loop3A_739 : f32 to vector<16xf32>
          %parallel_loop3A_741 = arith.mulf %parallel_loop3A_738, %parallel_loop3A_740 : vector<16xf32>
          %parallel_loop3A_742 = arith.index_cast %parallel_loop3A_122 : i32 to index
          %parallel_loop3A_743 = arith.constant 816 : index
          %parallel_loop3A_744 = tpu.vector_load %arg6[%parallel_loop3A_742, %parallel_loop3A_743] {strides = array<i32>} : memref<32x1024xf32, #tpu.memory_space<vmem>>, vector<1x16xf32>,
          %parallel_loop3A_745 = vector.shape_cast %parallel_loop3A_744 : vector<1x16xf32> to vector<16xf32>
          %parallel_loop3A_746 = vector.shape_cast %parallel_loop3A_741 : vector<16xf32> to vector<1x16xf32>
          tpu.vector_store %arg6[%parallel_loop3A_742, %parallel_loop3A_743], %parallel_loop3A_746 {strides = array<i32>} : memref<32x1024xf32, #tpu.memory_space<vmem>>, vector<1x16xf32>,
          %parallel_loop3A_747 = arith.index_cast %parallel_loop3A_122 : i32 to index
          %parallel_loop3A_748 = arith.constant 832 : index
          %parallel_loop3A_749 = tpu.vector_load %arg6[%parallel_loop3A_747, %parallel_loop3A_748] {strides = array<i32>} : memref<32x1024xf32, #tpu.memory_space<vmem>>, vector<1x16xf32>,
          %parallel_loop3A_750 = vector.shape_cast %parallel_loop3A_749 : vector<1x16xf32> to vector<16xf32>
          %parallel_loop3A_751 = arith.constant 3.200000e+01 : f32
          %parallel_loop3A_752 = vector.broadcast %parallel_loop3A_751 : f32 to vector<16xf32>
          %parallel_loop3A_753 = arith.mulf %parallel_loop3A_750, %parallel_loop3A_752 : vector<16xf32>
          %parallel_loop3A_754 = arith.index_cast %parallel_loop3A_122 : i32 to index
          %parallel_loop3A_755 = arith.constant 832 : index
          %parallel_loop3A_756 = tpu.vector_load %arg6[%parallel_loop3A_754, %parallel_loop3A_755] {strides = array<i32>} : memref<32x1024xf32, #tpu.memory_space<vmem>>, vector<1x16xf32>,
          %parallel_loop3A_757 = vector.shape_cast %parallel_loop3A_756 : vector<1x16xf32> to vector<16xf32>
          %parallel_loop3A_758 = vector.shape_cast %parallel_loop3A_753 : vector<16xf32> to vector<1x16xf32>
          tpu.vector_store %arg6[%parallel_loop3A_754, %parallel_loop3A_755], %parallel_loop3A_758 {strides = array<i32>} : memref<32x1024xf32, #tpu.memory_space<vmem>>, vector<1x16xf32>,
          %parallel_loop3A_759 = arith.index_cast %parallel_loop3A_122 : i32 to index
          %parallel_loop3A_760 = arith.constant 848 : index
          %parallel_loop3A_761 = tpu.vector_load %arg6[%parallel_loop3A_759, %parallel_loop3A_760] {strides = array<i32>} : memref<32x1024xf32, #tpu.memory_space<vmem>>, vector<1x16xf32>,
          %parallel_loop3A_762 = vector.shape_cast %parallel_loop3A_761 : vector<1x16xf32> to vector<16xf32>
          %parallel_loop3A_763 = arith.constant 3.200000e+01 : f32
          %parallel_loop3A_764 = vector.broadcast %parallel_loop3A_763 : f32 to vector<16xf32>
          %parallel_loop3A_765 = arith.mulf %parallel_loop3A_762, %parallel_loop3A_764 : vector<16xf32>
          %parallel_loop3A_766 = arith.index_cast %parallel_loop3A_122 : i32 to index
          %parallel_loop3A_767 = arith.constant 848 : index
          %parallel_loop3A_768 = tpu.vector_load %arg6[%parallel_loop3A_766, %parallel_loop3A_767] {strides = array<i32>} : memref<32x1024xf32, #tpu.memory_space<vmem>>, vector<1x16xf32>,
          %parallel_loop3A_769 = vector.shape_cast %parallel_loop3A_768 : vector<1x16xf32> to vector<16xf32>
          %parallel_loop3A_770 = vector.shape_cast %parallel_loop3A_765 : vector<16xf32> to vector<1x16xf32>
          tpu.vector_store %arg6[%parallel_loop3A_766, %parallel_loop3A_767], %parallel_loop3A_770 {strides = array<i32>} : memref<32x1024xf32, #tpu.memory_space<vmem>>, vector<1x16xf32>,
          %parallel_loop3A_771 = arith.index_cast %parallel_loop3A_122 : i32 to index
          %parallel_loop3A_772 = arith.constant 864 : index
          %parallel_loop3A_773 = tpu.vector_load %arg6[%parallel_loop3A_771, %parallel_loop3A_772] {strides = array<i32>} : memref<32x1024xf32, #tpu.memory_space<vmem>>, vector<1x16xf32>,
          %parallel_loop3A_774 = vector.shape_cast %parallel_loop3A_773 : vector<1x16xf32> to vector<16xf32>
          %parallel_loop3A_775 = arith.constant 3.200000e+01 : f32
          %parallel_loop3A_776 = vector.broadcast %parallel_loop3A_775 : f32 to vector<16xf32>
          %parallel_loop3A_777 = arith.mulf %parallel_loop3A_774, %parallel_loop3A_776 : vector<16xf32>
          %parallel_loop3A_778 = arith.index_cast %parallel_loop3A_122 : i32 to index
          %parallel_loop3A_779 = arith.constant 864 : index
          %parallel_loop3A_780 = tpu.vector_load %arg6[%parallel_loop3A_778, %parallel_loop3A_779] {strides = array<i32>} : memref<32x1024xf32, #tpu.memory_space<vmem>>, vector<1x16xf32>,
          %parallel_loop3A_781 = vector.shape_cast %parallel_loop3A_780 : vector<1x16xf32> to vector<16xf32>
          %parallel_loop3A_782 = vector.shape_cast %parallel_loop3A_777 : vector<16xf32> to vector<1x16xf32>
          tpu.vector_store %arg6[%parallel_loop3A_778, %parallel_loop3A_779], %parallel_loop3A_782 {strides = array<i32>} : memref<32x1024xf32, #tpu.memory_space<vmem>>, vector<1x16xf32>,
          %parallel_loop3A_783 = arith.index_cast %parallel_loop3A_122 : i32 to index
          %parallel_loop3A_784 = arith.constant 880 : index
          %parallel_loop3A_785 = tpu.vector_load %arg6[%parallel_loop3A_783, %parallel_loop3A_784] {strides = array<i32>} : memref<32x1024xf32, #tpu.memory_space<vmem>>, vector<1x16xf32>,
          %parallel_loop3A_786 = vector.shape_cast %parallel_loop3A_785 : vector<1x16xf32> to vector<16xf32>
          %parallel_loop3A_787 = arith.constant 3.200000e+01 : f32
          %parallel_loop3A_788 = vector.broadcast %parallel_loop3A_787 : f32 to vector<16xf32>
          %parallel_loop3A_789 = arith.mulf %parallel_loop3A_786, %parallel_loop3A_788 : vector<16xf32>
          %parallel_loop3A_790 = arith.index_cast %parallel_loop3A_122 : i32 to index
          %parallel_loop3A_791 = arith.constant 880 : index
          %parallel_loop3A_792 = tpu.vector_load %arg6[%parallel_loop3A_790, %parallel_loop3A_791] {strides = array<i32>} : memref<32x1024xf32, #tpu.memory_space<vmem>>, vector<1x16xf32>,
          %parallel_loop3A_793 = vector.shape_cast %parallel_loop3A_792 : vector<1x16xf32> to vector<16xf32>
          %parallel_loop3A_794 = vector.shape_cast %parallel_loop3A_789 : vector<16xf32> to vector<1x16xf32>
          tpu.vector_store %arg6[%parallel_loop3A_790, %parallel_loop3A_791], %parallel_loop3A_794 {strides = array<i32>} : memref<32x1024xf32, #tpu.memory_space<vmem>>, vector<1x16xf32>,
          %parallel_loop3A_795 = arith.index_cast %parallel_loop3A_122 : i32 to index
          %parallel_loop3A_796 = arith.constant 896 : index
          %parallel_loop3A_797 = tpu.vector_load %arg6[%parallel_loop3A_795, %parallel_loop3A_796] {strides = array<i32>} : memref<32x1024xf32, #tpu.memory_space<vmem>>, vector<1x16xf32>,
          %parallel_loop3A_798 = vector.shape_cast %parallel_loop3A_797 : vector<1x16xf32> to vector<16xf32>
          %parallel_loop3A_799 = arith.constant 3.200000e+01 : f32
          %parallel_loop3A_800 = vector.broadcast %parallel_loop3A_799 : f32 to vector<16xf32>
          %parallel_loop3A_801 = arith.mulf %parallel_loop3A_798, %parallel_loop3A_800 : vector<16xf32>
          %parallel_loop3A_802 = arith.index_cast %parallel_loop3A_122 : i32 to index
          %parallel_loop3A_803 = arith.constant 896 : index
          %parallel_loop3A_804 = tpu.vector_load %arg6[%parallel_loop3A_802, %parallel_loop3A_803] {strides = array<i32>} : memref<32x1024xf32, #tpu.memory_space<vmem>>, vector<1x16xf32>,
          %parallel_loop3A_805 = vector.shape_cast %parallel_loop3A_804 : vector<1x16xf32> to vector<16xf32>
          %parallel_loop3A_806 = vector.shape_cast %parallel_loop3A_801 : vector<16xf32> to vector<1x16xf32>
          tpu.vector_store %arg6[%parallel_loop3A_802, %parallel_loop3A_803], %parallel_loop3A_806 {strides = array<i32>} : memref<32x1024xf32, #tpu.memory_space<vmem>>, vector<1x16xf32>,
          %parallel_loop3A_807 = arith.index_cast %parallel_loop3A_122 : i32 to index
          %parallel_loop3A_808 = arith.constant 912 : index
          %parallel_loop3A_809 = tpu.vector_load %arg6[%parallel_loop3A_807, %parallel_loop3A_808] {strides = array<i32>} : memref<32x1024xf32, #tpu.memory_space<vmem>>, vector<1x16xf32>,
          %parallel_loop3A_810 = vector.shape_cast %parallel_loop3A_809 : vector<1x16xf32> to vector<16xf32>
          %parallel_loop3A_811 = arith.constant 3.200000e+01 : f32
          %parallel_loop3A_812 = vector.broadcast %parallel_loop3A_811 : f32 to vector<16xf32>
          %parallel_loop3A_813 = arith.mulf %parallel_loop3A_810, %parallel_loop3A_812 : vector<16xf32>
          %parallel_loop3A_814 = arith.index_cast %parallel_loop3A_122 : i32 to index
          %parallel_loop3A_815 = arith.constant 912 : index
          %parallel_loop3A_816 = tpu.vector_load %arg6[%parallel_loop3A_814, %parallel_loop3A_815] {strides = array<i32>} : memref<32x1024xf32, #tpu.memory_space<vmem>>, vector<1x16xf32>,
          %parallel_loop3A_817 = vector.shape_cast %parallel_loop3A_816 : vector<1x16xf32> to vector<16xf32>
          %parallel_loop3A_818 = vector.shape_cast %parallel_loop3A_813 : vector<16xf32> to vector<1x16xf32>
          tpu.vector_store %arg6[%parallel_loop3A_814, %parallel_loop3A_815], %parallel_loop3A_818 {strides = array<i32>} : memref<32x1024xf32, #tpu.memory_space<vmem>>, vector<1x16xf32>,
          %parallel_loop3A_819 = arith.index_cast %parallel_loop3A_122 : i32 to index
          %parallel_loop3A_820 = arith.constant 928 : index
          %parallel_loop3A_821 = tpu.vector_load %arg6[%parallel_loop3A_819, %parallel_loop3A_820] {strides = array<i32>} : memref<32x1024xf32, #tpu.memory_space<vmem>>, vector<1x16xf32>,
          %parallel_loop3A_822 = vector.shape_cast %parallel_loop3A_821 : vector<1x16xf32> to vector<16xf32>
          %parallel_loop3A_823 = arith.constant 3.200000e+01 : f32
          %parallel_loop3A_824 = vector.broadcast %parallel_loop3A_823 : f32 to vector<16xf32>
          %parallel_loop3A_825 = arith.mulf %parallel_loop3A_822, %parallel_loop3A_824 : vector<16xf32>
          %parallel_loop3A_826 = arith.index_cast %parallel_loop3A_122 : i32 to index
          %parallel_loop3A_827 = arith.constant 928 : index
          %parallel_loop3A_828 = tpu.vector_load %arg6[%parallel_loop3A_826, %parallel_loop3A_827] {strides = array<i32>} : memref<32x1024xf32, #tpu.memory_space<vmem>>, vector<1x16xf32>,
          %parallel_loop3A_829 = vector.shape_cast %parallel_loop3A_828 : vector<1x16xf32> to vector<16xf32>
          %parallel_loop3A_830 = vector.shape_cast %parallel_loop3A_825 : vector<16xf32> to vector<1x16xf32>
          tpu.vector_store %arg6[%parallel_loop3A_826, %parallel_loop3A_827], %parallel_loop3A_830 {strides = array<i32>} : memref<32x1024xf32, #tpu.memory_space<vmem>>, vector<1x16xf32>,
          %parallel_loop3A_831 = arith.index_cast %parallel_loop3A_122 : i32 to index
          %parallel_loop3A_832 = arith.constant 944 : index
          %parallel_loop3A_833 = tpu.vector_load %arg6[%parallel_loop3A_831, %parallel_loop3A_832] {strides = array<i32>} : memref<32x1024xf32, #tpu.memory_space<vmem>>, vector<1x16xf32>,
          %parallel_loop3A_834 = vector.shape_cast %parallel_loop3A_833 : vector<1x16xf32> to vector<16xf32>
          %parallel_loop3A_835 = arith.constant 3.200000e+01 : f32
          %parallel_loop3A_836 = vector.broadcast %parallel_loop3A_835 : f32 to vector<16xf32>
          %parallel_loop3A_837 = arith.mulf %parallel_loop3A_834, %parallel_loop3A_836 : vector<16xf32>
          %parallel_loop3A_838 = arith.index_cast %parallel_loop3A_122 : i32 to index
          %parallel_loop3A_839 = arith.constant 944 : index
          %parallel_loop3A_840 = tpu.vector_load %arg6[%parallel_loop3A_838, %parallel_loop3A_839] {strides = array<i32>} : memref<32x1024xf32, #tpu.memory_space<vmem>>, vector<1x16xf32>,
          %parallel_loop3A_841 = vector.shape_cast %parallel_loop3A_840 : vector<1x16xf32> to vector<16xf32>
          %parallel_loop3A_842 = vector.shape_cast %parallel_loop3A_837 : vector<16xf32> to vector<1x16xf32>
          tpu.vector_store %arg6[%parallel_loop3A_838, %parallel_loop3A_839], %parallel_loop3A_842 {strides = array<i32>} : memref<32x1024xf32, #tpu.memory_space<vmem>>, vector<1x16xf32>,
          %parallel_loop3A_843 = arith.index_cast %parallel_loop3A_122 : i32 to index
          %parallel_loop3A_844 = arith.constant 960 : index
          %parallel_loop3A_845 = tpu.vector_load %arg6[%parallel_loop3A_843, %parallel_loop3A_844] {strides = array<i32>} : memref<32x1024xf32, #tpu.memory_space<vmem>>, vector<1x16xf32>,
          %parallel_loop3A_846 = vector.shape_cast %parallel_loop3A_845 : vector<1x16xf32> to vector<16xf32>
          %parallel_loop3A_847 = arith.constant 3.200000e+01 : f32
          %parallel_loop3A_848 = vector.broadcast %parallel_loop3A_847 : f32 to vector<16xf32>
          %parallel_loop3A_849 = arith.mulf %parallel_loop3A_846, %parallel_loop3A_848 : vector<16xf32>
          %parallel_loop3A_850 = arith.index_cast %parallel_loop3A_122 : i32 to index
          %parallel_loop3A_851 = arith.constant 960 : index
          %parallel_loop3A_852 = tpu.vector_load %arg6[%parallel_loop3A_850, %parallel_loop3A_851] {strides = array<i32>} : memref<32x1024xf32, #tpu.memory_space<vmem>>, vector<1x16xf32>,
          %parallel_loop3A_853 = vector.shape_cast %parallel_loop3A_852 : vector<1x16xf32> to vector<16xf32>
          %parallel_loop3A_854 = vector.shape_cast %parallel_loop3A_849 : vector<16xf32> to vector<1x16xf32>
          tpu.vector_store %arg6[%parallel_loop3A_850, %parallel_loop3A_851], %parallel_loop3A_854 {strides = array<i32>} : memref<32x1024xf32, #tpu.memory_space<vmem>>, vector<1x16xf32>,
          %parallel_loop3A_855 = arith.index_cast %parallel_loop3A_122 : i32 to index
          %parallel_loop3A_856 = arith.constant 976 : index
          %parallel_loop3A_857 = tpu.vector_load %arg6[%parallel_loop3A_855, %parallel_loop3A_856] {strides = array<i32>} : memref<32x1024xf32, #tpu.memory_space<vmem>>, vector<1x16xf32>,
          %parallel_loop3A_858 = vector.shape_cast %parallel_loop3A_857 : vector<1x16xf32> to vector<16xf32>
          %parallel_loop3A_859 = arith.constant 3.200000e+01 : f32
          %parallel_loop3A_860 = vector.broadcast %parallel_loop3A_859 : f32 to vector<16xf32>
          %parallel_loop3A_861 = arith.mulf %parallel_loop3A_858, %parallel_loop3A_860 : vector<16xf32>
          %parallel_loop3A_862 = arith.index_cast %parallel_loop3A_122 : i32 to index
          %parallel_loop3A_863 = arith.constant 976 : index
          %parallel_loop3A_864 = tpu.vector_load %arg6[%parallel_loop3A_862, %parallel_loop3A_863] {strides = array<i32>} : memref<32x1024xf32, #tpu.memory_space<vmem>>, vector<1x16xf32>,
          %parallel_loop3A_865 = vector.shape_cast %parallel_loop3A_864 : vector<1x16xf32> to vector<16xf32>
          %parallel_loop3A_866 = vector.shape_cast %parallel_loop3A_861 : vector<16xf32> to vector<1x16xf32>
          tpu.vector_store %arg6[%parallel_loop3A_862, %parallel_loop3A_863], %parallel_loop3A_866 {strides = array<i32>} : memref<32x1024xf32, #tpu.memory_space<vmem>>, vector<1x16xf32>,
          %parallel_loop3A_867 = arith.index_cast %parallel_loop3A_122 : i32 to index
          %parallel_loop3A_868 = arith.constant 992 : index
          %parallel_loop3A_869 = tpu.vector_load %arg6[%parallel_loop3A_867, %parallel_loop3A_868] {strides = array<i32>} : memref<32x1024xf32, #tpu.memory_space<vmem>>, vector<1x16xf32>,
          %parallel_loop3A_870 = vector.shape_cast %parallel_loop3A_869 : vector<1x16xf32> to vector<16xf32>
          %parallel_loop3A_871 = arith.constant 3.200000e+01 : f32
          %parallel_loop3A_872 = vector.broadcast %parallel_loop3A_871 : f32 to vector<16xf32>
          %parallel_loop3A_873 = arith.mulf %parallel_loop3A_870, %parallel_loop3A_872 : vector<16xf32>
          %parallel_loop3A_874 = arith.index_cast %parallel_loop3A_122 : i32 to index
          %parallel_loop3A_875 = arith.constant 992 : index
          %parallel_loop3A_876 = tpu.vector_load %arg6[%parallel_loop3A_874, %parallel_loop3A_875] {strides = array<i32>} : memref<32x1024xf32, #tpu.memory_space<vmem>>, vector<1x16xf32>,
          %parallel_loop3A_877 = vector.shape_cast %parallel_loop3A_876 : vector<1x16xf32> to vector<16xf32>
          %parallel_loop3A_878 = vector.shape_cast %parallel_loop3A_873 : vector<16xf32> to vector<1x16xf32>
          tpu.vector_store %arg6[%parallel_loop3A_874, %parallel_loop3A_875], %parallel_loop3A_878 {strides = array<i32>} : memref<32x1024xf32, #tpu.memory_space<vmem>>, vector<1x16xf32>,
          %parallel_loop3A_879 = arith.index_cast %parallel_loop3A_122 : i32 to index
          %parallel_loop3A_880 = arith.constant 1008 : index
          %parallel_loop3A_881 = tpu.vector_load %arg6[%parallel_loop3A_879, %parallel_loop3A_880] {strides = array<i32>} : memref<32x1024xf32, #tpu.memory_space<vmem>>, vector<1x16xf32>,
          %parallel_loop3A_882 = vector.shape_cast %parallel_loop3A_881 : vector<1x16xf32> to vector<16xf32>
          %parallel_loop3A_883 = arith.constant 3.200000e+01 : f32
          %parallel_loop3A_884 = vector.broadcast %parallel_loop3A_883 : f32 to vector<16xf32>
          %parallel_loop3A_885 = arith.mulf %parallel_loop3A_882, %parallel_loop3A_884 : vector<16xf32>
          %parallel_loop3A_886 = arith.index_cast %parallel_loop3A_122 : i32 to index
          %parallel_loop3A_887 = arith.constant 1008 : index
          %parallel_loop3A_888 = tpu.vector_load %arg6[%parallel_loop3A_886, %parallel_loop3A_887] {strides = array<i32>} : memref<32x1024xf32, #tpu.memory_space<vmem>>, vector<1x16xf32>,
          %parallel_loop3A_889 = vector.shape_cast %parallel_loop3A_888 : vector<1x16xf32> to vector<16xf32>
          %parallel_loop3A_890 = vector.shape_cast %parallel_loop3A_885 : vector<16xf32> to vector<1x16xf32>
          tpu.vector_store %arg6[%parallel_loop3A_886, %parallel_loop3A_887], %parallel_loop3A_890 {strides = array<i32>} : memref<32x1024xf32, #tpu.memory_space<vmem>>, vector<1x16xf32>,
        } {sc.loop_unroll_factor = 1 : i64, sc.parallel_access}
        %mul3A_115 = arith.constant 32 : i32
        %mul3A_116 = arith.muli %add3A_38, %mul3A_115 : i32
        %add3A_117 = arith.addi %mul3A_2, %mul3A_116 : i32
        %dma_start3A_118 = arith.constant 0 : i32
        %dma_start3A_119 = tpu.memref_slice %arg4[%add3A_117, %dma_start3A_118] : memref<16384x1024xf32, #tpu.memory_space<hbm>> -> memref<32x1024xf32, #tpu.memory_space<hbm>>
        %dma_start3A_120 = arith.constant 0 : i32
        %dma_start3A_121 = tpu.memref_slice %arg4[%add3A_117, %dma_start3A_120] : memref<16384x1024xf32, #tpu.memory_space<hbm>> -> memref<32x1024xf32, #tpu.memory_space<hbm>>
        tpu.enqueue_dma source(%arg6 : memref<32x1024xf32, #tpu.memory_space<vmem>>) target(%dma_start3A_121 : memref<32x1024xf32, #tpu.memory_space<hbm>>) target_semaphore(%arg12 : memref<!tpu.dma_semaphore, #tpu.memory_space<semaphore_mem>>)
      } else {
      }
      %mul3A_56 = arith.constant 3 : i32
      %mul3A_57 = arith.muli %mul3A_56, %scan3A_34 : i32
      %add3A_58 = arith.constant 1 : i32
      %add3A_59 = arith.addi %mul3A_57, %add3A_58 : i32
      %ge3A_60 = arith.constant 1 : i32
      %ge3A_61 = arith.cmpi sge, %add3A_59, %ge3A_60 : i32
      %add3A_62 = arith.constant 2 : i32
      %add3A_63 = arith.addi %add3A_59, %add3A_62 : i32
      %lt3A_64 = arith.constant 16 : i32
      %lt3A_65 = arith.cmpi slt, %add3A_63, %lt3A_64 : i32
      %and3A_66 = arith.andi %ge3A_61, %lt3A_65 : i1
      %convert_element_type3A_67 = arith.extui %and3A_66 : i1 to i32
      %cond3A_68 = arith.constant 0 : i32
      %cond3A_69 = arith.cmpi ne, %convert_element_type3A_67, %cond3A_68 : i32
      scf.if %cond3A_69 {
        %dma_wait3A_108 = arith.constant 0 : i32
        %dma_wait3A_109 = arith.constant 0 : i32
        %dma_wait3A_110 = tpu.memref_slice %arg4[%dma_wait3A_108, %dma_wait3A_109] : memref<16384x1024xf32, #tpu.memory_space<hbm>> -> memref<32x1024xf32, #tpu.memory_space<hbm>>
        %dma_wait3A_111 = arith.constant 0 : i32
        %dma_wait3A_112 = arith.constant 0 : i32
        %dma_wait3A_113 = tpu.memref_slice %arg4[%dma_wait3A_111, %dma_wait3A_112] : memref<16384x1024xf32, #tpu.memory_space<hbm>> -> memref<32x1024xf32, #tpu.memory_space<hbm>>
        tpu.wait_dma2 semaphore(%arg12 : memref<!tpu.dma_semaphore, #tpu.memory_space<semaphore_mem>>) src(%arg6 : memref<32x1024xf32, #tpu.memory_space<vmem>>) dst(%dma_wait3A_113 : memref<32x1024xf32, #tpu.memory_space<hbm>>)
      } else {
      }
      %add3A_70 = arith.constant 2 : i32
      %add3A_71 = arith.addi %add3A_59, %add3A_70 : i32
      %lt3A_72 = arith.constant 16 : i32
      %lt3A_73 = arith.cmpi slt, %add3A_71, %lt3A_72 : i32
      %convert_element_type3A_74 = arith.extui %lt3A_73 : i1 to i32
      %cond3A_75 = arith.constant 0 : i32
      %cond3A_76 = arith.cmpi ne, %convert_element_type3A_74, %cond3A_75 : i32
      scf.if %cond3A_76 {
        %add3A_108 = arith.constant 2 : i32
        %add3A_109 = arith.addi %add3A_59, %add3A_108 : i32
        %mul3A_110 = arith.constant 32 : i32
        %mul3A_111 = arith.muli %add3A_109, %mul3A_110 : i32
        %dma_start3A_112 = tpu.memref_slice %arg5[%mul3A_111] : memref<512xi32, #tpu.memory_space<vmem>> -> memref<32xi32, #tpu.memory_space<vmem>>
        %dma_start3A_113 = arith.constant 0 : i32
        %dma_start3A_114 = arith.constant 0 : i32
        %dma_start3A_115 = tpu.memref_slice %arg2[%dma_start3A_113, %dma_start3A_114] : memref<100000x1024xf32, #tpu.memory_space<hbm>> -> memref<100000x1024xf32, #tpu.memory_space<hbm>>
        tpu.enqueue_indirect_dma source(%dma_start3A_115 : memref<100000x1024xf32, #tpu.memory_space<hbm>>) target(%arg6 : memref<32x1024xf32, #tpu.memory_space<vmem>>) offsets(%dma_start3A_112 : memref<32xi32, #tpu.memory_space<vmem>>) semaphore(%arg9 : memref<!tpu.dma_semaphore, #tpu.memory_space<semaphore_mem>>)
      } else {
      }
      %lt3A_77 = arith.constant 16 : i32
      %lt3A_78 = arith.cmpi slt, %add3A_59, %lt3A_77 : i32
      %convert_element_type3A_79 = arith.extui %lt3A_78 : i1 to i32
      %cond3A_80 = arith.constant 0 : i32
      %cond3A_81 = arith.cmpi ne, %convert_element_type3A_79, %cond3A_80 : i32
      scf.if %cond3A_81 {
        %dma_wait3A_108 = arith.constant 0 : i32
        %dma_wait3A_109 = tpu.memref_slice %arg5[%dma_wait3A_108] : memref<512xi32, #tpu.memory_space<vmem>> -> memref<32xi32, #tpu.memory_space<vmem>>
        %dma_wait3A_110 = arith.constant 0 : i32
        %dma_wait3A_111 = arith.constant 0 : i32
        %dma_wait3A_112 = tpu.memref_slice %arg2[%dma_wait3A_110, %dma_wait3A_111] : memref<100000x1024xf32, #tpu.memory_space<hbm>> -> memref<100000x1024xf32, #tpu.memory_space<hbm>>
        tpu.wait_indirect_dma semaphore(%arg10 : memref<!tpu.dma_semaphore, #tpu.memory_space<semaphore_mem>>) src(%dma_wait3A_112 : memref<100000x1024xf32, #tpu.memory_space<hbm>>) dst(%arg7 : memref<32x1024xf32, #tpu.memory_space<vmem>>)
        %parallel_loop3A = arith.constant 0 : i32
        %parallel_loop3A_113 = arith.constant 32 : i32
        %parallel_loop3A_114 = arith.constant 1 : i32
        scf.for %parallel_loop3A_122 = %parallel_loop3A to %parallel_loop3A_113 step %parallel_loop3A_114  : i32 {
          %parallel_loop3A_123 = arith.index_cast %parallel_loop3A_122 : i32 to index
          %parallel_loop3A_124 = arith.constant 0 : index
          %parallel_loop3A_125 = tpu.vector_load %arg7[%parallel_loop3A_123, %parallel_loop3A_124] {strides = array<i32>} : memref<32x1024xf32, #tpu.memory_space<vmem>>, vector<1x16xf32>,
          %parallel_loop3A_126 = vector.shape_cast %parallel_loop3A_125 : vector<1x16xf32> to vector<16xf32>
          %parallel_loop3A_127 = arith.constant 3.200000e+01 : f32
          %parallel_loop3A_128 = vector.broadcast %parallel_loop3A_127 : f32 to vector<16xf32>
          %parallel_loop3A_129 = arith.mulf %parallel_loop3A_126, %parallel_loop3A_128 : vector<16xf32>
          %parallel_loop3A_130 = arith.index_cast %parallel_loop3A_122 : i32 to index
          %parallel_loop3A_131 = arith.constant 0 : index
          %parallel_loop3A_132 = tpu.vector_load %arg7[%parallel_loop3A_130, %parallel_loop3A_131] {strides = array<i32>} : memref<32x1024xf32, #tpu.memory_space<vmem>>, vector<1x16xf32>,
          %parallel_loop3A_133 = vector.shape_cast %parallel_loop3A_132 : vector<1x16xf32> to vector<16xf32>
          %parallel_loop3A_134 = vector.shape_cast %parallel_loop3A_129 : vector<16xf32> to vector<1x16xf32>
          tpu.vector_store %arg7[%parallel_loop3A_130, %parallel_loop3A_131], %parallel_loop3A_134 {strides = array<i32>} : memref<32x1024xf32, #tpu.memory_space<vmem>>, vector<1x16xf32>,
          %parallel_loop3A_135 = arith.index_cast %parallel_loop3A_122 : i32 to index
          %parallel_loop3A_136 = arith.constant 16 : index
          %parallel_loop3A_137 = tpu.vector_load %arg7[%parallel_loop3A_135, %parallel_loop3A_136] {strides = array<i32>} : memref<32x1024xf32, #tpu.memory_space<vmem>>, vector<1x16xf32>,
          %parallel_loop3A_138 = vector.shape_cast %parallel_loop3A_137 : vector<1x16xf32> to vector<16xf32>
          %parallel_loop3A_139 = arith.constant 3.200000e+01 : f32
          %parallel_loop3A_140 = vector.broadcast %parallel_loop3A_139 : f32 to vector<16xf32>
          %parallel_loop3A_141 = arith.mulf %parallel_loop3A_138, %parallel_loop3A_140 : vector<16xf32>
          %parallel_loop3A_142 = arith.index_cast %parallel_loop3A_122 : i32 to index
          %parallel_loop3A_143 = arith.constant 16 : index
          %parallel_loop3A_144 = tpu.vector_load %arg7[%parallel_loop3A_142, %parallel_loop3A_143] {strides = array<i32>} : memref<32x1024xf32, #tpu.memory_space<vmem>>, vector<1x16xf32>,
          %parallel_loop3A_145 = vector.shape_cast %parallel_loop3A_144 : vector<1x16xf32> to vector<16xf32>
          %parallel_loop3A_146 = vector.shape_cast %parallel_loop3A_141 : vector<16xf32> to vector<1x16xf32>
          tpu.vector_store %arg7[%parallel_loop3A_142, %parallel_loop3A_143], %parallel_loop3A_146 {strides = array<i32>} : memref<32x1024xf32, #tpu.memory_space<vmem>>, vector<1x16xf32>,
          %parallel_loop3A_147 = arith.index_cast %parallel_loop3A_122 : i32 to index
          %parallel_loop3A_148 = arith.constant 32 : index
          %parallel_loop3A_149 = tpu.vector_load %arg7[%parallel_loop3A_147, %parallel_loop3A_148] {strides = array<i32>} : memref<32x1024xf32, #tpu.memory_space<vmem>>, vector<1x16xf32>,
          %parallel_loop3A_150 = vector.shape_cast %parallel_loop3A_149 : vector<1x16xf32> to vector<16xf32>
          %parallel_loop3A_151 = arith.constant 3.200000e+01 : f32
          %parallel_loop3A_152 = vector.broadcast %parallel_loop3A_151 : f32 to vector<16xf32>
          %parallel_loop3A_153 = arith.mulf %parallel_loop3A_150, %parallel_loop3A_152 : vector<16xf32>
          %parallel_loop3A_154 = arith.index_cast %parallel_loop3A_122 : i32 to index
          %parallel_loop3A_155 = arith.constant 32 : index
          %parallel_loop3A_156 = tpu.vector_load %arg7[%parallel_loop3A_154, %parallel_loop3A_155] {strides = array<i32>} : memref<32x1024xf32, #tpu.memory_space<vmem>>, vector<1x16xf32>,
          %parallel_loop3A_157 = vector.shape_cast %parallel_loop3A_156 : vector<1x16xf32> to vector<16xf32>
          %parallel_loop3A_158 = vector.shape_cast %parallel_loop3A_153 : vector<16xf32> to vector<1x16xf32>
          tpu.vector_store %arg7[%parallel_loop3A_154, %parallel_loop3A_155], %parallel_loop3A_158 {strides = array<i32>} : memref<32x1024xf32, #tpu.memory_space<vmem>>, vector<1x16xf32>,
          %parallel_loop3A_159 = arith.index_cast %parallel_loop3A_122 : i32 to index
          %parallel_loop3A_160 = arith.constant 48 : index
          %parallel_loop3A_161 = tpu.vector_load %arg7[%parallel_loop3A_159, %parallel_loop3A_160] {strides = array<i32>} : memref<32x1024xf32, #tpu.memory_space<vmem>>, vector<1x16xf32>,
          %parallel_loop3A_162 = vector.shape_cast %parallel_loop3A_161 : vector<1x16xf32> to vector<16xf32>
          %parallel_loop3A_163 = arith.constant 3.200000e+01 : f32
          %parallel_loop3A_164 = vector.broadcast %parallel_loop3A_163 : f32 to vector<16xf32>
          %parallel_loop3A_165 = arith.mulf %parallel_loop3A_162, %parallel_loop3A_164 : vector<16xf32>
          %parallel_loop3A_166 = arith.index_cast %parallel_loop3A_122 : i32 to index
          %parallel_loop3A_167 = arith.constant 48 : index
          %parallel_loop3A_168 = tpu.vector_load %arg7[%parallel_loop3A_166, %parallel_loop3A_167] {strides = array<i32>} : memref<32x1024xf32, #tpu.memory_space<vmem>>, vector<1x16xf32>,
          %parallel_loop3A_169 = vector.shape_cast %parallel_loop3A_168 : vector<1x16xf32> to vector<16xf32>
          %parallel_loop3A_170 = vector.shape_cast %parallel_loop3A_165 : vector<16xf32> to vector<1x16xf32>
          tpu.vector_store %arg7[%parallel_loop3A_166, %parallel_loop3A_167], %parallel_loop3A_170 {strides = array<i32>} : memref<32x1024xf32, #tpu.memory_space<vmem>>, vector<1x16xf32>,
          %parallel_loop3A_171 = arith.index_cast %parallel_loop3A_122 : i32 to index
          %parallel_loop3A_172 = arith.constant 64 : index
          %parallel_loop3A_173 = tpu.vector_load %arg7[%parallel_loop3A_171, %parallel_loop3A_172] {strides = array<i32>} : memref<32x1024xf32, #tpu.memory_space<vmem>>, vector<1x16xf32>,
          %parallel_loop3A_174 = vector.shape_cast %parallel_loop3A_173 : vector<1x16xf32> to vector<16xf32>
          %parallel_loop3A_175 = arith.constant 3.200000e+01 : f32
          %parallel_loop3A_176 = vector.broadcast %parallel_loop3A_175 : f32 to vector<16xf32>
          %parallel_loop3A_177 = arith.mulf %parallel_loop3A_174, %parallel_loop3A_176 : vector<16xf32>
          %parallel_loop3A_178 = arith.index_cast %parallel_loop3A_122 : i32 to index
          %parallel_loop3A_179 = arith.constant 64 : index
          %parallel_loop3A_180 = tpu.vector_load %arg7[%parallel_loop3A_178, %parallel_loop3A_179] {strides = array<i32>} : memref<32x1024xf32, #tpu.memory_space<vmem>>, vector<1x16xf32>,
          %parallel_loop3A_181 = vector.shape_cast %parallel_loop3A_180 : vector<1x16xf32> to vector<16xf32>
          %parallel_loop3A_182 = vector.shape_cast %parallel_loop3A_177 : vector<16xf32> to vector<1x16xf32>
          tpu.vector_store %arg7[%parallel_loop3A_178, %parallel_loop3A_179], %parallel_loop3A_182 {strides = array<i32>} : memref<32x1024xf32, #tpu.memory_space<vmem>>, vector<1x16xf32>,
          %parallel_loop3A_183 = arith.index_cast %parallel_loop3A_122 : i32 to index
          %parallel_loop3A_184 = arith.constant 80 : index
          %parallel_loop3A_185 = tpu.vector_load %arg7[%parallel_loop3A_183, %parallel_loop3A_184] {strides = array<i32>} : memref<32x1024xf32, #tpu.memory_space<vmem>>, vector<1x16xf32>,
          %parallel_loop3A_186 = vector.shape_cast %parallel_loop3A_185 : vector<1x16xf32> to vector<16xf32>
          %parallel_loop3A_187 = arith.constant 3.200000e+01 : f32
          %parallel_loop3A_188 = vector.broadcast %parallel_loop3A_187 : f32 to vector<16xf32>
          %parallel_loop3A_189 = arith.mulf %parallel_loop3A_186, %parallel_loop3A_188 : vector<16xf32>
          %parallel_loop3A_190 = arith.index_cast %parallel_loop3A_122 : i32 to index
          %parallel_loop3A_191 = arith.constant 80 : index
          %parallel_loop3A_192 = tpu.vector_load %arg7[%parallel_loop3A_190, %parallel_loop3A_191] {strides = array<i32>} : memref<32x1024xf32, #tpu.memory_space<vmem>>, vector<1x16xf32>,
          %parallel_loop3A_193 = vector.shape_cast %parallel_loop3A_192 : vector<1x16xf32> to vector<16xf32>
          %parallel_loop3A_194 = vector.shape_cast %parallel_loop3A_189 : vector<16xf32> to vector<1x16xf32>
          tpu.vector_store %arg7[%parallel_loop3A_190, %parallel_loop3A_191], %parallel_loop3A_194 {strides = array<i32>} : memref<32x1024xf32, #tpu.memory_space<vmem>>, vector<1x16xf32>,
          %parallel_loop3A_195 = arith.index_cast %parallel_loop3A_122 : i32 to index
          %parallel_loop3A_196 = arith.constant 96 : index
          %parallel_loop3A_197 = tpu.vector_load %arg7[%parallel_loop3A_195, %parallel_loop3A_196] {strides = array<i32>} : memref<32x1024xf32, #tpu.memory_space<vmem>>, vector<1x16xf32>,
          %parallel_loop3A_198 = vector.shape_cast %parallel_loop3A_197 : vector<1x16xf32> to vector<16xf32>
          %parallel_loop3A_199 = arith.constant 3.200000e+01 : f32
          %parallel_loop3A_200 = vector.broadcast %parallel_loop3A_199 : f32 to vector<16xf32>
          %parallel_loop3A_201 = arith.mulf %parallel_loop3A_198, %parallel_loop3A_200 : vector<16xf32>
          %parallel_loop3A_202 = arith.index_cast %parallel_loop3A_122 : i32 to index
          %parallel_loop3A_203 = arith.constant 96 : index
          %parallel_loop3A_204 = tpu.vector_load %arg7[%parallel_loop3A_202, %parallel_loop3A_203] {strides = array<i32>} : memref<32x1024xf32, #tpu.memory_space<vmem>>, vector<1x16xf32>,
          %parallel_loop3A_205 = vector.shape_cast %parallel_loop3A_204 : vector<1x16xf32> to vector<16xf32>
          %parallel_loop3A_206 = vector.shape_cast %parallel_loop3A_201 : vector<16xf32> to vector<1x16xf32>
          tpu.vector_store %arg7[%parallel_loop3A_202, %parallel_loop3A_203], %parallel_loop3A_206 {strides = array<i32>} : memref<32x1024xf32, #tpu.memory_space<vmem>>, vector<1x16xf32>,
          %parallel_loop3A_207 = arith.index_cast %parallel_loop3A_122 : i32 to index
          %parallel_loop3A_208 = arith.constant 112 : index
          %parallel_loop3A_209 = tpu.vector_load %arg7[%parallel_loop3A_207, %parallel_loop3A_208] {strides = array<i32>} : memref<32x1024xf32, #tpu.memory_space<vmem>>, vector<1x16xf32>,
          %parallel_loop3A_210 = vector.shape_cast %parallel_loop3A_209 : vector<1x16xf32> to vector<16xf32>
          %parallel_loop3A_211 = arith.constant 3.200000e+01 : f32
          %parallel_loop3A_212 = vector.broadcast %parallel_loop3A_211 : f32 to vector<16xf32>
          %parallel_loop3A_213 = arith.mulf %parallel_loop3A_210, %parallel_loop3A_212 : vector<16xf32>
          %parallel_loop3A_214 = arith.index_cast %parallel_loop3A_122 : i32 to index
          %parallel_loop3A_215 = arith.constant 112 : index
          %parallel_loop3A_216 = tpu.vector_load %arg7[%parallel_loop3A_214, %parallel_loop3A_215] {strides = array<i32>} : memref<32x1024xf32, #tpu.memory_space<vmem>>, vector<1x16xf32>,
          %parallel_loop3A_217 = vector.shape_cast %parallel_loop3A_216 : vector<1x16xf32> to vector<16xf32>
          %parallel_loop3A_218 = vector.shape_cast %parallel_loop3A_213 : vector<16xf32> to vector<1x16xf32>
          tpu.vector_store %arg7[%parallel_loop3A_214, %parallel_loop3A_215], %parallel_loop3A_218 {strides = array<i32>} : memref<32x1024xf32, #tpu.memory_space<vmem>>, vector<1x16xf32>,
          %parallel_loop3A_219 = arith.index_cast %parallel_loop3A_122 : i32 to index
          %parallel_loop3A_220 = arith.constant 128 : index
          %parallel_loop3A_221 = tpu.vector_load %arg7[%parallel_loop3A_219, %parallel_loop3A_220] {strides = array<i32>} : memref<32x1024xf32, #tpu.memory_space<vmem>>, vector<1x16xf32>,
          %parallel_loop3A_222 = vector.shape_cast %parallel_loop3A_221 : vector<1x16xf32> to vector<16xf32>
          %parallel_loop3A_223 = arith.constant 3.200000e+01 : f32
          %parallel_loop3A_224 = vector.broadcast %parallel_loop3A_223 : f32 to vector<16xf32>
          %parallel_loop3A_225 = arith.mulf %parallel_loop3A_222, %parallel_loop3A_224 : vector<16xf32>
          %parallel_loop3A_226 = arith.index_cast %parallel_loop3A_122 : i32 to index
          %parallel_loop3A_227 = arith.constant 128 : index
          %parallel_loop3A_228 = tpu.vector_load %arg7[%parallel_loop3A_226, %parallel_loop3A_227] {strides = array<i32>} : memref<32x1024xf32, #tpu.memory_space<vmem>>, vector<1x16xf32>,
          %parallel_loop3A_229 = vector.shape_cast %parallel_loop3A_228 : vector<1x16xf32> to vector<16xf32>
          %parallel_loop3A_230 = vector.shape_cast %parallel_loop3A_225 : vector<16xf32> to vector<1x16xf32>
          tpu.vector_store %arg7[%parallel_loop3A_226, %parallel_loop3A_227], %parallel_loop3A_230 {strides = array<i32>} : memref<32x1024xf32, #tpu.memory_space<vmem>>, vector<1x16xf32>,
          %parallel_loop3A_231 = arith.index_cast %parallel_loop3A_122 : i32 to index
          %parallel_loop3A_232 = arith.constant 144 : index
          %parallel_loop3A_233 = tpu.vector_load %arg7[%parallel_loop3A_231, %parallel_loop3A_232] {strides = array<i32>} : memref<32x1024xf32, #tpu.memory_space<vmem>>, vector<1x16xf32>,
          %parallel_loop3A_234 = vector.shape_cast %parallel_loop3A_233 : vector<1x16xf32> to vector<16xf32>
          %parallel_loop3A_235 = arith.constant 3.200000e+01 : f32
          %parallel_loop3A_236 = vector.broadcast %parallel_loop3A_235 : f32 to vector<16xf32>
          %parallel_loop3A_237 = arith.mulf %parallel_loop3A_234, %parallel_loop3A_236 : vector<16xf32>
          %parallel_loop3A_238 = arith.index_cast %parallel_loop3A_122 : i32 to index
          %parallel_loop3A_239 = arith.constant 144 : index
          %parallel_loop3A_240 = tpu.vector_load %arg7[%parallel_loop3A_238, %parallel_loop3A_239] {strides = array<i32>} : memref<32x1024xf32, #tpu.memory_space<vmem>>, vector<1x16xf32>,
          %parallel_loop3A_241 = vector.shape_cast %parallel_loop3A_240 : vector<1x16xf32> to vector<16xf32>
          %parallel_loop3A_242 = vector.shape_cast %parallel_loop3A_237 : vector<16xf32> to vector<1x16xf32>
          tpu.vector_store %arg7[%parallel_loop3A_238, %parallel_loop3A_239], %parallel_loop3A_242 {strides = array<i32>} : memref<32x1024xf32, #tpu.memory_space<vmem>>, vector<1x16xf32>,
          %parallel_loop3A_243 = arith.index_cast %parallel_loop3A_122 : i32 to index
          %parallel_loop3A_244 = arith.constant 160 : index
          %parallel_loop3A_245 = tpu.vector_load %arg7[%parallel_loop3A_243, %parallel_loop3A_244] {strides = array<i32>} : memref<32x1024xf32, #tpu.memory_space<vmem>>, vector<1x16xf32>,
          %parallel_loop3A_246 = vector.shape_cast %parallel_loop3A_245 : vector<1x16xf32> to vector<16xf32>
          %parallel_loop3A_247 = arith.constant 3.200000e+01 : f32
          %parallel_loop3A_248 = vector.broadcast %parallel_loop3A_247 : f32 to vector<16xf32>
          %parallel_loop3A_249 = arith.mulf %parallel_loop3A_246, %parallel_loop3A_248 : vector<16xf32>
          %parallel_loop3A_250 = arith.index_cast %parallel_loop3A_122 : i32 to index
          %parallel_loop3A_251 = arith.constant 160 : index
          %parallel_loop3A_252 = tpu.vector_load %arg7[%parallel_loop3A_250, %parallel_loop3A_251] {strides = array<i32>} : memref<32x1024xf32, #tpu.memory_space<vmem>>, vector<1x16xf32>,
          %parallel_loop3A_253 = vector.shape_cast %parallel_loop3A_252 : vector<1x16xf32> to vector<16xf32>
          %parallel_loop3A_254 = vector.shape_cast %parallel_loop3A_249 : vector<16xf32> to vector<1x16xf32>
          tpu.vector_store %arg7[%parallel_loop3A_250, %parallel_loop3A_251], %parallel_loop3A_254 {strides = array<i32>} : memref<32x1024xf32, #tpu.memory_space<vmem>>, vector<1x16xf32>,
          %parallel_loop3A_255 = arith.index_cast %parallel_loop3A_122 : i32 to index
          %parallel_loop3A_256 = arith.constant 176 : index
          %parallel_loop3A_257 = tpu.vector_load %arg7[%parallel_loop3A_255, %parallel_loop3A_256] {strides = array<i32>} : memref<32x1024xf32, #tpu.memory_space<vmem>>, vector<1x16xf32>,
          %parallel_loop3A_258 = vector.shape_cast %parallel_loop3A_257 : vector<1x16xf32> to vector<16xf32>
          %parallel_loop3A_259 = arith.constant 3.200000e+01 : f32
          %parallel_loop3A_260 = vector.broadcast %parallel_loop3A_259 : f32 to vector<16xf32>
          %parallel_loop3A_261 = arith.mulf %parallel_loop3A_258, %parallel_loop3A_260 : vector<16xf32>
          %parallel_loop3A_262 = arith.index_cast %parallel_loop3A_122 : i32 to index
          %parallel_loop3A_263 = arith.constant 176 : index
          %parallel_loop3A_264 = tpu.vector_load %arg7[%parallel_loop3A_262, %parallel_loop3A_263] {strides = array<i32>} : memref<32x1024xf32, #tpu.memory_space<vmem>>, vector<1x16xf32>,
          %parallel_loop3A_265 = vector.shape_cast %parallel_loop3A_264 : vector<1x16xf32> to vector<16xf32>
          %parallel_loop3A_266 = vector.shape_cast %parallel_loop3A_261 : vector<16xf32> to vector<1x16xf32>
          tpu.vector_store %arg7[%parallel_loop3A_262, %parallel_loop3A_263], %parallel_loop3A_266 {strides = array<i32>} : memref<32x1024xf32, #tpu.memory_space<vmem>>, vector<1x16xf32>,
          %parallel_loop3A_267 = arith.index_cast %parallel_loop3A_122 : i32 to index
          %parallel_loop3A_268 = arith.constant 192 : index
          %parallel_loop3A_269 = tpu.vector_load %arg7[%parallel_loop3A_267, %parallel_loop3A_268] {strides = array<i32>} : memref<32x1024xf32, #tpu.memory_space<vmem>>, vector<1x16xf32>,
          %parallel_loop3A_270 = vector.shape_cast %parallel_loop3A_269 : vector<1x16xf32> to vector<16xf32>
          %parallel_loop3A_271 = arith.constant 3.200000e+01 : f32
          %parallel_loop3A_272 = vector.broadcast %parallel_loop3A_271 : f32 to vector<16xf32>
          %parallel_loop3A_273 = arith.mulf %parallel_loop3A_270, %parallel_loop3A_272 : vector<16xf32>
          %parallel_loop3A_274 = arith.index_cast %parallel_loop3A_122 : i32 to index
          %parallel_loop3A_275 = arith.constant 192 : index
          %parallel_loop3A_276 = tpu.vector_load %arg7[%parallel_loop3A_274, %parallel_loop3A_275] {strides = array<i32>} : memref<32x1024xf32, #tpu.memory_space<vmem>>, vector<1x16xf32>,
          %parallel_loop3A_277 = vector.shape_cast %parallel_loop3A_276 : vector<1x16xf32> to vector<16xf32>
          %parallel_loop3A_278 = vector.shape_cast %parallel_loop3A_273 : vector<16xf32> to vector<1x16xf32>
          tpu.vector_store %arg7[%parallel_loop3A_274, %parallel_loop3A_275], %parallel_loop3A_278 {strides = array<i32>} : memref<32x1024xf32, #tpu.memory_space<vmem>>, vector<1x16xf32>,
          %parallel_loop3A_279 = arith.index_cast %parallel_loop3A_122 : i32 to index
          %parallel_loop3A_280 = arith.constant 208 : index
          %parallel_loop3A_281 = tpu.vector_load %arg7[%parallel_loop3A_279, %parallel_loop3A_280] {strides = array<i32>} : memref<32x1024xf32, #tpu.memory_space<vmem>>, vector<1x16xf32>,
          %parallel_loop3A_282 = vector.shape_cast %parallel_loop3A_281 : vector<1x16xf32> to vector<16xf32>
          %parallel_loop3A_283 = arith.constant 3.200000e+01 : f32
          %parallel_loop3A_284 = vector.broadcast %parallel_loop3A_283 : f32 to vector<16xf32>
          %parallel_loop3A_285 = arith.mulf %parallel_loop3A_282, %parallel_loop3A_284 : vector<16xf32>
          %parallel_loop3A_286 = arith.index_cast %parallel_loop3A_122 : i32 to index
          %parallel_loop3A_287 = arith.constant 208 : index
          %parallel_loop3A_288 = tpu.vector_load %arg7[%parallel_loop3A_286, %parallel_loop3A_287] {strides = array<i32>} : memref<32x1024xf32, #tpu.memory_space<vmem>>, vector<1x16xf32>,
          %parallel_loop3A_289 = vector.shape_cast %parallel_loop3A_288 : vector<1x16xf32> to vector<16xf32>
          %parallel_loop3A_290 = vector.shape_cast %parallel_loop3A_285 : vector<16xf32> to vector<1x16xf32>
          tpu.vector_store %arg7[%parallel_loop3A_286, %parallel_loop3A_287], %parallel_loop3A_290 {strides = array<i32>} : memref<32x1024xf32, #tpu.memory_space<vmem>>, vector<1x16xf32>,
          %parallel_loop3A_291 = arith.index_cast %parallel_loop3A_122 : i32 to index
          %parallel_loop3A_292 = arith.constant 224 : index
          %parallel_loop3A_293 = tpu.vector_load %arg7[%parallel_loop3A_291, %parallel_loop3A_292] {strides = array<i32>} : memref<32x1024xf32, #tpu.memory_space<vmem>>, vector<1x16xf32>,
          %parallel_loop3A_294 = vector.shape_cast %parallel_loop3A_293 : vector<1x16xf32> to vector<16xf32>
          %parallel_loop3A_295 = arith.constant 3.200000e+01 : f32
          %parallel_loop3A_296 = vector.broadcast %parallel_loop3A_295 : f32 to vector<16xf32>
          %parallel_loop3A_297 = arith.mulf %parallel_loop3A_294, %parallel_loop3A_296 : vector<16xf32>
          %parallel_loop3A_298 = arith.index_cast %parallel_loop3A_122 : i32 to index
          %parallel_loop3A_299 = arith.constant 224 : index
          %parallel_loop3A_300 = tpu.vector_load %arg7[%parallel_loop3A_298, %parallel_loop3A_299] {strides = array<i32>} : memref<32x1024xf32, #tpu.memory_space<vmem>>, vector<1x16xf32>,
          %parallel_loop3A_301 = vector.shape_cast %parallel_loop3A_300 : vector<1x16xf32> to vector<16xf32>
          %parallel_loop3A_302 = vector.shape_cast %parallel_loop3A_297 : vector<16xf32> to vector<1x16xf32>
          tpu.vector_store %arg7[%parallel_loop3A_298, %parallel_loop3A_299], %parallel_loop3A_302 {strides = array<i32>} : memref<32x1024xf32, #tpu.memory_space<vmem>>, vector<1x16xf32>,
          %parallel_loop3A_303 = arith.index_cast %parallel_loop3A_122 : i32 to index
          %parallel_loop3A_304 = arith.constant 240 : index
          %parallel_loop3A_305 = tpu.vector_load %arg7[%parallel_loop3A_303, %parallel_loop3A_304] {strides = array<i32>} : memref<32x1024xf32, #tpu.memory_space<vmem>>, vector<1x16xf32>,
          %parallel_loop3A_306 = vector.shape_cast %parallel_loop3A_305 : vector<1x16xf32> to vector<16xf32>
          %parallel_loop3A_307 = arith.constant 3.200000e+01 : f32
          %parallel_loop3A_308 = vector.broadcast %parallel_loop3A_307 : f32 to vector<16xf32>
          %parallel_loop3A_309 = arith.mulf %parallel_loop3A_306, %parallel_loop3A_308 : vector<16xf32>
          %parallel_loop3A_310 = arith.index_cast %parallel_loop3A_122 : i32 to index
          %parallel_loop3A_311 = arith.constant 240 : index
          %parallel_loop3A_312 = tpu.vector_load %arg7[%parallel_loop3A_310, %parallel_loop3A_311] {strides = array<i32>} : memref<32x1024xf32, #tpu.memory_space<vmem>>, vector<1x16xf32>,
          %parallel_loop3A_313 = vector.shape_cast %parallel_loop3A_312 : vector<1x16xf32> to vector<16xf32>
          %parallel_loop3A_314 = vector.shape_cast %parallel_loop3A_309 : vector<16xf32> to vector<1x16xf32>
          tpu.vector_store %arg7[%parallel_loop3A_310, %parallel_loop3A_311], %parallel_loop3A_314 {strides = array<i32>} : memref<32x1024xf32, #tpu.memory_space<vmem>>, vector<1x16xf32>,
          %parallel_loop3A_315 = arith.index_cast %parallel_loop3A_122 : i32 to index
          %parallel_loop3A_316 = arith.constant 256 : index
          %parallel_loop3A_317 = tpu.vector_load %arg7[%parallel_loop3A_315, %parallel_loop3A_316] {strides = array<i32>} : memref<32x1024xf32, #tpu.memory_space<vmem>>, vector<1x16xf32>,
          %parallel_loop3A_318 = vector.shape_cast %parallel_loop3A_317 : vector<1x16xf32> to vector<16xf32>
          %parallel_loop3A_319 = arith.constant 3.200000e+01 : f32
          %parallel_loop3A_320 = vector.broadcast %parallel_loop3A_319 : f32 to vector<16xf32>
          %parallel_loop3A_321 = arith.mulf %parallel_loop3A_318, %parallel_loop3A_320 : vector<16xf32>
          %parallel_loop3A_322 = arith.index_cast %parallel_loop3A_122 : i32 to index
          %parallel_loop3A_323 = arith.constant 256 : index
          %parallel_loop3A_324 = tpu.vector_load %arg7[%parallel_loop3A_322, %parallel_loop3A_323] {strides = array<i32>} : memref<32x1024xf32, #tpu.memory_space<vmem>>, vector<1x16xf32>,
          %parallel_loop3A_325 = vector.shape_cast %parallel_loop3A_324 : vector<1x16xf32> to vector<16xf32>
          %parallel_loop3A_326 = vector.shape_cast %parallel_loop3A_321 : vector<16xf32> to vector<1x16xf32>
          tpu.vector_store %arg7[%parallel_loop3A_322, %parallel_loop3A_323], %parallel_loop3A_326 {strides = array<i32>} : memref<32x1024xf32, #tpu.memory_space<vmem>>, vector<1x16xf32>,
          %parallel_loop3A_327 = arith.index_cast %parallel_loop3A_122 : i32 to index
          %parallel_loop3A_328 = arith.constant 272 : index
          %parallel_loop3A_329 = tpu.vector_load %arg7[%parallel_loop3A_327, %parallel_loop3A_328] {strides = array<i32>} : memref<32x1024xf32, #tpu.memory_space<vmem>>, vector<1x16xf32>,
          %parallel_loop3A_330 = vector.shape_cast %parallel_loop3A_329 : vector<1x16xf32> to vector<16xf32>
          %parallel_loop3A_331 = arith.constant 3.200000e+01 : f32
          %parallel_loop3A_332 = vector.broadcast %parallel_loop3A_331 : f32 to vector<16xf32>
          %parallel_loop3A_333 = arith.mulf %parallel_loop3A_330, %parallel_loop3A_332 : vector<16xf32>
          %parallel_loop3A_334 = arith.index_cast %parallel_loop3A_122 : i32 to index
          %parallel_loop3A_335 = arith.constant 272 : index
          %parallel_loop3A_336 = tpu.vector_load %arg7[%parallel_loop3A_334, %parallel_loop3A_335] {strides = array<i32>} : memref<32x1024xf32, #tpu.memory_space<vmem>>, vector<1x16xf32>,
          %parallel_loop3A_337 = vector.shape_cast %parallel_loop3A_336 : vector<1x16xf32> to vector<16xf32>
          %parallel_loop3A_338 = vector.shape_cast %parallel_loop3A_333 : vector<16xf32> to vector<1x16xf32>
          tpu.vector_store %arg7[%parallel_loop3A_334, %parallel_loop3A_335], %parallel_loop3A_338 {strides = array<i32>} : memref<32x1024xf32, #tpu.memory_space<vmem>>, vector<1x16xf32>,
          %parallel_loop3A_339 = arith.index_cast %parallel_loop3A_122 : i32 to index
          %parallel_loop3A_340 = arith.constant 288 : index
          %parallel_loop3A_341 = tpu.vector_load %arg7[%parallel_loop3A_339, %parallel_loop3A_340] {strides = array<i32>} : memref<32x1024xf32, #tpu.memory_space<vmem>>, vector<1x16xf32>,
          %parallel_loop3A_342 = vector.shape_cast %parallel_loop3A_341 : vector<1x16xf32> to vector<16xf32>
          %parallel_loop3A_343 = arith.constant 3.200000e+01 : f32
          %parallel_loop3A_344 = vector.broadcast %parallel_loop3A_343 : f32 to vector<16xf32>
          %parallel_loop3A_345 = arith.mulf %parallel_loop3A_342, %parallel_loop3A_344 : vector<16xf32>
          %parallel_loop3A_346 = arith.index_cast %parallel_loop3A_122 : i32 to index
          %parallel_loop3A_347 = arith.constant 288 : index
          %parallel_loop3A_348 = tpu.vector_load %arg7[%parallel_loop3A_346, %parallel_loop3A_347] {strides = array<i32>} : memref<32x1024xf32, #tpu.memory_space<vmem>>, vector<1x16xf32>,
          %parallel_loop3A_349 = vector.shape_cast %parallel_loop3A_348 : vector<1x16xf32> to vector<16xf32>
          %parallel_loop3A_350 = vector.shape_cast %parallel_loop3A_345 : vector<16xf32> to vector<1x16xf32>
          tpu.vector_store %arg7[%parallel_loop3A_346, %parallel_loop3A_347], %parallel_loop3A_350 {strides = array<i32>} : memref<32x1024xf32, #tpu.memory_space<vmem>>, vector<1x16xf32>,
          %parallel_loop3A_351 = arith.index_cast %parallel_loop3A_122 : i32 to index
          %parallel_loop3A_352 = arith.constant 304 : index
          %parallel_loop3A_353 = tpu.vector_load %arg7[%parallel_loop3A_351, %parallel_loop3A_352] {strides = array<i32>} : memref<32x1024xf32, #tpu.memory_space<vmem>>, vector<1x16xf32>,
          %parallel_loop3A_354 = vector.shape_cast %parallel_loop3A_353 : vector<1x16xf32> to vector<16xf32>
          %parallel_loop3A_355 = arith.constant 3.200000e+01 : f32
          %parallel_loop3A_356 = vector.broadcast %parallel_loop3A_355 : f32 to vector<16xf32>
          %parallel_loop3A_357 = arith.mulf %parallel_loop3A_354, %parallel_loop3A_356 : vector<16xf32>
          %parallel_loop3A_358 = arith.index_cast %parallel_loop3A_122 : i32 to index
          %parallel_loop3A_359 = arith.constant 304 : index
          %parallel_loop3A_360 = tpu.vector_load %arg7[%parallel_loop3A_358, %parallel_loop3A_359] {strides = array<i32>} : memref<32x1024xf32, #tpu.memory_space<vmem>>, vector<1x16xf32>,
          %parallel_loop3A_361 = vector.shape_cast %parallel_loop3A_360 : vector<1x16xf32> to vector<16xf32>
          %parallel_loop3A_362 = vector.shape_cast %parallel_loop3A_357 : vector<16xf32> to vector<1x16xf32>
          tpu.vector_store %arg7[%parallel_loop3A_358, %parallel_loop3A_359], %parallel_loop3A_362 {strides = array<i32>} : memref<32x1024xf32, #tpu.memory_space<vmem>>, vector<1x16xf32>,
          %parallel_loop3A_363 = arith.index_cast %parallel_loop3A_122 : i32 to index
          %parallel_loop3A_364 = arith.constant 320 : index
          %parallel_loop3A_365 = tpu.vector_load %arg7[%parallel_loop3A_363, %parallel_loop3A_364] {strides = array<i32>} : memref<32x1024xf32, #tpu.memory_space<vmem>>, vector<1x16xf32>,
          %parallel_loop3A_366 = vector.shape_cast %parallel_loop3A_365 : vector<1x16xf32> to vector<16xf32>
          %parallel_loop3A_367 = arith.constant 3.200000e+01 : f32
          %parallel_loop3A_368 = vector.broadcast %parallel_loop3A_367 : f32 to vector<16xf32>
          %parallel_loop3A_369 = arith.mulf %parallel_loop3A_366, %parallel_loop3A_368 : vector<16xf32>
          %parallel_loop3A_370 = arith.index_cast %parallel_loop3A_122 : i32 to index
          %parallel_loop3A_371 = arith.constant 320 : index
          %parallel_loop3A_372 = tpu.vector_load %arg7[%parallel_loop3A_370, %parallel_loop3A_371] {strides = array<i32>} : memref<32x1024xf32, #tpu.memory_space<vmem>>, vector<1x16xf32>,
          %parallel_loop3A_373 = vector.shape_cast %parallel_loop3A_372 : vector<1x16xf32> to vector<16xf32>
          %parallel_loop3A_374 = vector.shape_cast %parallel_loop3A_369 : vector<16xf32> to vector<1x16xf32>
          tpu.vector_store %arg7[%parallel_loop3A_370, %parallel_loop3A_371], %parallel_loop3A_374 {strides = array<i32>} : memref<32x1024xf32, #tpu.memory_space<vmem>>, vector<1x16xf32>,
          %parallel_loop3A_375 = arith.index_cast %parallel_loop3A_122 : i32 to index
          %parallel_loop3A_376 = arith.constant 336 : index
          %parallel_loop3A_377 = tpu.vector_load %arg7[%parallel_loop3A_375, %parallel_loop3A_376] {strides = array<i32>} : memref<32x1024xf32, #tpu.memory_space<vmem>>, vector<1x16xf32>,
          %parallel_loop3A_378 = vector.shape_cast %parallel_loop3A_377 : vector<1x16xf32> to vector<16xf32>
          %parallel_loop3A_379 = arith.constant 3.200000e+01 : f32
          %parallel_loop3A_380 = vector.broadcast %parallel_loop3A_379 : f32 to vector<16xf32>
          %parallel_loop3A_381 = arith.mulf %parallel_loop3A_378, %parallel_loop3A_380 : vector<16xf32>
          %parallel_loop3A_382 = arith.index_cast %parallel_loop3A_122 : i32 to index
          %parallel_loop3A_383 = arith.constant 336 : index
          %parallel_loop3A_384 = tpu.vector_load %arg7[%parallel_loop3A_382, %parallel_loop3A_383] {strides = array<i32>} : memref<32x1024xf32, #tpu.memory_space<vmem>>, vector<1x16xf32>,
          %parallel_loop3A_385 = vector.shape_cast %parallel_loop3A_384 : vector<1x16xf32> to vector<16xf32>
          %parallel_loop3A_386 = vector.shape_cast %parallel_loop3A_381 : vector<16xf32> to vector<1x16xf32>
          tpu.vector_store %arg7[%parallel_loop3A_382, %parallel_loop3A_383], %parallel_loop3A_386 {strides = array<i32>} : memref<32x1024xf32, #tpu.memory_space<vmem>>, vector<1x16xf32>,
          %parallel_loop3A_387 = arith.index_cast %parallel_loop3A_122 : i32 to index
          %parallel_loop3A_388 = arith.constant 352 : index
          %parallel_loop3A_389 = tpu.vector_load %arg7[%parallel_loop3A_387, %parallel_loop3A_388] {strides = array<i32>} : memref<32x1024xf32, #tpu.memory_space<vmem>>, vector<1x16xf32>,
          %parallel_loop3A_390 = vector.shape_cast %parallel_loop3A_389 : vector<1x16xf32> to vector<16xf32>
          %parallel_loop3A_391 = arith.constant 3.200000e+01 : f32
          %parallel_loop3A_392 = vector.broadcast %parallel_loop3A_391 : f32 to vector<16xf32>
          %parallel_loop3A_393 = arith.mulf %parallel_loop3A_390, %parallel_loop3A_392 : vector<16xf32>
          %parallel_loop3A_394 = arith.index_cast %parallel_loop3A_122 : i32 to index
          %parallel_loop3A_395 = arith.constant 352 : index
          %parallel_loop3A_396 = tpu.vector_load %arg7[%parallel_loop3A_394, %parallel_loop3A_395] {strides = array<i32>} : memref<32x1024xf32, #tpu.memory_space<vmem>>, vector<1x16xf32>,
          %parallel_loop3A_397 = vector.shape_cast %parallel_loop3A_396 : vector<1x16xf32> to vector<16xf32>
          %parallel_loop3A_398 = vector.shape_cast %parallel_loop3A_393 : vector<16xf32> to vector<1x16xf32>
          tpu.vector_store %arg7[%parallel_loop3A_394, %parallel_loop3A_395], %parallel_loop3A_398 {strides = array<i32>} : memref<32x1024xf32, #tpu.memory_space<vmem>>, vector<1x16xf32>,
          %parallel_loop3A_399 = arith.index_cast %parallel_loop3A_122 : i32 to index
          %parallel_loop3A_400 = arith.constant 368 : index
          %parallel_loop3A_401 = tpu.vector_load %arg7[%parallel_loop3A_399, %parallel_loop3A_400] {strides = array<i32>} : memref<32x1024xf32, #tpu.memory_space<vmem>>, vector<1x16xf32>,
          %parallel_loop3A_402 = vector.shape_cast %parallel_loop3A_401 : vector<1x16xf32> to vector<16xf32>
          %parallel_loop3A_403 = arith.constant 3.200000e+01 : f32
          %parallel_loop3A_404 = vector.broadcast %parallel_loop3A_403 : f32 to vector<16xf32>
          %parallel_loop3A_405 = arith.mulf %parallel_loop3A_402, %parallel_loop3A_404 : vector<16xf32>
          %parallel_loop3A_406 = arith.index_cast %parallel_loop3A_122 : i32 to index
          %parallel_loop3A_407 = arith.constant 368 : index
          %parallel_loop3A_408 = tpu.vector_load %arg7[%parallel_loop3A_406, %parallel_loop3A_407] {strides = array<i32>} : memref<32x1024xf32, #tpu.memory_space<vmem>>, vector<1x16xf32>,
          %parallel_loop3A_409 = vector.shape_cast %parallel_loop3A_408 : vector<1x16xf32> to vector<16xf32>
          %parallel_loop3A_410 = vector.shape_cast %parallel_loop3A_405 : vector<16xf32> to vector<1x16xf32>
          tpu.vector_store %arg7[%parallel_loop3A_406, %parallel_loop3A_407], %parallel_loop3A_410 {strides = array<i32>} : memref<32x1024xf32, #tpu.memory_space<vmem>>, vector<1x16xf32>,
          %parallel_loop3A_411 = arith.index_cast %parallel_loop3A_122 : i32 to index
          %parallel_loop3A_412 = arith.constant 384 : index
          %parallel_loop3A_413 = tpu.vector_load %arg7[%parallel_loop3A_411, %parallel_loop3A_412] {strides = array<i32>} : memref<32x1024xf32, #tpu.memory_space<vmem>>, vector<1x16xf32>,
          %parallel_loop3A_414 = vector.shape_cast %parallel_loop3A_413 : vector<1x16xf32> to vector<16xf32>
          %parallel_loop3A_415 = arith.constant 3.200000e+01 : f32
          %parallel_loop3A_416 = vector.broadcast %parallel_loop3A_415 : f32 to vector<16xf32>
          %parallel_loop3A_417 = arith.mulf %parallel_loop3A_414, %parallel_loop3A_416 : vector<16xf32>
          %parallel_loop3A_418 = arith.index_cast %parallel_loop3A_122 : i32 to index
          %parallel_loop3A_419 = arith.constant 384 : index
          %parallel_loop3A_420 = tpu.vector_load %arg7[%parallel_loop3A_418, %parallel_loop3A_419] {strides = array<i32>} : memref<32x1024xf32, #tpu.memory_space<vmem>>, vector<1x16xf32>,
          %parallel_loop3A_421 = vector.shape_cast %parallel_loop3A_420 : vector<1x16xf32> to vector<16xf32>
          %parallel_loop3A_422 = vector.shape_cast %parallel_loop3A_417 : vector<16xf32> to vector<1x16xf32>
          tpu.vector_store %arg7[%parallel_loop3A_418, %parallel_loop3A_419], %parallel_loop3A_422 {strides = array<i32>} : memref<32x1024xf32, #tpu.memory_space<vmem>>, vector<1x16xf32>,
          %parallel_loop3A_423 = arith.index_cast %parallel_loop3A_122 : i32 to index
          %parallel_loop3A_424 = arith.constant 400 : index
          %parallel_loop3A_425 = tpu.vector_load %arg7[%parallel_loop3A_423, %parallel_loop3A_424] {strides = array<i32>} : memref<32x1024xf32, #tpu.memory_space<vmem>>, vector<1x16xf32>,
          %parallel_loop3A_426 = vector.shape_cast %parallel_loop3A_425 : vector<1x16xf32> to vector<16xf32>
          %parallel_loop3A_427 = arith.constant 3.200000e+01 : f32
          %parallel_loop3A_428 = vector.broadcast %parallel_loop3A_427 : f32 to vector<16xf32>
          %parallel_loop3A_429 = arith.mulf %parallel_loop3A_426, %parallel_loop3A_428 : vector<16xf32>
          %parallel_loop3A_430 = arith.index_cast %parallel_loop3A_122 : i32 to index
          %parallel_loop3A_431 = arith.constant 400 : index
          %parallel_loop3A_432 = tpu.vector_load %arg7[%parallel_loop3A_430, %parallel_loop3A_431] {strides = array<i32>} : memref<32x1024xf32, #tpu.memory_space<vmem>>, vector<1x16xf32>,
          %parallel_loop3A_433 = vector.shape_cast %parallel_loop3A_432 : vector<1x16xf32> to vector<16xf32>
          %parallel_loop3A_434 = vector.shape_cast %parallel_loop3A_429 : vector<16xf32> to vector<1x16xf32>
          tpu.vector_store %arg7[%parallel_loop3A_430, %parallel_loop3A_431], %parallel_loop3A_434 {strides = array<i32>} : memref<32x1024xf32, #tpu.memory_space<vmem>>, vector<1x16xf32>,
          %parallel_loop3A_435 = arith.index_cast %parallel_loop3A_122 : i32 to index
          %parallel_loop3A_436 = arith.constant 416 : index
          %parallel_loop3A_437 = tpu.vector_load %arg7[%parallel_loop3A_435, %parallel_loop3A_436] {strides = array<i32>} : memref<32x1024xf32, #tpu.memory_space<vmem>>, vector<1x16xf32>,
          %parallel_loop3A_438 = vector.shape_cast %parallel_loop3A_437 : vector<1x16xf32> to vector<16xf32>
          %parallel_loop3A_439 = arith.constant 3.200000e+01 : f32
          %parallel_loop3A_440 = vector.broadcast %parallel_loop3A_439 : f32 to vector<16xf32>
          %parallel_loop3A_441 = arith.mulf %parallel_loop3A_438, %parallel_loop3A_440 : vector<16xf32>
          %parallel_loop3A_442 = arith.index_cast %parallel_loop3A_122 : i32 to index
          %parallel_loop3A_443 = arith.constant 416 : index
          %parallel_loop3A_444 = tpu.vector_load %arg7[%parallel_loop3A_442, %parallel_loop3A_443] {strides = array<i32>} : memref<32x1024xf32, #tpu.memory_space<vmem>>, vector<1x16xf32>,
          %parallel_loop3A_445 = vector.shape_cast %parallel_loop3A_444 : vector<1x16xf32> to vector<16xf32>
          %parallel_loop3A_446 = vector.shape_cast %parallel_loop3A_441 : vector<16xf32> to vector<1x16xf32>
          tpu.vector_store %arg7[%parallel_loop3A_442, %parallel_loop3A_443], %parallel_loop3A_446 {strides = array<i32>} : memref<32x1024xf32, #tpu.memory_space<vmem>>, vector<1x16xf32>,
          %parallel_loop3A_447 = arith.index_cast %parallel_loop3A_122 : i32 to index
          %parallel_loop3A_448 = arith.constant 432 : index
          %parallel_loop3A_449 = tpu.vector_load %arg7[%parallel_loop3A_447, %parallel_loop3A_448] {strides = array<i32>} : memref<32x1024xf32, #tpu.memory_space<vmem>>, vector<1x16xf32>,
          %parallel_loop3A_450 = vector.shape_cast %parallel_loop3A_449 : vector<1x16xf32> to vector<16xf32>
          %parallel_loop3A_451 = arith.constant 3.200000e+01 : f32
          %parallel_loop3A_452 = vector.broadcast %parallel_loop3A_451 : f32 to vector<16xf32>
          %parallel_loop3A_453 = arith.mulf %parallel_loop3A_450, %parallel_loop3A_452 : vector<16xf32>
          %parallel_loop3A_454 = arith.index_cast %parallel_loop3A_122 : i32 to index
          %parallel_loop3A_455 = arith.constant 432 : index
          %parallel_loop3A_456 = tpu.vector_load %arg7[%parallel_loop3A_454, %parallel_loop3A_455] {strides = array<i32>} : memref<32x1024xf32, #tpu.memory_space<vmem>>, vector<1x16xf32>,
          %parallel_loop3A_457 = vector.shape_cast %parallel_loop3A_456 : vector<1x16xf32> to vector<16xf32>
          %parallel_loop3A_458 = vector.shape_cast %parallel_loop3A_453 : vector<16xf32> to vector<1x16xf32>
          tpu.vector_store %arg7[%parallel_loop3A_454, %parallel_loop3A_455], %parallel_loop3A_458 {strides = array<i32>} : memref<32x1024xf32, #tpu.memory_space<vmem>>, vector<1x16xf32>,
          %parallel_loop3A_459 = arith.index_cast %parallel_loop3A_122 : i32 to index
          %parallel_loop3A_460 = arith.constant 448 : index
          %parallel_loop3A_461 = tpu.vector_load %arg7[%parallel_loop3A_459, %parallel_loop3A_460] {strides = array<i32>} : memref<32x1024xf32, #tpu.memory_space<vmem>>, vector<1x16xf32>,
          %parallel_loop3A_462 = vector.shape_cast %parallel_loop3A_461 : vector<1x16xf32> to vector<16xf32>
          %parallel_loop3A_463 = arith.constant 3.200000e+01 : f32
          %parallel_loop3A_464 = vector.broadcast %parallel_loop3A_463 : f32 to vector<16xf32>
          %parallel_loop3A_465 = arith.mulf %parallel_loop3A_462, %parallel_loop3A_464 : vector<16xf32>
          %parallel_loop3A_466 = arith.index_cast %parallel_loop3A_122 : i32 to index
          %parallel_loop3A_467 = arith.constant 448 : index
          %parallel_loop3A_468 = tpu.vector_load %arg7[%parallel_loop3A_466, %parallel_loop3A_467] {strides = array<i32>} : memref<32x1024xf32, #tpu.memory_space<vmem>>, vector<1x16xf32>,
          %parallel_loop3A_469 = vector.shape_cast %parallel_loop3A_468 : vector<1x16xf32> to vector<16xf32>
          %parallel_loop3A_470 = vector.shape_cast %parallel_loop3A_465 : vector<16xf32> to vector<1x16xf32>
          tpu.vector_store %arg7[%parallel_loop3A_466, %parallel_loop3A_467], %parallel_loop3A_470 {strides = array<i32>} : memref<32x1024xf32, #tpu.memory_space<vmem>>, vector<1x16xf32>,
          %parallel_loop3A_471 = arith.index_cast %parallel_loop3A_122 : i32 to index
          %parallel_loop3A_472 = arith.constant 464 : index
          %parallel_loop3A_473 = tpu.vector_load %arg7[%parallel_loop3A_471, %parallel_loop3A_472] {strides = array<i32>} : memref<32x1024xf32, #tpu.memory_space<vmem>>, vector<1x16xf32>,
          %parallel_loop3A_474 = vector.shape_cast %parallel_loop3A_473 : vector<1x16xf32> to vector<16xf32>
          %parallel_loop3A_475 = arith.constant 3.200000e+01 : f32
          %parallel_loop3A_476 = vector.broadcast %parallel_loop3A_475 : f32 to vector<16xf32>
          %parallel_loop3A_477 = arith.mulf %parallel_loop3A_474, %parallel_loop3A_476 : vector<16xf32>
          %parallel_loop3A_478 = arith.index_cast %parallel_loop3A_122 : i32 to index
          %parallel_loop3A_479 = arith.constant 464 : index
          %parallel_loop3A_480 = tpu.vector_load %arg7[%parallel_loop3A_478, %parallel_loop3A_479] {strides = array<i32>} : memref<32x1024xf32, #tpu.memory_space<vmem>>, vector<1x16xf32>,
          %parallel_loop3A_481 = vector.shape_cast %parallel_loop3A_480 : vector<1x16xf32> to vector<16xf32>
          %parallel_loop3A_482 = vector.shape_cast %parallel_loop3A_477 : vector<16xf32> to vector<1x16xf32>
          tpu.vector_store %arg7[%parallel_loop3A_478, %parallel_loop3A_479], %parallel_loop3A_482 {strides = array<i32>} : memref<32x1024xf32, #tpu.memory_space<vmem>>, vector<1x16xf32>,
          %parallel_loop3A_483 = arith.index_cast %parallel_loop3A_122 : i32 to index
          %parallel_loop3A_484 = arith.constant 480 : index
          %parallel_loop3A_485 = tpu.vector_load %arg7[%parallel_loop3A_483, %parallel_loop3A_484] {strides = array<i32>} : memref<32x1024xf32, #tpu.memory_space<vmem>>, vector<1x16xf32>,
          %parallel_loop3A_486 = vector.shape_cast %parallel_loop3A_485 : vector<1x16xf32> to vector<16xf32>
          %parallel_loop3A_487 = arith.constant 3.200000e+01 : f32
          %parallel_loop3A_488 = vector.broadcast %parallel_loop3A_487 : f32 to vector<16xf32>
          %parallel_loop3A_489 = arith.mulf %parallel_loop3A_486, %parallel_loop3A_488 : vector<16xf32>
          %parallel_loop3A_490 = arith.index_cast %parallel_loop3A_122 : i32 to index
          %parallel_loop3A_491 = arith.constant 480 : index
          %parallel_loop3A_492 = tpu.vector_load %arg7[%parallel_loop3A_490, %parallel_loop3A_491] {strides = array<i32>} : memref<32x1024xf32, #tpu.memory_space<vmem>>, vector<1x16xf32>,
          %parallel_loop3A_493 = vector.shape_cast %parallel_loop3A_492 : vector<1x16xf32> to vector<16xf32>
          %parallel_loop3A_494 = vector.shape_cast %parallel_loop3A_489 : vector<16xf32> to vector<1x16xf32>
          tpu.vector_store %arg7[%parallel_loop3A_490, %parallel_loop3A_491], %parallel_loop3A_494 {strides = array<i32>} : memref<32x1024xf32, #tpu.memory_space<vmem>>, vector<1x16xf32>,
          %parallel_loop3A_495 = arith.index_cast %parallel_loop3A_122 : i32 to index
          %parallel_loop3A_496 = arith.constant 496 : index
          %parallel_loop3A_497 = tpu.vector_load %arg7[%parallel_loop3A_495, %parallel_loop3A_496] {strides = array<i32>} : memref<32x1024xf32, #tpu.memory_space<vmem>>, vector<1x16xf32>,
          %parallel_loop3A_498 = vector.shape_cast %parallel_loop3A_497 : vector<1x16xf32> to vector<16xf32>
          %parallel_loop3A_499 = arith.constant 3.200000e+01 : f32
          %parallel_loop3A_500 = vector.broadcast %parallel_loop3A_499 : f32 to vector<16xf32>
          %parallel_loop3A_501 = arith.mulf %parallel_loop3A_498, %parallel_loop3A_500 : vector<16xf32>
          %parallel_loop3A_502 = arith.index_cast %parallel_loop3A_122 : i32 to index
          %parallel_loop3A_503 = arith.constant 496 : index
          %parallel_loop3A_504 = tpu.vector_load %arg7[%parallel_loop3A_502, %parallel_loop3A_503] {strides = array<i32>} : memref<32x1024xf32, #tpu.memory_space<vmem>>, vector<1x16xf32>,
          %parallel_loop3A_505 = vector.shape_cast %parallel_loop3A_504 : vector<1x16xf32> to vector<16xf32>
          %parallel_loop3A_506 = vector.shape_cast %parallel_loop3A_501 : vector<16xf32> to vector<1x16xf32>
          tpu.vector_store %arg7[%parallel_loop3A_502, %parallel_loop3A_503], %parallel_loop3A_506 {strides = array<i32>} : memref<32x1024xf32, #tpu.memory_space<vmem>>, vector<1x16xf32>,
          %parallel_loop3A_507 = arith.index_cast %parallel_loop3A_122 : i32 to index
          %parallel_loop3A_508 = arith.constant 512 : index
          %parallel_loop3A_509 = tpu.vector_load %arg7[%parallel_loop3A_507, %parallel_loop3A_508] {strides = array<i32>} : memref<32x1024xf32, #tpu.memory_space<vmem>>, vector<1x16xf32>,
          %parallel_loop3A_510 = vector.shape_cast %parallel_loop3A_509 : vector<1x16xf32> to vector<16xf32>
          %parallel_loop3A_511 = arith.constant 3.200000e+01 : f32
          %parallel_loop3A_512 = vector.broadcast %parallel_loop3A_511 : f32 to vector<16xf32>
          %parallel_loop3A_513 = arith.mulf %parallel_loop3A_510, %parallel_loop3A_512 : vector<16xf32>
          %parallel_loop3A_514 = arith.index_cast %parallel_loop3A_122 : i32 to index
          %parallel_loop3A_515 = arith.constant 512 : index
          %parallel_loop3A_516 = tpu.vector_load %arg7[%parallel_loop3A_514, %parallel_loop3A_515] {strides = array<i32>} : memref<32x1024xf32, #tpu.memory_space<vmem>>, vector<1x16xf32>,
          %parallel_loop3A_517 = vector.shape_cast %parallel_loop3A_516 : vector<1x16xf32> to vector<16xf32>
          %parallel_loop3A_518 = vector.shape_cast %parallel_loop3A_513 : vector<16xf32> to vector<1x16xf32>
          tpu.vector_store %arg7[%parallel_loop3A_514, %parallel_loop3A_515], %parallel_loop3A_518 {strides = array<i32>} : memref<32x1024xf32, #tpu.memory_space<vmem>>, vector<1x16xf32>,
          %parallel_loop3A_519 = arith.index_cast %parallel_loop3A_122 : i32 to index
          %parallel_loop3A_520 = arith.constant 528 : index
          %parallel_loop3A_521 = tpu.vector_load %arg7[%parallel_loop3A_519, %parallel_loop3A_520] {strides = array<i32>} : memref<32x1024xf32, #tpu.memory_space<vmem>>, vector<1x16xf32>,
          %parallel_loop3A_522 = vector.shape_cast %parallel_loop3A_521 : vector<1x16xf32> to vector<16xf32>
          %parallel_loop3A_523 = arith.constant 3.200000e+01 : f32
          %parallel_loop3A_524 = vector.broadcast %parallel_loop3A_523 : f32 to vector<16xf32>
          %parallel_loop3A_525 = arith.mulf %parallel_loop3A_522, %parallel_loop3A_524 : vector<16xf32>
          %parallel_loop3A_526 = arith.index_cast %parallel_loop3A_122 : i32 to index
          %parallel_loop3A_527 = arith.constant 528 : index
          %parallel_loop3A_528 = tpu.vector_load %arg7[%parallel_loop3A_526, %parallel_loop3A_527] {strides = array<i32>} : memref<32x1024xf32, #tpu.memory_space<vmem>>, vector<1x16xf32>,
          %parallel_loop3A_529 = vector.shape_cast %parallel_loop3A_528 : vector<1x16xf32> to vector<16xf32>
          %parallel_loop3A_530 = vector.shape_cast %parallel_loop3A_525 : vector<16xf32> to vector<1x16xf32>
          tpu.vector_store %arg7[%parallel_loop3A_526, %parallel_loop3A_527], %parallel_loop3A_530 {strides = array<i32>} : memref<32x1024xf32, #tpu.memory_space<vmem>>, vector<1x16xf32>,
          %parallel_loop3A_531 = arith.index_cast %parallel_loop3A_122 : i32 to index
          %parallel_loop3A_532 = arith.constant 544 : index
          %parallel_loop3A_533 = tpu.vector_load %arg7[%parallel_loop3A_531, %parallel_loop3A_532] {strides = array<i32>} : memref<32x1024xf32, #tpu.memory_space<vmem>>, vector<1x16xf32>,
          %parallel_loop3A_534 = vector.shape_cast %parallel_loop3A_533 : vector<1x16xf32> to vector<16xf32>
          %parallel_loop3A_535 = arith.constant 3.200000e+01 : f32
          %parallel_loop3A_536 = vector.broadcast %parallel_loop3A_535 : f32 to vector<16xf32>
          %parallel_loop3A_537 = arith.mulf %parallel_loop3A_534, %parallel_loop3A_536 : vector<16xf32>
          %parallel_loop3A_538 = arith.index_cast %parallel_loop3A_122 : i32 to index
          %parallel_loop3A_539 = arith.constant 544 : index
          %parallel_loop3A_540 = tpu.vector_load %arg7[%parallel_loop3A_538, %parallel_loop3A_539] {strides = array<i32>} : memref<32x1024xf32, #tpu.memory_space<vmem>>, vector<1x16xf32>,
          %parallel_loop3A_541 = vector.shape_cast %parallel_loop3A_540 : vector<1x16xf32> to vector<16xf32>
          %parallel_loop3A_542 = vector.shape_cast %parallel_loop3A_537 : vector<16xf32> to vector<1x16xf32>
          tpu.vector_store %arg7[%parallel_loop3A_538, %parallel_loop3A_539], %parallel_loop3A_542 {strides = array<i32>} : memref<32x1024xf32, #tpu.memory_space<vmem>>, vector<1x16xf32>,
          %parallel_loop3A_543 = arith.index_cast %parallel_loop3A_122 : i32 to index
          %parallel_loop3A_544 = arith.constant 560 : index
          %parallel_loop3A_545 = tpu.vector_load %arg7[%parallel_loop3A_543, %parallel_loop3A_544] {strides = array<i32>} : memref<32x1024xf32, #tpu.memory_space<vmem>>, vector<1x16xf32>,
          %parallel_loop3A_546 = vector.shape_cast %parallel_loop3A_545 : vector<1x16xf32> to vector<16xf32>
          %parallel_loop3A_547 = arith.constant 3.200000e+01 : f32
          %parallel_loop3A_548 = vector.broadcast %parallel_loop3A_547 : f32 to vector<16xf32>
          %parallel_loop3A_549 = arith.mulf %parallel_loop3A_546, %parallel_loop3A_548 : vector<16xf32>
          %parallel_loop3A_550 = arith.index_cast %parallel_loop3A_122 : i32 to index
          %parallel_loop3A_551 = arith.constant 560 : index
          %parallel_loop3A_552 = tpu.vector_load %arg7[%parallel_loop3A_550, %parallel_loop3A_551] {strides = array<i32>} : memref<32x1024xf32, #tpu.memory_space<vmem>>, vector<1x16xf32>,
          %parallel_loop3A_553 = vector.shape_cast %parallel_loop3A_552 : vector<1x16xf32> to vector<16xf32>
          %parallel_loop3A_554 = vector.shape_cast %parallel_loop3A_549 : vector<16xf32> to vector<1x16xf32>
          tpu.vector_store %arg7[%parallel_loop3A_550, %parallel_loop3A_551], %parallel_loop3A_554 {strides = array<i32>} : memref<32x1024xf32, #tpu.memory_space<vmem>>, vector<1x16xf32>,
          %parallel_loop3A_555 = arith.index_cast %parallel_loop3A_122 : i32 to index
          %parallel_loop3A_556 = arith.constant 576 : index
          %parallel_loop3A_557 = tpu.vector_load %arg7[%parallel_loop3A_555, %parallel_loop3A_556] {strides = array<i32>} : memref<32x1024xf32, #tpu.memory_space<vmem>>, vector<1x16xf32>,
          %parallel_loop3A_558 = vector.shape_cast %parallel_loop3A_557 : vector<1x16xf32> to vector<16xf32>
          %parallel_loop3A_559 = arith.constant 3.200000e+01 : f32
          %parallel_loop3A_560 = vector.broadcast %parallel_loop3A_559 : f32 to vector<16xf32>
          %parallel_loop3A_561 = arith.mulf %parallel_loop3A_558, %parallel_loop3A_560 : vector<16xf32>
          %parallel_loop3A_562 = arith.index_cast %parallel_loop3A_122 : i32 to index
          %parallel_loop3A_563 = arith.constant 576 : index
          %parallel_loop3A_564 = tpu.vector_load %arg7[%parallel_loop3A_562, %parallel_loop3A_563] {strides = array<i32>} : memref<32x1024xf32, #tpu.memory_space<vmem>>, vector<1x16xf32>,
          %parallel_loop3A_565 = vector.shape_cast %parallel_loop3A_564 : vector<1x16xf32> to vector<16xf32>
          %parallel_loop3A_566 = vector.shape_cast %parallel_loop3A_561 : vector<16xf32> to vector<1x16xf32>
          tpu.vector_store %arg7[%parallel_loop3A_562, %parallel_loop3A_563], %parallel_loop3A_566 {strides = array<i32>} : memref<32x1024xf32, #tpu.memory_space<vmem>>, vector<1x16xf32>,
          %parallel_loop3A_567 = arith.index_cast %parallel_loop3A_122 : i32 to index
          %parallel_loop3A_568 = arith.constant 592 : index
          %parallel_loop3A_569 = tpu.vector_load %arg7[%parallel_loop3A_567, %parallel_loop3A_568] {strides = array<i32>} : memref<32x1024xf32, #tpu.memory_space<vmem>>, vector<1x16xf32>,
          %parallel_loop3A_570 = vector.shape_cast %parallel_loop3A_569 : vector<1x16xf32> to vector<16xf32>
          %parallel_loop3A_571 = arith.constant 3.200000e+01 : f32
          %parallel_loop3A_572 = vector.broadcast %parallel_loop3A_571 : f32 to vector<16xf32>
          %parallel_loop3A_573 = arith.mulf %parallel_loop3A_570, %parallel_loop3A_572 : vector<16xf32>
          %parallel_loop3A_574 = arith.index_cast %parallel_loop3A_122 : i32 to index
          %parallel_loop3A_575 = arith.constant 592 : index
          %parallel_loop3A_576 = tpu.vector_load %arg7[%parallel_loop3A_574, %parallel_loop3A_575] {strides = array<i32>} : memref<32x1024xf32, #tpu.memory_space<vmem>>, vector<1x16xf32>,
          %parallel_loop3A_577 = vector.shape_cast %parallel_loop3A_576 : vector<1x16xf32> to vector<16xf32>
          %parallel_loop3A_578 = vector.shape_cast %parallel_loop3A_573 : vector<16xf32> to vector<1x16xf32>
          tpu.vector_store %arg7[%parallel_loop3A_574, %parallel_loop3A_575], %parallel_loop3A_578 {strides = array<i32>} : memref<32x1024xf32, #tpu.memory_space<vmem>>, vector<1x16xf32>,
          %parallel_loop3A_579 = arith.index_cast %parallel_loop3A_122 : i32 to index
          %parallel_loop3A_580 = arith.constant 608 : index
          %parallel_loop3A_581 = tpu.vector_load %arg7[%parallel_loop3A_579, %parallel_loop3A_580] {strides = array<i32>} : memref<32x1024xf32, #tpu.memory_space<vmem>>, vector<1x16xf32>,
          %parallel_loop3A_582 = vector.shape_cast %parallel_loop3A_581 : vector<1x16xf32> to vector<16xf32>
          %parallel_loop3A_583 = arith.constant 3.200000e+01 : f32
          %parallel_loop3A_584 = vector.broadcast %parallel_loop3A_583 : f32 to vector<16xf32>
          %parallel_loop3A_585 = arith.mulf %parallel_loop3A_582, %parallel_loop3A_584 : vector<16xf32>
          %parallel_loop3A_586 = arith.index_cast %parallel_loop3A_122 : i32 to index
          %parallel_loop3A_587 = arith.constant 608 : index
          %parallel_loop3A_588 = tpu.vector_load %arg7[%parallel_loop3A_586, %parallel_loop3A_587] {strides = array<i32>} : memref<32x1024xf32, #tpu.memory_space<vmem>>, vector<1x16xf32>,
          %parallel_loop3A_589 = vector.shape_cast %parallel_loop3A_588 : vector<1x16xf32> to vector<16xf32>
          %parallel_loop3A_590 = vector.shape_cast %parallel_loop3A_585 : vector<16xf32> to vector<1x16xf32>
          tpu.vector_store %arg7[%parallel_loop3A_586, %parallel_loop3A_587], %parallel_loop3A_590 {strides = array<i32>} : memref<32x1024xf32, #tpu.memory_space<vmem>>, vector<1x16xf32>,
          %parallel_loop3A_591 = arith.index_cast %parallel_loop3A_122 : i32 to index
          %parallel_loop3A_592 = arith.constant 624 : index
          %parallel_loop3A_593 = tpu.vector_load %arg7[%parallel_loop3A_591, %parallel_loop3A_592] {strides = array<i32>} : memref<32x1024xf32, #tpu.memory_space<vmem>>, vector<1x16xf32>,
          %parallel_loop3A_594 = vector.shape_cast %parallel_loop3A_593 : vector<1x16xf32> to vector<16xf32>
          %parallel_loop3A_595 = arith.constant 3.200000e+01 : f32
          %parallel_loop3A_596 = vector.broadcast %parallel_loop3A_595 : f32 to vector<16xf32>
          %parallel_loop3A_597 = arith.mulf %parallel_loop3A_594, %parallel_loop3A_596 : vector<16xf32>
          %parallel_loop3A_598 = arith.index_cast %parallel_loop3A_122 : i32 to index
          %parallel_loop3A_599 = arith.constant 624 : index
          %parallel_loop3A_600 = tpu.vector_load %arg7[%parallel_loop3A_598, %parallel_loop3A_599] {strides = array<i32>} : memref<32x1024xf32, #tpu.memory_space<vmem>>, vector<1x16xf32>,
          %parallel_loop3A_601 = vector.shape_cast %parallel_loop3A_600 : vector<1x16xf32> to vector<16xf32>
          %parallel_loop3A_602 = vector.shape_cast %parallel_loop3A_597 : vector<16xf32> to vector<1x16xf32>
          tpu.vector_store %arg7[%parallel_loop3A_598, %parallel_loop3A_599], %parallel_loop3A_602 {strides = array<i32>} : memref<32x1024xf32, #tpu.memory_space<vmem>>, vector<1x16xf32>,
          %parallel_loop3A_603 = arith.index_cast %parallel_loop3A_122 : i32 to index
          %parallel_loop3A_604 = arith.constant 640 : index
          %parallel_loop3A_605 = tpu.vector_load %arg7[%parallel_loop3A_603, %parallel_loop3A_604] {strides = array<i32>} : memref<32x1024xf32, #tpu.memory_space<vmem>>, vector<1x16xf32>,
          %parallel_loop3A_606 = vector.shape_cast %parallel_loop3A_605 : vector<1x16xf32> to vector<16xf32>
          %parallel_loop3A_607 = arith.constant 3.200000e+01 : f32
          %parallel_loop3A_608 = vector.broadcast %parallel_loop3A_607 : f32 to vector<16xf32>
          %parallel_loop3A_609 = arith.mulf %parallel_loop3A_606, %parallel_loop3A_608 : vector<16xf32>
          %parallel_loop3A_610 = arith.index_cast %parallel_loop3A_122 : i32 to index
          %parallel_loop3A_611 = arith.constant 640 : index
          %parallel_loop3A_612 = tpu.vector_load %arg7[%parallel_loop3A_610, %parallel_loop3A_611] {strides = array<i32>} : memref<32x1024xf32, #tpu.memory_space<vmem>>, vector<1x16xf32>,
          %parallel_loop3A_613 = vector.shape_cast %parallel_loop3A_612 : vector<1x16xf32> to vector<16xf32>
          %parallel_loop3A_614 = vector.shape_cast %parallel_loop3A_609 : vector<16xf32> to vector<1x16xf32>
          tpu.vector_store %arg7[%parallel_loop3A_610, %parallel_loop3A_611], %parallel_loop3A_614 {strides = array<i32>} : memref<32x1024xf32, #tpu.memory_space<vmem>>, vector<1x16xf32>,
          %parallel_loop3A_615 = arith.index_cast %parallel_loop3A_122 : i32 to index
          %parallel_loop3A_616 = arith.constant 656 : index
          %parallel_loop3A_617 = tpu.vector_load %arg7[%parallel_loop3A_615, %parallel_loop3A_616] {strides = array<i32>} : memref<32x1024xf32, #tpu.memory_space<vmem>>, vector<1x16xf32>,
          %parallel_loop3A_618 = vector.shape_cast %parallel_loop3A_617 : vector<1x16xf32> to vector<16xf32>
          %parallel_loop3A_619 = arith.constant 3.200000e+01 : f32
          %parallel_loop3A_620 = vector.broadcast %parallel_loop3A_619 : f32 to vector<16xf32>
          %parallel_loop3A_621 = arith.mulf %parallel_loop3A_618, %parallel_loop3A_620 : vector<16xf32>
          %parallel_loop3A_622 = arith.index_cast %parallel_loop3A_122 : i32 to index
          %parallel_loop3A_623 = arith.constant 656 : index
          %parallel_loop3A_624 = tpu.vector_load %arg7[%parallel_loop3A_622, %parallel_loop3A_623] {strides = array<i32>} : memref<32x1024xf32, #tpu.memory_space<vmem>>, vector<1x16xf32>,
          %parallel_loop3A_625 = vector.shape_cast %parallel_loop3A_624 : vector<1x16xf32> to vector<16xf32>
          %parallel_loop3A_626 = vector.shape_cast %parallel_loop3A_621 : vector<16xf32> to vector<1x16xf32>
          tpu.vector_store %arg7[%parallel_loop3A_622, %parallel_loop3A_623], %parallel_loop3A_626 {strides = array<i32>} : memref<32x1024xf32, #tpu.memory_space<vmem>>, vector<1x16xf32>,
          %parallel_loop3A_627 = arith.index_cast %parallel_loop3A_122 : i32 to index
          %parallel_loop3A_628 = arith.constant 672 : index
          %parallel_loop3A_629 = tpu.vector_load %arg7[%parallel_loop3A_627, %parallel_loop3A_628] {strides = array<i32>} : memref<32x1024xf32, #tpu.memory_space<vmem>>, vector<1x16xf32>,
          %parallel_loop3A_630 = vector.shape_cast %parallel_loop3A_629 : vector<1x16xf32> to vector<16xf32>
          %parallel_loop3A_631 = arith.constant 3.200000e+01 : f32
          %parallel_loop3A_632 = vector.broadcast %parallel_loop3A_631 : f32 to vector<16xf32>
          %parallel_loop3A_633 = arith.mulf %parallel_loop3A_630, %parallel_loop3A_632 : vector<16xf32>
          %parallel_loop3A_634 = arith.index_cast %parallel_loop3A_122 : i32 to index
          %parallel_loop3A_635 = arith.constant 672 : index
          %parallel_loop3A_636 = tpu.vector_load %arg7[%parallel_loop3A_634, %parallel_loop3A_635] {strides = array<i32>} : memref<32x1024xf32, #tpu.memory_space<vmem>>, vector<1x16xf32>,
          %parallel_loop3A_637 = vector.shape_cast %parallel_loop3A_636 : vector<1x16xf32> to vector<16xf32>
          %parallel_loop3A_638 = vector.shape_cast %parallel_loop3A_633 : vector<16xf32> to vector<1x16xf32>
          tpu.vector_store %arg7[%parallel_loop3A_634, %parallel_loop3A_635], %parallel_loop3A_638 {strides = array<i32>} : memref<32x1024xf32, #tpu.memory_space<vmem>>, vector<1x16xf32>,
          %parallel_loop3A_639 = arith.index_cast %parallel_loop3A_122 : i32 to index
          %parallel_loop3A_640 = arith.constant 688 : index
          %parallel_loop3A_641 = tpu.vector_load %arg7[%parallel_loop3A_639, %parallel_loop3A_640] {strides = array<i32>} : memref<32x1024xf32, #tpu.memory_space<vmem>>, vector<1x16xf32>,
          %parallel_loop3A_642 = vector.shape_cast %parallel_loop3A_641 : vector<1x16xf32> to vector<16xf32>
          %parallel_loop3A_643 = arith.constant 3.200000e+01 : f32
          %parallel_loop3A_644 = vector.broadcast %parallel_loop3A_643 : f32 to vector<16xf32>
          %parallel_loop3A_645 = arith.mulf %parallel_loop3A_642, %parallel_loop3A_644 : vector<16xf32>
          %parallel_loop3A_646 = arith.index_cast %parallel_loop3A_122 : i32 to index
          %parallel_loop3A_647 = arith.constant 688 : index
          %parallel_loop3A_648 = tpu.vector_load %arg7[%parallel_loop3A_646, %parallel_loop3A_647] {strides = array<i32>} : memref<32x1024xf32, #tpu.memory_space<vmem>>, vector<1x16xf32>,
          %parallel_loop3A_649 = vector.shape_cast %parallel_loop3A_648 : vector<1x16xf32> to vector<16xf32>
          %parallel_loop3A_650 = vector.shape_cast %parallel_loop3A_645 : vector<16xf32> to vector<1x16xf32>
          tpu.vector_store %arg7[%parallel_loop3A_646, %parallel_loop3A_647], %parallel_loop3A_650 {strides = array<i32>} : memref<32x1024xf32, #tpu.memory_space<vmem>>, vector<1x16xf32>,
          %parallel_loop3A_651 = arith.index_cast %parallel_loop3A_122 : i32 to index
          %parallel_loop3A_652 = arith.constant 704 : index
          %parallel_loop3A_653 = tpu.vector_load %arg7[%parallel_loop3A_651, %parallel_loop3A_652] {strides = array<i32>} : memref<32x1024xf32, #tpu.memory_space<vmem>>, vector<1x16xf32>,
          %parallel_loop3A_654 = vector.shape_cast %parallel_loop3A_653 : vector<1x16xf32> to vector<16xf32>
          %parallel_loop3A_655 = arith.constant 3.200000e+01 : f32
          %parallel_loop3A_656 = vector.broadcast %parallel_loop3A_655 : f32 to vector<16xf32>
          %parallel_loop3A_657 = arith.mulf %parallel_loop3A_654, %parallel_loop3A_656 : vector<16xf32>
          %parallel_loop3A_658 = arith.index_cast %parallel_loop3A_122 : i32 to index
          %parallel_loop3A_659 = arith.constant 704 : index
          %parallel_loop3A_660 = tpu.vector_load %arg7[%parallel_loop3A_658, %parallel_loop3A_659] {strides = array<i32>} : memref<32x1024xf32, #tpu.memory_space<vmem>>, vector<1x16xf32>,
          %parallel_loop3A_661 = vector.shape_cast %parallel_loop3A_660 : vector<1x16xf32> to vector<16xf32>
          %parallel_loop3A_662 = vector.shape_cast %parallel_loop3A_657 : vector<16xf32> to vector<1x16xf32>
          tpu.vector_store %arg7[%parallel_loop3A_658, %parallel_loop3A_659], %parallel_loop3A_662 {strides = array<i32>} : memref<32x1024xf32, #tpu.memory_space<vmem>>, vector<1x16xf32>,
          %parallel_loop3A_663 = arith.index_cast %parallel_loop3A_122 : i32 to index
          %parallel_loop3A_664 = arith.constant 720 : index
          %parallel_loop3A_665 = tpu.vector_load %arg7[%parallel_loop3A_663, %parallel_loop3A_664] {strides = array<i32>} : memref<32x1024xf32, #tpu.memory_space<vmem>>, vector<1x16xf32>,
          %parallel_loop3A_666 = vector.shape_cast %parallel_loop3A_665 : vector<1x16xf32> to vector<16xf32>
          %parallel_loop3A_667 = arith.constant 3.200000e+01 : f32
          %parallel_loop3A_668 = vector.broadcast %parallel_loop3A_667 : f32 to vector<16xf32>
          %parallel_loop3A_669 = arith.mulf %parallel_loop3A_666, %parallel_loop3A_668 : vector<16xf32>
          %parallel_loop3A_670 = arith.index_cast %parallel_loop3A_122 : i32 to index
          %parallel_loop3A_671 = arith.constant 720 : index
          %parallel_loop3A_672 = tpu.vector_load %arg7[%parallel_loop3A_670, %parallel_loop3A_671] {strides = array<i32>} : memref<32x1024xf32, #tpu.memory_space<vmem>>, vector<1x16xf32>,
          %parallel_loop3A_673 = vector.shape_cast %parallel_loop3A_672 : vector<1x16xf32> to vector<16xf32>
          %parallel_loop3A_674 = vector.shape_cast %parallel_loop3A_669 : vector<16xf32> to vector<1x16xf32>
          tpu.vector_store %arg7[%parallel_loop3A_670, %parallel_loop3A_671], %parallel_loop3A_674 {strides = array<i32>} : memref<32x1024xf32, #tpu.memory_space<vmem>>, vector<1x16xf32>,
          %parallel_loop3A_675 = arith.index_cast %parallel_loop3A_122 : i32 to index
          %parallel_loop3A_676 = arith.constant 736 : index
          %parallel_loop3A_677 = tpu.vector_load %arg7[%parallel_loop3A_675, %parallel_loop3A_676] {strides = array<i32>} : memref<32x1024xf32, #tpu.memory_space<vmem>>, vector<1x16xf32>,
          %parallel_loop3A_678 = vector.shape_cast %parallel_loop3A_677 : vector<1x16xf32> to vector<16xf32>
          %parallel_loop3A_679 = arith.constant 3.200000e+01 : f32
          %parallel_loop3A_680 = vector.broadcast %parallel_loop3A_679 : f32 to vector<16xf32>
          %parallel_loop3A_681 = arith.mulf %parallel_loop3A_678, %parallel_loop3A_680 : vector<16xf32>
          %parallel_loop3A_682 = arith.index_cast %parallel_loop3A_122 : i32 to index
          %parallel_loop3A_683 = arith.constant 736 : index
          %parallel_loop3A_684 = tpu.vector_load %arg7[%parallel_loop3A_682, %parallel_loop3A_683] {strides = array<i32>} : memref<32x1024xf32, #tpu.memory_space<vmem>>, vector<1x16xf32>,
          %parallel_loop3A_685 = vector.shape_cast %parallel_loop3A_684 : vector<1x16xf32> to vector<16xf32>
          %parallel_loop3A_686 = vector.shape_cast %parallel_loop3A_681 : vector<16xf32> to vector<1x16xf32>
          tpu.vector_store %arg7[%parallel_loop3A_682, %parallel_loop3A_683], %parallel_loop3A_686 {strides = array<i32>} : memref<32x1024xf32, #tpu.memory_space<vmem>>, vector<1x16xf32>,
          %parallel_loop3A_687 = arith.index_cast %parallel_loop3A_122 : i32 to index
          %parallel_loop3A_688 = arith.constant 752 : index
          %parallel_loop3A_689 = tpu.vector_load %arg7[%parallel_loop3A_687, %parallel_loop3A_688] {strides = array<i32>} : memref<32x1024xf32, #tpu.memory_space<vmem>>, vector<1x16xf32>,
          %parallel_loop3A_690 = vector.shape_cast %parallel_loop3A_689 : vector<1x16xf32> to vector<16xf32>
          %parallel_loop3A_691 = arith.constant 3.200000e+01 : f32
          %parallel_loop3A_692 = vector.broadcast %parallel_loop3A_691 : f32 to vector<16xf32>
          %parallel_loop3A_693 = arith.mulf %parallel_loop3A_690, %parallel_loop3A_692 : vector<16xf32>
          %parallel_loop3A_694 = arith.index_cast %parallel_loop3A_122 : i32 to index
          %parallel_loop3A_695 = arith.constant 752 : index
          %parallel_loop3A_696 = tpu.vector_load %arg7[%parallel_loop3A_694, %parallel_loop3A_695] {strides = array<i32>} : memref<32x1024xf32, #tpu.memory_space<vmem>>, vector<1x16xf32>,
          %parallel_loop3A_697 = vector.shape_cast %parallel_loop3A_696 : vector<1x16xf32> to vector<16xf32>
          %parallel_loop3A_698 = vector.shape_cast %parallel_loop3A_693 : vector<16xf32> to vector<1x16xf32>
          tpu.vector_store %arg7[%parallel_loop3A_694, %parallel_loop3A_695], %parallel_loop3A_698 {strides = array<i32>} : memref<32x1024xf32, #tpu.memory_space<vmem>>, vector<1x16xf32>,
          %parallel_loop3A_699 = arith.index_cast %parallel_loop3A_122 : i32 to index
          %parallel_loop3A_700 = arith.constant 768 : index
          %parallel_loop3A_701 = tpu.vector_load %arg7[%parallel_loop3A_699, %parallel_loop3A_700] {strides = array<i32>} : memref<32x1024xf32, #tpu.memory_space<vmem>>, vector<1x16xf32>,
          %parallel_loop3A_702 = vector.shape_cast %parallel_loop3A_701 : vector<1x16xf32> to vector<16xf32>
          %parallel_loop3A_703 = arith.constant 3.200000e+01 : f32
          %parallel_loop3A_704 = vector.broadcast %parallel_loop3A_703 : f32 to vector<16xf32>
          %parallel_loop3A_705 = arith.mulf %parallel_loop3A_702, %parallel_loop3A_704 : vector<16xf32>
          %parallel_loop3A_706 = arith.index_cast %parallel_loop3A_122 : i32 to index
          %parallel_loop3A_707 = arith.constant 768 : index
          %parallel_loop3A_708 = tpu.vector_load %arg7[%parallel_loop3A_706, %parallel_loop3A_707] {strides = array<i32>} : memref<32x1024xf32, #tpu.memory_space<vmem>>, vector<1x16xf32>,
          %parallel_loop3A_709 = vector.shape_cast %parallel_loop3A_708 : vector<1x16xf32> to vector<16xf32>
          %parallel_loop3A_710 = vector.shape_cast %parallel_loop3A_705 : vector<16xf32> to vector<1x16xf32>
          tpu.vector_store %arg7[%parallel_loop3A_706, %parallel_loop3A_707], %parallel_loop3A_710 {strides = array<i32>} : memref<32x1024xf32, #tpu.memory_space<vmem>>, vector<1x16xf32>,
          %parallel_loop3A_711 = arith.index_cast %parallel_loop3A_122 : i32 to index
          %parallel_loop3A_712 = arith.constant 784 : index
          %parallel_loop3A_713 = tpu.vector_load %arg7[%parallel_loop3A_711, %parallel_loop3A_712] {strides = array<i32>} : memref<32x1024xf32, #tpu.memory_space<vmem>>, vector<1x16xf32>,
          %parallel_loop3A_714 = vector.shape_cast %parallel_loop3A_713 : vector<1x16xf32> to vector<16xf32>
          %parallel_loop3A_715 = arith.constant 3.200000e+01 : f32
          %parallel_loop3A_716 = vector.broadcast %parallel_loop3A_715 : f32 to vector<16xf32>
          %parallel_loop3A_717 = arith.mulf %parallel_loop3A_714, %parallel_loop3A_716 : vector<16xf32>
          %parallel_loop3A_718 = arith.index_cast %parallel_loop3A_122 : i32 to index
          %parallel_loop3A_719 = arith.constant 784 : index
          %parallel_loop3A_720 = tpu.vector_load %arg7[%parallel_loop3A_718, %parallel_loop3A_719] {strides = array<i32>} : memref<32x1024xf32, #tpu.memory_space<vmem>>, vector<1x16xf32>,
          %parallel_loop3A_721 = vector.shape_cast %parallel_loop3A_720 : vector<1x16xf32> to vector<16xf32>
          %parallel_loop3A_722 = vector.shape_cast %parallel_loop3A_717 : vector<16xf32> to vector<1x16xf32>
          tpu.vector_store %arg7[%parallel_loop3A_718, %parallel_loop3A_719], %parallel_loop3A_722 {strides = array<i32>} : memref<32x1024xf32, #tpu.memory_space<vmem>>, vector<1x16xf32>,
          %parallel_loop3A_723 = arith.index_cast %parallel_loop3A_122 : i32 to index
          %parallel_loop3A_724 = arith.constant 800 : index
          %parallel_loop3A_725 = tpu.vector_load %arg7[%parallel_loop3A_723, %parallel_loop3A_724] {strides = array<i32>} : memref<32x1024xf32, #tpu.memory_space<vmem>>, vector<1x16xf32>,
          %parallel_loop3A_726 = vector.shape_cast %parallel_loop3A_725 : vector<1x16xf32> to vector<16xf32>
          %parallel_loop3A_727 = arith.constant 3.200000e+01 : f32
          %parallel_loop3A_728 = vector.broadcast %parallel_loop3A_727 : f32 to vector<16xf32>
          %parallel_loop3A_729 = arith.mulf %parallel_loop3A_726, %parallel_loop3A_728 : vector<16xf32>
          %parallel_loop3A_730 = arith.index_cast %parallel_loop3A_122 : i32 to index
          %parallel_loop3A_731 = arith.constant 800 : index
          %parallel_loop3A_732 = tpu.vector_load %arg7[%parallel_loop3A_730, %parallel_loop3A_731] {strides = array<i32>} : memref<32x1024xf32, #tpu.memory_space<vmem>>, vector<1x16xf32>,
          %parallel_loop3A_733 = vector.shape_cast %parallel_loop3A_732 : vector<1x16xf32> to vector<16xf32>
          %parallel_loop3A_734 = vector.shape_cast %parallel_loop3A_729 : vector<16xf32> to vector<1x16xf32>
          tpu.vector_store %arg7[%parallel_loop3A_730, %parallel_loop3A_731], %parallel_loop3A_734 {strides = array<i32>} : memref<32x1024xf32, #tpu.memory_space<vmem>>, vector<1x16xf32>,
          %parallel_loop3A_735 = arith.index_cast %parallel_loop3A_122 : i32 to index
          %parallel_loop3A_736 = arith.constant 816 : index
          %parallel_loop3A_737 = tpu.vector_load %arg7[%parallel_loop3A_735, %parallel_loop3A_736] {strides = array<i32>} : memref<32x1024xf32, #tpu.memory_space<vmem>>, vector<1x16xf32>,
          %parallel_loop3A_738 = vector.shape_cast %parallel_loop3A_737 : vector<1x16xf32> to vector<16xf32>
          %parallel_loop3A_739 = arith.constant 3.200000e+01 : f32
          %parallel_loop3A_740 = vector.broadcast %parallel_loop3A_739 : f32 to vector<16xf32>
          %parallel_loop3A_741 = arith.mulf %parallel_loop3A_738, %parallel_loop3A_740 : vector<16xf32>
          %parallel_loop3A_742 = arith.index_cast %parallel_loop3A_122 : i32 to index
          %parallel_loop3A_743 = arith.constant 816 : index
          %parallel_loop3A_744 = tpu.vector_load %arg7[%parallel_loop3A_742, %parallel_loop3A_743] {strides = array<i32>} : memref<32x1024xf32, #tpu.memory_space<vmem>>, vector<1x16xf32>,
          %parallel_loop3A_745 = vector.shape_cast %parallel_loop3A_744 : vector<1x16xf32> to vector<16xf32>
          %parallel_loop3A_746 = vector.shape_cast %parallel_loop3A_741 : vector<16xf32> to vector<1x16xf32>
          tpu.vector_store %arg7[%parallel_loop3A_742, %parallel_loop3A_743], %parallel_loop3A_746 {strides = array<i32>} : memref<32x1024xf32, #tpu.memory_space<vmem>>, vector<1x16xf32>,
          %parallel_loop3A_747 = arith.index_cast %parallel_loop3A_122 : i32 to index
          %parallel_loop3A_748 = arith.constant 832 : index
          %parallel_loop3A_749 = tpu.vector_load %arg7[%parallel_loop3A_747, %parallel_loop3A_748] {strides = array<i32>} : memref<32x1024xf32, #tpu.memory_space<vmem>>, vector<1x16xf32>,
          %parallel_loop3A_750 = vector.shape_cast %parallel_loop3A_749 : vector<1x16xf32> to vector<16xf32>
          %parallel_loop3A_751 = arith.constant 3.200000e+01 : f32
          %parallel_loop3A_752 = vector.broadcast %parallel_loop3A_751 : f32 to vector<16xf32>
          %parallel_loop3A_753 = arith.mulf %parallel_loop3A_750, %parallel_loop3A_752 : vector<16xf32>
          %parallel_loop3A_754 = arith.index_cast %parallel_loop3A_122 : i32 to index
          %parallel_loop3A_755 = arith.constant 832 : index
          %parallel_loop3A_756 = tpu.vector_load %arg7[%parallel_loop3A_754, %parallel_loop3A_755] {strides = array<i32>} : memref<32x1024xf32, #tpu.memory_space<vmem>>, vector<1x16xf32>,
          %parallel_loop3A_757 = vector.shape_cast %parallel_loop3A_756 : vector<1x16xf32> to vector<16xf32>
          %parallel_loop3A_758 = vector.shape_cast %parallel_loop3A_753 : vector<16xf32> to vector<1x16xf32>
          tpu.vector_store %arg7[%parallel_loop3A_754, %parallel_loop3A_755], %parallel_loop3A_758 {strides = array<i32>} : memref<32x1024xf32, #tpu.memory_space<vmem>>, vector<1x16xf32>,
          %parallel_loop3A_759 = arith.index_cast %parallel_loop3A_122 : i32 to index
          %parallel_loop3A_760 = arith.constant 848 : index
          %parallel_loop3A_761 = tpu.vector_load %arg7[%parallel_loop3A_759, %parallel_loop3A_760] {strides = array<i32>} : memref<32x1024xf32, #tpu.memory_space<vmem>>, vector<1x16xf32>,
          %parallel_loop3A_762 = vector.shape_cast %parallel_loop3A_761 : vector<1x16xf32> to vector<16xf32>
          %parallel_loop3A_763 = arith.constant 3.200000e+01 : f32
          %parallel_loop3A_764 = vector.broadcast %parallel_loop3A_763 : f32 to vector<16xf32>
          %parallel_loop3A_765 = arith.mulf %parallel_loop3A_762, %parallel_loop3A_764 : vector<16xf32>
          %parallel_loop3A_766 = arith.index_cast %parallel_loop3A_122 : i32 to index
          %parallel_loop3A_767 = arith.constant 848 : index
          %parallel_loop3A_768 = tpu.vector_load %arg7[%parallel_loop3A_766, %parallel_loop3A_767] {strides = array<i32>} : memref<32x1024xf32, #tpu.memory_space<vmem>>, vector<1x16xf32>,
          %parallel_loop3A_769 = vector.shape_cast %parallel_loop3A_768 : vector<1x16xf32> to vector<16xf32>
          %parallel_loop3A_770 = vector.shape_cast %parallel_loop3A_765 : vector<16xf32> to vector<1x16xf32>
          tpu.vector_store %arg7[%parallel_loop3A_766, %parallel_loop3A_767], %parallel_loop3A_770 {strides = array<i32>} : memref<32x1024xf32, #tpu.memory_space<vmem>>, vector<1x16xf32>,
          %parallel_loop3A_771 = arith.index_cast %parallel_loop3A_122 : i32 to index
          %parallel_loop3A_772 = arith.constant 864 : index
          %parallel_loop3A_773 = tpu.vector_load %arg7[%parallel_loop3A_771, %parallel_loop3A_772] {strides = array<i32>} : memref<32x1024xf32, #tpu.memory_space<vmem>>, vector<1x16xf32>,
          %parallel_loop3A_774 = vector.shape_cast %parallel_loop3A_773 : vector<1x16xf32> to vector<16xf32>
          %parallel_loop3A_775 = arith.constant 3.200000e+01 : f32
          %parallel_loop3A_776 = vector.broadcast %parallel_loop3A_775 : f32 to vector<16xf32>
          %parallel_loop3A_777 = arith.mulf %parallel_loop3A_774, %parallel_loop3A_776 : vector<16xf32>
          %parallel_loop3A_778 = arith.index_cast %parallel_loop3A_122 : i32 to index
          %parallel_loop3A_779 = arith.constant 864 : index
          %parallel_loop3A_780 = tpu.vector_load %arg7[%parallel_loop3A_778, %parallel_loop3A_779] {strides = array<i32>} : memref<32x1024xf32, #tpu.memory_space<vmem>>, vector<1x16xf32>,
          %parallel_loop3A_781 = vector.shape_cast %parallel_loop3A_780 : vector<1x16xf32> to vector<16xf32>
          %parallel_loop3A_782 = vector.shape_cast %parallel_loop3A_777 : vector<16xf32> to vector<1x16xf32>
          tpu.vector_store %arg7[%parallel_loop3A_778, %parallel_loop3A_779], %parallel_loop3A_782 {strides = array<i32>} : memref<32x1024xf32, #tpu.memory_space<vmem>>, vector<1x16xf32>,
          %parallel_loop3A_783 = arith.index_cast %parallel_loop3A_122 : i32 to index
          %parallel_loop3A_784 = arith.constant 880 : index
          %parallel_loop3A_785 = tpu.vector_load %arg7[%parallel_loop3A_783, %parallel_loop3A_784] {strides = array<i32>} : memref<32x1024xf32, #tpu.memory_space<vmem>>, vector<1x16xf32>,
          %parallel_loop3A_786 = vector.shape_cast %parallel_loop3A_785 : vector<1x16xf32> to vector<16xf32>
          %parallel_loop3A_787 = arith.constant 3.200000e+01 : f32
          %parallel_loop3A_788 = vector.broadcast %parallel_loop3A_787 : f32 to vector<16xf32>
          %parallel_loop3A_789 = arith.mulf %parallel_loop3A_786, %parallel_loop3A_788 : vector<16xf32>
          %parallel_loop3A_790 = arith.index_cast %parallel_loop3A_122 : i32 to index
          %parallel_loop3A_791 = arith.constant 880 : index
          %parallel_loop3A_792 = tpu.vector_load %arg7[%parallel_loop3A_790, %parallel_loop3A_791] {strides = array<i32>} : memref<32x1024xf32, #tpu.memory_space<vmem>>, vector<1x16xf32>,
          %parallel_loop3A_793 = vector.shape_cast %parallel_loop3A_792 : vector<1x16xf32> to vector<16xf32>
          %parallel_loop3A_794 = vector.shape_cast %parallel_loop3A_789 : vector<16xf32> to vector<1x16xf32>
          tpu.vector_store %arg7[%parallel_loop3A_790, %parallel_loop3A_791], %parallel_loop3A_794 {strides = array<i32>} : memref<32x1024xf32, #tpu.memory_space<vmem>>, vector<1x16xf32>,
          %parallel_loop3A_795 = arith.index_cast %parallel_loop3A_122 : i32 to index
          %parallel_loop3A_796 = arith.constant 896 : index
          %parallel_loop3A_797 = tpu.vector_load %arg7[%parallel_loop3A_795, %parallel_loop3A_796] {strides = array<i32>} : memref<32x1024xf32, #tpu.memory_space<vmem>>, vector<1x16xf32>,
          %parallel_loop3A_798 = vector.shape_cast %parallel_loop3A_797 : vector<1x16xf32> to vector<16xf32>
          %parallel_loop3A_799 = arith.constant 3.200000e+01 : f32
          %parallel_loop3A_800 = vector.broadcast %parallel_loop3A_799 : f32 to vector<16xf32>
          %parallel_loop3A_801 = arith.mulf %parallel_loop3A_798, %parallel_loop3A_800 : vector<16xf32>
          %parallel_loop3A_802 = arith.index_cast %parallel_loop3A_122 : i32 to index
          %parallel_loop3A_803 = arith.constant 896 : index
          %parallel_loop3A_804 = tpu.vector_load %arg7[%parallel_loop3A_802, %parallel_loop3A_803] {strides = array<i32>} : memref<32x1024xf32, #tpu.memory_space<vmem>>, vector<1x16xf32>,
          %parallel_loop3A_805 = vector.shape_cast %parallel_loop3A_804 : vector<1x16xf32> to vector<16xf32>
          %parallel_loop3A_806 = vector.shape_cast %parallel_loop3A_801 : vector<16xf32> to vector<1x16xf32>
          tpu.vector_store %arg7[%parallel_loop3A_802, %parallel_loop3A_803], %parallel_loop3A_806 {strides = array<i32>} : memref<32x1024xf32, #tpu.memory_space<vmem>>, vector<1x16xf32>,
          %parallel_loop3A_807 = arith.index_cast %parallel_loop3A_122 : i32 to index
          %parallel_loop3A_808 = arith.constant 912 : index
          %parallel_loop3A_809 = tpu.vector_load %arg7[%parallel_loop3A_807, %parallel_loop3A_808] {strides = array<i32>} : memref<32x1024xf32, #tpu.memory_space<vmem>>, vector<1x16xf32>,
          %parallel_loop3A_810 = vector.shape_cast %parallel_loop3A_809 : vector<1x16xf32> to vector<16xf32>
          %parallel_loop3A_811 = arith.constant 3.200000e+01 : f32
          %parallel_loop3A_812 = vector.broadcast %parallel_loop3A_811 : f32 to vector<16xf32>
          %parallel_loop3A_813 = arith.mulf %parallel_loop3A_810, %parallel_loop3A_812 : vector<16xf32>
          %parallel_loop3A_814 = arith.index_cast %parallel_loop3A_122 : i32 to index
          %parallel_loop3A_815 = arith.constant 912 : index
          %parallel_loop3A_816 = tpu.vector_load %arg7[%parallel_loop3A_814, %parallel_loop3A_815] {strides = array<i32>} : memref<32x1024xf32, #tpu.memory_space<vmem>>, vector<1x16xf32>,
          %parallel_loop3A_817 = vector.shape_cast %parallel_loop3A_816 : vector<1x16xf32> to vector<16xf32>
          %parallel_loop3A_818 = vector.shape_cast %parallel_loop3A_813 : vector<16xf32> to vector<1x16xf32>
          tpu.vector_store %arg7[%parallel_loop3A_814, %parallel_loop3A_815], %parallel_loop3A_818 {strides = array<i32>} : memref<32x1024xf32, #tpu.memory_space<vmem>>, vector<1x16xf32>,
          %parallel_loop3A_819 = arith.index_cast %parallel_loop3A_122 : i32 to index
          %parallel_loop3A_820 = arith.constant 928 : index
          %parallel_loop3A_821 = tpu.vector_load %arg7[%parallel_loop3A_819, %parallel_loop3A_820] {strides = array<i32>} : memref<32x1024xf32, #tpu.memory_space<vmem>>, vector<1x16xf32>,
          %parallel_loop3A_822 = vector.shape_cast %parallel_loop3A_821 : vector<1x16xf32> to vector<16xf32>
          %parallel_loop3A_823 = arith.constant 3.200000e+01 : f32
          %parallel_loop3A_824 = vector.broadcast %parallel_loop3A_823 : f32 to vector<16xf32>
          %parallel_loop3A_825 = arith.mulf %parallel_loop3A_822, %parallel_loop3A_824 : vector<16xf32>
          %parallel_loop3A_826 = arith.index_cast %parallel_loop3A_122 : i32 to index
          %parallel_loop3A_827 = arith.constant 928 : index
          %parallel_loop3A_828 = tpu.vector_load %arg7[%parallel_loop3A_826, %parallel_loop3A_827] {strides = array<i32>} : memref<32x1024xf32, #tpu.memory_space<vmem>>, vector<1x16xf32>,
          %parallel_loop3A_829 = vector.shape_cast %parallel_loop3A_828 : vector<1x16xf32> to vector<16xf32>
          %parallel_loop3A_830 = vector.shape_cast %parallel_loop3A_825 : vector<16xf32> to vector<1x16xf32>
          tpu.vector_store %arg7[%parallel_loop3A_826, %parallel_loop3A_827], %parallel_loop3A_830 {strides = array<i32>} : memref<32x1024xf32, #tpu.memory_space<vmem>>, vector<1x16xf32>,
          %parallel_loop3A_831 = arith.index_cast %parallel_loop3A_122 : i32 to index
          %parallel_loop3A_832 = arith.constant 944 : index
          %parallel_loop3A_833 = tpu.vector_load %arg7[%parallel_loop3A_831, %parallel_loop3A_832] {strides = array<i32>} : memref<32x1024xf32, #tpu.memory_space<vmem>>, vector<1x16xf32>,
          %parallel_loop3A_834 = vector.shape_cast %parallel_loop3A_833 : vector<1x16xf32> to vector<16xf32>
          %parallel_loop3A_835 = arith.constant 3.200000e+01 : f32
          %parallel_loop3A_836 = vector.broadcast %parallel_loop3A_835 : f32 to vector<16xf32>
          %parallel_loop3A_837 = arith.mulf %parallel_loop3A_834, %parallel_loop3A_836 : vector<16xf32>
          %parallel_loop3A_838 = arith.index_cast %parallel_loop3A_122 : i32 to index
          %parallel_loop3A_839 = arith.constant 944 : index
          %parallel_loop3A_840 = tpu.vector_load %arg7[%parallel_loop3A_838, %parallel_loop3A_839] {strides = array<i32>} : memref<32x1024xf32, #tpu.memory_space<vmem>>, vector<1x16xf32>,
          %parallel_loop3A_841 = vector.shape_cast %parallel_loop3A_840 : vector<1x16xf32> to vector<16xf32>
          %parallel_loop3A_842 = vector.shape_cast %parallel_loop3A_837 : vector<16xf32> to vector<1x16xf32>
          tpu.vector_store %arg7[%parallel_loop3A_838, %parallel_loop3A_839], %parallel_loop3A_842 {strides = array<i32>} : memref<32x1024xf32, #tpu.memory_space<vmem>>, vector<1x16xf32>,
          %parallel_loop3A_843 = arith.index_cast %parallel_loop3A_122 : i32 to index
          %parallel_loop3A_844 = arith.constant 960 : index
          %parallel_loop3A_845 = tpu.vector_load %arg7[%parallel_loop3A_843, %parallel_loop3A_844] {strides = array<i32>} : memref<32x1024xf32, #tpu.memory_space<vmem>>, vector<1x16xf32>,
          %parallel_loop3A_846 = vector.shape_cast %parallel_loop3A_845 : vector<1x16xf32> to vector<16xf32>
          %parallel_loop3A_847 = arith.constant 3.200000e+01 : f32
          %parallel_loop3A_848 = vector.broadcast %parallel_loop3A_847 : f32 to vector<16xf32>
          %parallel_loop3A_849 = arith.mulf %parallel_loop3A_846, %parallel_loop3A_848 : vector<16xf32>
          %parallel_loop3A_850 = arith.index_cast %parallel_loop3A_122 : i32 to index
          %parallel_loop3A_851 = arith.constant 960 : index
          %parallel_loop3A_852 = tpu.vector_load %arg7[%parallel_loop3A_850, %parallel_loop3A_851] {strides = array<i32>} : memref<32x1024xf32, #tpu.memory_space<vmem>>, vector<1x16xf32>,
          %parallel_loop3A_853 = vector.shape_cast %parallel_loop3A_852 : vector<1x16xf32> to vector<16xf32>
          %parallel_loop3A_854 = vector.shape_cast %parallel_loop3A_849 : vector<16xf32> to vector<1x16xf32>
          tpu.vector_store %arg7[%parallel_loop3A_850, %parallel_loop3A_851], %parallel_loop3A_854 {strides = array<i32>} : memref<32x1024xf32, #tpu.memory_space<vmem>>, vector<1x16xf32>,
          %parallel_loop3A_855 = arith.index_cast %parallel_loop3A_122 : i32 to index
          %parallel_loop3A_856 = arith.constant 976 : index
          %parallel_loop3A_857 = tpu.vector_load %arg7[%parallel_loop3A_855, %parallel_loop3A_856] {strides = array<i32>} : memref<32x1024xf32, #tpu.memory_space<vmem>>, vector<1x16xf32>,
          %parallel_loop3A_858 = vector.shape_cast %parallel_loop3A_857 : vector<1x16xf32> to vector<16xf32>
          %parallel_loop3A_859 = arith.constant 3.200000e+01 : f32
          %parallel_loop3A_860 = vector.broadcast %parallel_loop3A_859 : f32 to vector<16xf32>
          %parallel_loop3A_861 = arith.mulf %parallel_loop3A_858, %parallel_loop3A_860 : vector<16xf32>
          %parallel_loop3A_862 = arith.index_cast %parallel_loop3A_122 : i32 to index
          %parallel_loop3A_863 = arith.constant 976 : index
          %parallel_loop3A_864 = tpu.vector_load %arg7[%parallel_loop3A_862, %parallel_loop3A_863] {strides = array<i32>} : memref<32x1024xf32, #tpu.memory_space<vmem>>, vector<1x16xf32>,
          %parallel_loop3A_865 = vector.shape_cast %parallel_loop3A_864 : vector<1x16xf32> to vector<16xf32>
          %parallel_loop3A_866 = vector.shape_cast %parallel_loop3A_861 : vector<16xf32> to vector<1x16xf32>
          tpu.vector_store %arg7[%parallel_loop3A_862, %parallel_loop3A_863], %parallel_loop3A_866 {strides = array<i32>} : memref<32x1024xf32, #tpu.memory_space<vmem>>, vector<1x16xf32>,
          %parallel_loop3A_867 = arith.index_cast %parallel_loop3A_122 : i32 to index
          %parallel_loop3A_868 = arith.constant 992 : index
          %parallel_loop3A_869 = tpu.vector_load %arg7[%parallel_loop3A_867, %parallel_loop3A_868] {strides = array<i32>} : memref<32x1024xf32, #tpu.memory_space<vmem>>, vector<1x16xf32>,
          %parallel_loop3A_870 = vector.shape_cast %parallel_loop3A_869 : vector<1x16xf32> to vector<16xf32>
          %parallel_loop3A_871 = arith.constant 3.200000e+01 : f32
          %parallel_loop3A_872 = vector.broadcast %parallel_loop3A_871 : f32 to vector<16xf32>
          %parallel_loop3A_873 = arith.mulf %parallel_loop3A_870, %parallel_loop3A_872 : vector<16xf32>
          %parallel_loop3A_874 = arith.index_cast %parallel_loop3A_122 : i32 to index
          %parallel_loop3A_875 = arith.constant 992 : index
          %parallel_loop3A_876 = tpu.vector_load %arg7[%parallel_loop3A_874, %parallel_loop3A_875] {strides = array<i32>} : memref<32x1024xf32, #tpu.memory_space<vmem>>, vector<1x16xf32>,
          %parallel_loop3A_877 = vector.shape_cast %parallel_loop3A_876 : vector<1x16xf32> to vector<16xf32>
          %parallel_loop3A_878 = vector.shape_cast %parallel_loop3A_873 : vector<16xf32> to vector<1x16xf32>
          tpu.vector_store %arg7[%parallel_loop3A_874, %parallel_loop3A_875], %parallel_loop3A_878 {strides = array<i32>} : memref<32x1024xf32, #tpu.memory_space<vmem>>, vector<1x16xf32>,
          %parallel_loop3A_879 = arith.index_cast %parallel_loop3A_122 : i32 to index
          %parallel_loop3A_880 = arith.constant 1008 : index
          %parallel_loop3A_881 = tpu.vector_load %arg7[%parallel_loop3A_879, %parallel_loop3A_880] {strides = array<i32>} : memref<32x1024xf32, #tpu.memory_space<vmem>>, vector<1x16xf32>,
          %parallel_loop3A_882 = vector.shape_cast %parallel_loop3A_881 : vector<1x16xf32> to vector<16xf32>
          %parallel_loop3A_883 = arith.constant 3.200000e+01 : f32
          %parallel_loop3A_884 = vector.broadcast %parallel_loop3A_883 : f32 to vector<16xf32>
          %parallel_loop3A_885 = arith.mulf %parallel_loop3A_882, %parallel_loop3A_884 : vector<16xf32>
          %parallel_loop3A_886 = arith.index_cast %parallel_loop3A_122 : i32 to index
          %parallel_loop3A_887 = arith.constant 1008 : index
          %parallel_loop3A_888 = tpu.vector_load %arg7[%parallel_loop3A_886, %parallel_loop3A_887] {strides = array<i32>} : memref<32x1024xf32, #tpu.memory_space<vmem>>, vector<1x16xf32>,
          %parallel_loop3A_889 = vector.shape_cast %parallel_loop3A_888 : vector<1x16xf32> to vector<16xf32>
          %parallel_loop3A_890 = vector.shape_cast %parallel_loop3A_885 : vector<16xf32> to vector<1x16xf32>
          tpu.vector_store %arg7[%parallel_loop3A_886, %parallel_loop3A_887], %parallel_loop3A_890 {strides = array<i32>} : memref<32x1024xf32, #tpu.memory_space<vmem>>, vector<1x16xf32>,
        } {sc.loop_unroll_factor = 1 : i64, sc.parallel_access}
        %mul3A_115 = arith.constant 32 : i32
        %mul3A_116 = arith.muli %add3A_59, %mul3A_115 : i32
        %add3A_117 = arith.addi %mul3A_2, %mul3A_116 : i32
        %dma_start3A_118 = arith.constant 0 : i32
        %dma_start3A_119 = tpu.memref_slice %arg4[%add3A_117, %dma_start3A_118] : memref<16384x1024xf32, #tpu.memory_space<hbm>> -> memref<32x1024xf32, #tpu.memory_space<hbm>>
        %dma_start3A_120 = arith.constant 0 : i32
        %dma_start3A_121 = tpu.memref_slice %arg4[%add3A_117, %dma_start3A_120] : memref<16384x1024xf32, #tpu.memory_space<hbm>> -> memref<32x1024xf32, #tpu.memory_space<hbm>>
        tpu.enqueue_dma source(%arg7 : memref<32x1024xf32, #tpu.memory_space<vmem>>) target(%dma_start3A_121 : memref<32x1024xf32, #tpu.memory_space<hbm>>) target_semaphore(%arg13 : memref<!tpu.dma_semaphore, #tpu.memory_space<semaphore_mem>>)
      } else {
      }
      %mul3A_82 = arith.constant 3 : i32
      %mul3A_83 = arith.muli %mul3A_82, %scan3A_34 : i32
      %add3A_84 = arith.constant 2 : i32
      %add3A_85 = arith.addi %mul3A_83, %add3A_84 : i32
      %ge3A_86 = arith.constant 1 : i32
      %ge3A_87 = arith.cmpi sge, %add3A_85, %ge3A_86 : i32
      %add3A_88 = arith.constant 2 : i32
      %add3A_89 = arith.addi %add3A_85, %add3A_88 : i32
      %lt3A_90 = arith.constant 16 : i32
      %lt3A_91 = arith.cmpi slt, %add3A_89, %lt3A_90 : i32
      %and3A_92 = arith.andi %ge3A_87, %lt3A_91 : i1
      %convert_element_type3A_93 = arith.extui %and3A_92 : i1 to i32
      %cond3A_94 = arith.constant 0 : i32
      %cond3A_95 = arith.cmpi ne, %convert_element_type3A_93, %cond3A_94 : i32
      scf.if %cond3A_95 {
        %dma_wait3A_108 = arith.constant 0 : i32
        %dma_wait3A_109 = arith.constant 0 : i32
        %dma_wait3A_110 = tpu.memref_slice %arg4[%dma_wait3A_108, %dma_wait3A_109] : memref<16384x1024xf32, #tpu.memory_space<hbm>> -> memref<32x1024xf32, #tpu.memory_space<hbm>>
        %dma_wait3A_111 = arith.constant 0 : i32
        %dma_wait3A_112 = arith.constant 0 : i32
        %dma_wait3A_113 = tpu.memref_slice %arg4[%dma_wait3A_111, %dma_wait3A_112] : memref<16384x1024xf32, #tpu.memory_space<hbm>> -> memref<32x1024xf32, #tpu.memory_space<hbm>>
        tpu.wait_dma2 semaphore(%arg13 : memref<!tpu.dma_semaphore, #tpu.memory_space<semaphore_mem>>) src(%arg7 : memref<32x1024xf32, #tpu.memory_space<vmem>>) dst(%dma_wait3A_113 : memref<32x1024xf32, #tpu.memory_space<hbm>>)
      } else {
      }
      %add3A_96 = arith.constant 2 : i32
      %add3A_97 = arith.addi %add3A_85, %add3A_96 : i32
      %lt3A_98 = arith.constant 16 : i32
      %lt3A_99 = arith.cmpi slt, %add3A_97, %lt3A_98 : i32
      %convert_element_type3A_100 = arith.extui %lt3A_99 : i1 to i32
      %cond3A_101 = arith.constant 0 : i32
      %cond3A_102 = arith.cmpi ne, %convert_element_type3A_100, %cond3A_101 : i32
      scf.if %cond3A_102 {
        %add3A_108 = arith.constant 2 : i32
        %add3A_109 = arith.addi %add3A_85, %add3A_108 : i32
        %mul3A_110 = arith.constant 32 : i32
        %mul3A_111 = arith.muli %add3A_109, %mul3A_110 : i32
        %dma_start3A_112 = tpu.memref_slice %arg5[%mul3A_111] : memref<512xi32, #tpu.memory_space<vmem>> -> memref<32xi32, #tpu.memory_space<vmem>>
        %dma_start3A_113 = arith.constant 0 : i32
        %dma_start3A_114 = arith.constant 0 : i32
        %dma_start3A_115 = tpu.memref_slice %arg2[%dma_start3A_113, %dma_start3A_114] : memref<100000x1024xf32, #tpu.memory_space<hbm>> -> memref<100000x1024xf32, #tpu.memory_space<hbm>>
        tpu.enqueue_indirect_dma source(%dma_start3A_115 : memref<100000x1024xf32, #tpu.memory_space<hbm>>) target(%arg7 : memref<32x1024xf32, #tpu.memory_space<vmem>>) offsets(%dma_start3A_112 : memref<32xi32, #tpu.memory_space<vmem>>) semaphore(%arg10 : memref<!tpu.dma_semaphore, #tpu.memory_space<semaphore_mem>>)
      } else {
      }
      %lt3A_103 = arith.constant 16 : i32
      %lt3A_104 = arith.cmpi slt, %add3A_85, %lt3A_103 : i32
      %convert_element_type3A_105 = arith.extui %lt3A_104 : i1 to i32
      %cond3A_106 = arith.constant 0 : i32
      %cond3A_107 = arith.cmpi ne, %convert_element_type3A_105, %cond3A_106 : i32
      scf.if %cond3A_107 {
        %dma_wait3A_108 = arith.constant 0 : i32
        %dma_wait3A_109 = tpu.memref_slice %arg5[%dma_wait3A_108] : memref<512xi32, #tpu.memory_space<vmem>> -> memref<32xi32, #tpu.memory_space<vmem>>
        %dma_wait3A_110 = arith.constant 0 : i32
        %dma_wait3A_111 = arith.constant 0 : i32
        %dma_wait3A_112 = tpu.memref_slice %arg2[%dma_wait3A_110, %dma_wait3A_111] : memref<100000x1024xf32, #tpu.memory_space<hbm>> -> memref<100000x1024xf32, #tpu.memory_space<hbm>>
        tpu.wait_indirect_dma semaphore(%arg11 : memref<!tpu.dma_semaphore, #tpu.memory_space<semaphore_mem>>) src(%dma_wait3A_112 : memref<100000x1024xf32, #tpu.memory_space<hbm>>) dst(%arg8 : memref<32x1024xf32, #tpu.memory_space<vmem>>)
        %parallel_loop3A = arith.constant 0 : i32
        %parallel_loop3A_113 = arith.constant 32 : i32
        %parallel_loop3A_114 = arith.constant 1 : i32
        scf.for %parallel_loop3A_122 = %parallel_loop3A to %parallel_loop3A_113 step %parallel_loop3A_114  : i32 {
          %parallel_loop3A_123 = arith.index_cast %parallel_loop3A_122 : i32 to index
          %parallel_loop3A_124 = arith.constant 0 : index
          %parallel_loop3A_125 = tpu.vector_load %arg8[%parallel_loop3A_123, %parallel_loop3A_124] {strides = array<i32>} : memref<32x1024xf32, #tpu.memory_space<vmem>>, vector<1x16xf32>,
          %parallel_loop3A_126 = vector.shape_cast %parallel_loop3A_125 : vector<1x16xf32> to vector<16xf32>
          %parallel_loop3A_127 = arith.constant 3.200000e+01 : f32
          %parallel_loop3A_128 = vector.broadcast %parallel_loop3A_127 : f32 to vector<16xf32>
          %parallel_loop3A_129 = arith.mulf %parallel_loop3A_126, %parallel_loop3A_128 : vector<16xf32>
          %parallel_loop3A_130 = arith.index_cast %parallel_loop3A_122 : i32 to index
          %parallel_loop3A_131 = arith.constant 0 : index
          %parallel_loop3A_132 = tpu.vector_load %arg8[%parallel_loop3A_130, %parallel_loop3A_131] {strides = array<i32>} : memref<32x1024xf32, #tpu.memory_space<vmem>>, vector<1x16xf32>,
          %parallel_loop3A_133 = vector.shape_cast %parallel_loop3A_132 : vector<1x16xf32> to vector<16xf32>
          %parallel_loop3A_134 = vector.shape_cast %parallel_loop3A_129 : vector<16xf32> to vector<1x16xf32>
          tpu.vector_store %arg8[%parallel_loop3A_130, %parallel_loop3A_131], %parallel_loop3A_134 {strides = array<i32>} : memref<32x1024xf32, #tpu.memory_space<vmem>>, vector<1x16xf32>,
          %parallel_loop3A_135 = arith.index_cast %parallel_loop3A_122 : i32 to index
          %parallel_loop3A_136 = arith.constant 16 : index
          %parallel_loop3A_137 = tpu.vector_load %arg8[%parallel_loop3A_135, %parallel_loop3A_136] {strides = array<i32>} : memref<32x1024xf32, #tpu.memory_space<vmem>>, vector<1x16xf32>,
          %parallel_loop3A_138 = vector.shape_cast %parallel_loop3A_137 : vector<1x16xf32> to vector<16xf32>
          %parallel_loop3A_139 = arith.constant 3.200000e+01 : f32
          %parallel_loop3A_140 = vector.broadcast %parallel_loop3A_139 : f32 to vector<16xf32>
          %parallel_loop3A_141 = arith.mulf %parallel_loop3A_138, %parallel_loop3A_140 : vector<16xf32>
          %parallel_loop3A_142 = arith.index_cast %parallel_loop3A_122 : i32 to index
          %parallel_loop3A_143 = arith.constant 16 : index
          %parallel_loop3A_144 = tpu.vector_load %arg8[%parallel_loop3A_142, %parallel_loop3A_143] {strides = array<i32>} : memref<32x1024xf32, #tpu.memory_space<vmem>>, vector<1x16xf32>,
          %parallel_loop3A_145 = vector.shape_cast %parallel_loop3A_144 : vector<1x16xf32> to vector<16xf32>
          %parallel_loop3A_146 = vector.shape_cast %parallel_loop3A_141 : vector<16xf32> to vector<1x16xf32>
          tpu.vector_store %arg8[%parallel_loop3A_142, %parallel_loop3A_143], %parallel_loop3A_146 {strides = array<i32>} : memref<32x1024xf32, #tpu.memory_space<vmem>>, vector<1x16xf32>,
          %parallel_loop3A_147 = arith.index_cast %parallel_loop3A_122 : i32 to index
          %parallel_loop3A_148 = arith.constant 32 : index
          %parallel_loop3A_149 = tpu.vector_load %arg8[%parallel_loop3A_147, %parallel_loop3A_148] {strides = array<i32>} : memref<32x1024xf32, #tpu.memory_space<vmem>>, vector<1x16xf32>,
          %parallel_loop3A_150 = vector.shape_cast %parallel_loop3A_149 : vector<1x16xf32> to vector<16xf32>
          %parallel_loop3A_151 = arith.constant 3.200000e+01 : f32
          %parallel_loop3A_152 = vector.broadcast %parallel_loop3A_151 : f32 to vector<16xf32>
          %parallel_loop3A_153 = arith.mulf %parallel_loop3A_150, %parallel_loop3A_152 : vector<16xf32>
          %parallel_loop3A_154 = arith.index_cast %parallel_loop3A_122 : i32 to index
          %parallel_loop3A_155 = arith.constant 32 : index
          %parallel_loop3A_156 = tpu.vector_load %arg8[%parallel_loop3A_154, %parallel_loop3A_155] {strides = array<i32>} : memref<32x1024xf32, #tpu.memory_space<vmem>>, vector<1x16xf32>,
          %parallel_loop3A_157 = vector.shape_cast %parallel_loop3A_156 : vector<1x16xf32> to vector<16xf32>
          %parallel_loop3A_158 = vector.shape_cast %parallel_loop3A_153 : vector<16xf32> to vector<1x16xf32>
          tpu.vector_store %arg8[%parallel_loop3A_154, %parallel_loop3A_155], %parallel_loop3A_158 {strides = array<i32>} : memref<32x1024xf32, #tpu.memory_space<vmem>>, vector<1x16xf32>,
          %parallel_loop3A_159 = arith.index_cast %parallel_loop3A_122 : i32 to index
          %parallel_loop3A_160 = arith.constant 48 : index
          %parallel_loop3A_161 = tpu.vector_load %arg8[%parallel_loop3A_159, %parallel_loop3A_160] {strides = array<i32>} : memref<32x1024xf32, #tpu.memory_space<vmem>>, vector<1x16xf32>,
          %parallel_loop3A_162 = vector.shape_cast %parallel_loop3A_161 : vector<1x16xf32> to vector<16xf32>
          %parallel_loop3A_163 = arith.constant 3.200000e+01 : f32
          %parallel_loop3A_164 = vector.broadcast %parallel_loop3A_163 : f32 to vector<16xf32>
          %parallel_loop3A_165 = arith.mulf %parallel_loop3A_162, %parallel_loop3A_164 : vector<16xf32>
          %parallel_loop3A_166 = arith.index_cast %parallel_loop3A_122 : i32 to index
          %parallel_loop3A_167 = arith.constant 48 : index
          %parallel_loop3A_168 = tpu.vector_load %arg8[%parallel_loop3A_166, %parallel_loop3A_167] {strides = array<i32>} : memref<32x1024xf32, #tpu.memory_space<vmem>>, vector<1x16xf32>,
          %parallel_loop3A_169 = vector.shape_cast %parallel_loop3A_168 : vector<1x16xf32> to vector<16xf32>
          %parallel_loop3A_170 = vector.shape_cast %parallel_loop3A_165 : vector<16xf32> to vector<1x16xf32>
          tpu.vector_store %arg8[%parallel_loop3A_166, %parallel_loop3A_167], %parallel_loop3A_170 {strides = array<i32>} : memref<32x1024xf32, #tpu.memory_space<vmem>>, vector<1x16xf32>,
          %parallel_loop3A_171 = arith.index_cast %parallel_loop3A_122 : i32 to index
          %parallel_loop3A_172 = arith.constant 64 : index
          %parallel_loop3A_173 = tpu.vector_load %arg8[%parallel_loop3A_171, %parallel_loop3A_172] {strides = array<i32>} : memref<32x1024xf32, #tpu.memory_space<vmem>>, vector<1x16xf32>,
          %parallel_loop3A_174 = vector.shape_cast %parallel_loop3A_173 : vector<1x16xf32> to vector<16xf32>
          %parallel_loop3A_175 = arith.constant 3.200000e+01 : f32
          %parallel_loop3A_176 = vector.broadcast %parallel_loop3A_175 : f32 to vector<16xf32>
          %parallel_loop3A_177 = arith.mulf %parallel_loop3A_174, %parallel_loop3A_176 : vector<16xf32>
          %parallel_loop3A_178 = arith.index_cast %parallel_loop3A_122 : i32 to index
          %parallel_loop3A_179 = arith.constant 64 : index
          %parallel_loop3A_180 = tpu.vector_load %arg8[%parallel_loop3A_178, %parallel_loop3A_179] {strides = array<i32>} : memref<32x1024xf32, #tpu.memory_space<vmem>>, vector<1x16xf32>,
          %parallel_loop3A_181 = vector.shape_cast %parallel_loop3A_180 : vector<1x16xf32> to vector<16xf32>
          %parallel_loop3A_182 = vector.shape_cast %parallel_loop3A_177 : vector<16xf32> to vector<1x16xf32>
          tpu.vector_store %arg8[%parallel_loop3A_178, %parallel_loop3A_179], %parallel_loop3A_182 {strides = array<i32>} : memref<32x1024xf32, #tpu.memory_space<vmem>>, vector<1x16xf32>,
          %parallel_loop3A_183 = arith.index_cast %parallel_loop3A_122 : i32 to index
          %parallel_loop3A_184 = arith.constant 80 : index
          %parallel_loop3A_185 = tpu.vector_load %arg8[%parallel_loop3A_183, %parallel_loop3A_184] {strides = array<i32>} : memref<32x1024xf32, #tpu.memory_space<vmem>>, vector<1x16xf32>,
          %parallel_loop3A_186 = vector.shape_cast %parallel_loop3A_185 : vector<1x16xf32> to vector<16xf32>
          %parallel_loop3A_187 = arith.constant 3.200000e+01 : f32
          %parallel_loop3A_188 = vector.broadcast %parallel_loop3A_187 : f32 to vector<16xf32>
          %parallel_loop3A_189 = arith.mulf %parallel_loop3A_186, %parallel_loop3A_188 : vector<16xf32>
          %parallel_loop3A_190 = arith.index_cast %parallel_loop3A_122 : i32 to index
          %parallel_loop3A_191 = arith.constant 80 : index
          %parallel_loop3A_192 = tpu.vector_load %arg8[%parallel_loop3A_190, %parallel_loop3A_191] {strides = array<i32>} : memref<32x1024xf32, #tpu.memory_space<vmem>>, vector<1x16xf32>,
          %parallel_loop3A_193 = vector.shape_cast %parallel_loop3A_192 : vector<1x16xf32> to vector<16xf32>
          %parallel_loop3A_194 = vector.shape_cast %parallel_loop3A_189 : vector<16xf32> to vector<1x16xf32>
          tpu.vector_store %arg8[%parallel_loop3A_190, %parallel_loop3A_191], %parallel_loop3A_194 {strides = array<i32>} : memref<32x1024xf32, #tpu.memory_space<vmem>>, vector<1x16xf32>,
          %parallel_loop3A_195 = arith.index_cast %parallel_loop3A_122 : i32 to index
          %parallel_loop3A_196 = arith.constant 96 : index
          %parallel_loop3A_197 = tpu.vector_load %arg8[%parallel_loop3A_195, %parallel_loop3A_196] {strides = array<i32>} : memref<32x1024xf32, #tpu.memory_space<vmem>>, vector<1x16xf32>,
          %parallel_loop3A_198 = vector.shape_cast %parallel_loop3A_197 : vector<1x16xf32> to vector<16xf32>
          %parallel_loop3A_199 = arith.constant 3.200000e+01 : f32
          %parallel_loop3A_200 = vector.broadcast %parallel_loop3A_199 : f32 to vector<16xf32>
          %parallel_loop3A_201 = arith.mulf %parallel_loop3A_198, %parallel_loop3A_200 : vector<16xf32>
          %parallel_loop3A_202 = arith.index_cast %parallel_loop3A_122 : i32 to index
          %parallel_loop3A_203 = arith.constant 96 : index
          %parallel_loop3A_204 = tpu.vector_load %arg8[%parallel_loop3A_202, %parallel_loop3A_203] {strides = array<i32>} : memref<32x1024xf32, #tpu.memory_space<vmem>>, vector<1x16xf32>,
          %parallel_loop3A_205 = vector.shape_cast %parallel_loop3A_204 : vector<1x16xf32> to vector<16xf32>
          %parallel_loop3A_206 = vector.shape_cast %parallel_loop3A_201 : vector<16xf32> to vector<1x16xf32>
          tpu.vector_store %arg8[%parallel_loop3A_202, %parallel_loop3A_203], %parallel_loop3A_206 {strides = array<i32>} : memref<32x1024xf32, #tpu.memory_space<vmem>>, vector<1x16xf32>,
          %parallel_loop3A_207 = arith.index_cast %parallel_loop3A_122 : i32 to index
          %parallel_loop3A_208 = arith.constant 112 : index
          %parallel_loop3A_209 = tpu.vector_load %arg8[%parallel_loop3A_207, %parallel_loop3A_208] {strides = array<i32>} : memref<32x1024xf32, #tpu.memory_space<vmem>>, vector<1x16xf32>,
          %parallel_loop3A_210 = vector.shape_cast %parallel_loop3A_209 : vector<1x16xf32> to vector<16xf32>
          %parallel_loop3A_211 = arith.constant 3.200000e+01 : f32
          %parallel_loop3A_212 = vector.broadcast %parallel_loop3A_211 : f32 to vector<16xf32>
          %parallel_loop3A_213 = arith.mulf %parallel_loop3A_210, %parallel_loop3A_212 : vector<16xf32>
          %parallel_loop3A_214 = arith.index_cast %parallel_loop3A_122 : i32 to index
          %parallel_loop3A_215 = arith.constant 112 : index
          %parallel_loop3A_216 = tpu.vector_load %arg8[%parallel_loop3A_214, %parallel_loop3A_215] {strides = array<i32>} : memref<32x1024xf32, #tpu.memory_space<vmem>>, vector<1x16xf32>,
          %parallel_loop3A_217 = vector.shape_cast %parallel_loop3A_216 : vector<1x16xf32> to vector<16xf32>
          %parallel_loop3A_218 = vector.shape_cast %parallel_loop3A_213 : vector<16xf32> to vector<1x16xf32>
          tpu.vector_store %arg8[%parallel_loop3A_214, %parallel_loop3A_215], %parallel_loop3A_218 {strides = array<i32>} : memref<32x1024xf32, #tpu.memory_space<vmem>>, vector<1x16xf32>,
          %parallel_loop3A_219 = arith.index_cast %parallel_loop3A_122 : i32 to index
          %parallel_loop3A_220 = arith.constant 128 : index
          %parallel_loop3A_221 = tpu.vector_load %arg8[%parallel_loop3A_219, %parallel_loop3A_220] {strides = array<i32>} : memref<32x1024xf32, #tpu.memory_space<vmem>>, vector<1x16xf32>,
          %parallel_loop3A_222 = vector.shape_cast %parallel_loop3A_221 : vector<1x16xf32> to vector<16xf32>
          %parallel_loop3A_223 = arith.constant 3.200000e+01 : f32
          %parallel_loop3A_224 = vector.broadcast %parallel_loop3A_223 : f32 to vector<16xf32>
          %parallel_loop3A_225 = arith.mulf %parallel_loop3A_222, %parallel_loop3A_224 : vector<16xf32>
          %parallel_loop3A_226 = arith.index_cast %parallel_loop3A_122 : i32 to index
          %parallel_loop3A_227 = arith.constant 128 : index
          %parallel_loop3A_228 = tpu.vector_load %arg8[%parallel_loop3A_226, %parallel_loop3A_227] {strides = array<i32>} : memref<32x1024xf32, #tpu.memory_space<vmem>>, vector<1x16xf32>,
          %parallel_loop3A_229 = vector.shape_cast %parallel_loop3A_228 : vector<1x16xf32> to vector<16xf32>
          %parallel_loop3A_230 = vector.shape_cast %parallel_loop3A_225 : vector<16xf32> to vector<1x16xf32>
          tpu.vector_store %arg8[%parallel_loop3A_226, %parallel_loop3A_227], %parallel_loop3A_230 {strides = array<i32>} : memref<32x1024xf32, #tpu.memory_space<vmem>>, vector<1x16xf32>,
          %parallel_loop3A_231 = arith.index_cast %parallel_loop3A_122 : i32 to index
          %parallel_loop3A_232 = arith.constant 144 : index
          %parallel_loop3A_233 = tpu.vector_load %arg8[%parallel_loop3A_231, %parallel_loop3A_232] {strides = array<i32>} : memref<32x1024xf32, #tpu.memory_space<vmem>>, vector<1x16xf32>,
          %parallel_loop3A_234 = vector.shape_cast %parallel_loop3A_233 : vector<1x16xf32> to vector<16xf32>
          %parallel_loop3A_235 = arith.constant 3.200000e+01 : f32
          %parallel_loop3A_236 = vector.broadcast %parallel_loop3A_235 : f32 to vector<16xf32>
          %parallel_loop3A_237 = arith.mulf %parallel_loop3A_234, %parallel_loop3A_236 : vector<16xf32>
          %parallel_loop3A_238 = arith.index_cast %parallel_loop3A_122 : i32 to index
          %parallel_loop3A_239 = arith.constant 144 : index
          %parallel_loop3A_240 = tpu.vector_load %arg8[%parallel_loop3A_238, %parallel_loop3A_239] {strides = array<i32>} : memref<32x1024xf32, #tpu.memory_space<vmem>>, vector<1x16xf32>,
          %parallel_loop3A_241 = vector.shape_cast %parallel_loop3A_240 : vector<1x16xf32> to vector<16xf32>
          %parallel_loop3A_242 = vector.shape_cast %parallel_loop3A_237 : vector<16xf32> to vector<1x16xf32>
          tpu.vector_store %arg8[%parallel_loop3A_238, %parallel_loop3A_239], %parallel_loop3A_242 {strides = array<i32>} : memref<32x1024xf32, #tpu.memory_space<vmem>>, vector<1x16xf32>,
          %parallel_loop3A_243 = arith.index_cast %parallel_loop3A_122 : i32 to index
          %parallel_loop3A_244 = arith.constant 160 : index
          %parallel_loop3A_245 = tpu.vector_load %arg8[%parallel_loop3A_243, %parallel_loop3A_244] {strides = array<i32>} : memref<32x1024xf32, #tpu.memory_space<vmem>>, vector<1x16xf32>,
          %parallel_loop3A_246 = vector.shape_cast %parallel_loop3A_245 : vector<1x16xf32> to vector<16xf32>
          %parallel_loop3A_247 = arith.constant 3.200000e+01 : f32
          %parallel_loop3A_248 = vector.broadcast %parallel_loop3A_247 : f32 to vector<16xf32>
          %parallel_loop3A_249 = arith.mulf %parallel_loop3A_246, %parallel_loop3A_248 : vector<16xf32>
          %parallel_loop3A_250 = arith.index_cast %parallel_loop3A_122 : i32 to index
          %parallel_loop3A_251 = arith.constant 160 : index
          %parallel_loop3A_252 = tpu.vector_load %arg8[%parallel_loop3A_250, %parallel_loop3A_251] {strides = array<i32>} : memref<32x1024xf32, #tpu.memory_space<vmem>>, vector<1x16xf32>,
          %parallel_loop3A_253 = vector.shape_cast %parallel_loop3A_252 : vector<1x16xf32> to vector<16xf32>
          %parallel_loop3A_254 = vector.shape_cast %parallel_loop3A_249 : vector<16xf32> to vector<1x16xf32>
          tpu.vector_store %arg8[%parallel_loop3A_250, %parallel_loop3A_251], %parallel_loop3A_254 {strides = array<i32>} : memref<32x1024xf32, #tpu.memory_space<vmem>>, vector<1x16xf32>,
          %parallel_loop3A_255 = arith.index_cast %parallel_loop3A_122 : i32 to index
          %parallel_loop3A_256 = arith.constant 176 : index
          %parallel_loop3A_257 = tpu.vector_load %arg8[%parallel_loop3A_255, %parallel_loop3A_256] {strides = array<i32>} : memref<32x1024xf32, #tpu.memory_space<vmem>>, vector<1x16xf32>,
          %parallel_loop3A_258 = vector.shape_cast %parallel_loop3A_257 : vector<1x16xf32> to vector<16xf32>
          %parallel_loop3A_259 = arith.constant 3.200000e+01 : f32
          %parallel_loop3A_260 = vector.broadcast %parallel_loop3A_259 : f32 to vector<16xf32>
          %parallel_loop3A_261 = arith.mulf %parallel_loop3A_258, %parallel_loop3A_260 : vector<16xf32>
          %parallel_loop3A_262 = arith.index_cast %parallel_loop3A_122 : i32 to index
          %parallel_loop3A_263 = arith.constant 176 : index
          %parallel_loop3A_264 = tpu.vector_load %arg8[%parallel_loop3A_262, %parallel_loop3A_263] {strides = array<i32>} : memref<32x1024xf32, #tpu.memory_space<vmem>>, vector<1x16xf32>,
          %parallel_loop3A_265 = vector.shape_cast %parallel_loop3A_264 : vector<1x16xf32> to vector<16xf32>
          %parallel_loop3A_266 = vector.shape_cast %parallel_loop3A_261 : vector<16xf32> to vector<1x16xf32>
          tpu.vector_store %arg8[%parallel_loop3A_262, %parallel_loop3A_263], %parallel_loop3A_266 {strides = array<i32>} : memref<32x1024xf32, #tpu.memory_space<vmem>>, vector<1x16xf32>,
          %parallel_loop3A_267 = arith.index_cast %parallel_loop3A_122 : i32 to index
          %parallel_loop3A_268 = arith.constant 192 : index
          %parallel_loop3A_269 = tpu.vector_load %arg8[%parallel_loop3A_267, %parallel_loop3A_268] {strides = array<i32>} : memref<32x1024xf32, #tpu.memory_space<vmem>>, vector<1x16xf32>,
          %parallel_loop3A_270 = vector.shape_cast %parallel_loop3A_269 : vector<1x16xf32> to vector<16xf32>
          %parallel_loop3A_271 = arith.constant 3.200000e+01 : f32
          %parallel_loop3A_272 = vector.broadcast %parallel_loop3A_271 : f32 to vector<16xf32>
          %parallel_loop3A_273 = arith.mulf %parallel_loop3A_270, %parallel_loop3A_272 : vector<16xf32>
          %parallel_loop3A_274 = arith.index_cast %parallel_loop3A_122 : i32 to index
          %parallel_loop3A_275 = arith.constant 192 : index
          %parallel_loop3A_276 = tpu.vector_load %arg8[%parallel_loop3A_274, %parallel_loop3A_275] {strides = array<i32>} : memref<32x1024xf32, #tpu.memory_space<vmem>>, vector<1x16xf32>,
          %parallel_loop3A_277 = vector.shape_cast %parallel_loop3A_276 : vector<1x16xf32> to vector<16xf32>
          %parallel_loop3A_278 = vector.shape_cast %parallel_loop3A_273 : vector<16xf32> to vector<1x16xf32>
          tpu.vector_store %arg8[%parallel_loop3A_274, %parallel_loop3A_275], %parallel_loop3A_278 {strides = array<i32>} : memref<32x1024xf32, #tpu.memory_space<vmem>>, vector<1x16xf32>,
          %parallel_loop3A_279 = arith.index_cast %parallel_loop3A_122 : i32 to index
          %parallel_loop3A_280 = arith.constant 208 : index
          %parallel_loop3A_281 = tpu.vector_load %arg8[%parallel_loop3A_279, %parallel_loop3A_280] {strides = array<i32>} : memref<32x1024xf32, #tpu.memory_space<vmem>>, vector<1x16xf32>,
          %parallel_loop3A_282 = vector.shape_cast %parallel_loop3A_281 : vector<1x16xf32> to vector<16xf32>
          %parallel_loop3A_283 = arith.constant 3.200000e+01 : f32
          %parallel_loop3A_284 = vector.broadcast %parallel_loop3A_283 : f32 to vector<16xf32>
          %parallel_loop3A_285 = arith.mulf %parallel_loop3A_282, %parallel_loop3A_284 : vector<16xf32>
          %parallel_loop3A_286 = arith.index_cast %parallel_loop3A_122 : i32 to index
          %parallel_loop3A_287 = arith.constant 208 : index
          %parallel_loop3A_288 = tpu.vector_load %arg8[%parallel_loop3A_286, %parallel_loop3A_287] {strides = array<i32>} : memref<32x1024xf32, #tpu.memory_space<vmem>>, vector<1x16xf32>,
          %parallel_loop3A_289 = vector.shape_cast %parallel_loop3A_288 : vector<1x16xf32> to vector<16xf32>
          %parallel_loop3A_290 = vector.shape_cast %parallel_loop3A_285 : vector<16xf32> to vector<1x16xf32>
          tpu.vector_store %arg8[%parallel_loop3A_286, %parallel_loop3A_287], %parallel_loop3A_290 {strides = array<i32>} : memref<32x1024xf32, #tpu.memory_space<vmem>>, vector<1x16xf32>,
          %parallel_loop3A_291 = arith.index_cast %parallel_loop3A_122 : i32 to index
          %parallel_loop3A_292 = arith.constant 224 : index
          %parallel_loop3A_293 = tpu.vector_load %arg8[%parallel_loop3A_291, %parallel_loop3A_292] {strides = array<i32>} : memref<32x1024xf32, #tpu.memory_space<vmem>>, vector<1x16xf32>,
          %parallel_loop3A_294 = vector.shape_cast %parallel_loop3A_293 : vector<1x16xf32> to vector<16xf32>
          %parallel_loop3A_295 = arith.constant 3.200000e+01 : f32
          %parallel_loop3A_296 = vector.broadcast %parallel_loop3A_295 : f32 to vector<16xf32>
          %parallel_loop3A_297 = arith.mulf %parallel_loop3A_294, %parallel_loop3A_296 : vector<16xf32>
          %parallel_loop3A_298 = arith.index_cast %parallel_loop3A_122 : i32 to index
          %parallel_loop3A_299 = arith.constant 224 : index
          %parallel_loop3A_300 = tpu.vector_load %arg8[%parallel_loop3A_298, %parallel_loop3A_299] {strides = array<i32>} : memref<32x1024xf32, #tpu.memory_space<vmem>>, vector<1x16xf32>,
          %parallel_loop3A_301 = vector.shape_cast %parallel_loop3A_300 : vector<1x16xf32> to vector<16xf32>
          %parallel_loop3A_302 = vector.shape_cast %parallel_loop3A_297 : vector<16xf32> to vector<1x16xf32>
          tpu.vector_store %arg8[%parallel_loop3A_298, %parallel_loop3A_299], %parallel_loop3A_302 {strides = array<i32>} : memref<32x1024xf32, #tpu.memory_space<vmem>>, vector<1x16xf32>,
          %parallel_loop3A_303 = arith.index_cast %parallel_loop3A_122 : i32 to index
          %parallel_loop3A_304 = arith.constant 240 : index
          %parallel_loop3A_305 = tpu.vector_load %arg8[%parallel_loop3A_303, %parallel_loop3A_304] {strides = array<i32>} : memref<32x1024xf32, #tpu.memory_space<vmem>>, vector<1x16xf32>,
          %parallel_loop3A_306 = vector.shape_cast %parallel_loop3A_305 : vector<1x16xf32> to vector<16xf32>
          %parallel_loop3A_307 = arith.constant 3.200000e+01 : f32
          %parallel_loop3A_308 = vector.broadcast %parallel_loop3A_307 : f32 to vector<16xf32>
          %parallel_loop3A_309 = arith.mulf %parallel_loop3A_306, %parallel_loop3A_308 : vector<16xf32>
          %parallel_loop3A_310 = arith.index_cast %parallel_loop3A_122 : i32 to index
          %parallel_loop3A_311 = arith.constant 240 : index
          %parallel_loop3A_312 = tpu.vector_load %arg8[%parallel_loop3A_310, %parallel_loop3A_311] {strides = array<i32>} : memref<32x1024xf32, #tpu.memory_space<vmem>>, vector<1x16xf32>,
          %parallel_loop3A_313 = vector.shape_cast %parallel_loop3A_312 : vector<1x16xf32> to vector<16xf32>
          %parallel_loop3A_314 = vector.shape_cast %parallel_loop3A_309 : vector<16xf32> to vector<1x16xf32>
          tpu.vector_store %arg8[%parallel_loop3A_310, %parallel_loop3A_311], %parallel_loop3A_314 {strides = array<i32>} : memref<32x1024xf32, #tpu.memory_space<vmem>>, vector<1x16xf32>,
          %parallel_loop3A_315 = arith.index_cast %parallel_loop3A_122 : i32 to index
          %parallel_loop3A_316 = arith.constant 256 : index
          %parallel_loop3A_317 = tpu.vector_load %arg8[%parallel_loop3A_315, %parallel_loop3A_316] {strides = array<i32>} : memref<32x1024xf32, #tpu.memory_space<vmem>>, vector<1x16xf32>,
          %parallel_loop3A_318 = vector.shape_cast %parallel_loop3A_317 : vector<1x16xf32> to vector<16xf32>
          %parallel_loop3A_319 = arith.constant 3.200000e+01 : f32
          %parallel_loop3A_320 = vector.broadcast %parallel_loop3A_319 : f32 to vector<16xf32>
          %parallel_loop3A_321 = arith.mulf %parallel_loop3A_318, %parallel_loop3A_320 : vector<16xf32>
          %parallel_loop3A_322 = arith.index_cast %parallel_loop3A_122 : i32 to index
          %parallel_loop3A_323 = arith.constant 256 : index
          %parallel_loop3A_324 = tpu.vector_load %arg8[%parallel_loop3A_322, %parallel_loop3A_323] {strides = array<i32>} : memref<32x1024xf32, #tpu.memory_space<vmem>>, vector<1x16xf32>,
          %parallel_loop3A_325 = vector.shape_cast %parallel_loop3A_324 : vector<1x16xf32> to vector<16xf32>
          %parallel_loop3A_326 = vector.shape_cast %parallel_loop3A_321 : vector<16xf32> to vector<1x16xf32>
          tpu.vector_store %arg8[%parallel_loop3A_322, %parallel_loop3A_323], %parallel_loop3A_326 {strides = array<i32>} : memref<32x1024xf32, #tpu.memory_space<vmem>>, vector<1x16xf32>,
          %parallel_loop3A_327 = arith.index_cast %parallel_loop3A_122 : i32 to index
          %parallel_loop3A_328 = arith.constant 272 : index
          %parallel_loop3A_329 = tpu.vector_load %arg8[%parallel_loop3A_327, %parallel_loop3A_328] {strides = array<i32>} : memref<32x1024xf32, #tpu.memory_space<vmem>>, vector<1x16xf32>,
          %parallel_loop3A_330 = vector.shape_cast %parallel_loop3A_329 : vector<1x16xf32> to vector<16xf32>
          %parallel_loop3A_331 = arith.constant 3.200000e+01 : f32
          %parallel_loop3A_332 = vector.broadcast %parallel_loop3A_331 : f32 to vector<16xf32>
          %parallel_loop3A_333 = arith.mulf %parallel_loop3A_330, %parallel_loop3A_332 : vector<16xf32>
          %parallel_loop3A_334 = arith.index_cast %parallel_loop3A_122 : i32 to index
          %parallel_loop3A_335 = arith.constant 272 : index
          %parallel_loop3A_336 = tpu.vector_load %arg8[%parallel_loop3A_334, %parallel_loop3A_335] {strides = array<i32>} : memref<32x1024xf32, #tpu.memory_space<vmem>>, vector<1x16xf32>,
          %parallel_loop3A_337 = vector.shape_cast %parallel_loop3A_336 : vector<1x16xf32> to vector<16xf32>
          %parallel_loop3A_338 = vector.shape_cast %parallel_loop3A_333 : vector<16xf32> to vector<1x16xf32>
          tpu.vector_store %arg8[%parallel_loop3A_334, %parallel_loop3A_335], %parallel_loop3A_338 {strides = array<i32>} : memref<32x1024xf32, #tpu.memory_space<vmem>>, vector<1x16xf32>,
          %parallel_loop3A_339 = arith.index_cast %parallel_loop3A_122 : i32 to index
          %parallel_loop3A_340 = arith.constant 288 : index
          %parallel_loop3A_341 = tpu.vector_load %arg8[%parallel_loop3A_339, %parallel_loop3A_340] {strides = array<i32>} : memref<32x1024xf32, #tpu.memory_space<vmem>>, vector<1x16xf32>,
          %parallel_loop3A_342 = vector.shape_cast %parallel_loop3A_341 : vector<1x16xf32> to vector<16xf32>
          %parallel_loop3A_343 = arith.constant 3.200000e+01 : f32
          %parallel_loop3A_344 = vector.broadcast %parallel_loop3A_343 : f32 to vector<16xf32>
          %parallel_loop3A_345 = arith.mulf %parallel_loop3A_342, %parallel_loop3A_344 : vector<16xf32>
          %parallel_loop3A_346 = arith.index_cast %parallel_loop3A_122 : i32 to index
          %parallel_loop3A_347 = arith.constant 288 : index
          %parallel_loop3A_348 = tpu.vector_load %arg8[%parallel_loop3A_346, %parallel_loop3A_347] {strides = array<i32>} : memref<32x1024xf32, #tpu.memory_space<vmem>>, vector<1x16xf32>,
          %parallel_loop3A_349 = vector.shape_cast %parallel_loop3A_348 : vector<1x16xf32> to vector<16xf32>
          %parallel_loop3A_350 = vector.shape_cast %parallel_loop3A_345 : vector<16xf32> to vector<1x16xf32>
          tpu.vector_store %arg8[%parallel_loop3A_346, %parallel_loop3A_347], %parallel_loop3A_350 {strides = array<i32>} : memref<32x1024xf32, #tpu.memory_space<vmem>>, vector<1x16xf32>,
          %parallel_loop3A_351 = arith.index_cast %parallel_loop3A_122 : i32 to index
          %parallel_loop3A_352 = arith.constant 304 : index
          %parallel_loop3A_353 = tpu.vector_load %arg8[%parallel_loop3A_351, %parallel_loop3A_352] {strides = array<i32>} : memref<32x1024xf32, #tpu.memory_space<vmem>>, vector<1x16xf32>,
          %parallel_loop3A_354 = vector.shape_cast %parallel_loop3A_353 : vector<1x16xf32> to vector<16xf32>
          %parallel_loop3A_355 = arith.constant 3.200000e+01 : f32
          %parallel_loop3A_356 = vector.broadcast %parallel_loop3A_355 : f32 to vector<16xf32>
          %parallel_loop3A_357 = arith.mulf %parallel_loop3A_354, %parallel_loop3A_356 : vector<16xf32>
          %parallel_loop3A_358 = arith.index_cast %parallel_loop3A_122 : i32 to index
          %parallel_loop3A_359 = arith.constant 304 : index
          %parallel_loop3A_360 = tpu.vector_load %arg8[%parallel_loop3A_358, %parallel_loop3A_359] {strides = array<i32>} : memref<32x1024xf32, #tpu.memory_space<vmem>>, vector<1x16xf32>,
          %parallel_loop3A_361 = vector.shape_cast %parallel_loop3A_360 : vector<1x16xf32> to vector<16xf32>
          %parallel_loop3A_362 = vector.shape_cast %parallel_loop3A_357 : vector<16xf32> to vector<1x16xf32>
          tpu.vector_store %arg8[%parallel_loop3A_358, %parallel_loop3A_359], %parallel_loop3A_362 {strides = array<i32>} : memref<32x1024xf32, #tpu.memory_space<vmem>>, vector<1x16xf32>,
          %parallel_loop3A_363 = arith.index_cast %parallel_loop3A_122 : i32 to index
          %parallel_loop3A_364 = arith.constant 320 : index
          %parallel_loop3A_365 = tpu.vector_load %arg8[%parallel_loop3A_363, %parallel_loop3A_364] {strides = array<i32>} : memref<32x1024xf32, #tpu.memory_space<vmem>>, vector<1x16xf32>,
          %parallel_loop3A_366 = vector.shape_cast %parallel_loop3A_365 : vector<1x16xf32> to vector<16xf32>
          %parallel_loop3A_367 = arith.constant 3.200000e+01 : f32
          %parallel_loop3A_368 = vector.broadcast %parallel_loop3A_367 : f32 to vector<16xf32>
          %parallel_loop3A_369 = arith.mulf %parallel_loop3A_366, %parallel_loop3A_368 : vector<16xf32>
          %parallel_loop3A_370 = arith.index_cast %parallel_loop3A_122 : i32 to index
          %parallel_loop3A_371 = arith.constant 320 : index
          %parallel_loop3A_372 = tpu.vector_load %arg8[%parallel_loop3A_370, %parallel_loop3A_371] {strides = array<i32>} : memref<32x1024xf32, #tpu.memory_space<vmem>>, vector<1x16xf32>,
          %parallel_loop3A_373 = vector.shape_cast %parallel_loop3A_372 : vector<1x16xf32> to vector<16xf32>
          %parallel_loop3A_374 = vector.shape_cast %parallel_loop3A_369 : vector<16xf32> to vector<1x16xf32>
          tpu.vector_store %arg8[%parallel_loop3A_370, %parallel_loop3A_371], %parallel_loop3A_374 {strides = array<i32>} : memref<32x1024xf32, #tpu.memory_space<vmem>>, vector<1x16xf32>,
          %parallel_loop3A_375 = arith.index_cast %parallel_loop3A_122 : i32 to index
          %parallel_loop3A_376 = arith.constant 336 : index
          %parallel_loop3A_377 = tpu.vector_load %arg8[%parallel_loop3A_375, %parallel_loop3A_376] {strides = array<i32>} : memref<32x1024xf32, #tpu.memory_space<vmem>>, vector<1x16xf32>,
          %parallel_loop3A_378 = vector.shape_cast %parallel_loop3A_377 : vector<1x16xf32> to vector<16xf32>
          %parallel_loop3A_379 = arith.constant 3.200000e+01 : f32
          %parallel_loop3A_380 = vector.broadcast %parallel_loop3A_379 : f32 to vector<16xf32>
          %parallel_loop3A_381 = arith.mulf %parallel_loop3A_378, %parallel_loop3A_380 : vector<16xf32>
          %parallel_loop3A_382 = arith.index_cast %parallel_loop3A_122 : i32 to index
          %parallel_loop3A_383 = arith.constant 336 : index
          %parallel_loop3A_384 = tpu.vector_load %arg8[%parallel_loop3A_382, %parallel_loop3A_383] {strides = array<i32>} : memref<32x1024xf32, #tpu.memory_space<vmem>>, vector<1x16xf32>,
          %parallel_loop3A_385 = vector.shape_cast %parallel_loop3A_384 : vector<1x16xf32> to vector<16xf32>
          %parallel_loop3A_386 = vector.shape_cast %parallel_loop3A_381 : vector<16xf32> to vector<1x16xf32>
          tpu.vector_store %arg8[%parallel_loop3A_382, %parallel_loop3A_383], %parallel_loop3A_386 {strides = array<i32>} : memref<32x1024xf32, #tpu.memory_space<vmem>>, vector<1x16xf32>,
          %parallel_loop3A_387 = arith.index_cast %parallel_loop3A_122 : i32 to index
          %parallel_loop3A_388 = arith.constant 352 : index
          %parallel_loop3A_389 = tpu.vector_load %arg8[%parallel_loop3A_387, %parallel_loop3A_388] {strides = array<i32>} : memref<32x1024xf32, #tpu.memory_space<vmem>>, vector<1x16xf32>,
          %parallel_loop3A_390 = vector.shape_cast %parallel_loop3A_389 : vector<1x16xf32> to vector<16xf32>
          %parallel_loop3A_391 = arith.constant 3.200000e+01 : f32
          %parallel_loop3A_392 = vector.broadcast %parallel_loop3A_391 : f32 to vector<16xf32>
          %parallel_loop3A_393 = arith.mulf %parallel_loop3A_390, %parallel_loop3A_392 : vector<16xf32>
          %parallel_loop3A_394 = arith.index_cast %parallel_loop3A_122 : i32 to index
          %parallel_loop3A_395 = arith.constant 352 : index
          %parallel_loop3A_396 = tpu.vector_load %arg8[%parallel_loop3A_394, %parallel_loop3A_395] {strides = array<i32>} : memref<32x1024xf32, #tpu.memory_space<vmem>>, vector<1x16xf32>,
          %parallel_loop3A_397 = vector.shape_cast %parallel_loop3A_396 : vector<1x16xf32> to vector<16xf32>
          %parallel_loop3A_398 = vector.shape_cast %parallel_loop3A_393 : vector<16xf32> to vector<1x16xf32>
          tpu.vector_store %arg8[%parallel_loop3A_394, %parallel_loop3A_395], %parallel_loop3A_398 {strides = array<i32>} : memref<32x1024xf32, #tpu.memory_space<vmem>>, vector<1x16xf32>,
          %parallel_loop3A_399 = arith.index_cast %parallel_loop3A_122 : i32 to index
          %parallel_loop3A_400 = arith.constant 368 : index
          %parallel_loop3A_401 = tpu.vector_load %arg8[%parallel_loop3A_399, %parallel_loop3A_400] {strides = array<i32>} : memref<32x1024xf32, #tpu.memory_space<vmem>>, vector<1x16xf32>,
          %parallel_loop3A_402 = vector.shape_cast %parallel_loop3A_401 : vector<1x16xf32> to vector<16xf32>
          %parallel_loop3A_403 = arith.constant 3.200000e+01 : f32
          %parallel_loop3A_404 = vector.broadcast %parallel_loop3A_403 : f32 to vector<16xf32>
          %parallel_loop3A_405 = arith.mulf %parallel_loop3A_402, %parallel_loop3A_404 : vector<16xf32>
          %parallel_loop3A_406 = arith.index_cast %parallel_loop3A_122 : i32 to index
          %parallel_loop3A_407 = arith.constant 368 : index
          %parallel_loop3A_408 = tpu.vector_load %arg8[%parallel_loop3A_406, %parallel_loop3A_407] {strides = array<i32>} : memref<32x1024xf32, #tpu.memory_space<vmem>>, vector<1x16xf32>,
          %parallel_loop3A_409 = vector.shape_cast %parallel_loop3A_408 : vector<1x16xf32> to vector<16xf32>
          %parallel_loop3A_410 = vector.shape_cast %parallel_loop3A_405 : vector<16xf32> to vector<1x16xf32>
          tpu.vector_store %arg8[%parallel_loop3A_406, %parallel_loop3A_407], %parallel_loop3A_410 {strides = array<i32>} : memref<32x1024xf32, #tpu.memory_space<vmem>>, vector<1x16xf32>,
          %parallel_loop3A_411 = arith.index_cast %parallel_loop3A_122 : i32 to index
          %parallel_loop3A_412 = arith.constant 384 : index
          %parallel_loop3A_413 = tpu.vector_load %arg8[%parallel_loop3A_411, %parallel_loop3A_412] {strides = array<i32>} : memref<32x1024xf32, #tpu.memory_space<vmem>>, vector<1x16xf32>,
          %parallel_loop3A_414 = vector.shape_cast %parallel_loop3A_413 : vector<1x16xf32> to vector<16xf32>
          %parallel_loop3A_415 = arith.constant 3.200000e+01 : f32
          %parallel_loop3A_416 = vector.broadcast %parallel_loop3A_415 : f32 to vector<16xf32>
          %parallel_loop3A_417 = arith.mulf %parallel_loop3A_414, %parallel_loop3A_416 : vector<16xf32>
          %parallel_loop3A_418 = arith.index_cast %parallel_loop3A_122 : i32 to index
          %parallel_loop3A_419 = arith.constant 384 : index
          %parallel_loop3A_420 = tpu.vector_load %arg8[%parallel_loop3A_418, %parallel_loop3A_419] {strides = array<i32>} : memref<32x1024xf32, #tpu.memory_space<vmem>>, vector<1x16xf32>,
          %parallel_loop3A_421 = vector.shape_cast %parallel_loop3A_420 : vector<1x16xf32> to vector<16xf32>
          %parallel_loop3A_422 = vector.shape_cast %parallel_loop3A_417 : vector<16xf32> to vector<1x16xf32>
          tpu.vector_store %arg8[%parallel_loop3A_418, %parallel_loop3A_419], %parallel_loop3A_422 {strides = array<i32>} : memref<32x1024xf32, #tpu.memory_space<vmem>>, vector<1x16xf32>,
          %parallel_loop3A_423 = arith.index_cast %parallel_loop3A_122 : i32 to index
          %parallel_loop3A_424 = arith.constant 400 : index
          %parallel_loop3A_425 = tpu.vector_load %arg8[%parallel_loop3A_423, %parallel_loop3A_424] {strides = array<i32>} : memref<32x1024xf32, #tpu.memory_space<vmem>>, vector<1x16xf32>,
          %parallel_loop3A_426 = vector.shape_cast %parallel_loop3A_425 : vector<1x16xf32> to vector<16xf32>
          %parallel_loop3A_427 = arith.constant 3.200000e+01 : f32
          %parallel_loop3A_428 = vector.broadcast %parallel_loop3A_427 : f32 to vector<16xf32>
          %parallel_loop3A_429 = arith.mulf %parallel_loop3A_426, %parallel_loop3A_428 : vector<16xf32>
          %parallel_loop3A_430 = arith.index_cast %parallel_loop3A_122 : i32 to index
          %parallel_loop3A_431 = arith.constant 400 : index
          %parallel_loop3A_432 = tpu.vector_load %arg8[%parallel_loop3A_430, %parallel_loop3A_431] {strides = array<i32>} : memref<32x1024xf32, #tpu.memory_space<vmem>>, vector<1x16xf32>,
          %parallel_loop3A_433 = vector.shape_cast %parallel_loop3A_432 : vector<1x16xf32> to vector<16xf32>
          %parallel_loop3A_434 = vector.shape_cast %parallel_loop3A_429 : vector<16xf32> to vector<1x16xf32>
          tpu.vector_store %arg8[%parallel_loop3A_430, %parallel_loop3A_431], %parallel_loop3A_434 {strides = array<i32>} : memref<32x1024xf32, #tpu.memory_space<vmem>>, vector<1x16xf32>,
          %parallel_loop3A_435 = arith.index_cast %parallel_loop3A_122 : i32 to index
          %parallel_loop3A_436 = arith.constant 416 : index
          %parallel_loop3A_437 = tpu.vector_load %arg8[%parallel_loop3A_435, %parallel_loop3A_436] {strides = array<i32>} : memref<32x1024xf32, #tpu.memory_space<vmem>>, vector<1x16xf32>,
          %parallel_loop3A_438 = vector.shape_cast %parallel_loop3A_437 : vector<1x16xf32> to vector<16xf32>
          %parallel_loop3A_439 = arith.constant 3.200000e+01 : f32
          %parallel_loop3A_440 = vector.broadcast %parallel_loop3A_439 : f32 to vector<16xf32>
          %parallel_loop3A_441 = arith.mulf %parallel_loop3A_438, %parallel_loop3A_440 : vector<16xf32>
          %parallel_loop3A_442 = arith.index_cast %parallel_loop3A_122 : i32 to index
          %parallel_loop3A_443 = arith.constant 416 : index
          %parallel_loop3A_444 = tpu.vector_load %arg8[%parallel_loop3A_442, %parallel_loop3A_443] {strides = array<i32>} : memref<32x1024xf32, #tpu.memory_space<vmem>>, vector<1x16xf32>,
          %parallel_loop3A_445 = vector.shape_cast %parallel_loop3A_444 : vector<1x16xf32> to vector<16xf32>
          %parallel_loop3A_446 = vector.shape_cast %parallel_loop3A_441 : vector<16xf32> to vector<1x16xf32>
          tpu.vector_store %arg8[%parallel_loop3A_442, %parallel_loop3A_443], %parallel_loop3A_446 {strides = array<i32>} : memref<32x1024xf32, #tpu.memory_space<vmem>>, vector<1x16xf32>,
          %parallel_loop3A_447 = arith.index_cast %parallel_loop3A_122 : i32 to index
          %parallel_loop3A_448 = arith.constant 432 : index
          %parallel_loop3A_449 = tpu.vector_load %arg8[%parallel_loop3A_447, %parallel_loop3A_448] {strides = array<i32>} : memref<32x1024xf32, #tpu.memory_space<vmem>>, vector<1x16xf32>,
          %parallel_loop3A_450 = vector.shape_cast %parallel_loop3A_449 : vector<1x16xf32> to vector<16xf32>
          %parallel_loop3A_451 = arith.constant 3.200000e+01 : f32
          %parallel_loop3A_452 = vector.broadcast %parallel_loop3A_451 : f32 to vector<16xf32>
          %parallel_loop3A_453 = arith.mulf %parallel_loop3A_450, %parallel_loop3A_452 : vector<16xf32>
          %parallel_loop3A_454 = arith.index_cast %parallel_loop3A_122 : i32 to index
          %parallel_loop3A_455 = arith.constant 432 : index
          %parallel_loop3A_456 = tpu.vector_load %arg8[%parallel_loop3A_454, %parallel_loop3A_455] {strides = array<i32>} : memref<32x1024xf32, #tpu.memory_space<vmem>>, vector<1x16xf32>,
          %parallel_loop3A_457 = vector.shape_cast %parallel_loop3A_456 : vector<1x16xf32> to vector<16xf32>
          %parallel_loop3A_458 = vector.shape_cast %parallel_loop3A_453 : vector<16xf32> to vector<1x16xf32>
          tpu.vector_store %arg8[%parallel_loop3A_454, %parallel_loop3A_455], %parallel_loop3A_458 {strides = array<i32>} : memref<32x1024xf32, #tpu.memory_space<vmem>>, vector<1x16xf32>,
          %parallel_loop3A_459 = arith.index_cast %parallel_loop3A_122 : i32 to index
          %parallel_loop3A_460 = arith.constant 448 : index
          %parallel_loop3A_461 = tpu.vector_load %arg8[%parallel_loop3A_459, %parallel_loop3A_460] {strides = array<i32>} : memref<32x1024xf32, #tpu.memory_space<vmem>>, vector<1x16xf32>,
          %parallel_loop3A_462 = vector.shape_cast %parallel_loop3A_461 : vector<1x16xf32> to vector<16xf32>
          %parallel_loop3A_463 = arith.constant 3.200000e+01 : f32
          %parallel_loop3A_464 = vector.broadcast %parallel_loop3A_463 : f32 to vector<16xf32>
          %parallel_loop3A_465 = arith.mulf %parallel_loop3A_462, %parallel_loop3A_464 : vector<16xf32>
          %parallel_loop3A_466 = arith.index_cast %parallel_loop3A_122 : i32 to index
          %parallel_loop3A_467 = arith.constant 448 : index
          %parallel_loop3A_468 = tpu.vector_load %arg8[%parallel_loop3A_466, %parallel_loop3A_467] {strides = array<i32>} : memref<32x1024xf32, #tpu.memory_space<vmem>>, vector<1x16xf32>,
          %parallel_loop3A_469 = vector.shape_cast %parallel_loop3A_468 : vector<1x16xf32> to vector<16xf32>
          %parallel_loop3A_470 = vector.shape_cast %parallel_loop3A_465 : vector<16xf32> to vector<1x16xf32>
          tpu.vector_store %arg8[%parallel_loop3A_466, %parallel_loop3A_467], %parallel_loop3A_470 {strides = array<i32>} : memref<32x1024xf32, #tpu.memory_space<vmem>>, vector<1x16xf32>,
          %parallel_loop3A_471 = arith.index_cast %parallel_loop3A_122 : i32 to index
          %parallel_loop3A_472 = arith.constant 464 : index
          %parallel_loop3A_473 = tpu.vector_load %arg8[%parallel_loop3A_471, %parallel_loop3A_472] {strides = array<i32>} : memref<32x1024xf32, #tpu.memory_space<vmem>>, vector<1x16xf32>,
          %parallel_loop3A_474 = vector.shape_cast %parallel_loop3A_473 : vector<1x16xf32> to vector<16xf32>
          %parallel_loop3A_475 = arith.constant 3.200000e+01 : f32
          %parallel_loop3A_476 = vector.broadcast %parallel_loop3A_475 : f32 to vector<16xf32>
          %parallel_loop3A_477 = arith.mulf %parallel_loop3A_474, %parallel_loop3A_476 : vector<16xf32>
          %parallel_loop3A_478 = arith.index_cast %parallel_loop3A_122 : i32 to index
          %parallel_loop3A_479 = arith.constant 464 : index
          %parallel_loop3A_480 = tpu.vector_load %arg8[%parallel_loop3A_478, %parallel_loop3A_479] {strides = array<i32>} : memref<32x1024xf32, #tpu.memory_space<vmem>>, vector<1x16xf32>,
          %parallel_loop3A_481 = vector.shape_cast %parallel_loop3A_480 : vector<1x16xf32> to vector<16xf32>
          %parallel_loop3A_482 = vector.shape_cast %parallel_loop3A_477 : vector<16xf32> to vector<1x16xf32>
          tpu.vector_store %arg8[%parallel_loop3A_478, %parallel_loop3A_479], %parallel_loop3A_482 {strides = array<i32>} : memref<32x1024xf32, #tpu.memory_space<vmem>>, vector<1x16xf32>,
          %parallel_loop3A_483 = arith.index_cast %parallel_loop3A_122 : i32 to index
          %parallel_loop3A_484 = arith.constant 480 : index
          %parallel_loop3A_485 = tpu.vector_load %arg8[%parallel_loop3A_483, %parallel_loop3A_484] {strides = array<i32>} : memref<32x1024xf32, #tpu.memory_space<vmem>>, vector<1x16xf32>,
          %parallel_loop3A_486 = vector.shape_cast %parallel_loop3A_485 : vector<1x16xf32> to vector<16xf32>
          %parallel_loop3A_487 = arith.constant 3.200000e+01 : f32
          %parallel_loop3A_488 = vector.broadcast %parallel_loop3A_487 : f32 to vector<16xf32>
          %parallel_loop3A_489 = arith.mulf %parallel_loop3A_486, %parallel_loop3A_488 : vector<16xf32>
          %parallel_loop3A_490 = arith.index_cast %parallel_loop3A_122 : i32 to index
          %parallel_loop3A_491 = arith.constant 480 : index
          %parallel_loop3A_492 = tpu.vector_load %arg8[%parallel_loop3A_490, %parallel_loop3A_491] {strides = array<i32>} : memref<32x1024xf32, #tpu.memory_space<vmem>>, vector<1x16xf32>,
          %parallel_loop3A_493 = vector.shape_cast %parallel_loop3A_492 : vector<1x16xf32> to vector<16xf32>
          %parallel_loop3A_494 = vector.shape_cast %parallel_loop3A_489 : vector<16xf32> to vector<1x16xf32>
          tpu.vector_store %arg8[%parallel_loop3A_490, %parallel_loop3A_491], %parallel_loop3A_494 {strides = array<i32>} : memref<32x1024xf32, #tpu.memory_space<vmem>>, vector<1x16xf32>,
          %parallel_loop3A_495 = arith.index_cast %parallel_loop3A_122 : i32 to index
          %parallel_loop3A_496 = arith.constant 496 : index
          %parallel_loop3A_497 = tpu.vector_load %arg8[%parallel_loop3A_495, %parallel_loop3A_496] {strides = array<i32>} : memref<32x1024xf32, #tpu.memory_space<vmem>>, vector<1x16xf32>,
          %parallel_loop3A_498 = vector.shape_cast %parallel_loop3A_497 : vector<1x16xf32> to vector<16xf32>
          %parallel_loop3A_499 = arith.constant 3.200000e+01 : f32
          %parallel_loop3A_500 = vector.broadcast %parallel_loop3A_499 : f32 to vector<16xf32>
          %parallel_loop3A_501 = arith.mulf %parallel_loop3A_498, %parallel_loop3A_500 : vector<16xf32>
          %parallel_loop3A_502 = arith.index_cast %parallel_loop3A_122 : i32 to index
          %parallel_loop3A_503 = arith.constant 496 : index
          %parallel_loop3A_504 = tpu.vector_load %arg8[%parallel_loop3A_502, %parallel_loop3A_503] {strides = array<i32>} : memref<32x1024xf32, #tpu.memory_space<vmem>>, vector<1x16xf32>,
          %parallel_loop3A_505 = vector.shape_cast %parallel_loop3A_504 : vector<1x16xf32> to vector<16xf32>
          %parallel_loop3A_506 = vector.shape_cast %parallel_loop3A_501 : vector<16xf32> to vector<1x16xf32>
          tpu.vector_store %arg8[%parallel_loop3A_502, %parallel_loop3A_503], %parallel_loop3A_506 {strides = array<i32>} : memref<32x1024xf32, #tpu.memory_space<vmem>>, vector<1x16xf32>,
          %parallel_loop3A_507 = arith.index_cast %parallel_loop3A_122 : i32 to index
          %parallel_loop3A_508 = arith.constant 512 : index
          %parallel_loop3A_509 = tpu.vector_load %arg8[%parallel_loop3A_507, %parallel_loop3A_508] {strides = array<i32>} : memref<32x1024xf32, #tpu.memory_space<vmem>>, vector<1x16xf32>,
          %parallel_loop3A_510 = vector.shape_cast %parallel_loop3A_509 : vector<1x16xf32> to vector<16xf32>
          %parallel_loop3A_511 = arith.constant 3.200000e+01 : f32
          %parallel_loop3A_512 = vector.broadcast %parallel_loop3A_511 : f32 to vector<16xf32>
          %parallel_loop3A_513 = arith.mulf %parallel_loop3A_510, %parallel_loop3A_512 : vector<16xf32>
          %parallel_loop3A_514 = arith.index_cast %parallel_loop3A_122 : i32 to index
          %parallel_loop3A_515 = arith.constant 512 : index
          %parallel_loop3A_516 = tpu.vector_load %arg8[%parallel_loop3A_514, %parallel_loop3A_515] {strides = array<i32>} : memref<32x1024xf32, #tpu.memory_space<vmem>>, vector<1x16xf32>,
          %parallel_loop3A_517 = vector.shape_cast %parallel_loop3A_516 : vector<1x16xf32> to vector<16xf32>
          %parallel_loop3A_518 = vector.shape_cast %parallel_loop3A_513 : vector<16xf32> to vector<1x16xf32>
          tpu.vector_store %arg8[%parallel_loop3A_514, %parallel_loop3A_515], %parallel_loop3A_518 {strides = array<i32>} : memref<32x1024xf32, #tpu.memory_space<vmem>>, vector<1x16xf32>,
          %parallel_loop3A_519 = arith.index_cast %parallel_loop3A_122 : i32 to index
          %parallel_loop3A_520 = arith.constant 528 : index
          %parallel_loop3A_521 = tpu.vector_load %arg8[%parallel_loop3A_519, %parallel_loop3A_520] {strides = array<i32>} : memref<32x1024xf32, #tpu.memory_space<vmem>>, vector<1x16xf32>,
          %parallel_loop3A_522 = vector.shape_cast %parallel_loop3A_521 : vector<1x16xf32> to vector<16xf32>
          %parallel_loop3A_523 = arith.constant 3.200000e+01 : f32
          %parallel_loop3A_524 = vector.broadcast %parallel_loop3A_523 : f32 to vector<16xf32>
          %parallel_loop3A_525 = arith.mulf %parallel_loop3A_522, %parallel_loop3A_524 : vector<16xf32>
          %parallel_loop3A_526 = arith.index_cast %parallel_loop3A_122 : i32 to index
          %parallel_loop3A_527 = arith.constant 528 : index
          %parallel_loop3A_528 = tpu.vector_load %arg8[%parallel_loop3A_526, %parallel_loop3A_527] {strides = array<i32>} : memref<32x1024xf32, #tpu.memory_space<vmem>>, vector<1x16xf32>,
          %parallel_loop3A_529 = vector.shape_cast %parallel_loop3A_528 : vector<1x16xf32> to vector<16xf32>
          %parallel_loop3A_530 = vector.shape_cast %parallel_loop3A_525 : vector<16xf32> to vector<1x16xf32>
          tpu.vector_store %arg8[%parallel_loop3A_526, %parallel_loop3A_527], %parallel_loop3A_530 {strides = array<i32>} : memref<32x1024xf32, #tpu.memory_space<vmem>>, vector<1x16xf32>,
          %parallel_loop3A_531 = arith.index_cast %parallel_loop3A_122 : i32 to index
          %parallel_loop3A_532 = arith.constant 544 : index
          %parallel_loop3A_533 = tpu.vector_load %arg8[%parallel_loop3A_531, %parallel_loop3A_532] {strides = array<i32>} : memref<32x1024xf32, #tpu.memory_space<vmem>>, vector<1x16xf32>,
          %parallel_loop3A_534 = vector.shape_cast %parallel_loop3A_533 : vector<1x16xf32> to vector<16xf32>
          %parallel_loop3A_535 = arith.constant 3.200000e+01 : f32
          %parallel_loop3A_536 = vector.broadcast %parallel_loop3A_535 : f32 to vector<16xf32>
          %parallel_loop3A_537 = arith.mulf %parallel_loop3A_534, %parallel_loop3A_536 : vector<16xf32>
          %parallel_loop3A_538 = arith.index_cast %parallel_loop3A_122 : i32 to index
          %parallel_loop3A_539 = arith.constant 544 : index
          %parallel_loop3A_540 = tpu.vector_load %arg8[%parallel_loop3A_538, %parallel_loop3A_539] {strides = array<i32>} : memref<32x1024xf32, #tpu.memory_space<vmem>>, vector<1x16xf32>,
          %parallel_loop3A_541 = vector.shape_cast %parallel_loop3A_540 : vector<1x16xf32> to vector<16xf32>
          %parallel_loop3A_542 = vector.shape_cast %parallel_loop3A_537 : vector<16xf32> to vector<1x16xf32>
          tpu.vector_store %arg8[%parallel_loop3A_538, %parallel_loop3A_539], %parallel_loop3A_542 {strides = array<i32>} : memref<32x1024xf32, #tpu.memory_space<vmem>>, vector<1x16xf32>,
          %parallel_loop3A_543 = arith.index_cast %parallel_loop3A_122 : i32 to index
          %parallel_loop3A_544 = arith.constant 560 : index
          %parallel_loop3A_545 = tpu.vector_load %arg8[%parallel_loop3A_543, %parallel_loop3A_544] {strides = array<i32>} : memref<32x1024xf32, #tpu.memory_space<vmem>>, vector<1x16xf32>,
          %parallel_loop3A_546 = vector.shape_cast %parallel_loop3A_545 : vector<1x16xf32> to vector<16xf32>
          %parallel_loop3A_547 = arith.constant 3.200000e+01 : f32
          %parallel_loop3A_548 = vector.broadcast %parallel_loop3A_547 : f32 to vector<16xf32>
          %parallel_loop3A_549 = arith.mulf %parallel_loop3A_546, %parallel_loop3A_548 : vector<16xf32>
          %parallel_loop3A_550 = arith.index_cast %parallel_loop3A_122 : i32 to index
          %parallel_loop3A_551 = arith.constant 560 : index
          %parallel_loop3A_552 = tpu.vector_load %arg8[%parallel_loop3A_550, %parallel_loop3A_551] {strides = array<i32>} : memref<32x1024xf32, #tpu.memory_space<vmem>>, vector<1x16xf32>,
          %parallel_loop3A_553 = vector.shape_cast %parallel_loop3A_552 : vector<1x16xf32> to vector<16xf32>
          %parallel_loop3A_554 = vector.shape_cast %parallel_loop3A_549 : vector<16xf32> to vector<1x16xf32>
          tpu.vector_store %arg8[%parallel_loop3A_550, %parallel_loop3A_551], %parallel_loop3A_554 {strides = array<i32>} : memref<32x1024xf32, #tpu.memory_space<vmem>>, vector<1x16xf32>,
          %parallel_loop3A_555 = arith.index_cast %parallel_loop3A_122 : i32 to index
          %parallel_loop3A_556 = arith.constant 576 : index
          %parallel_loop3A_557 = tpu.vector_load %arg8[%parallel_loop3A_555, %parallel_loop3A_556] {strides = array<i32>} : memref<32x1024xf32, #tpu.memory_space<vmem>>, vector<1x16xf32>,
          %parallel_loop3A_558 = vector.shape_cast %parallel_loop3A_557 : vector<1x16xf32> to vector<16xf32>
          %parallel_loop3A_559 = arith.constant 3.200000e+01 : f32
          %parallel_loop3A_560 = vector.broadcast %parallel_loop3A_559 : f32 to vector<16xf32>
          %parallel_loop3A_561 = arith.mulf %parallel_loop3A_558, %parallel_loop3A_560 : vector<16xf32>
          %parallel_loop3A_562 = arith.index_cast %parallel_loop3A_122 : i32 to index
          %parallel_loop3A_563 = arith.constant 576 : index
          %parallel_loop3A_564 = tpu.vector_load %arg8[%parallel_loop3A_562, %parallel_loop3A_563] {strides = array<i32>} : memref<32x1024xf32, #tpu.memory_space<vmem>>, vector<1x16xf32>,
          %parallel_loop3A_565 = vector.shape_cast %parallel_loop3A_564 : vector<1x16xf32> to vector<16xf32>
          %parallel_loop3A_566 = vector.shape_cast %parallel_loop3A_561 : vector<16xf32> to vector<1x16xf32>
          tpu.vector_store %arg8[%parallel_loop3A_562, %parallel_loop3A_563], %parallel_loop3A_566 {strides = array<i32>} : memref<32x1024xf32, #tpu.memory_space<vmem>>, vector<1x16xf32>,
          %parallel_loop3A_567 = arith.index_cast %parallel_loop3A_122 : i32 to index
          %parallel_loop3A_568 = arith.constant 592 : index
          %parallel_loop3A_569 = tpu.vector_load %arg8[%parallel_loop3A_567, %parallel_loop3A_568] {strides = array<i32>} : memref<32x1024xf32, #tpu.memory_space<vmem>>, vector<1x16xf32>,
          %parallel_loop3A_570 = vector.shape_cast %parallel_loop3A_569 : vector<1x16xf32> to vector<16xf32>
          %parallel_loop3A_571 = arith.constant 3.200000e+01 : f32
          %parallel_loop3A_572 = vector.broadcast %parallel_loop3A_571 : f32 to vector<16xf32>
          %parallel_loop3A_573 = arith.mulf %parallel_loop3A_570, %parallel_loop3A_572 : vector<16xf32>
          %parallel_loop3A_574 = arith.index_cast %parallel_loop3A_122 : i32 to index
          %parallel_loop3A_575 = arith.constant 592 : index
          %parallel_loop3A_576 = tpu.vector_load %arg8[%parallel_loop3A_574, %parallel_loop3A_575] {strides = array<i32>} : memref<32x1024xf32, #tpu.memory_space<vmem>>, vector<1x16xf32>,
          %parallel_loop3A_577 = vector.shape_cast %parallel_loop3A_576 : vector<1x16xf32> to vector<16xf32>
          %parallel_loop3A_578 = vector.shape_cast %parallel_loop3A_573 : vector<16xf32> to vector<1x16xf32>
          tpu.vector_store %arg8[%parallel_loop3A_574, %parallel_loop3A_575], %parallel_loop3A_578 {strides = array<i32>} : memref<32x1024xf32, #tpu.memory_space<vmem>>, vector<1x16xf32>,
          %parallel_loop3A_579 = arith.index_cast %parallel_loop3A_122 : i32 to index
          %parallel_loop3A_580 = arith.constant 608 : index
          %parallel_loop3A_581 = tpu.vector_load %arg8[%parallel_loop3A_579, %parallel_loop3A_580] {strides = array<i32>} : memref<32x1024xf32, #tpu.memory_space<vmem>>, vector<1x16xf32>,
          %parallel_loop3A_582 = vector.shape_cast %parallel_loop3A_581 : vector<1x16xf32> to vector<16xf32>
          %parallel_loop3A_583 = arith.constant 3.200000e+01 : f32
          %parallel_loop3A_584 = vector.broadcast %parallel_loop3A_583 : f32 to vector<16xf32>
          %parallel_loop3A_585 = arith.mulf %parallel_loop3A_582, %parallel_loop3A_584 : vector<16xf32>
          %parallel_loop3A_586 = arith.index_cast %parallel_loop3A_122 : i32 to index
          %parallel_loop3A_587 = arith.constant 608 : index
          %parallel_loop3A_588 = tpu.vector_load %arg8[%parallel_loop3A_586, %parallel_loop3A_587] {strides = array<i32>} : memref<32x1024xf32, #tpu.memory_space<vmem>>, vector<1x16xf32>,
          %parallel_loop3A_589 = vector.shape_cast %parallel_loop3A_588 : vector<1x16xf32> to vector<16xf32>
          %parallel_loop3A_590 = vector.shape_cast %parallel_loop3A_585 : vector<16xf32> to vector<1x16xf32>
          tpu.vector_store %arg8[%parallel_loop3A_586, %parallel_loop3A_587], %parallel_loop3A_590 {strides = array<i32>} : memref<32x1024xf32, #tpu.memory_space<vmem>>, vector<1x16xf32>,
          %parallel_loop3A_591 = arith.index_cast %parallel_loop3A_122 : i32 to index
          %parallel_loop3A_592 = arith.constant 624 : index
          %parallel_loop3A_593 = tpu.vector_load %arg8[%parallel_loop3A_591, %parallel_loop3A_592] {strides = array<i32>} : memref<32x1024xf32, #tpu.memory_space<vmem>>, vector<1x16xf32>,
          %parallel_loop3A_594 = vector.shape_cast %parallel_loop3A_593 : vector<1x16xf32> to vector<16xf32>
          %parallel_loop3A_595 = arith.constant 3.200000e+01 : f32
          %parallel_loop3A_596 = vector.broadcast %parallel_loop3A_595 : f32 to vector<16xf32>
          %parallel_loop3A_597 = arith.mulf %parallel_loop3A_594, %parallel_loop3A_596 : vector<16xf32>
          %parallel_loop3A_598 = arith.index_cast %parallel_loop3A_122 : i32 to index
          %parallel_loop3A_599 = arith.constant 624 : index
          %parallel_loop3A_600 = tpu.vector_load %arg8[%parallel_loop3A_598, %parallel_loop3A_599] {strides = array<i32>} : memref<32x1024xf32, #tpu.memory_space<vmem>>, vector<1x16xf32>,
          %parallel_loop3A_601 = vector.shape_cast %parallel_loop3A_600 : vector<1x16xf32> to vector<16xf32>
          %parallel_loop3A_602 = vector.shape_cast %parallel_loop3A_597 : vector<16xf32> to vector<1x16xf32>
          tpu.vector_store %arg8[%parallel_loop3A_598, %parallel_loop3A_599], %parallel_loop3A_602 {strides = array<i32>} : memref<32x1024xf32, #tpu.memory_space<vmem>>, vector<1x16xf32>,
          %parallel_loop3A_603 = arith.index_cast %parallel_loop3A_122 : i32 to index
          %parallel_loop3A_604 = arith.constant 640 : index
          %parallel_loop3A_605 = tpu.vector_load %arg8[%parallel_loop3A_603, %parallel_loop3A_604] {strides = array<i32>} : memref<32x1024xf32, #tpu.memory_space<vmem>>, vector<1x16xf32>,
          %parallel_loop3A_606 = vector.shape_cast %parallel_loop3A_605 : vector<1x16xf32> to vector<16xf32>
          %parallel_loop3A_607 = arith.constant 3.200000e+01 : f32
          %parallel_loop3A_608 = vector.broadcast %parallel_loop3A_607 : f32 to vector<16xf32>
          %parallel_loop3A_609 = arith.mulf %parallel_loop3A_606, %parallel_loop3A_608 : vector<16xf32>
          %parallel_loop3A_610 = arith.index_cast %parallel_loop3A_122 : i32 to index
          %parallel_loop3A_611 = arith.constant 640 : index
          %parallel_loop3A_612 = tpu.vector_load %arg8[%parallel_loop3A_610, %parallel_loop3A_611] {strides = array<i32>} : memref<32x1024xf32, #tpu.memory_space<vmem>>, vector<1x16xf32>,
          %parallel_loop3A_613 = vector.shape_cast %parallel_loop3A_612 : vector<1x16xf32> to vector<16xf32>
          %parallel_loop3A_614 = vector.shape_cast %parallel_loop3A_609 : vector<16xf32> to vector<1x16xf32>
          tpu.vector_store %arg8[%parallel_loop3A_610, %parallel_loop3A_611], %parallel_loop3A_614 {strides = array<i32>} : memref<32x1024xf32, #tpu.memory_space<vmem>>, vector<1x16xf32>,
          %parallel_loop3A_615 = arith.index_cast %parallel_loop3A_122 : i32 to index
          %parallel_loop3A_616 = arith.constant 656 : index
          %parallel_loop3A_617 = tpu.vector_load %arg8[%parallel_loop3A_615, %parallel_loop3A_616] {strides = array<i32>} : memref<32x1024xf32, #tpu.memory_space<vmem>>, vector<1x16xf32>,
          %parallel_loop3A_618 = vector.shape_cast %parallel_loop3A_617 : vector<1x16xf32> to vector<16xf32>
          %parallel_loop3A_619 = arith.constant 3.200000e+01 : f32
          %parallel_loop3A_620 = vector.broadcast %parallel_loop3A_619 : f32 to vector<16xf32>
          %parallel_loop3A_621 = arith.mulf %parallel_loop3A_618, %parallel_loop3A_620 : vector<16xf32>
          %parallel_loop3A_622 = arith.index_cast %parallel_loop3A_122 : i32 to index
          %parallel_loop3A_623 = arith.constant 656 : index
          %parallel_loop3A_624 = tpu.vector_load %arg8[%parallel_loop3A_622, %parallel_loop3A_623] {strides = array<i32>} : memref<32x1024xf32, #tpu.memory_space<vmem>>, vector<1x16xf32>,
          %parallel_loop3A_625 = vector.shape_cast %parallel_loop3A_624 : vector<1x16xf32> to vector<16xf32>
          %parallel_loop3A_626 = vector.shape_cast %parallel_loop3A_621 : vector<16xf32> to vector<1x16xf32>
          tpu.vector_store %arg8[%parallel_loop3A_622, %parallel_loop3A_623], %parallel_loop3A_626 {strides = array<i32>} : memref<32x1024xf32, #tpu.memory_space<vmem>>, vector<1x16xf32>,
          %parallel_loop3A_627 = arith.index_cast %parallel_loop3A_122 : i32 to index
          %parallel_loop3A_628 = arith.constant 672 : index
          %parallel_loop3A_629 = tpu.vector_load %arg8[%parallel_loop3A_627, %parallel_loop3A_628] {strides = array<i32>} : memref<32x1024xf32, #tpu.memory_space<vmem>>, vector<1x16xf32>,
          %parallel_loop3A_630 = vector.shape_cast %parallel_loop3A_629 : vector<1x16xf32> to vector<16xf32>
          %parallel_loop3A_631 = arith.constant 3.200000e+01 : f32
          %parallel_loop3A_632 = vector.broadcast %parallel_loop3A_631 : f32 to vector<16xf32>
          %parallel_loop3A_633 = arith.mulf %parallel_loop3A_630, %parallel_loop3A_632 : vector<16xf32>
          %parallel_loop3A_634 = arith.index_cast %parallel_loop3A_122 : i32 to index
          %parallel_loop3A_635 = arith.constant 672 : index
          %parallel_loop3A_636 = tpu.vector_load %arg8[%parallel_loop3A_634, %parallel_loop3A_635] {strides = array<i32>} : memref<32x1024xf32, #tpu.memory_space<vmem>>, vector<1x16xf32>,
          %parallel_loop3A_637 = vector.shape_cast %parallel_loop3A_636 : vector<1x16xf32> to vector<16xf32>
          %parallel_loop3A_638 = vector.shape_cast %parallel_loop3A_633 : vector<16xf32> to vector<1x16xf32>
          tpu.vector_store %arg8[%parallel_loop3A_634, %parallel_loop3A_635], %parallel_loop3A_638 {strides = array<i32>} : memref<32x1024xf32, #tpu.memory_space<vmem>>, vector<1x16xf32>,
          %parallel_loop3A_639 = arith.index_cast %parallel_loop3A_122 : i32 to index
          %parallel_loop3A_640 = arith.constant 688 : index
          %parallel_loop3A_641 = tpu.vector_load %arg8[%parallel_loop3A_639, %parallel_loop3A_640] {strides = array<i32>} : memref<32x1024xf32, #tpu.memory_space<vmem>>, vector<1x16xf32>,
          %parallel_loop3A_642 = vector.shape_cast %parallel_loop3A_641 : vector<1x16xf32> to vector<16xf32>
          %parallel_loop3A_643 = arith.constant 3.200000e+01 : f32
          %parallel_loop3A_644 = vector.broadcast %parallel_loop3A_643 : f32 to vector<16xf32>
          %parallel_loop3A_645 = arith.mulf %parallel_loop3A_642, %parallel_loop3A_644 : vector<16xf32>
          %parallel_loop3A_646 = arith.index_cast %parallel_loop3A_122 : i32 to index
          %parallel_loop3A_647 = arith.constant 688 : index
          %parallel_loop3A_648 = tpu.vector_load %arg8[%parallel_loop3A_646, %parallel_loop3A_647] {strides = array<i32>} : memref<32x1024xf32, #tpu.memory_space<vmem>>, vector<1x16xf32>,
          %parallel_loop3A_649 = vector.shape_cast %parallel_loop3A_648 : vector<1x16xf32> to vector<16xf32>
          %parallel_loop3A_650 = vector.shape_cast %parallel_loop3A_645 : vector<16xf32> to vector<1x16xf32>
          tpu.vector_store %arg8[%parallel_loop3A_646, %parallel_loop3A_647], %parallel_loop3A_650 {strides = array<i32>} : memref<32x1024xf32, #tpu.memory_space<vmem>>, vector<1x16xf32>,
          %parallel_loop3A_651 = arith.index_cast %parallel_loop3A_122 : i32 to index
          %parallel_loop3A_652 = arith.constant 704 : index
          %parallel_loop3A_653 = tpu.vector_load %arg8[%parallel_loop3A_651, %parallel_loop3A_652] {strides = array<i32>} : memref<32x1024xf32, #tpu.memory_space<vmem>>, vector<1x16xf32>,
          %parallel_loop3A_654 = vector.shape_cast %parallel_loop3A_653 : vector<1x16xf32> to vector<16xf32>
          %parallel_loop3A_655 = arith.constant 3.200000e+01 : f32
          %parallel_loop3A_656 = vector.broadcast %parallel_loop3A_655 : f32 to vector<16xf32>
          %parallel_loop3A_657 = arith.mulf %parallel_loop3A_654, %parallel_loop3A_656 : vector<16xf32>
          %parallel_loop3A_658 = arith.index_cast %parallel_loop3A_122 : i32 to index
          %parallel_loop3A_659 = arith.constant 704 : index
          %parallel_loop3A_660 = tpu.vector_load %arg8[%parallel_loop3A_658, %parallel_loop3A_659] {strides = array<i32>} : memref<32x1024xf32, #tpu.memory_space<vmem>>, vector<1x16xf32>,
          %parallel_loop3A_661 = vector.shape_cast %parallel_loop3A_660 : vector<1x16xf32> to vector<16xf32>
          %parallel_loop3A_662 = vector.shape_cast %parallel_loop3A_657 : vector<16xf32> to vector<1x16xf32>
          tpu.vector_store %arg8[%parallel_loop3A_658, %parallel_loop3A_659], %parallel_loop3A_662 {strides = array<i32>} : memref<32x1024xf32, #tpu.memory_space<vmem>>, vector<1x16xf32>,
          %parallel_loop3A_663 = arith.index_cast %parallel_loop3A_122 : i32 to index
          %parallel_loop3A_664 = arith.constant 720 : index
          %parallel_loop3A_665 = tpu.vector_load %arg8[%parallel_loop3A_663, %parallel_loop3A_664] {strides = array<i32>} : memref<32x1024xf32, #tpu.memory_space<vmem>>, vector<1x16xf32>,
          %parallel_loop3A_666 = vector.shape_cast %parallel_loop3A_665 : vector<1x16xf32> to vector<16xf32>
          %parallel_loop3A_667 = arith.constant 3.200000e+01 : f32
          %parallel_loop3A_668 = vector.broadcast %parallel_loop3A_667 : f32 to vector<16xf32>
          %parallel_loop3A_669 = arith.mulf %parallel_loop3A_666, %parallel_loop3A_668 : vector<16xf32>
          %parallel_loop3A_670 = arith.index_cast %parallel_loop3A_122 : i32 to index
          %parallel_loop3A_671 = arith.constant 720 : index
          %parallel_loop3A_672 = tpu.vector_load %arg8[%parallel_loop3A_670, %parallel_loop3A_671] {strides = array<i32>} : memref<32x1024xf32, #tpu.memory_space<vmem>>, vector<1x16xf32>,
          %parallel_loop3A_673 = vector.shape_cast %parallel_loop3A_672 : vector<1x16xf32> to vector<16xf32>
          %parallel_loop3A_674 = vector.shape_cast %parallel_loop3A_669 : vector<16xf32> to vector<1x16xf32>
          tpu.vector_store %arg8[%parallel_loop3A_670, %parallel_loop3A_671], %parallel_loop3A_674 {strides = array<i32>} : memref<32x1024xf32, #tpu.memory_space<vmem>>, vector<1x16xf32>,
          %parallel_loop3A_675 = arith.index_cast %parallel_loop3A_122 : i32 to index
          %parallel_loop3A_676 = arith.constant 736 : index
          %parallel_loop3A_677 = tpu.vector_load %arg8[%parallel_loop3A_675, %parallel_loop3A_676] {strides = array<i32>} : memref<32x1024xf32, #tpu.memory_space<vmem>>, vector<1x16xf32>,
          %parallel_loop3A_678 = vector.shape_cast %parallel_loop3A_677 : vector<1x16xf32> to vector<16xf32>
          %parallel_loop3A_679 = arith.constant 3.200000e+01 : f32
          %parallel_loop3A_680 = vector.broadcast %parallel_loop3A_679 : f32 to vector<16xf32>
          %parallel_loop3A_681 = arith.mulf %parallel_loop3A_678, %parallel_loop3A_680 : vector<16xf32>
          %parallel_loop3A_682 = arith.index_cast %parallel_loop3A_122 : i32 to index
          %parallel_loop3A_683 = arith.constant 736 : index
          %parallel_loop3A_684 = tpu.vector_load %arg8[%parallel_loop3A_682, %parallel_loop3A_683] {strides = array<i32>} : memref<32x1024xf32, #tpu.memory_space<vmem>>, vector<1x16xf32>,
          %parallel_loop3A_685 = vector.shape_cast %parallel_loop3A_684 : vector<1x16xf32> to vector<16xf32>
          %parallel_loop3A_686 = vector.shape_cast %parallel_loop3A_681 : vector<16xf32> to vector<1x16xf32>
          tpu.vector_store %arg8[%parallel_loop3A_682, %parallel_loop3A_683], %parallel_loop3A_686 {strides = array<i32>} : memref<32x1024xf32, #tpu.memory_space<vmem>>, vector<1x16xf32>,
          %parallel_loop3A_687 = arith.index_cast %parallel_loop3A_122 : i32 to index
          %parallel_loop3A_688 = arith.constant 752 : index
          %parallel_loop3A_689 = tpu.vector_load %arg8[%parallel_loop3A_687, %parallel_loop3A_688] {strides = array<i32>} : memref<32x1024xf32, #tpu.memory_space<vmem>>, vector<1x16xf32>,
          %parallel_loop3A_690 = vector.shape_cast %parallel_loop3A_689 : vector<1x16xf32> to vector<16xf32>
          %parallel_loop3A_691 = arith.constant 3.200000e+01 : f32
          %parallel_loop3A_692 = vector.broadcast %parallel_loop3A_691 : f32 to vector<16xf32>
          %parallel_loop3A_693 = arith.mulf %parallel_loop3A_690, %parallel_loop3A_692 : vector<16xf32>
          %parallel_loop3A_694 = arith.index_cast %parallel_loop3A_122 : i32 to index
          %parallel_loop3A_695 = arith.constant 752 : index
          %parallel_loop3A_696 = tpu.vector_load %arg8[%parallel_loop3A_694, %parallel_loop3A_695] {strides = array<i32>} : memref<32x1024xf32, #tpu.memory_space<vmem>>, vector<1x16xf32>,
          %parallel_loop3A_697 = vector.shape_cast %parallel_loop3A_696 : vector<1x16xf32> to vector<16xf32>
          %parallel_loop3A_698 = vector.shape_cast %parallel_loop3A_693 : vector<16xf32> to vector<1x16xf32>
          tpu.vector_store %arg8[%parallel_loop3A_694, %parallel_loop3A_695], %parallel_loop3A_698 {strides = array<i32>} : memref<32x1024xf32, #tpu.memory_space<vmem>>, vector<1x16xf32>,
          %parallel_loop3A_699 = arith.index_cast %parallel_loop3A_122 : i32 to index
          %parallel_loop3A_700 = arith.constant 768 : index
          %parallel_loop3A_701 = tpu.vector_load %arg8[%parallel_loop3A_699, %parallel_loop3A_700] {strides = array<i32>} : memref<32x1024xf32, #tpu.memory_space<vmem>>, vector<1x16xf32>,
          %parallel_loop3A_702 = vector.shape_cast %parallel_loop3A_701 : vector<1x16xf32> to vector<16xf32>
          %parallel_loop3A_703 = arith.constant 3.200000e+01 : f32
          %parallel_loop3A_704 = vector.broadcast %parallel_loop3A_703 : f32 to vector<16xf32>
          %parallel_loop3A_705 = arith.mulf %parallel_loop3A_702, %parallel_loop3A_704 : vector<16xf32>
          %parallel_loop3A_706 = arith.index_cast %parallel_loop3A_122 : i32 to index
          %parallel_loop3A_707 = arith.constant 768 : index
          %parallel_loop3A_708 = tpu.vector_load %arg8[%parallel_loop3A_706, %parallel_loop3A_707] {strides = array<i32>} : memref<32x1024xf32, #tpu.memory_space<vmem>>, vector<1x16xf32>,
          %parallel_loop3A_709 = vector.shape_cast %parallel_loop3A_708 : vector<1x16xf32> to vector<16xf32>
          %parallel_loop3A_710 = vector.shape_cast %parallel_loop3A_705 : vector<16xf32> to vector<1x16xf32>
          tpu.vector_store %arg8[%parallel_loop3A_706, %parallel_loop3A_707], %parallel_loop3A_710 {strides = array<i32>} : memref<32x1024xf32, #tpu.memory_space<vmem>>, vector<1x16xf32>,
          %parallel_loop3A_711 = arith.index_cast %parallel_loop3A_122 : i32 to index
          %parallel_loop3A_712 = arith.constant 784 : index
          %parallel_loop3A_713 = tpu.vector_load %arg8[%parallel_loop3A_711, %parallel_loop3A_712] {strides = array<i32>} : memref<32x1024xf32, #tpu.memory_space<vmem>>, vector<1x16xf32>,
          %parallel_loop3A_714 = vector.shape_cast %parallel_loop3A_713 : vector<1x16xf32> to vector<16xf32>
          %parallel_loop3A_715 = arith.constant 3.200000e+01 : f32
          %parallel_loop3A_716 = vector.broadcast %parallel_loop3A_715 : f32 to vector<16xf32>
          %parallel_loop3A_717 = arith.mulf %parallel_loop3A_714, %parallel_loop3A_716 : vector<16xf32>
          %parallel_loop3A_718 = arith.index_cast %parallel_loop3A_122 : i32 to index
          %parallel_loop3A_719 = arith.constant 784 : index
          %parallel_loop3A_720 = tpu.vector_load %arg8[%parallel_loop3A_718, %parallel_loop3A_719] {strides = array<i32>} : memref<32x1024xf32, #tpu.memory_space<vmem>>, vector<1x16xf32>,
          %parallel_loop3A_721 = vector.shape_cast %parallel_loop3A_720 : vector<1x16xf32> to vector<16xf32>
          %parallel_loop3A_722 = vector.shape_cast %parallel_loop3A_717 : vector<16xf32> to vector<1x16xf32>
          tpu.vector_store %arg8[%parallel_loop3A_718, %parallel_loop3A_719], %parallel_loop3A_722 {strides = array<i32>} : memref<32x1024xf32, #tpu.memory_space<vmem>>, vector<1x16xf32>,
          %parallel_loop3A_723 = arith.index_cast %parallel_loop3A_122 : i32 to index
          %parallel_loop3A_724 = arith.constant 800 : index
          %parallel_loop3A_725 = tpu.vector_load %arg8[%parallel_loop3A_723, %parallel_loop3A_724] {strides = array<i32>} : memref<32x1024xf32, #tpu.memory_space<vmem>>, vector<1x16xf32>,
          %parallel_loop3A_726 = vector.shape_cast %parallel_loop3A_725 : vector<1x16xf32> to vector<16xf32>
          %parallel_loop3A_727 = arith.constant 3.200000e+01 : f32
          %parallel_loop3A_728 = vector.broadcast %parallel_loop3A_727 : f32 to vector<16xf32>
          %parallel_loop3A_729 = arith.mulf %parallel_loop3A_726, %parallel_loop3A_728 : vector<16xf32>
          %parallel_loop3A_730 = arith.index_cast %parallel_loop3A_122 : i32 to index
          %parallel_loop3A_731 = arith.constant 800 : index
          %parallel_loop3A_732 = tpu.vector_load %arg8[%parallel_loop3A_730, %parallel_loop3A_731] {strides = array<i32>} : memref<32x1024xf32, #tpu.memory_space<vmem>>, vector<1x16xf32>,
          %parallel_loop3A_733 = vector.shape_cast %parallel_loop3A_732 : vector<1x16xf32> to vector<16xf32>
          %parallel_loop3A_734 = vector.shape_cast %parallel_loop3A_729 : vector<16xf32> to vector<1x16xf32>
          tpu.vector_store %arg8[%parallel_loop3A_730, %parallel_loop3A_731], %parallel_loop3A_734 {strides = array<i32>} : memref<32x1024xf32, #tpu.memory_space<vmem>>, vector<1x16xf32>,
          %parallel_loop3A_735 = arith.index_cast %parallel_loop3A_122 : i32 to index
          %parallel_loop3A_736 = arith.constant 816 : index
          %parallel_loop3A_737 = tpu.vector_load %arg8[%parallel_loop3A_735, %parallel_loop3A_736] {strides = array<i32>} : memref<32x1024xf32, #tpu.memory_space<vmem>>, vector<1x16xf32>,
          %parallel_loop3A_738 = vector.shape_cast %parallel_loop3A_737 : vector<1x16xf32> to vector<16xf32>
          %parallel_loop3A_739 = arith.constant 3.200000e+01 : f32
          %parallel_loop3A_740 = vector.broadcast %parallel_loop3A_739 : f32 to vector<16xf32>
          %parallel_loop3A_741 = arith.mulf %parallel_loop3A_738, %parallel_loop3A_740 : vector<16xf32>
          %parallel_loop3A_742 = arith.index_cast %parallel_loop3A_122 : i32 to index
          %parallel_loop3A_743 = arith.constant 816 : index
          %parallel_loop3A_744 = tpu.vector_load %arg8[%parallel_loop3A_742, %parallel_loop3A_743] {strides = array<i32>} : memref<32x1024xf32, #tpu.memory_space<vmem>>, vector<1x16xf32>,
          %parallel_loop3A_745 = vector.shape_cast %parallel_loop3A_744 : vector<1x16xf32> to vector<16xf32>
          %parallel_loop3A_746 = vector.shape_cast %parallel_loop3A_741 : vector<16xf32> to vector<1x16xf32>
          tpu.vector_store %arg8[%parallel_loop3A_742, %parallel_loop3A_743], %parallel_loop3A_746 {strides = array<i32>} : memref<32x1024xf32, #tpu.memory_space<vmem>>, vector<1x16xf32>,
          %parallel_loop3A_747 = arith.index_cast %parallel_loop3A_122 : i32 to index
          %parallel_loop3A_748 = arith.constant 832 : index
          %parallel_loop3A_749 = tpu.vector_load %arg8[%parallel_loop3A_747, %parallel_loop3A_748] {strides = array<i32>} : memref<32x1024xf32, #tpu.memory_space<vmem>>, vector<1x16xf32>,
          %parallel_loop3A_750 = vector.shape_cast %parallel_loop3A_749 : vector<1x16xf32> to vector<16xf32>
          %parallel_loop3A_751 = arith.constant 3.200000e+01 : f32
          %parallel_loop3A_752 = vector.broadcast %parallel_loop3A_751 : f32 to vector<16xf32>
          %parallel_loop3A_753 = arith.mulf %parallel_loop3A_750, %parallel_loop3A_752 : vector<16xf32>
          %parallel_loop3A_754 = arith.index_cast %parallel_loop3A_122 : i32 to index
          %parallel_loop3A_755 = arith.constant 832 : index
          %parallel_loop3A_756 = tpu.vector_load %arg8[%parallel_loop3A_754, %parallel_loop3A_755] {strides = array<i32>} : memref<32x1024xf32, #tpu.memory_space<vmem>>, vector<1x16xf32>,
          %parallel_loop3A_757 = vector.shape_cast %parallel_loop3A_756 : vector<1x16xf32> to vector<16xf32>
          %parallel_loop3A_758 = vector.shape_cast %parallel_loop3A_753 : vector<16xf32> to vector<1x16xf32>
          tpu.vector_store %arg8[%parallel_loop3A_754, %parallel_loop3A_755], %parallel_loop3A_758 {strides = array<i32>} : memref<32x1024xf32, #tpu.memory_space<vmem>>, vector<1x16xf32>,
          %parallel_loop3A_759 = arith.index_cast %parallel_loop3A_122 : i32 to index
          %parallel_loop3A_760 = arith.constant 848 : index
          %parallel_loop3A_761 = tpu.vector_load %arg8[%parallel_loop3A_759, %parallel_loop3A_760] {strides = array<i32>} : memref<32x1024xf32, #tpu.memory_space<vmem>>, vector<1x16xf32>,
          %parallel_loop3A_762 = vector.shape_cast %parallel_loop3A_761 : vector<1x16xf32> to vector<16xf32>
          %parallel_loop3A_763 = arith.constant 3.200000e+01 : f32
          %parallel_loop3A_764 = vector.broadcast %parallel_loop3A_763 : f32 to vector<16xf32>
          %parallel_loop3A_765 = arith.mulf %parallel_loop3A_762, %parallel_loop3A_764 : vector<16xf32>
          %parallel_loop3A_766 = arith.index_cast %parallel_loop3A_122 : i32 to index
          %parallel_loop3A_767 = arith.constant 848 : index
          %parallel_loop3A_768 = tpu.vector_load %arg8[%parallel_loop3A_766, %parallel_loop3A_767] {strides = array<i32>} : memref<32x1024xf32, #tpu.memory_space<vmem>>, vector<1x16xf32>,
          %parallel_loop3A_769 = vector.shape_cast %parallel_loop3A_768 : vector<1x16xf32> to vector<16xf32>
          %parallel_loop3A_770 = vector.shape_cast %parallel_loop3A_765 : vector<16xf32> to vector<1x16xf32>
          tpu.vector_store %arg8[%parallel_loop3A_766, %parallel_loop3A_767], %parallel_loop3A_770 {strides = array<i32>} : memref<32x1024xf32, #tpu.memory_space<vmem>>, vector<1x16xf32>,
          %parallel_loop3A_771 = arith.index_cast %parallel_loop3A_122 : i32 to index
          %parallel_loop3A_772 = arith.constant 864 : index
          %parallel_loop3A_773 = tpu.vector_load %arg8[%parallel_loop3A_771, %parallel_loop3A_772] {strides = array<i32>} : memref<32x1024xf32, #tpu.memory_space<vmem>>, vector<1x16xf32>,
          %parallel_loop3A_774 = vector.shape_cast %parallel_loop3A_773 : vector<1x16xf32> to vector<16xf32>
          %parallel_loop3A_775 = arith.constant 3.200000e+01 : f32
          %parallel_loop3A_776 = vector.broadcast %parallel_loop3A_775 : f32 to vector<16xf32>
          %parallel_loop3A_777 = arith.mulf %parallel_loop3A_774, %parallel_loop3A_776 : vector<16xf32>
          %parallel_loop3A_778 = arith.index_cast %parallel_loop3A_122 : i32 to index
          %parallel_loop3A_779 = arith.constant 864 : index
          %parallel_loop3A_780 = tpu.vector_load %arg8[%parallel_loop3A_778, %parallel_loop3A_779] {strides = array<i32>} : memref<32x1024xf32, #tpu.memory_space<vmem>>, vector<1x16xf32>,
          %parallel_loop3A_781 = vector.shape_cast %parallel_loop3A_780 : vector<1x16xf32> to vector<16xf32>
          %parallel_loop3A_782 = vector.shape_cast %parallel_loop3A_777 : vector<16xf32> to vector<1x16xf32>
          tpu.vector_store %arg8[%parallel_loop3A_778, %parallel_loop3A_779], %parallel_loop3A_782 {strides = array<i32>} : memref<32x1024xf32, #tpu.memory_space<vmem>>, vector<1x16xf32>,
          %parallel_loop3A_783 = arith.index_cast %parallel_loop3A_122 : i32 to index
          %parallel_loop3A_784 = arith.constant 880 : index
          %parallel_loop3A_785 = tpu.vector_load %arg8[%parallel_loop3A_783, %parallel_loop3A_784] {strides = array<i32>} : memref<32x1024xf32, #tpu.memory_space<vmem>>, vector<1x16xf32>,
          %parallel_loop3A_786 = vector.shape_cast %parallel_loop3A_785 : vector<1x16xf32> to vector<16xf32>
          %parallel_loop3A_787 = arith.constant 3.200000e+01 : f32
          %parallel_loop3A_788 = vector.broadcast %parallel_loop3A_787 : f32 to vector<16xf32>
          %parallel_loop3A_789 = arith.mulf %parallel_loop3A_786, %parallel_loop3A_788 : vector<16xf32>
          %parallel_loop3A_790 = arith.index_cast %parallel_loop3A_122 : i32 to index
          %parallel_loop3A_791 = arith.constant 880 : index
          %parallel_loop3A_792 = tpu.vector_load %arg8[%parallel_loop3A_790, %parallel_loop3A_791] {strides = array<i32>} : memref<32x1024xf32, #tpu.memory_space<vmem>>, vector<1x16xf32>,
          %parallel_loop3A_793 = vector.shape_cast %parallel_loop3A_792 : vector<1x16xf32> to vector<16xf32>
          %parallel_loop3A_794 = vector.shape_cast %parallel_loop3A_789 : vector<16xf32> to vector<1x16xf32>
          tpu.vector_store %arg8[%parallel_loop3A_790, %parallel_loop3A_791], %parallel_loop3A_794 {strides = array<i32>} : memref<32x1024xf32, #tpu.memory_space<vmem>>, vector<1x16xf32>,
          %parallel_loop3A_795 = arith.index_cast %parallel_loop3A_122 : i32 to index
          %parallel_loop3A_796 = arith.constant 896 : index
          %parallel_loop3A_797 = tpu.vector_load %arg8[%parallel_loop3A_795, %parallel_loop3A_796] {strides = array<i32>} : memref<32x1024xf32, #tpu.memory_space<vmem>>, vector<1x16xf32>,
          %parallel_loop3A_798 = vector.shape_cast %parallel_loop3A_797 : vector<1x16xf32> to vector<16xf32>
          %parallel_loop3A_799 = arith.constant 3.200000e+01 : f32
          %parallel_loop3A_800 = vector.broadcast %parallel_loop3A_799 : f32 to vector<16xf32>
          %parallel_loop3A_801 = arith.mulf %parallel_loop3A_798, %parallel_loop3A_800 : vector<16xf32>
          %parallel_loop3A_802 = arith.index_cast %parallel_loop3A_122 : i32 to index
          %parallel_loop3A_803 = arith.constant 896 : index
          %parallel_loop3A_804 = tpu.vector_load %arg8[%parallel_loop3A_802, %parallel_loop3A_803] {strides = array<i32>} : memref<32x1024xf32, #tpu.memory_space<vmem>>, vector<1x16xf32>,
          %parallel_loop3A_805 = vector.shape_cast %parallel_loop3A_804 : vector<1x16xf32> to vector<16xf32>
          %parallel_loop3A_806 = vector.shape_cast %parallel_loop3A_801 : vector<16xf32> to vector<1x16xf32>
          tpu.vector_store %arg8[%parallel_loop3A_802, %parallel_loop3A_803], %parallel_loop3A_806 {strides = array<i32>} : memref<32x1024xf32, #tpu.memory_space<vmem>>, vector<1x16xf32>,
          %parallel_loop3A_807 = arith.index_cast %parallel_loop3A_122 : i32 to index
          %parallel_loop3A_808 = arith.constant 912 : index
          %parallel_loop3A_809 = tpu.vector_load %arg8[%parallel_loop3A_807, %parallel_loop3A_808] {strides = array<i32>} : memref<32x1024xf32, #tpu.memory_space<vmem>>, vector<1x16xf32>,
          %parallel_loop3A_810 = vector.shape_cast %parallel_loop3A_809 : vector<1x16xf32> to vector<16xf32>
          %parallel_loop3A_811 = arith.constant 3.200000e+01 : f32
          %parallel_loop3A_812 = vector.broadcast %parallel_loop3A_811 : f32 to vector<16xf32>
          %parallel_loop3A_813 = arith.mulf %parallel_loop3A_810, %parallel_loop3A_812 : vector<16xf32>
          %parallel_loop3A_814 = arith.index_cast %parallel_loop3A_122 : i32 to index
          %parallel_loop3A_815 = arith.constant 912 : index
          %parallel_loop3A_816 = tpu.vector_load %arg8[%parallel_loop3A_814, %parallel_loop3A_815] {strides = array<i32>} : memref<32x1024xf32, #tpu.memory_space<vmem>>, vector<1x16xf32>,
          %parallel_loop3A_817 = vector.shape_cast %parallel_loop3A_816 : vector<1x16xf32> to vector<16xf32>
          %parallel_loop3A_818 = vector.shape_cast %parallel_loop3A_813 : vector<16xf32> to vector<1x16xf32>
          tpu.vector_store %arg8[%parallel_loop3A_814, %parallel_loop3A_815], %parallel_loop3A_818 {strides = array<i32>} : memref<32x1024xf32, #tpu.memory_space<vmem>>, vector<1x16xf32>,
          %parallel_loop3A_819 = arith.index_cast %parallel_loop3A_122 : i32 to index
          %parallel_loop3A_820 = arith.constant 928 : index
          %parallel_loop3A_821 = tpu.vector_load %arg8[%parallel_loop3A_819, %parallel_loop3A_820] {strides = array<i32>} : memref<32x1024xf32, #tpu.memory_space<vmem>>, vector<1x16xf32>,
          %parallel_loop3A_822 = vector.shape_cast %parallel_loop3A_821 : vector<1x16xf32> to vector<16xf32>
          %parallel_loop3A_823 = arith.constant 3.200000e+01 : f32
          %parallel_loop3A_824 = vector.broadcast %parallel_loop3A_823 : f32 to vector<16xf32>
          %parallel_loop3A_825 = arith.mulf %parallel_loop3A_822, %parallel_loop3A_824 : vector<16xf32>
          %parallel_loop3A_826 = arith.index_cast %parallel_loop3A_122 : i32 to index
          %parallel_loop3A_827 = arith.constant 928 : index
          %parallel_loop3A_828 = tpu.vector_load %arg8[%parallel_loop3A_826, %parallel_loop3A_827] {strides = array<i32>} : memref<32x1024xf32, #tpu.memory_space<vmem>>, vector<1x16xf32>,
          %parallel_loop3A_829 = vector.shape_cast %parallel_loop3A_828 : vector<1x16xf32> to vector<16xf32>
          %parallel_loop3A_830 = vector.shape_cast %parallel_loop3A_825 : vector<16xf32> to vector<1x16xf32>
          tpu.vector_store %arg8[%parallel_loop3A_826, %parallel_loop3A_827], %parallel_loop3A_830 {strides = array<i32>} : memref<32x1024xf32, #tpu.memory_space<vmem>>, vector<1x16xf32>,
          %parallel_loop3A_831 = arith.index_cast %parallel_loop3A_122 : i32 to index
          %parallel_loop3A_832 = arith.constant 944 : index
          %parallel_loop3A_833 = tpu.vector_load %arg8[%parallel_loop3A_831, %parallel_loop3A_832] {strides = array<i32>} : memref<32x1024xf32, #tpu.memory_space<vmem>>, vector<1x16xf32>,
          %parallel_loop3A_834 = vector.shape_cast %parallel_loop3A_833 : vector<1x16xf32> to vector<16xf32>
          %parallel_loop3A_835 = arith.constant 3.200000e+01 : f32
          %parallel_loop3A_836 = vector.broadcast %parallel_loop3A_835 : f32 to vector<16xf32>
          %parallel_loop3A_837 = arith.mulf %parallel_loop3A_834, %parallel_loop3A_836 : vector<16xf32>
          %parallel_loop3A_838 = arith.index_cast %parallel_loop3A_122 : i32 to index
          %parallel_loop3A_839 = arith.constant 944 : index
          %parallel_loop3A_840 = tpu.vector_load %arg8[%parallel_loop3A_838, %parallel_loop3A_839] {strides = array<i32>} : memref<32x1024xf32, #tpu.memory_space<vmem>>, vector<1x16xf32>,
          %parallel_loop3A_841 = vector.shape_cast %parallel_loop3A_840 : vector<1x16xf32> to vector<16xf32>
          %parallel_loop3A_842 = vector.shape_cast %parallel_loop3A_837 : vector<16xf32> to vector<1x16xf32>
          tpu.vector_store %arg8[%parallel_loop3A_838, %parallel_loop3A_839], %parallel_loop3A_842 {strides = array<i32>} : memref<32x1024xf32, #tpu.memory_space<vmem>>, vector<1x16xf32>,
          %parallel_loop3A_843 = arith.index_cast %parallel_loop3A_122 : i32 to index
          %parallel_loop3A_844 = arith.constant 960 : index
          %parallel_loop3A_845 = tpu.vector_load %arg8[%parallel_loop3A_843, %parallel_loop3A_844] {strides = array<i32>} : memref<32x1024xf32, #tpu.memory_space<vmem>>, vector<1x16xf32>,
          %parallel_loop3A_846 = vector.shape_cast %parallel_loop3A_845 : vector<1x16xf32> to vector<16xf32>
          %parallel_loop3A_847 = arith.constant 3.200000e+01 : f32
          %parallel_loop3A_848 = vector.broadcast %parallel_loop3A_847 : f32 to vector<16xf32>
          %parallel_loop3A_849 = arith.mulf %parallel_loop3A_846, %parallel_loop3A_848 : vector<16xf32>
          %parallel_loop3A_850 = arith.index_cast %parallel_loop3A_122 : i32 to index
          %parallel_loop3A_851 = arith.constant 960 : index
          %parallel_loop3A_852 = tpu.vector_load %arg8[%parallel_loop3A_850, %parallel_loop3A_851] {strides = array<i32>} : memref<32x1024xf32, #tpu.memory_space<vmem>>, vector<1x16xf32>,
          %parallel_loop3A_853 = vector.shape_cast %parallel_loop3A_852 : vector<1x16xf32> to vector<16xf32>
          %parallel_loop3A_854 = vector.shape_cast %parallel_loop3A_849 : vector<16xf32> to vector<1x16xf32>
          tpu.vector_store %arg8[%parallel_loop3A_850, %parallel_loop3A_851], %parallel_loop3A_854 {strides = array<i32>} : memref<32x1024xf32, #tpu.memory_space<vmem>>, vector<1x16xf32>,
          %parallel_loop3A_855 = arith.index_cast %parallel_loop3A_122 : i32 to index
          %parallel_loop3A_856 = arith.constant 976 : index
          %parallel_loop3A_857 = tpu.vector_load %arg8[%parallel_loop3A_855, %parallel_loop3A_856] {strides = array<i32>} : memref<32x1024xf32, #tpu.memory_space<vmem>>, vector<1x16xf32>,
          %parallel_loop3A_858 = vector.shape_cast %parallel_loop3A_857 : vector<1x16xf32> to vector<16xf32>
          %parallel_loop3A_859 = arith.constant 3.200000e+01 : f32
          %parallel_loop3A_860 = vector.broadcast %parallel_loop3A_859 : f32 to vector<16xf32>
          %parallel_loop3A_861 = arith.mulf %parallel_loop3A_858, %parallel_loop3A_860 : vector<16xf32>
          %parallel_loop3A_862 = arith.index_cast %parallel_loop3A_122 : i32 to index
          %parallel_loop3A_863 = arith.constant 976 : index
          %parallel_loop3A_864 = tpu.vector_load %arg8[%parallel_loop3A_862, %parallel_loop3A_863] {strides = array<i32>} : memref<32x1024xf32, #tpu.memory_space<vmem>>, vector<1x16xf32>,
          %parallel_loop3A_865 = vector.shape_cast %parallel_loop3A_864 : vector<1x16xf32> to vector<16xf32>
          %parallel_loop3A_866 = vector.shape_cast %parallel_loop3A_861 : vector<16xf32> to vector<1x16xf32>
          tpu.vector_store %arg8[%parallel_loop3A_862, %parallel_loop3A_863], %parallel_loop3A_866 {strides = array<i32>} : memref<32x1024xf32, #tpu.memory_space<vmem>>, vector<1x16xf32>,
          %parallel_loop3A_867 = arith.index_cast %parallel_loop3A_122 : i32 to index
          %parallel_loop3A_868 = arith.constant 992 : index
          %parallel_loop3A_869 = tpu.vector_load %arg8[%parallel_loop3A_867, %parallel_loop3A_868] {strides = array<i32>} : memref<32x1024xf32, #tpu.memory_space<vmem>>, vector<1x16xf32>,
          %parallel_loop3A_870 = vector.shape_cast %parallel_loop3A_869 : vector<1x16xf32> to vector<16xf32>
          %parallel_loop3A_871 = arith.constant 3.200000e+01 : f32
          %parallel_loop3A_872 = vector.broadcast %parallel_loop3A_871 : f32 to vector<16xf32>
          %parallel_loop3A_873 = arith.mulf %parallel_loop3A_870, %parallel_loop3A_872 : vector<16xf32>
          %parallel_loop3A_874 = arith.index_cast %parallel_loop3A_122 : i32 to index
          %parallel_loop3A_875 = arith.constant 992 : index
          %parallel_loop3A_876 = tpu.vector_load %arg8[%parallel_loop3A_874, %parallel_loop3A_875] {strides = array<i32>} : memref<32x1024xf32, #tpu.memory_space<vmem>>, vector<1x16xf32>,
          %parallel_loop3A_877 = vector.shape_cast %parallel_loop3A_876 : vector<1x16xf32> to vector<16xf32>
          %parallel_loop3A_878 = vector.shape_cast %parallel_loop3A_873 : vector<16xf32> to vector<1x16xf32>
          tpu.vector_store %arg8[%parallel_loop3A_874, %parallel_loop3A_875], %parallel_loop3A_878 {strides = array<i32>} : memref<32x1024xf32, #tpu.memory_space<vmem>>, vector<1x16xf32>,
          %parallel_loop3A_879 = arith.index_cast %parallel_loop3A_122 : i32 to index
          %parallel_loop3A_880 = arith.constant 1008 : index
          %parallel_loop3A_881 = tpu.vector_load %arg8[%parallel_loop3A_879, %parallel_loop3A_880] {strides = array<i32>} : memref<32x1024xf32, #tpu.memory_space<vmem>>, vector<1x16xf32>,
          %parallel_loop3A_882 = vector.shape_cast %parallel_loop3A_881 : vector<1x16xf32> to vector<16xf32>
          %parallel_loop3A_883 = arith.constant 3.200000e+01 : f32
          %parallel_loop3A_884 = vector.broadcast %parallel_loop3A_883 : f32 to vector<16xf32>
          %parallel_loop3A_885 = arith.mulf %parallel_loop3A_882, %parallel_loop3A_884 : vector<16xf32>
          %parallel_loop3A_886 = arith.index_cast %parallel_loop3A_122 : i32 to index
          %parallel_loop3A_887 = arith.constant 1008 : index
          %parallel_loop3A_888 = tpu.vector_load %arg8[%parallel_loop3A_886, %parallel_loop3A_887] {strides = array<i32>} : memref<32x1024xf32, #tpu.memory_space<vmem>>, vector<1x16xf32>,
          %parallel_loop3A_889 = vector.shape_cast %parallel_loop3A_888 : vector<1x16xf32> to vector<16xf32>
          %parallel_loop3A_890 = vector.shape_cast %parallel_loop3A_885 : vector<16xf32> to vector<1x16xf32>
          tpu.vector_store %arg8[%parallel_loop3A_886, %parallel_loop3A_887], %parallel_loop3A_890 {strides = array<i32>} : memref<32x1024xf32, #tpu.memory_space<vmem>>, vector<1x16xf32>,
        } {sc.loop_unroll_factor = 1 : i64, sc.parallel_access}
        %mul3A_115 = arith.constant 32 : i32
        %mul3A_116 = arith.muli %add3A_85, %mul3A_115 : i32
        %add3A_117 = arith.addi %mul3A_2, %mul3A_116 : i32
        %dma_start3A_118 = arith.constant 0 : i32
        %dma_start3A_119 = tpu.memref_slice %arg4[%add3A_117, %dma_start3A_118] : memref<16384x1024xf32, #tpu.memory_space<hbm>> -> memref<32x1024xf32, #tpu.memory_space<hbm>>
        %dma_start3A_120 = arith.constant 0 : i32
        %dma_start3A_121 = tpu.memref_slice %arg4[%add3A_117, %dma_start3A_120] : memref<16384x1024xf32, #tpu.memory_space<hbm>> -> memref<32x1024xf32, #tpu.memory_space<hbm>>
        tpu.enqueue_dma source(%arg8 : memref<32x1024xf32, #tpu.memory_space<vmem>>) target(%dma_start3A_121 : memref<32x1024xf32, #tpu.memory_space<hbm>>) target_semaphore(%arg14 : memref<!tpu.dma_semaphore, #tpu.memory_space<semaphore_mem>>)
      } else {
      }
    }
    %scan3A_16 = arith.constant 6 : i32
    %dma_wait3A = arith.constant 0 : i32
    %dma_wait3A_17 = arith.constant 0 : i32
    %dma_wait3A_18 = tpu.memref_slice %arg4[%dma_wait3A, %dma_wait3A_17] : memref<16384x1024xf32, #tpu.memory_space<hbm>> -> memref<32x1024xf32, #tpu.memory_space<hbm>>
    %dma_wait3A_19 = arith.constant 0 : i32
    %dma_wait3A_20 = arith.constant 0 : i32
    %dma_wait3A_21 = tpu.memref_slice %arg4[%dma_wait3A_19, %dma_wait3A_20] : memref<16384x1024xf32, #tpu.memory_space<hbm>> -> memref<32x1024xf32, #tpu.memory_space<hbm>>
    tpu.wait_dma2 semaphore(%arg12 : memref<!tpu.dma_semaphore, #tpu.memory_space<semaphore_mem>>) src(%arg6 : memref<32x1024xf32, #tpu.memory_space<vmem>>) dst(%dma_wait3A_21 : memref<32x1024xf32, #tpu.memory_space<hbm>>)
    %dma_wait3A_22 = arith.constant 0 : i32
    %dma_wait3A_23 = arith.constant 0 : i32
    %dma_wait3A_24 = tpu.memref_slice %arg4[%dma_wait3A_22, %dma_wait3A_23] : memref<16384x1024xf32, #tpu.memory_space<hbm>> -> memref<32x1024xf32, #tpu.memory_space<hbm>>
    %dma_wait3A_25 = arith.constant 0 : i32
    %dma_wait3A_26 = arith.constant 0 : i32
    %dma_wait3A_27 = tpu.memref_slice %arg4[%dma_wait3A_25, %dma_wait3A_26] : memref<16384x1024xf32, #tpu.memory_space<hbm>> -> memref<32x1024xf32, #tpu.memory_space<hbm>>
    tpu.wait_dma2 semaphore(%arg13 : memref<!tpu.dma_semaphore, #tpu.memory_space<semaphore_mem>>) src(%arg7 : memref<32x1024xf32, #tpu.memory_space<vmem>>) dst(%dma_wait3A_27 : memref<32x1024xf32, #tpu.memory_space<hbm>>)
    %dma_wait3A_28 = arith.constant 0 : i32
    %dma_wait3A_29 = arith.constant 0 : i32
    %dma_wait3A_30 = tpu.memref_slice %arg4[%dma_wait3A_28, %dma_wait3A_29] : memref<16384x1024xf32, #tpu.memory_space<hbm>> -> memref<32x1024xf32, #tpu.memory_space<hbm>>
    %dma_wait3A_31 = arith.constant 0 : i32
    %dma_wait3A_32 = arith.constant 0 : i32
    %dma_wait3A_33 = tpu.memref_slice %arg4[%dma_wait3A_31, %dma_wait3A_32] : memref<16384x1024xf32, #tpu.memory_space<hbm>> -> memref<32x1024xf32, #tpu.memory_space<hbm>>
    tpu.wait_dma2 semaphore(%arg14 : memref<!tpu.dma_semaphore, #tpu.memory_space<semaphore_mem>>) src(%arg8 : memref<32x1024xf32, #tpu.memory_space<vmem>>) dst(%dma_wait3A_33 : memref<32x1024xf32, #tpu.memory_space<hbm>>)
    return
  }
}

</mosaic_0001>

<sc_bundles>
// kernel: kernel.3.cloned.1.call-start
scs
__scs_entry_jumppad:
0x0: {  	(pc) =	sbr.rel $0x88, $3  }
0x1: {  	(tag) =	ssettag $0x0;
	lr =	simm.s32 $0x1  }
0x2: {  	[smem:$0x3F9F] =	sst lr;
	_ =	strace $0xD0000000  }
0x3: {  	_ = 	snop  }
0x4: {  	_ = 	snop  }
0x5: {  	_ = 	snop  }
0x6: {  	_ = 	snop  }
0x7: {  	_ = 	snop  }
__scs_overlays_trampoline_lowered:
0x8: {  	[smem:$0x3FAE] =	sst s0  }
0x9: {  	[smem:$0x3FAF] =	sst s1  }
0xa: {  	[smem:$0x3FB0] =	sst s2  }
0xb: {  	[smem:$0x3FB1] =	sst s3  }
0xc: {  	[smem:$0x3FB2] =	sst s4  }
0xd: {  	[smem:$0x3FB3] =	sst s5  }
0xe: {  	[smem:$0x3FB4] =	sst s6  }
0xf: {  	[smem:$0x3FB5] =	sst s7  }
0x10: {  	[smem:$0x3FB6] =	sst s8  }
0x11: {  	[smem:$0x3FB7] =	sst s9;
	s0 =	simm.s32 @!p0 $0x0  }
0x12: {  	s1 =	sld [smem:$0x3F9D];
	s0 =	simm.s32 @p0 $0x1  }
0x13: {  	[smem:$0x3FB8] =	sst s0;
	s0 =	simm.s32 @!p1 $0x0  }
0x14: {  	s2 =	sld [smem:$0x3F9C];
	s0 =	simm.s32 @p1 $0x1  }
0x15: {  	[smem:$0x3FB9] =	sst s0;
	s0 =	simm.s32 @!p2 $0x0  }
0x16: {  	s3 =	sld [smem:$0x3FDB];
	s0 =	simm.s32 @p2 $0x1  }
0x17: {  	s4 =	simm.s32 $0x1BF5;
	[smem:$0x3FBB] =	sst s0  }
0x18: {  	s0 =	sld [smem:$0x3F9E];
	_ =	swait.ge [sflag:s4], $0x0  }
0x19: {  	s7 =	sld [smem:$0x3F9F]  }
0x1a: {  	s8 =	sadd.s32 $0xFFFFE003, lr  }
0x1b: {  	s9 =	sadd.s32 $0xFFFFFEF7, lr;
	s5 =	simm.s32 $0xFFFFFFFF;
	p2 =	slt.u32 s8, $0xFFFFF086  }
0x1c: {  	p1 =	slt.u32 s9, $0xF7A;
	s5 =	simm.s32 @!p2 $0x0  }
0x1d: {  	s5 =	simm.s32 @p1 $0x1;
	p0 =	seq.s32 s7, s2  }
0x1e: {  	s7 =	smul.u32 @!p0 $0xF7A, s2;
	p2 =	seq.s32 @!p0 s5, $0x0  }
0x1f: {  	s9 =	smul.u32 $0xF7A, s1;
	s8 =	simm.s32 @!p0 $0x1BF5;
	p2 =	por !p2, p0  }
0x20: {  	[sflag:s8] =	ssyncset.s32 @!p0 $0xFFFFF086;
	s6 =	sadd.s32 @!p0 s3, s7;
	s7 =	simm.s32 @!p0 $0x108  }
0x21: {  	s3 =	sadd.s32 s3, s9;
	s6 =	sadd.s32 @!p0 $0x88, s6;
	s7 =	simm.s32 @p2 $0x1082  }
0x22: {  	[simem:s7], [sflag:s8] =	dma.local @!p0 [hbm:s6], $0xF7A  }
0x23: {  	s9 =	sor.u32 $0xD0000000, s2;
	s6 =	simm.s32 $0x108;
	_ =	swait.ge @!p0 [sflag:s8], $0x0  }
0x24: {  	s3 =	sadd.s32 $0x88, s3;
	s6 =	simm.s32 @!p1 $0x1082;
	[sflag:s4] =	ssyncset.s32 $0xFFFFF086  }
0x25: {  	[simem:s6], [sflag:s4] =	dma.local [hbm:s3], $0xF7A  }
0x26: {  	[smem:$0x3F9F] =	sst s1;
	(tag) =	ssettag s2;
	_ =	strace s9  }
0x27: {  	s1 =	sld [smem:$0x3FAF]  }
0x28: {  	s2 =	sld [smem:$0x3FB0]  }
0x29: {  	s4 =	sld [smem:$0x3FB2]  }
0x2a: {  	p0 =	seq.s32 s5, $0x0;
	s5 =	sld [smem:$0x3FB3]  }
0x2b: {  	s6 =	sld [smem:$0x3FB4]  }
0x2c: {  	s7 =	sld [smem:$0x3FB5]  }
0x2d: {  	s3 =	simm.s32 $0x108;
	s8 =	sld [smem:$0x3FB6]  }
0x2e: {  	s3 =	simm.s32 @!p0 $0x1082;
	s9 =	sld [smem:$0x3FB7]  }
0x2f: {  	lr =	sadd.s32 s0, s3;
	s0 =	sld [smem:$0x3FAE]  }
0x30: {  	s3 =	sld [smem:$0x3FB1]  }
0x31: {  	[smem:$0x3FBA] =	sst s10  }
0x32: {  	s10 =	sld [smem:$0x3FB8];
	_ =	sdelay $0x3  }
0x33: {  	p0 =	seq.s32 s10, $0x1;
	s10 =	sld [smem:$0x3FBA];
	_ =	sdelay $0x3  }
0x34: {  	[smem:$0x3FBA] =	sst s10  }
0x35: {  	s10 =	sld [smem:$0x3FB9];
	_ =	sdelay $0x3  }
0x36: {  	p1 =	seq.s32 s10, $0x1;
	s10 =	sld [smem:$0x3FBA];
	_ =	sdelay $0x3  }
0x37: {  	[smem:$0x3FBA] =	sst s10  }
0x38: {  	s10 =	sld [smem:$0x3FBB]  }
0x39: {  	_ = 	snop;
	(pc) =	sbr.ind lr, $3  }
0x3a: {  	_ = 	snop  }
0x3b: {  	_ = 	snop  }
0x3c: {  	p2 =	seq.s32 s10, $0x1;
	s10 =	sld [smem:$0x3FBA]  }
0x3d: {  	_ =	shalt  }
0x3e: {  	_ =	shalt  }
0x3f: {  	_ =	shalt  }
0x40: {  	_ =	shalt  }
0x41: {  	_ =	shalt  }
0x42: {  	_ =	shalt  }
0x43: {  	_ =	shalt  }
0x44: {  	_ =	shalt  }
0x45: {  	_ =	shalt  }
0x46: {  	_ =	shalt  }
0x47: {  	_ =	shalt  }
0x48: {  	_ =	shalt  }
0x49: {  	_ =	shalt  }
0x4a: {  	_ =	shalt  }
0x4b: {  	_ =	shalt  }
0x4c: {  	_ =	shalt  }
0x4d: {  	_ =	shalt  }
0x4e: {  	_ =	shalt  }
0x4f: {  	_ =	shalt  }
0x50: {  	_ =	shalt  }
0x51: {  	_ =	shalt  }
0x52: {  	_ =	shalt  }
0x53: {  	_ =	shalt  }
0x54: {  	_ =	shalt  }
0x55: {  	_ =	shalt  }
0x56: {  	_ =	shalt  }
0x57: {  	_ =	shalt  }
0x58: {  	_ =	shalt  }
0x59: {  	_ =	shalt  }
0x5a: {  	_ =	shalt  }
0x5b: {  	_ =	shalt  }
0x5c: {  	_ =	shalt  }
0x5d: {  	_ =	shalt  }
0x5e: {  	_ =	shalt  }
0x5f: {  	_ =	shalt  }
0x60: {  	_ =	shalt  }
0x61: {  	_ =	shalt  }
0x62: {  	_ =	shalt  }
0x63: {  	_ =	shalt  }
0x64: {  	_ =	shalt  }
0x65: {  	_ =	shalt  }
0x66: {  	_ =	shalt  }
0x67: {  	_ =	shalt  }
0x68: {  	_ =	shalt  }
0x69: {  	_ =	shalt  }
0x6a: {  	_ =	shalt  }
0x6b: {  	_ =	shalt  }
0x6c: {  	_ =	shalt  }
0x6d: {  	_ =	shalt  }
0x6e: {  	_ =	shalt  }
0x6f: {  	_ =	shalt  }
0x70: {  	_ =	shalt  }
0x71: {  	_ =	shalt  }
0x72: {  	_ =	shalt  }
0x73: {  	_ =	shalt  }
0x74: {  	_ =	shalt  }
0x75: {  	_ =	shalt  }
0x76: {  	_ =	shalt  }
0x77: {  	_ =	shalt  }
0x78: {  	_ =	shalt  }
0x79: {  	_ =	shalt  }
0x7a: {  	_ =	shalt  }
0x7b: {  	_ =	shalt  }
0x7c: {  	_ =	shalt  }
0x7d: {  	_ =	shalt  }
0x7e: {  	_ =	shalt  }
0x7f: {  	_ =	shalt  }
0x80: {  	_ =	shalt  }
0x81: {  	_ =	shalt  }
0x82: {  	_ =	shalt  }
0x83: {  	_ =	shalt  }
0x84: {  	_ =	shalt  }
0x85: {  	_ =	shalt  }
0x86: {  	_ =	shalt  }
0x87: {  	_ =	shalt  }
.Lfunc_end0:
.L_simem_size_0:
called_computation_lowered:
.L_overlay_start_0:
0x88: {  	s2 =	sld [smem:$0x3FD9]  }
0x89: {  	s3 =	sld [smem:$0x3FFE];
	_ =	sdelay $0x1  }
0x8a: {  	s1 =	srdreg.scid  }
0x8b: {  	s0 =	sand.u32 $0x1, s1  }
0x8c: {  	s17 =	sshll.u32 s0, $0xA;
	s2 =	sadd.s32 s3, s2  }
0x8d: {  	s2 =	sadd.s32 s2, s17  }
0x8e: {  	[smem:$0x3FC6] =	sst s2  }
0x8f: {  	_ = 	snop  }
0x90: {  	s2 =	sld [smem:$0x3FC8]  }
0x91: {  	s18 =	sld [smem:$0x3FD0];
	(tm) =	ssettm $0x1  }
0x92: {  	s4 =	sld [smem:$0x3FFB];
	_ =	sdelay $0x3  }
0x93: {  	_ =	strace s4  }
0x94: {  	s4 =	sld [smem:$0x3FFC];
	_ =	sdelay $0x3  }
0x95: {  	_ =	strace s4  }
0x96: {  	s4 =	sld [smem:$0x3FFD];
	_ =	sdelay $0x3  }
0x97: {  	_ =	strace s4  }
0x98: {  	_ =	strace $0x8FFFFFFF  }
0x99: {  	s19 =	sld [smem:$0x3FDB];
	_ =	sdelay $0x1  }
0x9a: {  	s5 =	simm.s32 $_scs_section_size  }
0x9b: {  	s6 =	simm.s32 $_size__tile_overlayer_lowered;
	s7 =	simm.s32 $_tile_overlayer_lowered  }
0x9c: {  	s22 =	simm.s32 $0x1BFF;
	s21 =	sshll.u32 s7, $0x1;
	s4 =	sadd.s32 s5, s19  }
0x9d: {  	s8 =	simm.s32 $0x0;
	s20 =	sshll.u32 s6, $0x1;
	s6 =	sadd.s32 s21, s4  }
0x9e: {  	[timem:s8], [sflag:s22] =	dma.local [hbm:s6], s20  }
0x9f: {  	_ =	swait.ge [sflag:s22], s20  }
0xa0: {  	s5 =	ssub.s32 $0x0, s20;
	[sflag:s22] =	ssyncset.done $0x0  }
0xa1: {  	[sflag:s22] =	ssyncadd.s32 s5;
	_ =	sdelay $0x1  }
0xa2: {  	s23 =	simm.s32 $0x1B8B  }
0xa3: {  	_ =	swait.ge [sflag:s23], $0x1  }
0xa4: {  	[sflag:s23] =	ssyncset.done $0x0  }
0xa5: {  	s25 =	simm.s32 $0x1B8E;
	s24 =	sld [smem:$0x3FFE];
	[sflag:s23] =	ssyncadd.s32 $0xFFFFFFFF  }
0xa6: {  	s26 =	simm.s32 $execute0_lowered;
	[smem:$0x3FD2] =	sst s25  }
0xa7: {  	s6 =	sshll.u32 s26, $0x1;
	_ =	strace $0x80000046;
	[dreg:$0x1] =	wrdreg $0xFFFFFFFF  }
0xa8: {  	s28 =	simm.s32 $_size_execute0_lowered;
	s4 =	sadd.s32 s4, s6;
	[dreg:$0x0] =	wrdreg $0x0  }
0xa9: {  	s6 =	sshll.u32 s28, $0x1;
	[dreg:$0x2] =	wrdreg s4  }
0xaa: {  	[dreg:$0x3] =	wrdreg s6  }
0xab: {  	[dreg:$0x4] =	wrdreg $0xC0  }
0xac: {  	_ =	task [dreg:s8], $0x5FFFF  }
0xad: {  	[dreg:$0x1] =	wrdreg $0xFFFFFFFF  }
0xae: {  	[dreg:$0x0] =	wrdreg $0x60  }
0xaf: {  	[dreg:$0x2] =	wrdreg s2  }
0xb0: {  	[dreg:$0x3] =	wrdreg s24  }
0xb1: {  	[dreg:$0x4] =	wrdreg s18  }
0xb2: {  	[dreg:$0x5] =	wrdreg $0x9  }
0xb3: {  	_ =	task.clear_ibuf [dreg:s8], $0x6FFFF;
	_ =	strace $0x90000046  }
0xb4: {  	s29 =	simm.s32 $0x9;
	_ =	strace $0x80000048  }
0xb5: {  	_ =	swait.ge [sflag:s29], $0x1  }
0xb6: {  	[sflag:s29] =	ssyncadd.s32 $0xFFFFFFFF  }
0xb7: {  	_ =	strace $0x90000048  }
0xb8: {  	_ =	sfence  }
0xb9: {  	s30 =	sld [smem:$0x0];
	_ =	sdelay $0x2  }
0xba: {  	s31 =	sshll.u32 s1, $0xD;
	s1 =	sshrl.u32 s1, $0x2  }
0xbb: {  	s3 =	sand.u32 $0x4000, s31;
	s1 =	sadd.s32 s1, s30  }
0xbc: {  	s0 =	sor.u32 s3, s0;
	s1 =	sshll.u32 s1, $0x11  }
0xbd: {  	s0 =	sor.u32 s1, s0  }
0xbe: {  	s0 =	sadd.s32 $0x8F2B, s0  }
0xbf: {  	[sflag:s0] =	ssyncadd.remote.s32 $0x1  }
0xc0: {  	_ =	sfence.sel $0xFFFF  }
0xc1: {  	[dreg:$0x0] =	wrdreg $0xFFFFFFFF;
	(pc) =	sbr.abs _section_cstart, $3  }
0xc2: {  	[dreg:$0x1] =	wrdreg $0xFFFFFFFF  }
0xc3: {  	_ =	task.clear_ibuf [dreg:s8], $0x2FFFF;
	_ =	strace $0x9FFFFFFF  }
0xc4: {  	(tm) =	ssettm $0x7FFFFFFF  }
0xc5: {  	_ =	shalt  }
tec
execute0_lowered:
.L_overlay_start_1:
0x0: {  	(tag) =	ssettag $0x1  }
0x1: {  	s1 =	rddreg [dreg:$0x0]  }
0x2: {  	s0 =	srdreg.scid;
	s2 =	rddreg [dreg:$0x1]  }
0x3: {  	s4 =	stileid.u32;
	s3 =	rddreg [dreg:$0x2];
	s14 =	simm.s32 $0x200  }
0x4: {  	s30 =	simm.s32 $0x7A00;
	s31 =	simm.s32 $0x8200;
	s13 =	simm.s32 $0x1  }
0x5: {  	s12 =	simm.s32 $0x2;
	s15 =	simm.s32 $0x3;
	s17 =	simm.s32 $0x0  }
0x6: {  	s0 =	sand.u32 $0x1, s0;
	s5 =	sshll.u32 s4, $0xA;
	s4 =	simm.s32 $0x0  }
0x7: {  	s7 =	sadd.s32 $0x100, s1;
	s8 =	sadd.s32 $0x200, s1;
	s9 =	sadd.s32 $0x300, s1  }
0x8: {  	s6 =	sshll.u32 s0, $0x9;
	[smem:$0x7FF] =	sst s4;
	s0 =	ssub.s32 $0x2, s0  }
0x9: {  	s5 =	sor.u32 s6, s5;
	_ =	strace $0x80000047;
	s26 =	sshrl.u32 s0, $0x1  }
.Ltmp0:
0xa: {  	s6 =	sshrl.u32 s5, $0x3;
	s0 =	ssub.s32 s0, s26;
	(pc) =	sbr.rel .LBB2_1-.Ltmp0, $4  }
0xb: {  	s28 =	sshll.u32 s5, $0xA;
	s29 =	sshll.u32 s5, $0x7;
	s2 =	sadd.s32 s6, s2  }
0xc: {  	v2 =	vlaneseq.u32;
	s10 =	sor.u32 $0x8000, s28;
	s11 =	sadd.s32 s3, s29;
	s0 =	smax.u32 s0, $0x1  }
0xd: {  	vm0 =	vmmov $0xffff;
	v1 =	vshrl.u32 v2, $0x3;
	s6 =	simm.s32 $0x6;
	s2 =	sadd.s32 $0x400, s2;
	[dreg:$0x5] =	wrdreg s0  }
0xe: {  	v0 =	vand.u32 $0x7, v2;
	v2 =	vor.u32 $0x8, v2;
	v1 =	vmul.u32 $0x8, v1;
	s0 =	simm.s32 $0x10200;
	[dreg:$0x4] =	wrdreg s2;
	s2 =	simm.s32 $0x4  }
.LBB2_14:
0xf: {  	_ =	swait.ge [sflag:s2], $0x8000  }
0x10: {  	[sflag:s2] =	ssyncset.done $0x0  }
0x11: {  	s16 =	simm.s32 $0x5;
	[sflag:s2] =	ssyncadd.s32 $0xFFFF8000  }
0x12: {  	_ =	swait.ge [sflag:s16], $0x8000  }
0x13: {  	[sflag:s16] =	ssyncset.done $0x0  }
0x14: {  	[sflag:s16] =	ssyncadd.s32 $0xFFFF8000  }
0x15: {  	_ =	swait.ge [sflag:s6], $0x8000  }
0x16: {  	s17 =	rddreg [dreg:$0x6]  }
0x17: {  	s29 =	rddreg [dreg:$0x5];
	s17 =	sadd.s32 $0x1, s17  }
0x18: {  	p0 =	sne.s32 s17, s29  }
.Ltmp1:
0x19: {  	_ = 	snop;
	(pc) =	sbr.rel @!p0 .LBB2_15-.Ltmp1, $3  }
0x1a: {  	_ =	sdelay $0x1  }
0x1b: {  	[sflag:s6] =	ssyncset.done $0x0  }
0x1c: {  	[sflag:s6] =	ssyncadd.s32 $0xFFFF8000  }
.LBB2_1:
0x1d: {  	[dreg:$0x6] =	wrdreg s17  }
0x1e: {  	s16 =	rddreg [dreg:$0x4];
	s23 =	simm.s32 $0x7  }
0x1f: {  	[tilespmem:s4], [sflag:$0x7] =	stream.linear.gather [hbm4b:s16+s4], $0x200, $0x38;
	[tilespmem:$0x18200] =	vst v63  }
0x20: {  	_ =	swait.ge [sflag:s23], $0x200  }
0x21: {  	[sflag:s23] =	ssyncset.done $0x0  }
0x22: {  	[sflag:s23] =	ssyncadd.s32 $0xFFFFFE00  }
0x23: {  	v3 =	vld [tilespmem:$0x0];
	_ =	sdelay $0x4  }
0x24: {  	v4 =	vshll.u32 v3, $0x3  }
0x25: {  	v3 =	vand.u32 $0x7, v3;
	v4 =	vand.u32 $0xFFFFFFC0, v4  }
0x26: {  	v3 =	vor.u32 v3, v4  }
0x27: {  	v4 =	vperm.xlane v3, v0;
	_ =	sdelay $0x1  }
0x28: {  	v4 =	vadd.s32 v1, v4;
	_ =	sdelay $0x4  }
0x29: {  	[tilespmem:s14], [sflag:$0x1] =	stream.indirect_vreg.gather [hbm4b:s1+s4], $0x80, v4, vm0, $0xb8;
	[tilespmem:$0x18200] =	vst v63  }
0x2a: {  	s24 =	simm.s32 $0xA00;
	v3 =	vperm.xlane v3, v2  }
0x2b: {  	[tilespmem:s24], [sflag:$0x1] =	stream.indirect_vreg.gather [hbm4b:s7+s4], $0x80, v4, vm0, $0xb8;
	[tilespmem:$0x18200] =	vst v63  }
0x2c: {  	s25 =	simm.s32 $0x1200;
	v3 =	vadd.s32 v1, v3  }
0x2d: {  	[tilespmem:s25], [sflag:$0x1] =	stream.indirect_vreg.gather [hbm4b:s8+s4], $0x80, v4, vm0, $0xb8;
	[tilespmem:$0x18200] =	vst v63  }
0x2e: {  	s26 =	simm.s32 $0x1A00  }
0x2f: {  	[tilespmem:s26], [sflag:$0x1] =	stream.indirect_vreg.gather [hbm4b:s9+s4], $0x80, v4, vm0, $0xb8;
	[tilespmem:$0x18200] =	vst v63  }
0x30: {  	s28 =	simm.s32 $0x2200  }
0x31: {  	[tilespmem:s28], [sflag:$0x1] =	stream.indirect_vreg.gather [hbm4b:s1+s4], $0x80, v3, vm0, $0xb8;
	[tilespmem:$0x18200] =	vst v63  }
0x32: {  	s29 =	simm.s32 $0x2A00  }
0x33: {  	[tilespmem:s29], [sflag:$0x1] =	stream.indirect_vreg.gather [hbm4b:s7+s4], $0x80, v3, vm0, $0xb8;
	[tilespmem:$0x18200] =	vst v63  }
0x34: {  	s17 =	simm.s32 $0x3200  }
0x35: {  	[tilespmem:s17], [sflag:$0x1] =	stream.indirect_vreg.gather [hbm4b:s8+s4], $0x80, v3, vm0, $0xb8;
	[tilespmem:$0x18200] =	vst v63  }
0x36: {  	s18 =	simm.s32 $0x3A00  }
0x37: {  	[tilespmem:s18], [sflag:$0x1] =	stream.indirect_vreg.gather [hbm4b:s9+s4], $0x80, v3, vm0, $0xb8;
	[tilespmem:$0x18200] =	vst v63  }
0x38: {  	v3 =	vld [tilespmem:$0x10];
	_ =	sdelay $0x4  }
0x39: {  	v61 =	vshll.u32 v3, $0x3  }
0x3a: {  	v3 =	vand.u32 $0x7, v3;
	v4 =	vand.u32 $0xFFFFFFC0, v61  }
0x3b: {  	v3 =	vor.u32 v3, v4  }
0x3c: {  	v4 =	vperm.xlane v3, v0;
	_ =	sdelay $0x1  }
0x3d: {  	v4 =	vadd.s32 v1, v4;
	_ =	sdelay $0x3  }
0x3e: {  	s19 =	simm.s32 $0x4200  }
0x3f: {  	[tilespmem:s19], [sflag:$0x1] =	stream.indirect_vreg.gather [hbm4b:s1+s4], $0x80, v4, vm0, $0xb8;
	[tilespmem:$0x18200] =	vst v63  }
0x40: {  	s20 =	simm.s32 $0x4A00;
	v3 =	vperm.xlane v3, v2  }
0x41: {  	[tilespmem:s20], [sflag:$0x1] =	stream.indirect_vreg.gather [hbm4b:s7+s4], $0x80, v4, vm0, $0xb8;
	[tilespmem:$0x18200] =	vst v63  }
0x42: {  	s21 =	simm.s32 $0x5200;
	v3 =	vadd.s32 v1, v3  }
0x43: {  	[tilespmem:s21], [sflag:$0x1] =	stream.indirect_vreg.gather [hbm4b:s8+s4], $0x80, v4, vm0, $0xb8;
	[tilespmem:$0x18200] =	vst v63  }
0x44: {  	s22 =	simm.s32 $0x5A00  }
0x45: {  	[tilespmem:s22], [sflag:$0x1] =	stream.indirect_vreg.gather [hbm4b:s9+s4], $0x80, v4, vm0, $0xb8;
	[tilespmem:$0x18200] =	vst v63  }
0x46: {  	s23 =	simm.s32 $0x6200  }
0x47: {  	[tilespmem:s23], [sflag:$0x1] =	stream.indirect_vreg.gather [hbm4b:s1+s4], $0x80, v3, vm0, $0xb8;
	[tilespmem:$0x18200] =	vst v63  }
0x48: {  	s24 =	simm.s32 $0x6A00  }
0x49: {  	[tilespmem:s24], [sflag:$0x1] =	stream.indirect_vreg.gather [hbm4b:s7+s4], $0x80, v3, vm0, $0xb8;
	[tilespmem:$0x18200] =	vst v63  }
0x4a: {  	s25 =	simm.s32 $0x7200  }
0x4b: {  	[tilespmem:s25], [sflag:$0x1] =	stream.indirect_vreg.gather [hbm4b:s8+s4], $0x80, v3, vm0, $0xb8;
	[tilespmem:$0x18200] =	vst v63  }
0x4c: {  	_ = 	snop  }
0x4d: {  	[tilespmem:s30], [sflag:$0x1] =	stream.indirect_vreg.gather [hbm4b:s9+s4], $0x80, v3, vm0, $0xb8;
	[tilespmem:$0x18200] =	vst v63  }
0x4e: {  	v3 =	vld [tilespmem:$0x20];
	_ =	sdelay $0x4  }
0x4f: {  	v62 =	vshll.u32 v3, $0x3  }
0x50: {  	v3 =	vand.u32 $0x7, v3;
	v4 =	vand.u32 $0xFFFFFFC0, v62  }
0x51: {  	v3 =	vor.u32 v3, v4  }
0x52: {  	v4 =	vperm.xlane v3, v0;
	_ =	sdelay $0x1  }
0x53: {  	v4 =	vadd.s32 v1, v4;
	_ =	sdelay $0x4  }
0x54: {  	[tilespmem:s31], [sflag:$0x2] =	stream.indirect_vreg.gather [hbm4b:s1+s4], $0x80, v4, vm0, $0xb8;
	[tilespmem:$0x18200] =	vst v63  }
0x55: {  	s26 =	simm.s32 $0x8A00;
	v3 =	vperm.xlane v3, v2  }
0x56: {  	[tilespmem:s26], [sflag:$0x2] =	stream.indirect_vreg.gather [hbm4b:s7+s4], $0x80, v4, vm0, $0xb8;
	[tilespmem:$0x18200] =	vst v63  }
0x57: {  	s28 =	simm.s32 $0x9200;
	v3 =	vadd.s32 v1, v3  }
0x58: {  	[tilespmem:s28], [sflag:$0x2] =	stream.indirect_vreg.gather [hbm4b:s8+s4], $0x80, v4, vm0, $0xb8;
	[tilespmem:$0x18200] =	vst v63  }
0x59: {  	s29 =	simm.s32 $0x9A00  }
0x5a: {  	[tilespmem:s29], [sflag:$0x2] =	stream.indirect_vreg.gather [hbm4b:s9+s4], $0x80, v4, vm0, $0xb8;
	[tilespmem:$0x18200] =	vst v63  }
0x5b: {  	s17 =	simm.s32 $0xA200  }
0x5c: {  	[tilespmem:s17], [sflag:$0x2] =	stream.indirect_vreg.gather [hbm4b:s1+s4], $0x80, v3, vm0, $0xb8;
	[tilespmem:$0x18200] =	vst v63  }
0x5d: {  	s18 =	simm.s32 $0xAA00  }
0x5e: {  	[tilespmem:s18], [sflag:$0x2] =	stream.indirect_vreg.gather [hbm4b:s7+s4], $0x80, v3, vm0, $0xb8;
	[tilespmem:$0x18200] =	vst v63  }
0x5f: {  	s19 =	simm.s32 $0xB200  }
0x60: {  	[tilespmem:s19], [sflag:$0x2] =	stream.indirect_vreg.gather [hbm4b:s8+s4], $0x80, v3, vm0, $0xb8;
	[tilespmem:$0x18200] =	vst v63  }
0x61: {  	s20 =	simm.s32 $0xBA00  }
0x62: {  	[tilespmem:s20], [sflag:$0x2] =	stream.indirect_vreg.gather [hbm4b:s9+s4], $0x80, v3, vm0, $0xb8;
	[tilespmem:$0x18200] =	vst v63  }
0x63: {  	v3 =	vld [tilespmem:$0x30];
	_ =	sdelay $0x4  }
0x64: {  	v63 =	vshll.u32 v3, $0x3  }
0x65: {  	v3 =	vand.u32 $0x7, v3;
	v4 =	vand.u32 $0xFFFFFFC0, v63  }
0x66: {  	v3 =	vor.u32 v3, v4  }
0x67: {  	v4 =	vperm.xlane v3, v0;
	_ =	sdelay $0x1  }
0x68: {  	v4 =	vadd.s32 v1, v4;
	_ =	sdelay $0x3  }
0x69: {  	s21 =	simm.s32 $0xC200  }
0x6a: {  	[tilespmem:s21], [sflag:$0x2] =	stream.indirect_vreg.gather [hbm4b:s1+s4], $0x80, v4, vm0, $0xb8;
	[tilespmem:$0x18200] =	vst v63  }
0x6b: {  	s22 =	simm.s32 $0xCA00;
	v3 =	vperm.xlane v3, v2  }
0x6c: {  	[tilespmem:s22], [sflag:$0x2] =	stream.indirect_vreg.gather [hbm4b:s7+s4], $0x80, v4, vm0, $0xb8;
	[tilespmem:$0x18200] =	vst v63  }
0x6d: {  	s23 =	simm.s32 $0xD200;
	v3 =	vadd.s32 v1, v3  }
0x6e: {  	[tilespmem:s23], [sflag:$0x2] =	stream.indirect_vreg.gather [hbm4b:s8+s4], $0x80, v4, vm0, $0xb8;
	[tilespmem:$0x18200] =	vst v63  }
0x6f: {  	s24 =	simm.s32 $0xDA00  }
0x70: {  	[tilespmem:s24], [sflag:$0x2] =	stream.indirect_vreg.gather [hbm4b:s9+s4], $0x80, v4, vm0, $0xb8;
	[tilespmem:$0x18200] =	vst v63  }
0x71: {  	s25 =	simm.s32 $0xE200  }
0x72: {  	[tilespmem:s25], [sflag:$0x2] =	stream.indirect_vreg.gather [hbm4b:s1+s4], $0x80, v3, vm0, $0xb8;
	[tilespmem:$0x18200] =	vst v63  }
0x73: {  	s26 =	simm.s32 $0xEA00  }
0x74: {  	[tilespmem:s26], [sflag:$0x2] =	stream.indirect_vreg.gather [hbm4b:s7+s4], $0x80, v3, vm0, $0xb8;
	[tilespmem:$0x18200] =	vst v63  }
0x75: {  	s28 =	simm.s32 $0xF200  }
0x76: {  	[tilespmem:s28], [sflag:$0x2] =	stream.indirect_vreg.gather [hbm4b:s8+s4], $0x80, v3, vm0, $0xb8;
	[tilespmem:$0x18200] =	vst v63  }
0x77: {  	s16 =	simm.s32 $0x0;
	s29 =	simm.s32 $0xFA00  }
0x78: {  	[tilespmem:s29], [sflag:$0x2] =	stream.indirect_vreg.gather [hbm4b:s9+s4], $0x80, v3, vm0, $0xb8;
	[tilespmem:$0x18200] =	vst v63  }
.LBB2_2:
0x79: {  	p0 =	seq.s32 s16, $0x0  }
.Ltmp2:
0x7a: {  	_ = 	snop;
	(pc) =	sbr.rel @p0 .LBB2_5-.Ltmp2, $3  }
0x7b: {  	_ = 	snop  }
0x7c: {  	s17 =	smul.u32 $0x3, s16;
	_ =	sdelay $0x1  }
0x7d: {  	s17 =	sadd.s32 $0x2, s17  }
0x7e: {  	p0 =	seq.s32 s16, $0x5  }
.Ltmp3:
0x7f: {  	_ = 	snop;
	(pc) =	sbr.rel @p0 .LBB2_6-.Ltmp3, $1  }
0x80: {  	_ =	sdelay $0x3  }
0x81: {  	_ =	swait.ge [sflag:s6], $0x8000  }
0x82: {  	[sflag:s6] =	ssyncset.done $0x0  }
0x83: {  	[sflag:s6] =	ssyncadd.s32 $0xFFFF8000  }
.LBB2_5:
0x84: {  	s18 =	sshll.u32 s17, $0x5  }
0x85: {  	s18 =	sand.u32 $0x3FFFFFE0, s18  }
0x86: {  	v3 =	vld [tilespmem:s18+$0x0];
	_ =	sdelay $0x4  }
0x87: {  	v4 =	vshll.u32 v3, $0x3  }
0x88: {  	v3 =	vand.u32 $0x7, v3;
	v4 =	vand.u32 $0xFFFFFFC0, v4  }
0x89: {  	v3 =	vor.u32 v3, v4  }
0x8a: {  	v4 =	vperm.xlane v3, v0;
	_ =	sdelay $0x1  }
0x8b: {  	v4 =	vadd.s32 v1, v4;
	_ =	sdelay $0x4  }
0x8c: {  	[tilespmem:s0], [sflag:$0x3] =	stream.indirect_vreg.gather [hbm4b:s1+s4], $0x80, v4, vm0, $0xb8;
	[tilespmem:$0x18200] =	vst v63  }
0x8d: {  	s19 =	simm.s32 $0x10A00;
	v3 =	vperm.xlane v3, v2  }
0x8e: {  	[tilespmem:s19], [sflag:$0x3] =	stream.indirect_vreg.gather [hbm4b:s7+s4], $0x80, v4, vm0, $0xb8;
	[tilespmem:$0x18200] =	vst v63  }
0x8f: {  	s24 =	simm.s32 $0x11200;
	v3 =	vadd.s32 v1, v3  }
0x90: {  	[tilespmem:s24], [sflag:$0x3] =	stream.indirect_vreg.gather [hbm4b:s8+s4], $0x80, v4, vm0, $0xb8;
	[tilespmem:$0x18200] =	vst v63  }
0x91: {  	s25 =	simm.s32 $0x11A00  }
0x92: {  	[tilespmem:s25], [sflag:$0x3] =	stream.indirect_vreg.gather [hbm4b:s9+s4], $0x80, v4, vm0, $0xb8;
	[tilespmem:$0x18200] =	vst v63  }
0x93: {  	s26 =	simm.s32 $0x12200  }
0x94: {  	[tilespmem:s26], [sflag:$0x3] =	stream.indirect_vreg.gather [hbm4b:s1+s4], $0x80, v3, vm0, $0xb8;
	[tilespmem:$0x18200] =	vst v63  }
0x95: {  	s28 =	simm.s32 $0x12A00  }
0x96: {  	[tilespmem:s28], [sflag:$0x3] =	stream.indirect_vreg.gather [hbm4b:s7+s4], $0x80, v3, vm0, $0xb8;
	[tilespmem:$0x18200] =	vst v63  }
0x97: {  	s29 =	simm.s32 $0x13200  }
0x98: {  	[tilespmem:s29], [sflag:$0x3] =	stream.indirect_vreg.gather [hbm4b:s8+s4], $0x80, v3, vm0, $0xb8;
	[tilespmem:$0x18200] =	vst v63  }
0x99: {  	s20 =	simm.s32 $0x13A00  }
0x9a: {  	[tilespmem:s20], [sflag:$0x3] =	stream.indirect_vreg.gather [hbm4b:s9+s4], $0x80, v3, vm0, $0xb8;
	[tilespmem:$0x18200] =	vst v63  }
0x9b: {  	v3 =	vld [tilespmem:s18+$0x10];
	_ =	sdelay $0x4  }
0x9c: {  	v63 =	vshll.u32 v3, $0x3  }
0x9d: {  	v3 =	vand.u32 $0x7, v3;
	v4 =	vand.u32 $0xFFFFFFC0, v63  }
0x9e: {  	v3 =	vor.u32 v3, v4  }
0x9f: {  	v4 =	vperm.xlane v3, v0;
	_ =	sdelay $0x1  }
0xa0: {  	v4 =	vadd.s32 v1, v4;
	_ =	sdelay $0x3  }
0xa1: {  	s21 =	simm.s32 $0x14200  }
0xa2: {  	[tilespmem:s21], [sflag:$0x3] =	stream.indirect_vreg.gather [hbm4b:s1+s4], $0x80, v4, vm0, $0xb8;
	[tilespmem:$0x18200] =	vst v63  }
0xa3: {  	s22 =	simm.s32 $0x14A00;
	v3 =	vperm.xlane v3, v2  }
0xa4: {  	[tilespmem:s22], [sflag:$0x3] =	stream.indirect_vreg.gather [hbm4b:s7+s4], $0x80, v4, vm0, $0xb8;
	[tilespmem:$0x18200] =	vst v63  }
0xa5: {  	s23 =	simm.s32 $0x15200;
	v3 =	vadd.s32 v1, v3  }
0xa6: {  	[tilespmem:s23], [sflag:$0x3] =	stream.indirect_vreg.gather [hbm4b:s8+s4], $0x80, v4, vm0, $0xb8;
	[tilespmem:$0x18200] =	vst v63  }
0xa7: {  	s24 =	simm.s32 $0x15A00  }
0xa8: {  	[tilespmem:s24], [sflag:$0x3] =	stream.indirect_vreg.gather [hbm4b:s9+s4], $0x80, v4, vm0, $0xb8;
	[tilespmem:$0x18200] =	vst v63  }
0xa9: {  	s25 =	simm.s32 $0x16200  }
0xaa: {  	[tilespmem:s25], [sflag:$0x3] =	stream.indirect_vreg.gather [hbm4b:s1+s4], $0x80, v3, vm0, $0xb8;
	[tilespmem:$0x18200] =	vst v63  }
0xab: {  	s26 =	simm.s32 $0x16A00  }
0xac: {  	[tilespmem:s26], [sflag:$0x3] =	stream.indirect_vreg.gather [hbm4b:s7+s4], $0x80, v3, vm0, $0xb8;
	[tilespmem:$0x18200] =	vst v63  }
0xad: {  	s28 =	simm.s32 $0x17200  }
0xae: {  	[tilespmem:s28], [sflag:$0x3] =	stream.indirect_vreg.gather [hbm4b:s8+s4], $0x80, v3, vm0, $0xb8;
	[tilespmem:$0x18200] =	vst v63  }
0xaf: {  	s29 =	simm.s32 $0x17A00  }
0xb0: {  	[tilespmem:s29], [sflag:$0x3] =	stream.indirect_vreg.gather [hbm4b:s9+s4], $0x80, v3, vm0, $0xb8;
	[tilespmem:$0x18200] =	vst v63  }
.LBB2_6:
0xb1: {  	_ =	swait.ge [sflag:s13], $0x8000;
	s18 =	simm.s32 $0x0;
	s19 =	simm.s32 $0x0  }
0xb2: {  	[sflag:s13] =	ssyncset.done $0x0;
	s19 =	sand.u32 $0x6000, s19;
	s20 =	sand.u32 $0x380, s18  }
0xb3: {  	[sflag:s13] =	ssyncadd.s32 $0xFFFF8000;
	s21 =	sor.u32 s20, s19  }
0xb4: {  	v3 =	vld [tilespmem:s21+$0x200]  }
0xb5: {  	v4 =	vld [tilespmem:s21+$0x210]  }
0xb6: {  	v5 =	vld [tilespmem:s21+$0x220]  }
0xb7: {  	v6 =	vld [tilespmem:s21+$0x230]  }
0xb8: {  	v7 =	vld [tilespmem:s21+$0x250]  }
0xb9: {  	v8 =	vld [tilespmem:s21+$0x260]  }
0xba: {  	v9 =	vld [tilespmem:s21+$0x270];
	v3 =	vmul.f32 $3.200000000e+01, v3  }
0xbb: {  	v10 =	vld [tilespmem:s21+$0x600];
	v4 =	vmul.f32 $3.200000000e+01, v4  }
0xbc: {  	s29 =	simm.s32 $0x80;
	s22 =	simm.s32 $0x400;
	v11 =	vld [tilespmem:s21+$0x610];
	[tilespmem:s21+$0x200] =	vst v3;
	v3 =	vmul.f32 $3.200000000e+01, v5  }
0xbd: {  	s20 =	sand.u32 $0x6000, s22;
	s19 =	sand.u32 $0x380, s29;
	v12 =	vld [tilespmem:s21+$0x620];
	[tilespmem:s21+$0x210] =	vst v4;
	v4 =	vmul.f32 $3.200000000e+01, v6  }
0xbe: {  	v13 =	vld [tilespmem:s21+$0x630];
	s19 =	sor.u32 s19, s20;
	[tilespmem:s21+$0x220] =	vst v3;
	v3 =	vmul.f32 $3.200000000e+01, v7  }
0xbf: {  	v59 =	vld [tilespmem:s19+$0x260];
	[tilespmem:s21+$0x230] =	vst v4;
	v4 =	vmul.f32 $3.200000000e+01, v8  }
0xc0: {  	v51 =	vld [tilespmem:s21+$0xA50];
	[tilespmem:s21+$0x250] =	vst v3;
	v3 =	vmul.f32 $3.200000000e+01, v9  }
0xc1: {  	v5 =	vld [tilespmem:s21+$0x650];
	[tilespmem:s21+$0x260] =	vst v4;
	v4 =	vmul.f32 $3.200000000e+01, v10  }
0xc2: {  	v60 =	vld [tilespmem:s19+$0x270];
	[tilespmem:s21+$0x270] =	vst v3;
	v3 =	vmul.f32 $3.200000000e+01, v11  }
0xc3: {  	v6 =	vld [tilespmem:s21+$0x660];
	[tilespmem:s21+$0x600] =	vst v4;
	v4 =	vmul.f32 $3.200000000e+01, v12  }
0xc4: {  	v7 =	vld [tilespmem:s21+$0x670];
	v12 =	vmul.f32 $3.200000000e+01, v59;
	[tilespmem:s21+$0x610] =	vst v3  }
0xc5: {  	v8 =	vld [tilespmem:s21+$0xA00];
	v3 =	vmul.f32 $3.200000000e+01, v13;
	[tilespmem:s21+$0x620] =	vst v4  }
0xc6: {  	v9 =	vld [tilespmem:s21+$0xA10];
	v4 =	vmul.f32 $3.200000000e+01, v5;
	[tilespmem:s19+$0x260] =	vst v12  }
0xc7: {  	v10 =	vld [tilespmem:s21+$0xA20];
	v13 =	vmul.f32 $3.200000000e+01, v60;
	[tilespmem:s21+$0x630] =	vst v3  }
0xc8: {  	v11 =	vld [tilespmem:s21+$0xA30];
	v3 =	vmul.f32 $3.200000000e+01, v6;
	[tilespmem:s21+$0x650] =	vst v4  }
0xc9: {  	v52 =	vld [tilespmem:s21+$0xA60];
	v4 =	vmul.f32 $3.200000000e+01, v7;
	[tilespmem:s19+$0x270] =	vst v13  }
0xca: {  	v53 =	vld [tilespmem:s21+$0xE70];
	[tilespmem:s21+$0x660] =	vst v3;
	v3 =	vmul.f32 $3.200000000e+01, v8  }
0xcb: {  	v5 =	vld [tilespmem:s21+$0xA70];
	[tilespmem:s21+$0x670] =	vst v4;
	v4 =	vmul.f32 $3.200000000e+01, v9  }
0xcc: {  	v6 =	vld [tilespmem:s21+$0xE00];
	[tilespmem:s21+$0xA00] =	vst v3;
	v3 =	vmul.f32 $3.200000000e+01, v10  }
0xcd: {  	v7 =	vld [tilespmem:s21+$0xE10];
	[tilespmem:s21+$0xA10] =	vst v4;
	v4 =	vmul.f32 $3.200000000e+01, v11  }
0xce: {  	v8 =	vld [tilespmem:s21+$0xE20];
	[tilespmem:s21+$0xA20] =	vst v3;
	v3 =	vmul.f32 $3.200000000e+01, v51  }
0xcf: {  	v9 =	vld [tilespmem:s21+$0xE30];
	[tilespmem:s21+$0xA30] =	vst v4;
	v4 =	vmul.f32 $3.200000000e+01, v52  }
0xd0: {  	v10 =	vld [tilespmem:s21+$0xE50];
	[tilespmem:s21+$0xA50] =	vst v3;
	v3 =	vmul.f32 $3.200000000e+01, v5  }
0xd1: {  	v11 =	vld [tilespmem:s21+$0xE60];
	[tilespmem:s21+$0xA60] =	vst v4;
	v4 =	vmul.f32 $3.200000000e+01, v6  }
0xd2: {  	v54 =	vld [tilespmem:s21+$0x1200];
	[tilespmem:s21+$0xA70] =	vst v3;
	v3 =	vmul.f32 $3.200000000e+01, v7  }
0xd3: {  	v55 =	vld [tilespmem:s21+$0x1610];
	[tilespmem:s21+$0xE00] =	vst v4;
	v4 =	vmul.f32 $3.200000000e+01, v8  }
0xd4: {  	v5 =	vld [tilespmem:s21+$0x1210];
	[tilespmem:s21+$0xE10] =	vst v3;
	v3 =	vmul.f32 $3.200000000e+01, v9  }
0xd5: {  	v6 =	vld [tilespmem:s21+$0x1220];
	[tilespmem:s21+$0xE20] =	vst v4;
	v4 =	vmul.f32 $3.200000000e+01, v10  }
0xd6: {  	v7 =	vld [tilespmem:s21+$0x1230];
	[tilespmem:s21+$0xE30] =	vst v3;
	v3 =	vmul.f32 $3.200000000e+01, v11  }
0xd7: {  	v8 =	vld [tilespmem:s21+$0x1250];
	[tilespmem:s21+$0xE50] =	vst v4;
	v4 =	vmul.f32 $3.200000000e+01, v53  }
0xd8: {  	v9 =	vld [tilespmem:s21+$0x1260];
	[tilespmem:s21+$0xE60] =	vst v3;
	v3 =	vmul.f32 $3.200000000e+01, v54  }
0xd9: {  	v10 =	vld [tilespmem:s21+$0x1270];
	[tilespmem:s21+$0xE70] =	vst v4;
	v4 =	vmul.f32 $3.200000000e+01, v5  }
0xda: {  	v11 =	vld [tilespmem:s21+$0x1600];
	[tilespmem:s21+$0x1200] =	vst v3;
	v3 =	vmul.f32 $3.200000000e+01, v6  }
0xdb: {  	v56 =	vld [tilespmem:s21+$0x1620];
	[tilespmem:s21+$0x1210] =	vst v4;
	v4 =	vmul.f32 $3.200000000e+01, v7  }
0xdc: {  	v61 =	vld [tilespmem:s21+$0x640];
	[tilespmem:s21+$0x1220] =	vst v3;
	v3 =	vmul.f32 $3.200000000e+01, v8  }
0xdd: {  	v8 =	vld [tilespmem:s21+$0x1670];
	[tilespmem:s21+$0x1230] =	vst v4;
	v4 =	vmul.f32 $3.200000000e+01, v9  }
0xde: {  	v5 =	vld [tilespmem:s21+$0x1630];
	[tilespmem:s21+$0x1250] =	vst v3;
	v3 =	vmul.f32 $3.200000000e+01, v10  }
0xdf: {  	v6 =	vld [tilespmem:s21+$0x1650];
	[tilespmem:s21+$0x1260] =	vst v4;
	v4 =	vmul.f32 $3.200000000e+01, v11  }
0xe0: {  	v9 =	vld [tilespmem:s21+$0x1A00];
	[tilespmem:s21+$0x1270] =	vst v3;
	v3 =	vmul.f32 $3.200000000e+01, v55  }
0xe1: {  	v10 =	vld [tilespmem:s21+$0x1A10];
	[tilespmem:s21+$0x1600] =	vst v4;
	v4 =	vmul.f32 $3.200000000e+01, v56  }
0xe2: {  	v11 =	vld [tilespmem:s21+$0x1A20];
	v8 =	vmul.f32 $3.200000000e+01, v8;
	[tilespmem:s21+$0x1610] =	vst v3  }
0xe3: {  	v7 =	vld [tilespmem:s21+$0x1660];
	v3 =	vmul.f32 $3.200000000e+01, v5;
	[tilespmem:s21+$0x1620] =	vst v4  }
0xe4: {  	v57 =	vld [tilespmem:s19+$0x200];
	v4 =	vmul.f32 $3.200000000e+01, v6;
	[tilespmem:s21+$0x1670] =	vst v8  }
0xe5: {  	v58 =	vld [tilespmem:s19+$0x210];
	v8 =	vmul.f32 $3.200000000e+01, v9;
	[tilespmem:s21+$0x1630] =	vst v3  }
0xe6: {  	v5 =	vld [tilespmem:s19+$0x220];
	v10 =	vmul.f32 $3.200000000e+01, v10;
	[tilespmem:s21+$0x1650] =	vst v4  }
0xe7: {  	v6 =	vld [tilespmem:s19+$0x230];
	v11 =	vmul.f32 $3.200000000e+01, v11;
	[tilespmem:s21+$0x1A00] =	vst v8  }
0xe8: {  	v3 =	vmul.f32 $3.200000000e+01, v7;
	v7 =	vld [tilespmem:s19+$0x250];
	[tilespmem:s21+$0x1A10] =	vst v10  }
0xe9: {  	v4 =	vmul.f32 $3.200000000e+01, v57;
	v10 =	vld [tilespmem:s19+$0x620];
	[tilespmem:s21+$0x1A20] =	vst v11  }
0xea: {  	v11 =	vld [tilespmem:s19+$0x630];
	[tilespmem:s21+$0x1660] =	vst v3;
	v3 =	vmul.f32 $3.200000000e+01, v58  }
0xeb: {  	[tilespmem:s19+$0x200] =	vst v4;
	v4 =	vld [tilespmem:s21+$0x1A30];
	v5 =	vmul.f32 $3.200000000e+01, v5  }
0xec: {  	v6 =	vmul.f32 $3.200000000e+01, v6;
	[tilespmem:s19+$0x210] =	vst v3;
	v3 =	vld [tilespmem:s21+$0x1A50]  }
0xed: {  	[tilespmem:s19+$0x220] =	vst v5;
	v5 =	vld [tilespmem:s21+$0x1A60];
	v7 =	vmul.f32 $3.200000000e+01, v7  }
0xee: {  	[tilespmem:s19+$0x230] =	vst v6;
	v6 =	vld [tilespmem:s21+$0x1A70];
	v10 =	vmul.f32 $3.200000000e+01, v10  }
0xef: {  	v9 =	vld [tilespmem:s19+$0x600];
	v11 =	vmul.f32 $3.200000000e+01, v11;
	[tilespmem:s19+$0x250] =	vst v7  }
0xf0: {  	v8 =	vld [tilespmem:s19+$0x610];
	v4 =	vmul.f32 $3.200000000e+01, v4;
	[tilespmem:s19+$0x620] =	vst v10  }
0xf1: {  	v7 =	vld [tilespmem:s21+$0x240];
	[tilespmem:s19+$0x630] =	vst v11;
	v3 =	vmul.f32 $3.200000000e+01, v3  }
0xf2: {  	[tilespmem:s21+$0x1A30] =	vst v4;
	v4 =	vld [tilespmem:s19+$0x650];
	v5 =	vmul.f32 $3.200000000e+01, v5  }
0xf3: {  	v62 =	vld [tilespmem:s21+$0xA40];
	v6 =	vmul.f32 $3.200000000e+01, v6;
	[tilespmem:s21+$0x1A50] =	vst v3  }
0xf4: {  	v3 =	vmul.f32 $3.200000000e+01, v9;
	v9 =	vld [tilespmem:s19+$0x660];
	[tilespmem:s21+$0x1A60] =	vst v5  }
0xf5: {  	v10 =	vld [tilespmem:s21+$0x1640];
	v5 =	vmul.f32 $3.200000000e+01, v8;
	[tilespmem:s21+$0x1A70] =	vst v6  }
0xf6: {  	s23 =	sand.u32 $0x7, s18;
	v8 =	vld [tilespmem:s19+$0x670];
	v7 =	vmul.f32 $3.200000000e+01, v7;
	[tilespmem:s19+$0x600] =	vst v3  }
0xf7: {  	s20 =	sshll.u32 s23, $0x7;
	v3 =	vld [tilespmem:s21+$0xE40];
	[tilespmem:s19+$0x610] =	vst v5;
	v4 =	vmul.f32 $3.200000000e+01, v4  }
0xf8: {  	s20 =	sadd.s32 $0x0, s20;
	v12 =	vmul.f32 $3.200000000e+01, v61;
	v5 =	vld [tilespmem:s21+$0x1240];
	[tilespmem:s21+$0x240] =	vst v7  }
0xf9: {  	s22 =	sor.u32 $0x1C00, s20;
	v7 =	vld [tilespmem:s19+$0xA10];
	[tilespmem:s19+$0x650] =	vst v4;
	v4 =	vmul.f32 $3.200000000e+01, v9  }
0xfa: {  	v13 =	vmul.f32 $3.200000000e+01, v62;
	v11 =	vld [tilespmem:s22+$0x200];
	[tilespmem:s21+$0x640] =	vst v12  }
0xfb: {  	v8 =	vmul.f32 $3.200000000e+01, v8;
	[tilespmem:s19+$0x660] =	vst v4;
	v4 =	vld [tilespmem:s21+$0x1A40]  }
0xfc: {  	[tilespmem:s21+$0xA40] =	vst v13;
	v3 =	vmul.f32 $3.200000000e+01, v3  }
0xfd: {  	v5 =	vmul.f32 $3.200000000e+01, v5;
	[tilespmem:s19+$0x670] =	vst v8  }
0xfe: {  	v8 =	vmul.f32 $3.200000000e+01, v10;
	[tilespmem:s21+$0xE40] =	vst v3  }
0xff: {  	v7 =	vmul.f32 $3.200000000e+01, v7;
	[tilespmem:s21+$0x1240] =	vst v5  }
0x100: {  	[tilespmem:s21+$0x1640] =	vst v8;
	v4 =	vmul.f32 $3.200000000e+01, v4  }
0x101: {  	v6 =	vld [tilespmem:s19+$0xA00];
	[tilespmem:s19+$0xA10] =	vst v7;
	v7 =	vmul.f32 $3.200000000e+01, v11  }
0x102: {  	[tilespmem:s21+$0x1A40] =	vst v4  }
0x103: {  	s24 =	sor.u32 $0x1C10, s20;
	v3 =	vld [tilespmem:s19+$0xA50];
	[tilespmem:s22+$0x200] =	vst v7  }
0x104: {  	v7 =	vld [tilespmem:s24+$0x200]  }
0x105: {  	v4 =	vld [tilespmem:s19+$0xE00]  }
0x106: {  	v5 =	vmul.f32 $3.200000000e+01, v6;
	v6 =	vld [tilespmem:s19+$0xA60];
	_ =	sdelay $0x1  }
0x107: {  	v3 =	vmul.f32 $3.200000000e+01, v3  }
0x108: {  	v7 =	vmul.f32 $3.200000000e+01, v7  }
0x109: {  	[tilespmem:s19+$0xA50] =	vst v3;
	v3 =	vld [tilespmem:s19+$0xE30];
	v4 =	vmul.f32 $3.200000000e+01, v4  }
0x10a: {  	v63 =	vld [tilespmem:s19+$0xA20];
	s25 =	sor.u32 $0x1C20, s20;
	v6 =	vmul.f32 $3.200000000e+01, v6;
	[tilespmem:s24+$0x200] =	vst v7  }
0x10b: {  	[tilespmem:s19+$0xE00] =	vst v4;
	v4 =	vld [tilespmem:s25+$0x200]  }
0x10c: {  	[tilespmem:s19+$0xA60] =	vst v6;
	v6 =	vld [tilespmem:s19+$0xE50];
	_ =	sdelay $0x1  }
0x10d: {  	v3 =	vmul.f32 $3.200000000e+01, v3  }
0x10e: {  	[tilespmem:s19+$0xA00] =	vst v5;
	v5 =	vmul.f32 $3.200000000e+01, v63  }
0x10f: {  	v9 =	vld [tilespmem:s19+$0xA30];
	[tilespmem:s19+$0xE30] =	vst v3;
	v3 =	vmul.f32 $3.200000000e+01, v4  }
0x110: {  	v8 =	vld [tilespmem:s19+$0xA70];
	[tilespmem:s19+$0xA20] =	vst v5;
	v6 =	vmul.f32 $3.200000000e+01, v6  }
0x111: {  	s26 =	sor.u32 $0x1C30, s20;
	v5 =	vld [tilespmem:s19+$0xE10];
	[tilespmem:s25+$0x200] =	vst v3  }
0x112: {  	[tilespmem:s19+$0xE50] =	vst v6;
	v6 =	vld [tilespmem:s26+$0x200];
	_ =	sdelay $0x1  }
0x113: {  	v9 =	vmul.f32 $3.200000000e+01, v9;
	v7 =	vld [tilespmem:s19+$0xE70]  }
0x114: {  	v8 =	vmul.f32 $3.200000000e+01, v8  }
0x115: {  	[tilespmem:s19+$0xA30] =	vst v9;
	v5 =	vmul.f32 $3.200000000e+01, v5  }
0x116: {  	v9 =	vld [tilespmem:s19+$0xE20];
	[tilespmem:s19+$0xA70] =	vst v8;
	v6 =	vmul.f32 $3.200000000e+01, v6  }
0x117: {  	v8 =	vld [tilespmem:s19+$0xE60];
	[tilespmem:s19+$0xE10] =	vst v5  }
0x118: {  	s28 =	sor.u32 $0x1C40, s20;
	v5 =	vld [tilespmem:s19+$0x1200];
	v7 =	vmul.f32 $3.200000000e+01, v7;
	[tilespmem:s26+$0x200] =	vst v6  }
0x119: {  	v6 =	vld [tilespmem:s28+$0x200]  }
0x11a: {  	[tilespmem:s19+$0xE70] =	vst v7;
	v7 =	vld [tilespmem:s19+$0x1260]  }
0x11b: {  	v9 =	vmul.f32 $3.200000000e+01, v9;
	v3 =	vld [tilespmem:s19+$0x1230]  }
0x11c: {  	v8 =	vmul.f32 $3.200000000e+01, v8;
	v4 =	vld [tilespmem:s19+$0x1220]  }
0x11d: {  	[tilespmem:s19+$0xE20] =	vst v9;
	v9 =	vld [tilespmem:s19+$0x1210];
	v5 =	vmul.f32 $3.200000000e+01, v5  }
0x11e: {  	[tilespmem:s19+$0xE60] =	vst v8;
	v8 =	vld [tilespmem:s19+$0x1250];
	v6 =	vmul.f32 $3.200000000e+01, v6  }
0x11f: {  	[tilespmem:s19+$0x1200] =	vst v5;
	v5 =	vld [tilespmem:s19+$0x1600];
	v7 =	vmul.f32 $3.200000000e+01, v7  }
0x120: {  	s29 =	sor.u32 $0x1C50, s20;
	v10 =	vld [tilespmem:s19+$0x1270];
	v3 =	vmul.f32 $3.200000000e+01, v3;
	[tilespmem:s28+$0x200] =	vst v6  }
0x121: {  	v4 =	vmul.f32 $3.200000000e+01, v4;
	[tilespmem:s19+$0x1260] =	vst v7;
	v7 =	vld [tilespmem:s29+$0x200]  }
0x122: {  	v9 =	vmul.f32 $3.200000000e+01, v9;
	[tilespmem:s19+$0x1230] =	vst v3;
	v3 =	vld [tilespmem:s19+$0x1620]  }
0x123: {  	v8 =	vmul.f32 $3.200000000e+01, v8;
	[tilespmem:s19+$0x1220] =	vst v4;
	v4 =	vld [tilespmem:s19+$0x1610]  }
0x124: {  	[tilespmem:s19+$0x1210] =	vst v9;
	v5 =	vmul.f32 $3.200000000e+01, v5  }
0x125: {  	v9 =	vmul.f32 $3.200000000e+01, v10;
	[tilespmem:s19+$0x1250] =	vst v8;
	v8 =	vld [tilespmem:s19+$0x1630]  }
0x126: {  	[tilespmem:s19+$0x1600] =	vst v5;
	v6 =	vld [tilespmem:s19+$0x1650];
	v5 =	vmul.f32 $3.200000000e+01, v7  }
0x127: {  	[tilespmem:s19+$0x1270] =	vst v9;
	v9 =	vld [tilespmem:s19+$0x1660];
	v3 =	vmul.f32 $3.200000000e+01, v3  }
0x128: {  	s24 =	sor.u32 $0x1C60, s20;
	v10 =	vld [tilespmem:s19+$0x1670];
	v4 =	vmul.f32 $3.200000000e+01, v4;
	[tilespmem:s29+$0x200] =	vst v5  }
0x129: {  	[tilespmem:s19+$0x1620] =	vst v3;
	v3 =	vld [tilespmem:s24+$0x200]  }
0x12a: {  	[tilespmem:s19+$0x1610] =	vst v4;
	v4 =	vld [tilespmem:s19+$0x1A00];
	v7 =	vmul.f32 $3.200000000e+01, v8  }
0x12b: {  	v8 =	vld [tilespmem:s19+$0x1A10];
	v5 =	vmul.f32 $3.200000000e+01, v6  }
0x12c: {  	[tilespmem:s19+$0x1630] =	vst v7;
	v7 =	vld [tilespmem:s19+$0x1A20];
	v6 =	vmul.f32 $3.200000000e+01, v9  }
0x12d: {  	v9 =	vmul.f32 $3.200000000e+01, v10;
	[tilespmem:s19+$0x1650] =	vst v5;
	v5 =	vld [tilespmem:s19+$0x1A30]  }
0x12e: {  	s23 =	simm.s32 $0x100;
	s21 =	simm.s32 $0x0;
	s22 =	simm.s32 $0xFFFF8400;
	[tilespmem:s19+$0x1660] =	vst v6;
	v6 =	vld [tilespmem:s19+$0x1A50];
	v3 =	vmul.f32 $3.200000000e+01, v3  }
.LBB2_7:
0x12f: {  	p0 =	sne.s32 s23, $0xF80;
	[tilespmem:s19+$0x1670] =	vst v9;
	v4 =	vmul.f32 $3.200000000e+01, v4;
	v9 =	vld [tilespmem:s19+$0x1A60]  }
0x130: {  	v8 =	vmul.f32 $3.200000000e+01, v8;
	v10 =	vld [tilespmem:s19+$0x1A70];
	[tilespmem:s24+$0x200] =	vst v3;
	s24 =	sor.u32 $0x1C70, s20  }
0x131: {  	[tilespmem:s19+$0x1A00] =	vst v4;
	v3 =	vmul.f32 $3.200000000e+01, v7;
	v4 =	vld [tilespmem:s24+$0x200]  }
0x132: {  	v7 =	vld [tilespmem:s19+$0x240];
	[tilespmem:s19+$0x1A10] =	vst v8;
	v5 =	vmul.f32 $3.200000000e+01, v5  }
0x133: {  	v8 =	vld [tilespmem:s19+$0x640];
	[tilespmem:s19+$0x1A20] =	vst v3;
	v3 =	vmul.f32 $3.200000000e+01, v6  }
0x134: {  	s18 =	sadd.s32 $0x1, s18;
	v6 =	vld [tilespmem:s19+$0xA40];
	[tilespmem:s19+$0x1A30] =	vst v5;
	v5 =	vmul.f32 $3.200000000e+01, v9  }
0x135: {  	s20 =	sand.u32 $0x7, s18;
	v9 =	vld [tilespmem:s19+$0xE40];
	[tilespmem:s19+$0x1A50] =	vst v3;
	v3 =	vmul.f32 $3.200000000e+01, v10  }
0x136: {  	s22 =	sadd.s32 $0x400, s22;
	s21 =	sadd.s32 $0x400, s21;
	s20 =	sshll.u32 s20, $0x7;
	v10 =	vld [tilespmem:s19+$0x1240];
	[tilespmem:s19+$0x1A60] =	vst v5;
	v4 =	vmul.f32 $3.200000000e+01, v4  }
0x137: {  	s25 =	sadd.s32 $0x8000, s22;
	s20 =	sadd.s32 s20, s21;
	v5 =	vmul.f32 $3.200000000e+01, v7;
	v7 =	vld [tilespmem:s19+$0x1640];
	[tilespmem:s19+$0x1A70] =	vst v3  }
0x138: {  	s26 =	sand.u32 $0x380, s23;
	s25 =	sand.u32 $0x6000, s25;
	s28 =	sor.u32 $0x1C00, s20;
	v3 =	vmul.f32 $3.200000000e+01, v8;
	v8 =	vld [tilespmem:s19+$0x1A40];
	[tilespmem:s24+$0x200] =	vst v4  }
0x139: {  	s24 =	sor.u32 s26, s25;
	[tilespmem:s19+$0x240] =	vst v5;
	v4 =	vmul.f32 $3.200000000e+01, v6;
	v5 =	vld [tilespmem:s28+$0x200]  }
0x13a: {  	v6 =	vld [tilespmem:s24+$0x200];
	[tilespmem:s19+$0x640] =	vst v3;
	v3 =	vmul.f32 $3.200000000e+01, v9  }
0x13b: {  	v9 =	vld [tilespmem:s24+$0x210];
	[tilespmem:s19+$0xA40] =	vst v4;
	v4 =	vmul.f32 $3.200000000e+01, v10  }
0x13c: {  	v10 =	vld [tilespmem:s24+$0x220];
	[tilespmem:s19+$0xE40] =	vst v3;
	v3 =	vmul.f32 $3.200000000e+01, v7  }
0x13d: {  	v7 =	vld [tilespmem:s24+$0x230];
	[tilespmem:s19+$0x1240] =	vst v4;
	v4 =	vmul.f32 $3.200000000e+01, v8  }
0x13e: {  	v8 =	vld [tilespmem:s24+$0x250];
	[tilespmem:s19+$0x1640] =	vst v3;
	v3 =	vmul.f32 $3.200000000e+01, v5  }
0x13f: {  	v5 =	vmul.f32 $3.200000000e+01, v6;
	v6 =	vld [tilespmem:s24+$0x260];
	[tilespmem:s19+$0x1A40] =	vst v4;
	s19 =	smov.u32 s24  }
0x140: {  	s24 =	sor.u32 $0x1C10, s20;
	v4 =	vmul.f32 $3.200000000e+01, v9;
	v9 =	vld [tilespmem:s19+$0x270];
	[tilespmem:s28+$0x200] =	vst v3  }
0x141: {  	[tilespmem:s19+$0x200] =	vst v5;
	v3 =	vmul.f32 $3.200000000e+01, v10;
	v5 =	vld [tilespmem:s24+$0x200]  }
0x142: {  	[tilespmem:s19+$0x210] =	vst v4;
	v4 =	vmul.f32 $3.200000000e+01, v7;
	v7 =	vld [tilespmem:s19+$0x600]  }
0x143: {  	[tilespmem:s19+$0x220] =	vst v3;
	v3 =	vmul.f32 $3.200000000e+01, v8;
	v8 =	vld [tilespmem:s19+$0x610]  }
0x144: {  	[tilespmem:s19+$0x230] =	vst v4;
	v4 =	vmul.f32 $3.200000000e+01, v6;
	v6 =	vld [tilespmem:s19+$0x620]  }
0x145: {  	[tilespmem:s19+$0x250] =	vst v3;
	v3 =	vmul.f32 $3.200000000e+01, v9;
	v9 =	vld [tilespmem:s19+$0x630]  }
0x146: {  	[tilespmem:s19+$0x260] =	vst v4;
	v4 =	vld [tilespmem:s19+$0x650];
	v5 =	vmul.f32 $3.200000000e+01, v5  }
0x147: {  	[tilespmem:s19+$0x270] =	vst v3;
	v3 =	vmul.f32 $3.200000000e+01, v7;
	v7 =	vld [tilespmem:s19+$0x660]  }
0x148: {  	v8 =	vmul.f32 $3.200000000e+01, v8;
	v10 =	vld [tilespmem:s19+$0x670];
	[tilespmem:s24+$0x200] =	vst v5;
	s24 =	sor.u32 $0x1C20, s20  }
0x149: {  	[tilespmem:s19+$0x600] =	vst v3;
	v3 =	vmul.f32 $3.200000000e+01, v6;
	v5 =	vld [tilespmem:s24+$0x200]  }
0x14a: {  	[tilespmem:s19+$0x610] =	vst v8;
	v6 =	vmul.f32 $3.200000000e+01, v9;
	v8 =	vld [tilespmem:s19+$0xA00]  }
0x14b: {  	[tilespmem:s19+$0x620] =	vst v3;
	v3 =	vmul.f32 $3.200000000e+01, v4;
	v4 =	vld [tilespmem:s19+$0xA10]  }
0x14c: {  	[tilespmem:s19+$0x630] =	vst v6;
	v6 =	vmul.f32 $3.200000000e+01, v7;
	v7 =	vld [tilespmem:s19+$0xA20]  }
0x14d: {  	[tilespmem:s19+$0x650] =	vst v3;
	v3 =	vmul.f32 $3.200000000e+01, v10;
	v9 =	vld [tilespmem:s19+$0xA30]  }
0x14e: {  	[tilespmem:s19+$0x660] =	vst v6;
	v6 =	vld [tilespmem:s19+$0xA50];
	v5 =	vmul.f32 $3.200000000e+01, v5  }
0x14f: {  	[tilespmem:s19+$0x670] =	vst v3;
	v3 =	vmul.f32 $3.200000000e+01, v8;
	v8 =	vld [tilespmem:s19+$0xA60]  }
0x150: {  	v4 =	vmul.f32 $3.200000000e+01, v4;
	v10 =	vld [tilespmem:s19+$0xA70];
	[tilespmem:s24+$0x200] =	vst v5;
	s24 =	sor.u32 $0x1C30, s20  }
0x151: {  	[tilespmem:s19+$0xA00] =	vst v3;
	v3 =	vmul.f32 $3.200000000e+01, v7;
	v5 =	vld [tilespmem:s24+$0x200]  }
0x152: {  	[tilespmem:s19+$0xA10] =	vst v4;
	v4 =	vmul.f32 $3.200000000e+01, v9;
	v7 =	vld [tilespmem:s19+$0xE00]  }
0x153: {  	[tilespmem:s19+$0xA20] =	vst v3;
	v3 =	vmul.f32 $3.200000000e+01, v6;
	v6 =	vld [tilespmem:s19+$0xE10]  }
0x154: {  	[tilespmem:s19+$0xA30] =	vst v4;
	v4 =	vmul.f32 $3.200000000e+01, v8;
	v8 =	vld [tilespmem:s19+$0xE20]  }
0x155: {  	[tilespmem:s19+$0xA50] =	vst v3;
	v3 =	vmul.f32 $3.200000000e+01, v10;
	v9 =	vld [tilespmem:s19+$0xE30]  }
0x156: {  	[tilespmem:s19+$0xA60] =	vst v4;
	v4 =	vld [tilespmem:s19+$0xE50];
	v5 =	vmul.f32 $3.200000000e+01, v5  }
0x157: {  	[tilespmem:s19+$0xA70] =	vst v3;
	v3 =	vmul.f32 $3.200000000e+01, v7;
	v7 =	vld [tilespmem:s19+$0xE60]  }
0x158: {  	v6 =	vmul.f32 $3.200000000e+01, v6;
	v10 =	vld [tilespmem:s19+$0xE70];
	[tilespmem:s24+$0x200] =	vst v5;
	s24 =	sor.u32 $0x1C40, s20  }
0x159: {  	[tilespmem:s19+$0xE00] =	vst v3;
	v3 =	vmul.f32 $3.200000000e+01, v8;
	v5 =	vld [tilespmem:s24+$0x200]  }
0x15a: {  	[tilespmem:s19+$0xE10] =	vst v6;
	v6 =	vmul.f32 $3.200000000e+01, v9;
	v8 =	vld [tilespmem:s19+$0x1200]  }
0x15b: {  	[tilespmem:s19+$0xE20] =	vst v3;
	v3 =	vmul.f32 $3.200000000e+01, v4;
	v4 =	vld [tilespmem:s19+$0x1210]  }
0x15c: {  	[tilespmem:s19+$0xE30] =	vst v6;
	v6 =	vmul.f32 $3.200000000e+01, v7;
	v7 =	vld [tilespmem:s19+$0x1220]  }
0x15d: {  	[tilespmem:s19+$0xE50] =	vst v3;
	v3 =	vmul.f32 $3.200000000e+01, v10;
	v9 =	vld [tilespmem:s19+$0x1230]  }
0x15e: {  	[tilespmem:s19+$0xE60] =	vst v6;
	v6 =	vld [tilespmem:s19+$0x1250];
	v5 =	vmul.f32 $3.200000000e+01, v5  }
0x15f: {  	[tilespmem:s19+$0xE70] =	vst v3;
	v3 =	vmul.f32 $3.200000000e+01, v8;
	v8 =	vld [tilespmem:s19+$0x1260]  }
0x160: {  	v4 =	vmul.f32 $3.200000000e+01, v4;
	v10 =	vld [tilespmem:s19+$0x1270];
	[tilespmem:s24+$0x200] =	vst v5;
	s24 =	sor.u32 $0x1C50, s20  }
0x161: {  	[tilespmem:s19+$0x1200] =	vst v3;
	v3 =	vmul.f32 $3.200000000e+01, v7;
	v5 =	vld [tilespmem:s24+$0x200]  }
0x162: {  	[tilespmem:s19+$0x1210] =	vst v4;
	v4 =	vmul.f32 $3.200000000e+01, v9;
	v7 =	vld [tilespmem:s19+$0x1600]  }
0x163: {  	[tilespmem:s19+$0x1220] =	vst v3;
	v3 =	vmul.f32 $3.200000000e+01, v6;
	v6 =	vld [tilespmem:s19+$0x1610]  }
0x164: {  	[tilespmem:s19+$0x1230] =	vst v4;
	v4 =	vmul.f32 $3.200000000e+01, v8;
	v8 =	vld [tilespmem:s19+$0x1620]  }
0x165: {  	[tilespmem:s19+$0x1250] =	vst v3;
	v3 =	vmul.f32 $3.200000000e+01, v10;
	v9 =	vld [tilespmem:s19+$0x1630]  }
0x166: {  	[tilespmem:s19+$0x1260] =	vst v4;
	v10 =	vld [tilespmem:s19+$0x1650];
	v4 =	vmul.f32 $3.200000000e+01, v5  }
0x167: {  	[tilespmem:s19+$0x1270] =	vst v3;
	v3 =	vmul.f32 $3.200000000e+01, v7;
	v5 =	vld [tilespmem:s19+$0x1660]  }
0x168: {  	v6 =	vmul.f32 $3.200000000e+01, v6;
	v11 =	vld [tilespmem:s19+$0x1670];
	[tilespmem:s24+$0x200] =	vst v4;
	s24 =	sor.u32 $0x1C60, s20  }
0x169: {  	[tilespmem:s19+$0x1600] =	vst v3;
	v3 =	vmul.f32 $3.200000000e+01, v8;
	v12 =	vld [tilespmem:s24+$0x200]  }
.Ltmp4:
0x16a: {  	[tilespmem:s19+$0x1610] =	vst v6;
	v6 =	vmul.f32 $3.200000000e+01, v9;
	v4 =	vld [tilespmem:s19+$0x1A00];
	(pc) =	sbr.rel @p0 .LBB2_7-.Ltmp4, $4  }
0x16b: {  	[tilespmem:s19+$0x1620] =	vst v3;
	v3 =	vmul.f32 $3.200000000e+01, v10;
	v8 =	vld [tilespmem:s19+$0x1A10]  }
0x16c: {  	[tilespmem:s19+$0x1630] =	vst v6;
	v6 =	vmul.f32 $3.200000000e+01, v5;
	v7 =	vld [tilespmem:s19+$0x1A20]  }
0x16d: {  	[tilespmem:s19+$0x1650] =	vst v3;
	v9 =	vmul.f32 $3.200000000e+01, v11;
	v5 =	vld [tilespmem:s19+$0x1A30]  }
0x16e: {  	s23 =	sadd.s32 $0x80, s23;
	[tilespmem:s19+$0x1660] =	vst v6;
	v6 =	vld [tilespmem:s19+$0x1A50];
	v3 =	vmul.f32 $3.200000000e+01, v12  }
0x16f: {  	v4 =	vmul.f32 $3.200000000e+01, v4;
	v50 =	vld [tilespmem:s19+$0x1A60]  }
0x170: {  	[tilespmem:s19+$0x1670] =	vst v9;
	v10 =	vld [tilespmem:s19+$0x1A70];
	v8 =	vmul.f32 $3.200000000e+01, v8  }
0x171: {  	v51 =	vld [tilespmem:s19+$0x240];
	[tilespmem:s19+$0x1A00] =	vst v4;
	v7 =	vmul.f32 $3.200000000e+01, v7  }
0x172: {  	[tilespmem:s19+$0x1A10] =	vst v8;
	v5 =	vmul.f32 $3.200000000e+01, v5  }
0x173: {  	v52 =	vld [tilespmem:s19+$0x640];
	[tilespmem:s19+$0x1A20] =	vst v7;
	v6 =	vmul.f32 $3.200000000e+01, v6  }
0x174: {  	v53 =	vld [tilespmem:s19+$0xA40];
	s18 =	sadd.s32 $0x1, s18;
	[tilespmem:s19+$0x1A30] =	vst v5;
	v9 =	vmul.f32 $3.200000000e+01, v50  }
0x175: {  	v54 =	vld [tilespmem:s19+$0xE40];
	s18 =	sand.u32 $0x7, s18;
	v10 =	vmul.f32 $3.200000000e+01, v10;
	[tilespmem:s19+$0x1A50] =	vst v6  }
0x176: {  	v55 =	vld [tilespmem:s19+$0x1240];
	s21 =	sadd.s32 $0x400, s21;
	s18 =	sshll.u32 s18, $0x7;
	v4 =	vmul.f32 $3.200000000e+01, v51;
	[tilespmem:s19+$0x1A60] =	vst v9  }
0x177: {  	v56 =	vld [tilespmem:s19+$0x1640];
	s18 =	sadd.s32 s18, s21;
	[tilespmem:s19+$0x1A70] =	vst v10  }
0x178: {  	v57 =	vld [tilespmem:s19+$0x1A40];
	s21 =	sor.u32 $0x1C00, s18;
	v8 =	vmul.f32 $3.200000000e+01, v52;
	[tilespmem:s19+$0x240] =	vst v4  }
0x179: {  	v58 =	vmul.f32 $3.200000000e+01, v53;
	v59 =	vld [tilespmem:s21+$0x200]  }
0x17a: {  	v5 =	vmul.f32 $3.200000000e+01, v54;
	[tilespmem:s19+$0x640] =	vst v8  }
0x17b: {  	v60 =	vmul.f32 $3.200000000e+01, v55;
	[tilespmem:s19+$0xA40] =	vst v58  }
0x17c: {  	v61 =	vmul.f32 $3.200000000e+01, v56;
	[tilespmem:s19+$0xE40] =	vst v5  }
0x17d: {  	v62 =	vmul.f32 $3.200000000e+01, v57;
	[tilespmem:s19+$0x1240] =	vst v60  }
0x17e: {  	[tilespmem:s19+$0x1640] =	vst v61;
	v63 =	vmul.f32 $3.200000000e+01, v59  }
0x17f: {  	[tilespmem:s19+$0x1A40] =	vst v62  }
0x180: {  	s29 =	sor.u32 $0x1C10, s18;
	[tilespmem:s21+$0x200] =	vst v63  }
0x181: {  	v4 =	vld [tilespmem:s29+$0x200];
	_ =	sdelay $0x4  }
0x182: {  	v4 =	vmul.f32 $3.200000000e+01, v4;
	_ =	sdelay $0x1  }
0x183: {  	s21 =	sor.u32 $0x1C20, s18;
	[tilespmem:s29+$0x200] =	vst v4  }
0x184: {  	v4 =	vld [tilespmem:s21+$0x200];
	_ =	sdelay $0x4  }
0x185: {  	v4 =	vmul.f32 $3.200000000e+01, v4;
	_ =	sdelay $0x1  }
0x186: {  	s22 =	sor.u32 $0x1C30, s18;
	[tilespmem:s21+$0x200] =	vst v4  }
0x187: {  	v4 =	vld [tilespmem:s22+$0x200];
	_ =	sdelay $0x4  }
0x188: {  	v4 =	vmul.f32 $3.200000000e+01, v4;
	_ =	sdelay $0x1  }
0x189: {  	s23 =	sor.u32 $0x1C40, s18;
	[tilespmem:s22+$0x200] =	vst v4  }
0x18a: {  	v4 =	vld [tilespmem:s23+$0x200];
	_ =	sdelay $0x4  }
0x18b: {  	v4 =	vmul.f32 $3.200000000e+01, v4;
	_ =	sdelay $0x1  }
0x18c: {  	s25 =	sor.u32 $0x1C50, s18;
	[tilespmem:s23+$0x200] =	vst v4  }
0x18d: {  	v4 =	vld [tilespmem:s25+$0x200];
	_ =	sdelay $0x4  }
0x18e: {  	v4 =	vmul.f32 $3.200000000e+01, v4;
	_ =	sdelay $0x1  }
0x18f: {  	s26 =	sor.u32 $0x1C60, s18;
	[tilespmem:s25+$0x200] =	vst v4  }
0x190: {  	v4 =	vld [tilespmem:s26+$0x200];
	_ =	sdelay $0x4  }
0x191: {  	v4 =	vmul.f32 $3.200000000e+01, v4  }
0x192: {  	s20 =	sor.u32 $0x1C70, s20;
	[tilespmem:s24+$0x200] =	vst v3  }
0x193: {  	v3 =	vld [tilespmem:s20+$0x200];
	s18 =	sor.u32 $0x1C70, s18;
	[tilespmem:s26+$0x200] =	vst v4  }
0x194: {  	v4 =	vld [tilespmem:s18+$0x200];
	_ =	sdelay $0x2  }
0x195: {  	s28 =	smul.u32 $0x60, s16;
	p0 =	seq.s32 s16, $0x5  }
.Ltmp5:
0x196: {  	v3 =	vmul.f32 $3.200000000e+01, v3;
	(pc) =	sbr.rel @p0 .LBB2_14-.Ltmp5, $4  }
0x197: {  	s19 =	sadd.s32 s5, s28;
	v4 =	vmul.f32 $3.200000000e+01, v4  }
0x198: {  	[tilespmem:s20+$0x200] =	vst v3;
	s19 =	sshll.u32 s19, $0x7  }
0x199: {  	s29 =	sadd.s32 s3, s19;
	[tilespmem:s18+$0x200] =	vst v4  }
0x19a: {  	[hbm4b:s29+s4] =	stream.linear.scatter [tilespmem:s14], [sflag:$0x4], $0x8000, $0x38;
	[tilespmem:$0x18200] =	vst v63  }
0x19b: {  	_ =	swait.ge [sflag:s2], $0x8000;
	s18 =	smul.u32 $0x180, s16  }
0x19c: {  	[sflag:s2] =	ssyncset.done $0x0  }
0x19d: {  	[sflag:s2] =	ssyncadd.s32 $0xFFFF8000;
	s18 =	sshra.s32 s18, $0x2  }
0x19e: {  	v3 =	vld [tilespmem:s18+$0x60];
	_ =	sdelay $0x4  }
0x19f: {  	v4 =	vshll.u32 v3, $0x3  }
0x1a0: {  	v3 =	vand.u32 $0x7, v3;
	v4 =	vand.u32 $0xFFFFFFC0, v4  }
0x1a1: {  	v3 =	vor.u32 v3, v4  }
0x1a2: {  	v4 =	vperm.xlane v3, v0;
	_ =	sdelay $0x1  }
0x1a3: {  	v4 =	vadd.s32 v1, v4;
	_ =	sdelay $0x3  }
0x1a4: {  	s19 =	simm.s32 $0x0  }
0x1a5: {  	[tilespmem:s14], [sflag:$0x1] =	stream.indirect_vreg.gather [hbm4b:s1+s19], $0x80, v4, vm0, $0xb8;
	[tilespmem:$0x18200] =	vst v63  }
0x1a6: {  	s20 =	simm.s32 $0xA00;
	v3 =	vperm.xlane v3, v2  }
0x1a7: {  	[tilespmem:s20], [sflag:$0x1] =	stream.indirect_vreg.gather [hbm4b:s7+s19], $0x80, v4, vm0, $0xb8;
	[tilespmem:$0x18200] =	vst v63  }
0x1a8: {  	s21 =	simm.s32 $0x1200;
	v3 =	vadd.s32 v1, v3  }
0x1a9: {  	[tilespmem:s21], [sflag:$0x1] =	stream.indirect_vreg.gather [hbm4b:s8+s19], $0x80, v4, vm0, $0xb8;
	[tilespmem:$0x18200] =	vst v63  }
0x1aa: {  	s22 =	simm.s32 $0x1A00  }
0x1ab: {  	[tilespmem:s22], [sflag:$0x1] =	stream.indirect_vreg.gather [hbm4b:s9+s19], $0x80, v4, vm0, $0xb8;
	[tilespmem:$0x18200] =	vst v63  }
0x1ac: {  	s23 =	simm.s32 $0x2200  }
0x1ad: {  	[tilespmem:s23], [sflag:$0x1] =	stream.indirect_vreg.gather [hbm4b:s1+s19], $0x80, v3, vm0, $0xb8;
	[tilespmem:$0x18200] =	vst v63  }
0x1ae: {  	s24 =	simm.s32 $0x2A00  }
0x1af: {  	[tilespmem:s24], [sflag:$0x1] =	stream.indirect_vreg.gather [hbm4b:s7+s19], $0x80, v3, vm0, $0xb8;
	[tilespmem:$0x18200] =	vst v63  }
0x1b0: {  	s25 =	simm.s32 $0x3200  }
0x1b1: {  	[tilespmem:s25], [sflag:$0x1] =	stream.indirect_vreg.gather [hbm4b:s8+s19], $0x80, v3, vm0, $0xb8;
	[tilespmem:$0x18200] =	vst v63  }
0x1b2: {  	s26 =	simm.s32 $0x3A00  }
0x1b3: {  	[tilespmem:s26], [sflag:$0x1] =	stream.indirect_vreg.gather [hbm4b:s9+s19], $0x80, v3, vm0, $0xb8;
	[tilespmem:$0x18200] =	vst v63  }
0x1b4: {  	v3 =	vld [tilespmem:s18+$0x70];
	_ =	sdelay $0x4  }
0x1b5: {  	v4 =	vshll.u32 v3, $0x3  }
0x1b6: {  	v3 =	vand.u32 $0x7, v3;
	v4 =	vand.u32 $0xFFFFFFC0, v4  }
0x1b7: {  	v3 =	vor.u32 v3, v4  }
0x1b8: {  	v4 =	vperm.xlane v3, v0;
	_ =	sdelay $0x1  }
0x1b9: {  	v4 =	vadd.s32 v1, v4;
	_ =	sdelay $0x3  }
0x1ba: {  	s28 =	simm.s32 $0x4200  }
0x1bb: {  	[tilespmem:s28], [sflag:$0x1] =	stream.indirect_vreg.gather [hbm4b:s1+s19], $0x80, v4, vm0, $0xb8;
	[tilespmem:$0x18200] =	vst v63  }
0x1bc: {  	s29 =	simm.s32 $0x4A00;
	v3 =	vperm.xlane v3, v2  }
0x1bd: {  	[tilespmem:s29], [sflag:$0x1] =	stream.indirect_vreg.gather [hbm4b:s7+s19], $0x80, v4, vm0, $0xb8;
	[tilespmem:$0x18200] =	vst v63  }
0x1be: {  	s21 =	simm.s32 $0x5200;
	v3 =	vadd.s32 v1, v3  }
0x1bf: {  	[tilespmem:s21], [sflag:$0x1] =	stream.indirect_vreg.gather [hbm4b:s8+s19], $0x80, v4, vm0, $0xb8;
	[tilespmem:$0x18200] =	vst v63  }
0x1c0: {  	s22 =	simm.s32 $0x5A00  }
0x1c1: {  	[tilespmem:s22], [sflag:$0x1] =	stream.indirect_vreg.gather [hbm4b:s9+s19], $0x80, v4, vm0, $0xb8;
	[tilespmem:$0x18200] =	vst v63  }
0x1c2: {  	s23 =	simm.s32 $0x6200  }
0x1c3: {  	[tilespmem:s23], [sflag:$0x1] =	stream.indirect_vreg.gather [hbm4b:s1+s19], $0x80, v3, vm0, $0xb8;
	[tilespmem:$0x18200] =	vst v63  }
0x1c4: {  	s24 =	simm.s32 $0x6A00  }
0x1c5: {  	[tilespmem:s24], [sflag:$0x1] =	stream.indirect_vreg.gather [hbm4b:s7+s19], $0x80, v3, vm0, $0xb8;
	[tilespmem:$0x18200] =	vst v63  }
0x1c6: {  	s25 =	simm.s32 $0x7200  }
0x1c7: {  	[tilespmem:s25], [sflag:$0x1] =	stream.indirect_vreg.gather [hbm4b:s8+s19], $0x80, v3, vm0, $0xb8;
	[tilespmem:$0x18200] =	vst v63  }
0x1c8: {  	_ = 	snop  }
0x1c9: {  	[tilespmem:s30], [sflag:$0x1] =	stream.indirect_vreg.gather [hbm4b:s9+s19], $0x80, v3, vm0, $0xb8;
	[tilespmem:$0x18200] =	vst v63  }
0x1ca: {  	s26 =	simm.s32 $0x0;
	_ =	swait.ge [sflag:s12], $0x8000  }
0x1cb: {  	s20 =	sand.u32 $0x6000, s26;
	s21 =	sand.u32 $0x380, s19;
	[sflag:s12] =	ssyncset.done $0x0  }
0x1cc: {  	s22 =	sor.u32 s21, s20;
	[sflag:s12] =	ssyncadd.s32 $0xFFFF8000  }
0x1cd: {  	v3 =	vld [tilespmem:s22+$0x8200]  }
0x1ce: {  	v4 =	vld [tilespmem:s22+$0x8210]  }
0x1cf: {  	v5 =	vld [tilespmem:s22+$0x8220]  }
0x1d0: {  	v6 =	vld [tilespmem:s22+$0x8230]  }
0x1d1: {  	v7 =	vld [tilespmem:s22+$0x8250]  }
0x1d2: {  	v8 =	vld [tilespmem:s22+$0x8260]  }
0x1d3: {  	v9 =	vld [tilespmem:s22+$0x8270];
	v3 =	vmul.f32 $3.200000000e+01, v3  }
0x1d4: {  	v10 =	vld [tilespmem:s22+$0x8600];
	v4 =	vmul.f32 $3.200000000e+01, v4  }
0x1d5: {  	s28 =	simm.s32 $0x80;
	s29 =	simm.s32 $0x400;
	v11 =	vld [tilespmem:s22+$0x8610];
	[tilespmem:s22+$0x8200] =	vst v3;
	v3 =	vmul.f32 $3.200000000e+01, v5  }
0x1d6: {  	s21 =	sand.u32 $0x6000, s29;
	s20 =	sand.u32 $0x380, s28;
	v12 =	vld [tilespmem:s22+$0x8620];
	[tilespmem:s22+$0x8210] =	vst v4;
	v4 =	vmul.f32 $3.200000000e+01, v6  }
0x1d7: {  	s20 =	sor.u32 s20, s21;
	v13 =	vld [tilespmem:s22+$0x8630];
	[tilespmem:s22+$0x8220] =	vst v3;
	v3 =	vmul.f32 $3.200000000e+01, v7  }
0x1d8: {  	v59 =	vld [tilespmem:s20+$0x8260];
	[tilespmem:s22+$0x8230] =	vst v4;
	v4 =	vmul.f32 $3.200000000e+01, v8  }
0x1d9: {  	v51 =	vld [tilespmem:s22+$0x8A50];
	[tilespmem:s22+$0x8250] =	vst v3;
	v3 =	vmul.f32 $3.200000000e+01, v9  }
0x1da: {  	v5 =	vld [tilespmem:s22+$0x8650];
	[tilespmem:s22+$0x8260] =	vst v4;
	v4 =	vmul.f32 $3.200000000e+01, v10  }
0x1db: {  	v60 =	vld [tilespmem:s20+$0x8270];
	[tilespmem:s22+$0x8270] =	vst v3;
	v3 =	vmul.f32 $3.200000000e+01, v11  }
0x1dc: {  	v6 =	vld [tilespmem:s22+$0x8660];
	[tilespmem:s22+$0x8600] =	vst v4;
	v4 =	vmul.f32 $3.200000000e+01, v12  }
0x1dd: {  	v7 =	vld [tilespmem:s22+$0x8670];
	v12 =	vmul.f32 $3.200000000e+01, v59;
	[tilespmem:s22+$0x8610] =	vst v3  }
0x1de: {  	v8 =	vld [tilespmem:s22+$0x8A00];
	v3 =	vmul.f32 $3.200000000e+01, v13;
	[tilespmem:s22+$0x8620] =	vst v4  }
0x1df: {  	v9 =	vld [tilespmem:s22+$0x8A10];
	v4 =	vmul.f32 $3.200000000e+01, v5;
	[tilespmem:s20+$0x8260] =	vst v12  }
0x1e0: {  	v10 =	vld [tilespmem:s22+$0x8A20];
	v13 =	vmul.f32 $3.200000000e+01, v60;
	[tilespmem:s22+$0x8630] =	vst v3  }
0x1e1: {  	v11 =	vld [tilespmem:s22+$0x8A30];
	v3 =	vmul.f32 $3.200000000e+01, v6;
	[tilespmem:s22+$0x8650] =	vst v4  }
0x1e2: {  	v52 =	vld [tilespmem:s22+$0x8A60];
	v4 =	vmul.f32 $3.200000000e+01, v7;
	[tilespmem:s20+$0x8270] =	vst v13  }
0x1e3: {  	v53 =	vld [tilespmem:s22+$0x8E70];
	[tilespmem:s22+$0x8660] =	vst v3;
	v3 =	vmul.f32 $3.200000000e+01, v8  }
0x1e4: {  	v5 =	vld [tilespmem:s22+$0x8A70];
	[tilespmem:s22+$0x8670] =	vst v4;
	v4 =	vmul.f32 $3.200000000e+01, v9  }
0x1e5: {  	v6 =	vld [tilespmem:s22+$0x8E00];
	[tilespmem:s22+$0x8A00] =	vst v3;
	v3 =	vmul.f32 $3.200000000e+01, v10  }
0x1e6: {  	v7 =	vld [tilespmem:s22+$0x8E10];
	[tilespmem:s22+$0x8A10] =	vst v4;
	v4 =	vmul.f32 $3.200000000e+01, v11  }
0x1e7: {  	v8 =	vld [tilespmem:s22+$0x8E20];
	[tilespmem:s22+$0x8A20] =	vst v3;
	v3 =	vmul.f32 $3.200000000e+01, v51  }
0x1e8: {  	v9 =	vld [tilespmem:s22+$0x8E30];
	[tilespmem:s22+$0x8A30] =	vst v4;
	v4 =	vmul.f32 $3.200000000e+01, v52  }
0x1e9: {  	v10 =	vld [tilespmem:s22+$0x8E50];
	[tilespmem:s22+$0x8A50] =	vst v3;
	v3 =	vmul.f32 $3.200000000e+01, v5  }
0x1ea: {  	v11 =	vld [tilespmem:s22+$0x8E60];
	[tilespmem:s22+$0x8A60] =	vst v4;
	v4 =	vmul.f32 $3.200000000e+01, v6  }
0x1eb: {  	v54 =	vld [tilespmem:s22+$0x9200];
	[tilespmem:s22+$0x8A70] =	vst v3;
	v3 =	vmul.f32 $3.200000000e+01, v7  }
0x1ec: {  	v55 =	vld [tilespmem:s22+$0x9610];
	[tilespmem:s22+$0x8E00] =	vst v4;
	v4 =	vmul.f32 $3.200000000e+01, v8  }
0x1ed: {  	v5 =	vld [tilespmem:s22+$0x9210];
	[tilespmem:s22+$0x8E10] =	vst v3;
	v3 =	vmul.f32 $3.200000000e+01, v9  }
0x1ee: {  	v6 =	vld [tilespmem:s22+$0x9220];
	[tilespmem:s22+$0x8E20] =	vst v4;
	v4 =	vmul.f32 $3.200000000e+01, v10  }
0x1ef: {  	v7 =	vld [tilespmem:s22+$0x9230];
	[tilespmem:s22+$0x8E30] =	vst v3;
	v3 =	vmul.f32 $3.200000000e+01, v11  }
0x1f0: {  	v8 =	vld [tilespmem:s22+$0x9250];
	[tilespmem:s22+$0x8E50] =	vst v4;
	v4 =	vmul.f32 $3.200000000e+01, v53  }
0x1f1: {  	v9 =	vld [tilespmem:s22+$0x9260];
	[tilespmem:s22+$0x8E60] =	vst v3;
	v3 =	vmul.f32 $3.200000000e+01, v54  }
0x1f2: {  	v10 =	vld [tilespmem:s22+$0x9270];
	[tilespmem:s22+$0x8E70] =	vst v4;
	v4 =	vmul.f32 $3.200000000e+01, v5  }
0x1f3: {  	v11 =	vld [tilespmem:s22+$0x9600];
	[tilespmem:s22+$0x9200] =	vst v3;
	v3 =	vmul.f32 $3.200000000e+01, v6  }
0x1f4: {  	v56 =	vld [tilespmem:s22+$0x9620];
	[tilespmem:s22+$0x9210] =	vst v4;
	v4 =	vmul.f32 $3.200000000e+01, v7  }
0x1f5: {  	v57 =	vld [tilespmem:s20+$0x8200];
	[tilespmem:s22+$0x9220] =	vst v3;
	v3 =	vmul.f32 $3.200000000e+01, v8  }
0x1f6: {  	v8 =	vld [tilespmem:s22+$0x9670];
	[tilespmem:s22+$0x9230] =	vst v4;
	v4 =	vmul.f32 $3.200000000e+01, v9  }
0x1f7: {  	v5 =	vld [tilespmem:s22+$0x9630];
	[tilespmem:s22+$0x9250] =	vst v3;
	v3 =	vmul.f32 $3.200000000e+01, v10  }
0x1f8: {  	v6 =	vld [tilespmem:s22+$0x9650];
	[tilespmem:s22+$0x9260] =	vst v4;
	v4 =	vmul.f32 $3.200000000e+01, v11  }
0x1f9: {  	v9 =	vld [tilespmem:s22+$0x9A00];
	[tilespmem:s22+$0x9270] =	vst v3;
	v3 =	vmul.f32 $3.200000000e+01, v55  }
0x1fa: {  	v10 =	vld [tilespmem:s22+$0x9A10];
	[tilespmem:s22+$0x9600] =	vst v4;
	v4 =	vmul.f32 $3.200000000e+01, v56  }
0x1fb: {  	v11 =	vld [tilespmem:s22+$0x9A20];
	v8 =	vmul.f32 $3.200000000e+01, v8;
	[tilespmem:s22+$0x9610] =	vst v3  }
0x1fc: {  	v7 =	vld [tilespmem:s22+$0x9660];
	v3 =	vmul.f32 $3.200000000e+01, v5;
	[tilespmem:s22+$0x9620] =	vst v4  }
0x1fd: {  	v58 =	vld [tilespmem:s20+$0x8210];
	v4 =	vmul.f32 $3.200000000e+01, v6;
	[tilespmem:s22+$0x9670] =	vst v8  }
0x1fe: {  	v61 =	vld [tilespmem:s22+$0x8640];
	v8 =	vmul.f32 $3.200000000e+01, v9;
	[tilespmem:s22+$0x9630] =	vst v3  }
0x1ff: {  	v5 =	vld [tilespmem:s20+$0x8220];
	v10 =	vmul.f32 $3.200000000e+01, v10;
	[tilespmem:s22+$0x9650] =	vst v4  }
0x200: {  	v6 =	vld [tilespmem:s20+$0x8230];
	v11 =	vmul.f32 $3.200000000e+01, v11;
	[tilespmem:s22+$0x9A00] =	vst v8  }
0x201: {  	v3 =	vmul.f32 $3.200000000e+01, v7;
	v7 =	vld [tilespmem:s20+$0x8250];
	[tilespmem:s22+$0x9A10] =	vst v10  }
0x202: {  	v4 =	vmul.f32 $3.200000000e+01, v57;
	v10 =	vld [tilespmem:s20+$0x8620];
	[tilespmem:s22+$0x9A20] =	vst v11  }
0x203: {  	v11 =	vld [tilespmem:s20+$0x8630];
	[tilespmem:s22+$0x9660] =	vst v3;
	v3 =	vmul.f32 $3.200000000e+01, v58  }
0x204: {  	[tilespmem:s20+$0x8200] =	vst v4;
	v4 =	vld [tilespmem:s22+$0x9A30];
	v5 =	vmul.f32 $3.200000000e+01, v5  }
0x205: {  	v6 =	vmul.f32 $3.200000000e+01, v6;
	[tilespmem:s20+$0x8210] =	vst v3;
	v3 =	vld [tilespmem:s22+$0x9A50]  }
0x206: {  	[tilespmem:s20+$0x8220] =	vst v5;
	v5 =	vld [tilespmem:s22+$0x9A60];
	v7 =	vmul.f32 $3.200000000e+01, v7  }
0x207: {  	[tilespmem:s20+$0x8230] =	vst v6;
	v6 =	vld [tilespmem:s22+$0x9A70];
	v10 =	vmul.f32 $3.200000000e+01, v10  }
0x208: {  	v9 =	vld [tilespmem:s20+$0x8600];
	v11 =	vmul.f32 $3.200000000e+01, v11;
	[tilespmem:s20+$0x8250] =	vst v7  }
0x209: {  	v8 =	vld [tilespmem:s20+$0x8610];
	v4 =	vmul.f32 $3.200000000e+01, v4;
	[tilespmem:s20+$0x8620] =	vst v10  }
0x20a: {  	v7 =	vld [tilespmem:s22+$0x8240];
	[tilespmem:s20+$0x8630] =	vst v11;
	v3 =	vmul.f32 $3.200000000e+01, v3  }
0x20b: {  	[tilespmem:s22+$0x9A30] =	vst v4;
	v4 =	vld [tilespmem:s20+$0x8650];
	v5 =	vmul.f32 $3.200000000e+01, v5  }
0x20c: {  	v62 =	vld [tilespmem:s22+$0x8A40];
	v6 =	vmul.f32 $3.200000000e+01, v6;
	[tilespmem:s22+$0x9A50] =	vst v3  }
0x20d: {  	v3 =	vmul.f32 $3.200000000e+01, v9;
	v9 =	vld [tilespmem:s20+$0x8660];
	[tilespmem:s22+$0x9A60] =	vst v5  }
0x20e: {  	v10 =	vld [tilespmem:s22+$0x9640];
	v5 =	vmul.f32 $3.200000000e+01, v8;
	[tilespmem:s22+$0x9A70] =	vst v6  }
0x20f: {  	s23 =	sand.u32 $0x7, s19;
	v8 =	vld [tilespmem:s20+$0x8670];
	v7 =	vmul.f32 $3.200000000e+01, v7;
	[tilespmem:s20+$0x8600] =	vst v3  }
0x210: {  	s21 =	sshll.u32 s23, $0x7;
	v3 =	vld [tilespmem:s22+$0x8E40];
	[tilespmem:s20+$0x8610] =	vst v5;
	v4 =	vmul.f32 $3.200000000e+01, v4  }
0x211: {  	s21 =	sadd.s32 $0x0, s21;
	v12 =	vmul.f32 $3.200000000e+01, v61;
	v5 =	vld [tilespmem:s22+$0x9240];
	[tilespmem:s22+$0x8240] =	vst v7  }
0x212: {  	s23 =	sor.u32 $0x1C00, s21;
	v7 =	vld [tilespmem:s20+$0x8A10];
	[tilespmem:s20+$0x8650] =	vst v4;
	v4 =	vmul.f32 $3.200000000e+01, v9  }
0x213: {  	v13 =	vmul.f32 $3.200000000e+01, v62;
	v11 =	vld [tilespmem:s23+$0x8200];
	[tilespmem:s22+$0x8640] =	vst v12  }
0x214: {  	v8 =	vmul.f32 $3.200000000e+01, v8;
	[tilespmem:s20+$0x8660] =	vst v4;
	v4 =	vld [tilespmem:s22+$0x9A40]  }
0x215: {  	[tilespmem:s22+$0x8A40] =	vst v13;
	v3 =	vmul.f32 $3.200000000e+01, v3  }
0x216: {  	v5 =	vmul.f32 $3.200000000e+01, v5;
	[tilespmem:s20+$0x8670] =	vst v8  }
0x217: {  	v8 =	vmul.f32 $3.200000000e+01, v10;
	[tilespmem:s22+$0x8E40] =	vst v3  }
0x218: {  	v7 =	vmul.f32 $3.200000000e+01, v7;
	[tilespmem:s22+$0x9240] =	vst v5  }
0x219: {  	[tilespmem:s22+$0x9640] =	vst v8;
	v4 =	vmul.f32 $3.200000000e+01, v4  }
0x21a: {  	v6 =	vld [tilespmem:s20+$0x8A00];
	[tilespmem:s20+$0x8A10] =	vst v7;
	v7 =	vmul.f32 $3.200000000e+01, v11  }
0x21b: {  	[tilespmem:s22+$0x9A40] =	vst v4  }
0x21c: {  	s24 =	sor.u32 $0x1C10, s21;
	v3 =	vld [tilespmem:s20+$0x8A50];
	[tilespmem:s23+$0x8200] =	vst v7  }
0x21d: {  	v7 =	vld [tilespmem:s24+$0x8200]  }
0x21e: {  	v4 =	vld [tilespmem:s20+$0x8E00]  }
0x21f: {  	v5 =	vmul.f32 $3.200000000e+01, v6;
	v6 =	vld [tilespmem:s20+$0x8A60];
	_ =	sdelay $0x1  }
0x220: {  	v3 =	vmul.f32 $3.200000000e+01, v3  }
0x221: {  	v7 =	vmul.f32 $3.200000000e+01, v7  }
0x222: {  	[tilespmem:s20+$0x8A50] =	vst v3;
	v3 =	vld [tilespmem:s20+$0x8E30];
	v4 =	vmul.f32 $3.200000000e+01, v4  }
0x223: {  	s25 =	sor.u32 $0x1C20, s21;
	v63 =	vld [tilespmem:s20+$0x8A20];
	v6 =	vmul.f32 $3.200000000e+01, v6;
	[tilespmem:s24+$0x8200] =	vst v7  }
0x224: {  	[tilespmem:s20+$0x8E00] =	vst v4;
	v4 =	vld [tilespmem:s25+$0x8200]  }
0x225: {  	[tilespmem:s20+$0x8A60] =	vst v6;
	v6 =	vld [tilespmem:s20+$0x8E50];
	_ =	sdelay $0x1  }
0x226: {  	v3 =	vmul.f32 $3.200000000e+01, v3  }
0x227: {  	[tilespmem:s20+$0x8A00] =	vst v5;
	v5 =	vmul.f32 $3.200000000e+01, v63  }
0x228: {  	v9 =	vld [tilespmem:s20+$0x8A30];
	[tilespmem:s20+$0x8E30] =	vst v3;
	v3 =	vmul.f32 $3.200000000e+01, v4  }
0x229: {  	v8 =	vld [tilespmem:s20+$0x8A70];
	[tilespmem:s20+$0x8A20] =	vst v5;
	v6 =	vmul.f32 $3.200000000e+01, v6  }
0x22a: {  	s26 =	sor.u32 $0x1C30, s21;
	v5 =	vld [tilespmem:s20+$0x8E10];
	[tilespmem:s25+$0x8200] =	vst v3  }
0x22b: {  	[tilespmem:s20+$0x8E50] =	vst v6;
	v6 =	vld [tilespmem:s26+$0x8200];
	_ =	sdelay $0x1  }
0x22c: {  	v9 =	vmul.f32 $3.200000000e+01, v9;
	v7 =	vld [tilespmem:s20+$0x8E70]  }
0x22d: {  	v8 =	vmul.f32 $3.200000000e+01, v8  }
0x22e: {  	[tilespmem:s20+$0x8A30] =	vst v9;
	v5 =	vmul.f32 $3.200000000e+01, v5  }
0x22f: {  	v9 =	vld [tilespmem:s20+$0x8E20];
	[tilespmem:s20+$0x8A70] =	vst v8;
	v6 =	vmul.f32 $3.200000000e+01, v6  }
0x230: {  	v8 =	vld [tilespmem:s20+$0x8E60];
	[tilespmem:s20+$0x8E10] =	vst v5  }
0x231: {  	s28 =	sor.u32 $0x1C40, s21;
	v5 =	vld [tilespmem:s20+$0x9200];
	v7 =	vmul.f32 $3.200000000e+01, v7;
	[tilespmem:s26+$0x8200] =	vst v6  }
0x232: {  	v6 =	vld [tilespmem:s28+$0x8200]  }
0x233: {  	[tilespmem:s20+$0x8E70] =	vst v7;
	v7 =	vld [tilespmem:s20+$0x9260]  }
0x234: {  	v9 =	vmul.f32 $3.200000000e+01, v9;
	v3 =	vld [tilespmem:s20+$0x9230]  }
0x235: {  	v8 =	vmul.f32 $3.200000000e+01, v8;
	v4 =	vld [tilespmem:s20+$0x9220]  }
0x236: {  	[tilespmem:s20+$0x8E20] =	vst v9;
	v9 =	vld [tilespmem:s20+$0x9210];
	v5 =	vmul.f32 $3.200000000e+01, v5  }
0x237: {  	[tilespmem:s20+$0x8E60] =	vst v8;
	v8 =	vld [tilespmem:s20+$0x9250];
	v6 =	vmul.f32 $3.200000000e+01, v6  }
0x238: {  	[tilespmem:s20+$0x9200] =	vst v5;
	v5 =	vld [tilespmem:s20+$0x9600];
	v7 =	vmul.f32 $3.200000000e+01, v7  }
0x239: {  	s29 =	sor.u32 $0x1C50, s21;
	v10 =	vld [tilespmem:s20+$0x9270];
	v3 =	vmul.f32 $3.200000000e+01, v3;
	[tilespmem:s28+$0x8200] =	vst v6  }
0x23a: {  	v4 =	vmul.f32 $3.200000000e+01, v4;
	[tilespmem:s20+$0x9260] =	vst v7;
	v7 =	vld [tilespmem:s29+$0x8200]  }
0x23b: {  	v9 =	vmul.f32 $3.200000000e+01, v9;
	[tilespmem:s20+$0x9230] =	vst v3;
	v3 =	vld [tilespmem:s20+$0x9620]  }
0x23c: {  	v8 =	vmul.f32 $3.200000000e+01, v8;
	[tilespmem:s20+$0x9220] =	vst v4;
	v4 =	vld [tilespmem:s20+$0x9610]  }
0x23d: {  	[tilespmem:s20+$0x9210] =	vst v9;
	v5 =	vmul.f32 $3.200000000e+01, v5  }
0x23e: {  	v9 =	vmul.f32 $3.200000000e+01, v10;
	[tilespmem:s20+$0x9250] =	vst v8;
	v8 =	vld [tilespmem:s20+$0x9630]  }
0x23f: {  	[tilespmem:s20+$0x9600] =	vst v5;
	v6 =	vld [tilespmem:s20+$0x9650];
	v5 =	vmul.f32 $3.200000000e+01, v7  }
0x240: {  	[tilespmem:s20+$0x9270] =	vst v9;
	v9 =	vld [tilespmem:s20+$0x9660];
	v3 =	vmul.f32 $3.200000000e+01, v3  }
0x241: {  	v10 =	vld [tilespmem:s20+$0x9670];
	s25 =	sor.u32 $0x1C60, s21;
	v4 =	vmul.f32 $3.200000000e+01, v4;
	[tilespmem:s29+$0x8200] =	vst v5  }
0x242: {  	[tilespmem:s20+$0x9620] =	vst v3;
	v3 =	vld [tilespmem:s25+$0x8200]  }
0x243: {  	[tilespmem:s20+$0x9610] =	vst v4;
	v4 =	vld [tilespmem:s20+$0x9A00];
	v7 =	vmul.f32 $3.200000000e+01, v8  }
0x244: {  	v8 =	vld [tilespmem:s20+$0x9A10];
	v5 =	vmul.f32 $3.200000000e+01, v6  }
0x245: {  	[tilespmem:s20+$0x9630] =	vst v7;
	v7 =	vld [tilespmem:s20+$0x9A20];
	v6 =	vmul.f32 $3.200000000e+01, v9  }
0x246: {  	v9 =	vmul.f32 $3.200000000e+01, v10;
	[tilespmem:s20+$0x9650] =	vst v5;
	v5 =	vld [tilespmem:s20+$0x9A30]  }
0x247: {  	s22 =	simm.s32 $0x0;
	s23 =	simm.s32 $0xFFFF8400;
	s24 =	simm.s32 $0x100;
	[tilespmem:s20+$0x9660] =	vst v6;
	v6 =	vld [tilespmem:s20+$0x9A50];
	v3 =	vmul.f32 $3.200000000e+01, v3  }
.LBB2_10:
0x248: {  	p0 =	sne.s32 s24, $0xF80;
	[tilespmem:s20+$0x9670] =	vst v9;
	v4 =	vmul.f32 $3.200000000e+01, v4;
	v9 =	vld [tilespmem:s20+$0x9A60]  }
0x249: {  	v8 =	vmul.f32 $3.200000000e+01, v8;
	v10 =	vld [tilespmem:s20+$0x9A70];
	[tilespmem:s25+$0x8200] =	vst v3;
	s25 =	sor.u32 $0x1C70, s21  }
0x24a: {  	[tilespmem:s20+$0x9A00] =	vst v4;
	v3 =	vmul.f32 $3.200000000e+01, v7;
	v4 =	vld [tilespmem:s25+$0x8200]  }
0x24b: {  	v7 =	vld [tilespmem:s20+$0x8240];
	[tilespmem:s20+$0x9A10] =	vst v8;
	v5 =	vmul.f32 $3.200000000e+01, v5  }
0x24c: {  	v8 =	vld [tilespmem:s20+$0x8640];
	[tilespmem:s20+$0x9A20] =	vst v3;
	v3 =	vmul.f32 $3.200000000e+01, v6  }
0x24d: {  	s19 =	sadd.s32 $0x1, s19;
	v6 =	vld [tilespmem:s20+$0x8A40];
	[tilespmem:s20+$0x9A30] =	vst v5;
	v5 =	vmul.f32 $3.200000000e+01, v9  }
0x24e: {  	s21 =	sand.u32 $0x7, s19;
	v9 =	vld [tilespmem:s20+$0x8E40];
	[tilespmem:s20+$0x9A50] =	vst v3;
	v3 =	vmul.f32 $3.200000000e+01, v10  }
0x24f: {  	s23 =	sadd.s32 $0x400, s23;
	s22 =	sadd.s32 $0x400, s22;
	s21 =	sshll.u32 s21, $0x7;
	v10 =	vld [tilespmem:s20+$0x9240];
	[tilespmem:s20+$0x9A60] =	vst v5;
	v4 =	vmul.f32 $3.200000000e+01, v4  }
0x250: {  	s26 =	sadd.s32 $0x8000, s23;
	s21 =	sadd.s32 s21, s22;
	v5 =	vmul.f32 $3.200000000e+01, v7;
	v7 =	vld [tilespmem:s20+$0x9640];
	[tilespmem:s20+$0x9A70] =	vst v3  }
0x251: {  	s28 =	sand.u32 $0x380, s24;
	s26 =	sand.u32 $0x6000, s26;
	s29 =	sor.u32 $0x1C00, s21;
	v3 =	vmul.f32 $3.200000000e+01, v8;
	v8 =	vld [tilespmem:s20+$0x9A40];
	[tilespmem:s25+$0x8200] =	vst v4  }
0x252: {  	s25 =	sor.u32 s28, s26;
	[tilespmem:s20+$0x8240] =	vst v5;
	v4 =	vmul.f32 $3.200000000e+01, v6;
	v5 =	vld [tilespmem:s29+$0x8200]  }
0x253: {  	v6 =	vld [tilespmem:s25+$0x8200];
	[tilespmem:s20+$0x8640] =	vst v3;
	v3 =	vmul.f32 $3.200000000e+01, v9  }
0x254: {  	v9 =	vld [tilespmem:s25+$0x8210];
	[tilespmem:s20+$0x8A40] =	vst v4;
	v4 =	vmul.f32 $3.200000000e+01, v10  }
0x255: {  	v10 =	vld [tilespmem:s25+$0x8220];
	[tilespmem:s20+$0x8E40] =	vst v3;
	v3 =	vmul.f32 $3.200000000e+01, v7  }
0x256: {  	v7 =	vld [tilespmem:s25+$0x8230];
	[tilespmem:s20+$0x9240] =	vst v4;
	v4 =	vmul.f32 $3.200000000e+01, v8  }
0x257: {  	v8 =	vld [tilespmem:s25+$0x8250];
	[tilespmem:s20+$0x9640] =	vst v3;
	v3 =	vmul.f32 $3.200000000e+01, v5  }
0x258: {  	v5 =	vmul.f32 $3.200000000e+01, v6;
	v6 =	vld [tilespmem:s25+$0x8260];
	[tilespmem:s20+$0x9A40] =	vst v4;
	s20 =	smov.u32 s25  }
0x259: {  	s25 =	sor.u32 $0x1C10, s21;
	v4 =	vmul.f32 $3.200000000e+01, v9;
	v9 =	vld [tilespmem:s20+$0x8270];
	[tilespmem:s29+$0x8200] =	vst v3  }
0x25a: {  	[tilespmem:s20+$0x8200] =	vst v5;
	v3 =	vmul.f32 $3.200000000e+01, v10;
	v5 =	vld [tilespmem:s25+$0x8200]  }
0x25b: {  	[tilespmem:s20+$0x8210] =	vst v4;
	v4 =	vmul.f32 $3.200000000e+01, v7;
	v7 =	vld [tilespmem:s20+$0x8600]  }
0x25c: {  	[tilespmem:s20+$0x8220] =	vst v3;
	v3 =	vmul.f32 $3.200000000e+01, v8;
	v8 =	vld [tilespmem:s20+$0x8610]  }
0x25d: {  	[tilespmem:s20+$0x8230] =	vst v4;
	v4 =	vmul.f32 $3.200000000e+01, v6;
	v6 =	vld [tilespmem:s20+$0x8620]  }
0x25e: {  	[tilespmem:s20+$0x8250] =	vst v3;
	v3 =	vmul.f32 $3.200000000e+01, v9;
	v9 =	vld [tilespmem:s20+$0x8630]  }
0x25f: {  	[tilespmem:s20+$0x8260] =	vst v4;
	v4 =	vld [tilespmem:s20+$0x8650];
	v5 =	vmul.f32 $3.200000000e+01, v5  }
0x260: {  	[tilespmem:s20+$0x8270] =	vst v3;
	v3 =	vmul.f32 $3.200000000e+01, v7;
	v7 =	vld [tilespmem:s20+$0x8660]  }
0x261: {  	v8 =	vmul.f32 $3.200000000e+01, v8;
	v10 =	vld [tilespmem:s20+$0x8670];
	[tilespmem:s25+$0x8200] =	vst v5;
	s25 =	sor.u32 $0x1C20, s21  }
0x262: {  	[tilespmem:s20+$0x8600] =	vst v3;
	v3 =	vmul.f32 $3.200000000e+01, v6;
	v5 =	vld [tilespmem:s25+$0x8200]  }
0x263: {  	[tilespmem:s20+$0x8610] =	vst v8;
	v6 =	vmul.f32 $3.200000000e+01, v9;
	v8 =	vld [tilespmem:s20+$0x8A00]  }
0x264: {  	[tilespmem:s20+$0x8620] =	vst v3;
	v3 =	vmul.f32 $3.200000000e+01, v4;
	v4 =	vld [tilespmem:s20+$0x8A10]  }
0x265: {  	[tilespmem:s20+$0x8630] =	vst v6;
	v6 =	vmul.f32 $3.200000000e+01, v7;
	v7 =	vld [tilespmem:s20+$0x8A20]  }
0x266: {  	[tilespmem:s20+$0x8650] =	vst v3;
	v3 =	vmul.f32 $3.200000000e+01, v10;
	v9 =	vld [tilespmem:s20+$0x8A30]  }
0x267: {  	[tilespmem:s20+$0x8660] =	vst v6;
	v6 =	vld [tilespmem:s20+$0x8A50];
	v5 =	vmul.f32 $3.200000000e+01, v5  }
0x268: {  	[tilespmem:s20+$0x8670] =	vst v3;
	v3 =	vmul.f32 $3.200000000e+01, v8;
	v8 =	vld [tilespmem:s20+$0x8A60]  }
0x269: {  	v4 =	vmul.f32 $3.200000000e+01, v4;
	v10 =	vld [tilespmem:s20+$0x8A70];
	[tilespmem:s25+$0x8200] =	vst v5;
	s25 =	sor.u32 $0x1C30, s21  }
0x26a: {  	[tilespmem:s20+$0x8A00] =	vst v3;
	v3 =	vmul.f32 $3.200000000e+01, v7;
	v5 =	vld [tilespmem:s25+$0x8200]  }
0x26b: {  	[tilespmem:s20+$0x8A10] =	vst v4;
	v4 =	vmul.f32 $3.200000000e+01, v9;
	v7 =	vld [tilespmem:s20+$0x8E00]  }
0x26c: {  	[tilespmem:s20+$0x8A20] =	vst v3;
	v3 =	vmul.f32 $3.200000000e+01, v6;
	v6 =	vld [tilespmem:s20+$0x8E10]  }
0x26d: {  	[tilespmem:s20+$0x8A30] =	vst v4;
	v4 =	vmul.f32 $3.200000000e+01, v8;
	v8 =	vld [tilespmem:s20+$0x8E20]  }
0x26e: {  	[tilespmem:s20+$0x8A50] =	vst v3;
	v3 =	vmul.f32 $3.200000000e+01, v10;
	v9 =	vld [tilespmem:s20+$0x8E30]  }
0x26f: {  	[tilespmem:s20+$0x8A60] =	vst v4;
	v4 =	vld [tilespmem:s20+$0x8E50];
	v5 =	vmul.f32 $3.200000000e+01, v5  }
0x270: {  	[tilespmem:s20+$0x8A70] =	vst v3;
	v3 =	vmul.f32 $3.200000000e+01, v7;
	v7 =	vld [tilespmem:s20+$0x8E60]  }
0x271: {  	v6 =	vmul.f32 $3.200000000e+01, v6;
	v10 =	vld [tilespmem:s20+$0x8E70];
	[tilespmem:s25+$0x8200] =	vst v5;
	s25 =	sor.u32 $0x1C40, s21  }
0x272: {  	[tilespmem:s20+$0x8E00] =	vst v3;
	v3 =	vmul.f32 $3.200000000e+01, v8;
	v5 =	vld [tilespmem:s25+$0x8200]  }
0x273: {  	[tilespmem:s20+$0x8E10] =	vst v6;
	v6 =	vmul.f32 $3.200000000e+01, v9;
	v8 =	vld [tilespmem:s20+$0x9200]  }
0x274: {  	[tilespmem:s20+$0x8E20] =	vst v3;
	v3 =	vmul.f32 $3.200000000e+01, v4;
	v4 =	vld [tilespmem:s20+$0x9210]  }
0x275: {  	[tilespmem:s20+$0x8E30] =	vst v6;
	v6 =	vmul.f32 $3.200000000e+01, v7;
	v7 =	vld [tilespmem:s20+$0x9220]  }
0x276: {  	[tilespmem:s20+$0x8E50] =	vst v3;
	v3 =	vmul.f32 $3.200000000e+01, v10;
	v9 =	vld [tilespmem:s20+$0x9230]  }
0x277: {  	[tilespmem:s20+$0x8E60] =	vst v6;
	v6 =	vld [tilespmem:s20+$0x9250];
	v5 =	vmul.f32 $3.200000000e+01, v5  }
0x278: {  	[tilespmem:s20+$0x8E70] =	vst v3;
	v3 =	vmul.f32 $3.200000000e+01, v8;
	v8 =	vld [tilespmem:s20+$0x9260]  }
0x279: {  	v4 =	vmul.f32 $3.200000000e+01, v4;
	v10 =	vld [tilespmem:s20+$0x9270];
	[tilespmem:s25+$0x8200] =	vst v5;
	s25 =	sor.u32 $0x1C50, s21  }
0x27a: {  	[tilespmem:s20+$0x9200] =	vst v3;
	v3 =	vmul.f32 $3.200000000e+01, v7;
	v5 =	vld [tilespmem:s25+$0x8200]  }
0x27b: {  	[tilespmem:s20+$0x9210] =	vst v4;
	v4 =	vmul.f32 $3.200000000e+01, v9;
	v7 =	vld [tilespmem:s20+$0x9600]  }
0x27c: {  	[tilespmem:s20+$0x9220] =	vst v3;
	v3 =	vmul.f32 $3.200000000e+01, v6;
	v6 =	vld [tilespmem:s20+$0x9610]  }
0x27d: {  	[tilespmem:s20+$0x9230] =	vst v4;
	v4 =	vmul.f32 $3.200000000e+01, v8;
	v8 =	vld [tilespmem:s20+$0x9620]  }
0x27e: {  	[tilespmem:s20+$0x9250] =	vst v3;
	v3 =	vmul.f32 $3.200000000e+01, v10;
	v9 =	vld [tilespmem:s20+$0x9630]  }
0x27f: {  	[tilespmem:s20+$0x9260] =	vst v4;
	v10 =	vld [tilespmem:s20+$0x9650];
	v4 =	vmul.f32 $3.200000000e+01, v5  }
0x280: {  	[tilespmem:s20+$0x9270] =	vst v3;
	v3 =	vmul.f32 $3.200000000e+01, v7;
	v5 =	vld [tilespmem:s20+$0x9660]  }
0x281: {  	v6 =	vmul.f32 $3.200000000e+01, v6;
	v11 =	vld [tilespmem:s20+$0x9670];
	[tilespmem:s25+$0x8200] =	vst v4;
	s25 =	sor.u32 $0x1C60, s21  }
0x282: {  	[tilespmem:s20+$0x9600] =	vst v3;
	v3 =	vmul.f32 $3.200000000e+01, v8;
	v12 =	vld [tilespmem:s25+$0x8200]  }
.Ltmp6:
0x283: {  	[tilespmem:s20+$0x9610] =	vst v6;
	v6 =	vmul.f32 $3.200000000e+01, v9;
	v4 =	vld [tilespmem:s20+$0x9A00];
	(pc) =	sbr.rel @p0 .LBB2_10-.Ltmp6, $4  }
0x284: {  	[tilespmem:s20+$0x9620] =	vst v3;
	v3 =	vmul.f32 $3.200000000e+01, v10;
	v8 =	vld [tilespmem:s20+$0x9A10]  }
0x285: {  	[tilespmem:s20+$0x9630] =	vst v6;
	v6 =	vmul.f32 $3.200000000e+01, v5;
	v7 =	vld [tilespmem:s20+$0x9A20]  }
0x286: {  	[tilespmem:s20+$0x9650] =	vst v3;
	v9 =	vmul.f32 $3.200000000e+01, v11;
	v5 =	vld [tilespmem:s20+$0x9A30]  }
0x287: {  	s24 =	sadd.s32 $0x80, s24;
	[tilespmem:s20+$0x9660] =	vst v6;
	v6 =	vld [tilespmem:s20+$0x9A50];
	v3 =	vmul.f32 $3.200000000e+01, v12  }
0x288: {  	[tilespmem:s20+$0x9670] =	vst v9;
	v4 =	vmul.f32 $3.200000000e+01, v4;
	v9 =	vld [tilespmem:s20+$0x9A60]  }
0x289: {  	v10 =	vld [tilespmem:s20+$0x9A70];
	v8 =	vmul.f32 $3.200000000e+01, v8  }
0x28a: {  	[tilespmem:s20+$0x9A00] =	vst v4;
	v4 =	vld [tilespmem:s20+$0x8240];
	v7 =	vmul.f32 $3.200000000e+01, v7  }
0x28b: {  	[tilespmem:s20+$0x9A10] =	vst v8;
	v5 =	vmul.f32 $3.200000000e+01, v5  }
0x28c: {  	v8 =	vld [tilespmem:s20+$0x8640];
	[tilespmem:s20+$0x9A20] =	vst v7;
	v6 =	vmul.f32 $3.200000000e+01, v6  }
0x28d: {  	s19 =	sadd.s32 $0x1, s19;
	v7 =	vld [tilespmem:s20+$0x8A40];
	[tilespmem:s20+$0x9A30] =	vst v5;
	v9 =	vmul.f32 $3.200000000e+01, v9  }
0x28e: {  	s19 =	sand.u32 $0x7, s19;
	v5 =	vld [tilespmem:s20+$0x8E40];
	v10 =	vmul.f32 $3.200000000e+01, v10;
	[tilespmem:s20+$0x9A50] =	vst v6  }
0x28f: {  	s22 =	sadd.s32 $0x400, s22;
	s19 =	sshll.u32 s19, $0x7;
	v6 =	vld [tilespmem:s20+$0x9240];
	[tilespmem:s20+$0x9A60] =	vst v9;
	v4 =	vmul.f32 $3.200000000e+01, v4  }
0x290: {  	s19 =	sadd.s32 s19, s22;
	v9 =	vld [tilespmem:s20+$0x9640];
	[tilespmem:s20+$0x9A70] =	vst v10  }
0x291: {  	s22 =	sor.u32 $0x1C00, s19;
	v10 =	vld [tilespmem:s20+$0x9A40];
	v8 =	vmul.f32 $3.200000000e+01, v8;
	[tilespmem:s20+$0x8240] =	vst v4  }
0x292: {  	v4 =	vmul.f32 $3.200000000e+01, v7;
	v7 =	vld [tilespmem:s22+$0x8200]  }
0x293: {  	[tilespmem:s20+$0x8640] =	vst v8;
	v5 =	vmul.f32 $3.200000000e+01, v5  }
0x294: {  	[tilespmem:s20+$0x8A40] =	vst v4;
	v4 =	vmul.f32 $3.200000000e+01, v6  }
0x295: {  	[tilespmem:s20+$0x8E40] =	vst v5;
	v5 =	vmul.f32 $3.200000000e+01, v9  }
0x296: {  	[tilespmem:s20+$0x9240] =	vst v4;
	v4 =	vmul.f32 $3.200000000e+01, v10  }
0x297: {  	[tilespmem:s20+$0x9640] =	vst v5;
	v5 =	vmul.f32 $3.200000000e+01, v7  }
0x298: {  	[tilespmem:s20+$0x9A40] =	vst v4  }
0x299: {  	s23 =	sor.u32 $0x1C10, s19;
	[tilespmem:s22+$0x8200] =	vst v5  }
0x29a: {  	v4 =	vld [tilespmem:s23+$0x8200];
	_ =	sdelay $0x4  }
0x29b: {  	v4 =	vmul.f32 $3.200000000e+01, v4;
	_ =	sdelay $0x1  }
0x29c: {  	s24 =	sor.u32 $0x1C20, s19;
	[tilespmem:s23+$0x8200] =	vst v4  }
0x29d: {  	v4 =	vld [tilespmem:s24+$0x8200];
	_ =	sdelay $0x4  }
0x29e: {  	v4 =	vmul.f32 $3.200000000e+01, v4;
	_ =	sdelay $0x1  }
0x29f: {  	s26 =	sor.u32 $0x1C30, s19;
	[tilespmem:s24+$0x8200] =	vst v4  }
0x2a0: {  	v4 =	vld [tilespmem:s26+$0x8200];
	_ =	sdelay $0x4  }
0x2a1: {  	v4 =	vmul.f32 $3.200000000e+01, v4;
	_ =	sdelay $0x1  }
0x2a2: {  	s28 =	sor.u32 $0x1C40, s19;
	[tilespmem:s26+$0x8200] =	vst v4  }
0x2a3: {  	v4 =	vld [tilespmem:s28+$0x8200];
	_ =	sdelay $0x4  }
0x2a4: {  	v4 =	vmul.f32 $3.200000000e+01, v4;
	_ =	sdelay $0x1  }
0x2a5: {  	s29 =	sor.u32 $0x1C50, s19;
	[tilespmem:s28+$0x8200] =	vst v4  }
0x2a6: {  	v4 =	vld [tilespmem:s29+$0x8200];
	_ =	sdelay $0x4  }
0x2a7: {  	v4 =	vmul.f32 $3.200000000e+01, v4;
	_ =	sdelay $0x1  }
0x2a8: {  	s22 =	sor.u32 $0x1C60, s19;
	[tilespmem:s29+$0x8200] =	vst v4  }
0x2a9: {  	v4 =	vld [tilespmem:s22+$0x8200];
	_ =	sdelay $0x4  }
0x2aa: {  	v4 =	vmul.f32 $3.200000000e+01, v4  }
0x2ab: {  	s21 =	sor.u32 $0x1C70, s21;
	[tilespmem:s25+$0x8200] =	vst v3  }
0x2ac: {  	v3 =	vld [tilespmem:s21+$0x8200];
	s19 =	sor.u32 $0x1C70, s19;
	[tilespmem:s22+$0x8200] =	vst v4  }
0x2ad: {  	v4 =	vld [tilespmem:s19+$0x8200];
	_ =	sdelay $0x2  }
0x2ae: {  	s23 =	smul.u32 $0x18000, s16  }
0x2af: {  	v3 =	vmul.f32 $3.200000000e+01, v3  }
0x2b0: {  	s20 =	sadd.s32 s23, s10;
	v4 =	vmul.f32 $3.200000000e+01, v4  }
0x2b1: {  	p0 =	sgt.u32 s16, $0x3;
	[tilespmem:s21+$0x8200] =	vst v3;
	s20 =	sshrl.u32 s20, $0x3  }
0x2b2: {  	s24 =	sadd.s32 s3, s20;
	[tilespmem:s19+$0x8200] =	vst v4;
	s19 =	simm.s32 @!p0 $0x5  }
0x2b3: {  	[hbm4b:s24+s4] =	stream.linear.scatter [tilespmem:s31], [sflag:$0x5], $0x8000, $0x38;
	[tilespmem:$0x18200] =	vst v63  }
0x2b4: {  	_ =	swait.ge @!p0 [sflag:s19], $0x8000  }
0x2b5: {  	[sflag:s19] =	ssyncset.done @!p0 $0x0  }
0x2b6: {  	[sflag:s19] =	ssyncadd.s32 @!p0 $0xFFFF8000  }
0x2b7: {  	v3 =	vld @!p0 [tilespmem:s18+$0x80];
	_ =	sdelay $0x4  }
0x2b8: {  	v4 =	vshll.u32 @!p0 v3, $0x3  }
0x2b9: {  	v5 =	vlaneseq.u32 @!p0;
	v3 =	vand.u32 @!p0 $0x7, v3;
	v4 =	vand.u32 @!p0 $0xFFFFFFC0, v4  }
0x2ba: {  	v6 =	vshrl.u32 @!p0 v5, $0x3;
	v3 =	vor.u32 @!p0 v3, v4;
	v4 =	vand.u32 @!p0 $0x7, v5  }
0x2bb: {  	v6 =	vmul.u32 @!p0 $0x8, v6;
	v7 =	vperm.xlane @!p0 v3, v4;
	_ =	sdelay $0x1  }
0x2bc: {  	v7 =	vadd.s32 @!p0 v6, v7;
	_ =	sdelay $0x3  }
0x2bd: {  	vm1 =	vmmov @!p0 $0xffff;
	s20 =	simm.s32 @!p0 $0x8200;
	s19 =	simm.s32 @!p0 $0x0  }
0x2be: {  	v5 =	vor.u32 @!p0 $0x8, v5;
	[tilespmem:s20], [sflag:$0x2] =	stream.indirect_vreg.gather @!p0 [hbm4b:s1+s19], $0x80, v7, vm1, $0xb8;
	[tilespmem:$0x18200] =	vst v63  }
0x2bf: {  	v3 =	vperm.xlane @!p0 v3, v5;
	s20 =	simm.s32 @!p0 $0x8A00  }
0x2c0: {  	[tilespmem:s20], [sflag:$0x2] =	stream.indirect_vreg.gather @!p0 [hbm4b:s7+s19], $0x80, v7, vm1, $0xb8;
	[tilespmem:$0x18200] =	vst v63  }
0x2c1: {  	v3 =	vadd.s32 @!p0 v6, v3;
	s20 =	simm.s32 @!p0 $0x9200  }
0x2c2: {  	[tilespmem:s20], [sflag:$0x2] =	stream.indirect_vreg.gather @!p0 [hbm4b:s8+s19], $0x80, v7, vm1, $0xb8;
	[tilespmem:$0x18200] =	vst v63  }
0x2c3: {  	s20 =	simm.s32 @!p0 $0x9A00  }
0x2c4: {  	[tilespmem:s20], [sflag:$0x2] =	stream.indirect_vreg.gather @!p0 [hbm4b:s9+s19], $0x80, v7, vm1, $0xb8;
	[tilespmem:$0x18200] =	vst v63  }
0x2c5: {  	s20 =	simm.s32 @!p0 $0xA200  }
0x2c6: {  	[tilespmem:s20], [sflag:$0x2] =	stream.indirect_vreg.gather @!p0 [hbm4b:s1+s19], $0x80, v3, vm1, $0xb8;
	[tilespmem:$0x18200] =	vst v63  }
0x2c7: {  	s20 =	simm.s32 @!p0 $0xAA00  }
0x2c8: {  	[tilespmem:s20], [sflag:$0x2] =	stream.indirect_vreg.gather @!p0 [hbm4b:s7+s19], $0x80, v3, vm1, $0xb8;
	[tilespmem:$0x18200] =	vst v63  }
0x2c9: {  	s20 =	simm.s32 @!p0 $0xB200  }
0x2ca: {  	[tilespmem:s20], [sflag:$0x2] =	stream.indirect_vreg.gather @!p0 [hbm4b:s8+s19], $0x80, v3, vm1, $0xb8;
	[tilespmem:$0x18200] =	vst v63  }
0x2cb: {  	s20 =	simm.s32 @!p0 $0xBA00  }
0x2cc: {  	[tilespmem:s20], [sflag:$0x2] =	stream.indirect_vreg.gather @!p0 [hbm4b:s9+s19], $0x80, v3, vm1, $0xb8;
	[tilespmem:$0x18200] =	vst v63  }
0x2cd: {  	v3 =	vld @!p0 [tilespmem:s18+$0x90];
	_ =	sdelay $0x4  }
0x2ce: {  	v7 =	vshll.u32 @!p0 v3, $0x3  }
0x2cf: {  	v3 =	vand.u32 @!p0 $0x7, v3;
	v7 =	vand.u32 @!p0 $0xFFFFFFC0, v7  }
0x2d0: {  	v3 =	vor.u32 @!p0 v3, v7  }
0x2d1: {  	v4 =	vperm.xlane @!p0 v3, v4;
	_ =	sdelay $0x1  }
0x2d2: {  	v4 =	vadd.s32 @!p0 v6, v4;
	_ =	sdelay $0x3  }
0x2d3: {  	s18 =	simm.s32 @!p0 $0xC200  }
0x2d4: {  	[tilespmem:s18], [sflag:$0x2] =	stream.indirect_vreg.gather @!p0 [hbm4b:s1+s19], $0x80, v4, vm1, $0xb8;
	[tilespmem:$0x18200] =	vst v63  }
0x2d5: {  	v3 =	vperm.xlane @!p0 v3, v5;
	s18 =	simm.s32 @!p0 $0xCA00  }
0x2d6: {  	[tilespmem:s18], [sflag:$0x2] =	stream.indirect_vreg.gather @!p0 [hbm4b:s7+s19], $0x80, v4, vm1, $0xb8;
	[tilespmem:$0x18200] =	vst v63  }
0x2d7: {  	v3 =	vadd.s32 @!p0 v6, v3;
	s18 =	simm.s32 @!p0 $0xD200  }
0x2d8: {  	[tilespmem:s18], [sflag:$0x2] =	stream.indirect_vreg.gather @!p0 [hbm4b:s8+s19], $0x80, v4, vm1, $0xb8;
	[tilespmem:$0x18200] =	vst v63  }
0x2d9: {  	s18 =	simm.s32 @!p0 $0xDA00  }
0x2da: {  	[tilespmem:s18], [sflag:$0x2] =	stream.indirect_vreg.gather @!p0 [hbm4b:s9+s19], $0x80, v4, vm1, $0xb8;
	[tilespmem:$0x18200] =	vst v63  }
0x2db: {  	s18 =	simm.s32 @!p0 $0xE200  }
0x2dc: {  	[tilespmem:s18], [sflag:$0x2] =	stream.indirect_vreg.gather @!p0 [hbm4b:s1+s19], $0x80, v3, vm1, $0xb8;
	[tilespmem:$0x18200] =	vst v63  }
0x2dd: {  	s18 =	simm.s32 @!p0 $0xEA00  }
0x2de: {  	[tilespmem:s18], [sflag:$0x2] =	stream.indirect_vreg.gather @!p0 [hbm4b:s7+s19], $0x80, v3, vm1, $0xb8;
	[tilespmem:$0x18200] =	vst v63  }
0x2df: {  	s18 =	simm.s32 @!p0 $0xF200  }
0x2e0: {  	[tilespmem:s18], [sflag:$0x2] =	stream.indirect_vreg.gather @!p0 [hbm4b:s8+s19], $0x80, v3, vm1, $0xb8;
	[tilespmem:$0x18200] =	vst v63  }
0x2e1: {  	s18 =	simm.s32 @!p0 $0xFA00  }
0x2e2: {  	[tilespmem:s18], [sflag:$0x2] =	stream.indirect_vreg.gather @!p0 [hbm4b:s9+s19], $0x80, v3, vm1, $0xb8;
	[tilespmem:$0x18200] =	vst v63  }
0x2e3: {  	s25 =	simm.s32 $0x0;
	s18 =	simm.s32 $0x0;
	_ =	swait.ge [sflag:s15], $0x8000  }
0x2e4: {  	s19 =	sand.u32 $0x6000, s25;
	s26 =	sand.u32 $0x380, s18;
	[sflag:s15] =	ssyncset.done $0x0  }
0x2e5: {  	s19 =	sor.u32 s26, s19;
	[sflag:s15] =	ssyncadd.s32 $0xFFFF8000  }
0x2e6: {  	v3 =	vld [tilespmem:s19+$0x10200]  }
0x2e7: {  	s28 =	sadd.s32 $0x10200, s19  }
0x2e8: {  	v4 =	vld [tilespmem:s28+$0x50]  }
0x2e9: {  	v5 =	vld [tilespmem:s28+$0x60]  }
0x2ea: {  	v6 =	vld [tilespmem:s28+$0x70]  }
0x2eb: {  	v7 =	vld [tilespmem:s28+$0x400];
	v3 =	vmul.f32 $3.200000000e+01, v3  }
0x2ec: {  	v8 =	vld [tilespmem:s28+$0x410]  }
0x2ed: {  	v9 =	vld [tilespmem:s28+$0x420];
	[tilespmem:s19+$0x10200] =	vst v3  }
0x2ee: {  	v4 =	vmul.f32 $3.200000000e+01, v4;
	v3 =	vld [tilespmem:s28+$0x430]  }
0x2ef: {  	v5 =	vmul.f32 $3.200000000e+01, v5;
	v10 =	vld [tilespmem:s28+$0x450]  }
0x2f0: {  	v11 =	vld [tilespmem:s28+$0x460];
	[tilespmem:s28+$0x50] =	vst v4;
	v4 =	vmul.f32 $3.200000000e+01, v6  }
0x2f1: {  	v12 =	vld [tilespmem:s28+$0x470];
	[tilespmem:s28+$0x60] =	vst v5;
	v5 =	vmul.f32 $3.200000000e+01, v7  }
0x2f2: {  	v6 =	vld [tilespmem:s28+$0x800];
	[tilespmem:s28+$0x70] =	vst v4;
	v4 =	vmul.f32 $3.200000000e+01, v8  }
0x2f3: {  	v7 =	vld [tilespmem:s28+$0x810];
	[tilespmem:s28+$0x400] =	vst v5;
	v5 =	vmul.f32 $3.200000000e+01, v9  }
0x2f4: {  	v57 =	vld [tilespmem:s28+$0xC00];
	[tilespmem:s28+$0x410] =	vst v4;
	v3 =	vmul.f32 $3.200000000e+01, v3  }
0x2f5: {  	v8 =	vld [tilespmem:s28+$0x820];
	[tilespmem:s28+$0x420] =	vst v5;
	v5 =	vmul.f32 $3.200000000e+01, v10  }
0x2f6: {  	v9 =	vld [tilespmem:s28+$0x830];
	[tilespmem:s28+$0x430] =	vst v3;
	v3 =	vmul.f32 $3.200000000e+01, v11  }
0x2f7: {  	v4 =	vld [tilespmem:s28+$0x850];
	[tilespmem:s28+$0x450] =	vst v5;
	v5 =	vmul.f32 $3.200000000e+01, v12  }
0x2f8: {  	v10 =	vld [tilespmem:s28+$0x860];
	[tilespmem:s28+$0x460] =	vst v3;
	v3 =	vmul.f32 $3.200000000e+01, v6  }
0x2f9: {  	v11 =	vld [tilespmem:s28+$0x870];
	[tilespmem:s28+$0x470] =	vst v5;
	v5 =	vmul.f32 $3.200000000e+01, v7  }
0x2fa: {  	v58 =	vld [tilespmem:s28+$0x1010];
	[tilespmem:s28+$0x800] =	vst v3;
	v3 =	vmul.f32 $3.200000000e+01, v8  }
0x2fb: {  	v6 =	vld [tilespmem:s28+$0xC10];
	[tilespmem:s28+$0x810] =	vst v5;
	v5 =	vmul.f32 $3.200000000e+01, v9  }
0x2fc: {  	v7 =	vld [tilespmem:s28+$0xC20];
	[tilespmem:s28+$0x820] =	vst v3;
	v3 =	vmul.f32 $3.200000000e+01, v4  }
0x2fd: {  	v8 =	vld [tilespmem:s28+$0xC30];
	[tilespmem:s28+$0x830] =	vst v5;
	v5 =	vmul.f32 $3.200000000e+01, v10  }
0x2fe: {  	v9 =	vld [tilespmem:s28+$0xC50];
	[tilespmem:s28+$0x850] =	vst v3;
	v3 =	vmul.f32 $3.200000000e+01, v11  }
0x2ff: {  	v4 =	vld [tilespmem:s28+$0xC60];
	[tilespmem:s28+$0x860] =	vst v5;
	v5 =	vmul.f32 $3.200000000e+01, v57  }
0x300: {  	v10 =	vld [tilespmem:s28+$0xC70];
	[tilespmem:s28+$0x870] =	vst v3;
	v3 =	vmul.f32 $3.200000000e+01, v6  }
0x301: {  	v11 =	vld [tilespmem:s28+$0x1000];
	[tilespmem:s28+$0xC00] =	vst v5;
	v5 =	vmul.f32 $3.200000000e+01, v7  }
0x302: {  	v59 =	vld [tilespmem:s28+$0x1420];
	[tilespmem:s28+$0xC10] =	vst v3;
	v3 =	vmul.f32 $3.200000000e+01, v8  }
0x303: {  	v6 =	vld [tilespmem:s28+$0x1020];
	[tilespmem:s28+$0xC20] =	vst v5;
	v5 =	vmul.f32 $3.200000000e+01, v9  }
0x304: {  	v7 =	vld [tilespmem:s28+$0x1030];
	[tilespmem:s28+$0xC30] =	vst v3;
	v3 =	vmul.f32 $3.200000000e+01, v4  }
0x305: {  	v8 =	vld [tilespmem:s28+$0x1050];
	[tilespmem:s28+$0xC50] =	vst v5;
	v5 =	vmul.f32 $3.200000000e+01, v10  }
0x306: {  	v9 =	vld [tilespmem:s28+$0x1060];
	[tilespmem:s28+$0xC60] =	vst v3;
	v3 =	vmul.f32 $3.200000000e+01, v11  }
0x307: {  	v4 =	vld [tilespmem:s28+$0x1070];
	[tilespmem:s28+$0xC70] =	vst v5;
	v5 =	vmul.f32 $3.200000000e+01, v58  }
0x308: {  	v10 =	vld [tilespmem:s28+$0x1400];
	[tilespmem:s28+$0x1000] =	vst v3;
	v3 =	vmul.f32 $3.200000000e+01, v6  }
0x309: {  	v11 =	vld [tilespmem:s28+$0x1410];
	[tilespmem:s28+$0x1010] =	vst v5;
	v5 =	vmul.f32 $3.200000000e+01, v7  }
0x30a: {  	v60 =	vld [tilespmem:s28+$0x1830];
	[tilespmem:s28+$0x1020] =	vst v3;
	v3 =	vmul.f32 $3.200000000e+01, v8  }
0x30b: {  	v6 =	vld [tilespmem:s28+$0x1430];
	[tilespmem:s28+$0x1030] =	vst v5;
	v5 =	vmul.f32 $3.200000000e+01, v9  }
0x30c: {  	v7 =	vld [tilespmem:s28+$0x1450];
	[tilespmem:s28+$0x1050] =	vst v3;
	v3 =	vmul.f32 $3.200000000e+01, v4  }
0x30d: {  	v8 =	vld [tilespmem:s28+$0x1460];
	[tilespmem:s28+$0x1060] =	vst v5;
	v5 =	vmul.f32 $3.200000000e+01, v10  }
0x30e: {  	v9 =	vld [tilespmem:s28+$0x1470];
	[tilespmem:s28+$0x1070] =	vst v3;
	v3 =	vmul.f32 $3.200000000e+01, v11  }
0x30f: {  	v4 =	vld [tilespmem:s28+$0x1800];
	[tilespmem:s28+$0x1400] =	vst v5;
	v5 =	vmul.f32 $3.200000000e+01, v59  }
0x310: {  	s29 =	simm.s32 $0x80;
	s22 =	simm.s32 $0x400;
	v10 =	vld [tilespmem:s28+$0x1810];
	[tilespmem:s28+$0x1410] =	vst v3;
	v3 =	vmul.f32 $3.200000000e+01, v6  }
0x311: {  	s20 =	sand.u32 $0x6000, s22;
	s19 =	sand.u32 $0x380, s29;
	v6 =	vld [tilespmem:s28+$0x1850];
	[tilespmem:s28+$0x1420] =	vst v5;
	v5 =	vmul.f32 $3.200000000e+01, v7  }
0x312: {  	s20 =	sor.u32 s19, s20;
	v7 =	vld [tilespmem:s28+$0x1860];
	[tilespmem:s28+$0x1430] =	vst v3;
	v3 =	vmul.f32 $3.200000000e+01, v8  }
0x313: {  	s19 =	sadd.s32 $0x10200, s20;
	v11 =	vld [tilespmem:s28+$0x1820];
	[tilespmem:s28+$0x1450] =	vst v5;
	v5 =	vmul.f32 $3.200000000e+01, v9  }
0x314: {  	v61 =	vld [tilespmem:s19+$0x400];
	[tilespmem:s28+$0x1460] =	vst v3;
	v3 =	vmul.f32 $3.200000000e+01, v4  }
0x315: {  	v9 =	vld [tilespmem:s20+$0x10200];
	[tilespmem:s28+$0x1470] =	vst v5;
	v5 =	vmul.f32 $3.200000000e+01, v10  }
0x316: {  	v8 =	vld [tilespmem:s28+$0x1870];
	v6 =	vmul.f32 $3.200000000e+01, v6;
	[tilespmem:s28+$0x1800] =	vst v3  }
0x317: {  	v4 =	vld [tilespmem:s19+$0x50];
	v7 =	vmul.f32 $3.200000000e+01, v7;
	[tilespmem:s28+$0x1810] =	vst v5  }
0x318: {  	v10 =	vld [tilespmem:s19+$0x60];
	v3 =	vmul.f32 $3.200000000e+01, v11;
	[tilespmem:s28+$0x1850] =	vst v6  }
0x319: {  	v11 =	vld [tilespmem:s19+$0x70];
	v5 =	vmul.f32 $3.200000000e+01, v60;
	[tilespmem:s28+$0x1860] =	vst v7  }
0x31a: {  	[tilespmem:s28+$0x1820] =	vst v3;
	v3 =	vmul.f32 $3.200000000e+01, v9;
	v9 =	vld [tilespmem:s19+$0x410]  }
0x31b: {  	v8 =	vmul.f32 $3.200000000e+01, v8;
	[tilespmem:s28+$0x1830] =	vst v5;
	v5 =	vld [tilespmem:s19+$0x420]  }
0x31c: {  	v4 =	vmul.f32 $3.200000000e+01, v4;
	[tilespmem:s20+$0x10200] =	vst v3;
	v3 =	vld [tilespmem:s28+$0x10]  }
0x31d: {  	v10 =	vmul.f32 $3.200000000e+01, v10;
	[tilespmem:s28+$0x1870] =	vst v8  }
0x31e: {  	v12 =	vmul.f32 $3.200000000e+01, v61;
	[tilespmem:s19+$0x50] =	vst v4;
	v4 =	vld [tilespmem:s28+$0x20]  }
0x31f: {  	[tilespmem:s19+$0x60] =	vst v10;
	v10 =	vld [tilespmem:s28+$0x30];
	v11 =	vmul.f32 $3.200000000e+01, v11  }
0x320: {  	v6 =	vld [tilespmem:s19+$0x430];
	[tilespmem:s19+$0x400] =	vst v12;
	v9 =	vmul.f32 $3.200000000e+01, v9  }
0x321: {  	v8 =	vld [tilespmem:s19+$0x460];
	[tilespmem:s19+$0x70] =	vst v11;
	v3 =	vmul.f32 $3.200000000e+01, v3  }
0x322: {  	v11 =	vld [tilespmem:s28+$0x40];
	v5 =	vmul.f32 $3.200000000e+01, v5;
	[tilespmem:s19+$0x410] =	vst v9  }
0x323: {  	v4 =	vmul.f32 $3.200000000e+01, v4;
	[tilespmem:s28+$0x10] =	vst v3;
	v3 =	vld [tilespmem:s19+$0x470]  }
0x324: {  	v7 =	vld [tilespmem:s19+$0x450];
	[tilespmem:s19+$0x420] =	vst v5;
	v10 =	vmul.f32 $3.200000000e+01, v10  }
0x325: {  	v62 =	vld [tilespmem:s28+$0x440];
	v6 =	vmul.f32 $3.200000000e+01, v6;
	[tilespmem:s28+$0x20] =	vst v4  }
0x326: {  	v9 =	vld [tilespmem:s28+$0x840];
	v8 =	vmul.f32 $3.200000000e+01, v8;
	[tilespmem:s28+$0x30] =	vst v10  }
0x327: {  	s23 =	sand.u32 $0x7, s18;
	v5 =	vld [tilespmem:s28+$0xC40];
	v11 =	vmul.f32 $3.200000000e+01, v11;
	[tilespmem:s19+$0x430] =	vst v6  }
0x328: {  	s20 =	sshll.u32 s23, $0x7;
	v6 =	vld [tilespmem:s28+$0x1040];
	[tilespmem:s19+$0x460] =	vst v8;
	v3 =	vmul.f32 $3.200000000e+01, v3  }
0x329: {  	s20 =	sadd.s32 $0x0, s20;
	v7 =	vmul.f32 $3.200000000e+01, v7;
	v8 =	vld [tilespmem:s28+$0x1440];
	[tilespmem:s28+$0x40] =	vst v11  }
0x32a: {  	v12 =	vmul.f32 $3.200000000e+01, v62;
	s24 =	sor.u32 $0x1C00, s20;
	[tilespmem:s19+$0x470] =	vst v3;
	v3 =	vld [tilespmem:s28+$0x1840]  }
0x32b: {  	[tilespmem:s19+$0x450] =	vst v7;
	v9 =	vmul.f32 $3.200000000e+01, v9;
	v7 =	vld [tilespmem:s24+$0x10200]  }
0x32c: {  	v63 =	vld [tilespmem:s19+$0x830];
	v5 =	vmul.f32 $3.200000000e+01, v5;
	[tilespmem:s28+$0x440] =	vst v12  }
0x32d: {  	[tilespmem:s28+$0x840] =	vst v9;
	v6 =	vmul.f32 $3.200000000e+01, v6  }
0x32e: {  	v4 =	vld [tilespmem:s19+$0x800];
	[tilespmem:s28+$0xC40] =	vst v5;
	v8 =	vmul.f32 $3.200000000e+01, v8  }
0x32f: {  	[tilespmem:s28+$0x1040] =	vst v6;
	v3 =	vmul.f32 $3.200000000e+01, v3  }
0x330: {  	v10 =	vld [tilespmem:s19+$0x810];
	[tilespmem:s28+$0x1440] =	vst v8;
	v7 =	vmul.f32 $3.200000000e+01, v7  }
0x331: {  	[tilespmem:s28+$0x1840] =	vst v3;
	v3 =	vmul.f32 $3.200000000e+01, v63  }
0x332: {  	s25 =	sor.u32 $0x1C10, s20;
	v11 =	vld [tilespmem:s19+$0x820];
	[tilespmem:s24+$0x10200] =	vst v7  }
0x333: {  	v4 =	vmul.f32 $3.200000000e+01, v4;
	[tilespmem:s19+$0x830] =	vst v3;
	v3 =	vld [tilespmem:s25+$0x10200]  }
0x334: {  	v8 =	vld [tilespmem:s19+$0xC00]  }
0x335: {  	v9 =	vld [tilespmem:s19+$0x850];
	[tilespmem:s19+$0x800] =	vst v4;
	v4 =	vmul.f32 $3.200000000e+01, v10;
	_ =	sdelay $0x1  }
0x336: {  	[tilespmem:s19+$0x810] =	vst v4;
	v4 =	vmul.f32 $3.200000000e+01, v11  }
0x337: {  	v3 =	vmul.f32 $3.200000000e+01, v3  }
0x338: {  	v5 =	vld [tilespmem:s19+$0x860];
	[tilespmem:s19+$0x820] =	vst v4;
	v8 =	vmul.f32 $3.200000000e+01, v8  }
0x339: {  	s26 =	sor.u32 $0x1C20, s20;
	v4 =	vld [tilespmem:s19+$0xC10];
	v7 =	vmul.f32 $3.200000000e+01, v9;
	[tilespmem:s25+$0x10200] =	vst v3  }
0x33a: {  	[tilespmem:s19+$0xC00] =	vst v8;
	v8 =	vld [tilespmem:s26+$0x10200]  }
0x33b: {  	[tilespmem:s19+$0x850] =	vst v7;
	v7 =	vld [tilespmem:s19+$0xC30];
	_ =	sdelay $0x1  }
0x33c: {  	v5 =	vmul.f32 $3.200000000e+01, v5  }
0x33d: {  	v6 =	vld [tilespmem:s19+$0x870];
	v4 =	vmul.f32 $3.200000000e+01, v4  }
0x33e: {  	[tilespmem:s19+$0x860] =	vst v5;
	v9 =	vld [tilespmem:s19+$0xC20];
	v8 =	vmul.f32 $3.200000000e+01, v8  }
0x33f: {  	[tilespmem:s19+$0xC10] =	vst v4;
	v4 =	vld [tilespmem:s19+$0x1000];
	v7 =	vmul.f32 $3.200000000e+01, v7  }
0x340: {  	v5 =	vld [tilespmem:s19+$0xC50];
	s28 =	sor.u32 $0x1C30, s20;
	[tilespmem:s26+$0x10200] =	vst v8  }
0x341: {  	[tilespmem:s19+$0xC30] =	vst v7;
	v7 =	vld [tilespmem:s28+$0x10200]  }
0x342: {  	v6 =	vmul.f32 $3.200000000e+01, v6  }
0x343: {  	v9 =	vmul.f32 $3.200000000e+01, v9;
	v3 =	vld [tilespmem:s19+$0xC70]  }
0x344: {  	[tilespmem:s19+$0x870] =	vst v6;
	v6 =	vld [tilespmem:s19+$0xC60];
	v4 =	vmul.f32 $3.200000000e+01, v4  }
0x345: {  	v10 =	vld [tilespmem:s19+$0x1020];
	v5 =	vmul.f32 $3.200000000e+01, v5;
	[tilespmem:s19+$0xC20] =	vst v9  }
0x346: {  	v9 =	vld [tilespmem:s19+$0x1010];
	[tilespmem:s19+$0x1000] =	vst v4;
	v4 =	vmul.f32 $3.200000000e+01, v7  }
0x347: {  	[tilespmem:s19+$0xC50] =	vst v5;
	v5 =	vld [tilespmem:s19+$0x1030]  }
0x348: {  	s29 =	sor.u32 $0x1C40, s20;
	v3 =	vmul.f32 $3.200000000e+01, v3;
	[tilespmem:s28+$0x10200] =	vst v4  }
0x349: {  	v6 =	vmul.f32 $3.200000000e+01, v6;
	v4 =	vld [tilespmem:s29+$0x10200]  }
0x34a: {  	[tilespmem:s19+$0xC70] =	vst v3;
	v3 =	vld [tilespmem:s19+$0x1060]  }
0x34b: {  	[tilespmem:s19+$0xC60] =	vst v6;
	v6 =	vld [tilespmem:s19+$0x1050];
	v8 =	vmul.f32 $3.200000000e+01, v9;
	v9 =	vmul.f32 $3.200000000e+01, v10  }
0x34c: {  	v5 =	vmul.f32 $3.200000000e+01, v5  }
0x34d: {  	[tilespmem:s19+$0x1020] =	vst v9;
	v9 =	vld [tilespmem:s19+$0x1410]  }
0x34e: {  	[tilespmem:s19+$0x1030] =	vst v5;
	v7 =	vld [tilespmem:s19+$0x1070];
	v5 =	vmul.f32 $3.200000000e+01, v4  }
0x34f: {  	v10 =	vld [tilespmem:s19+$0x1400];
	v3 =	vmul.f32 $3.200000000e+01, v3  }
0x350: {  	v11 =	vld [tilespmem:s19+$0x1420];
	s24 =	sor.u32 $0x1C50, s20;
	v6 =	vmul.f32 $3.200000000e+01, v6;
	[tilespmem:s29+$0x10200] =	vst v5  }
0x351: {  	[tilespmem:s19+$0x1060] =	vst v3;
	v3 =	vld [tilespmem:s24+$0x10200]  }
0x352: {  	[tilespmem:s19+$0x1050] =	vst v6;
	v9 =	vmul.f32 $3.200000000e+01, v9;
	v4 =	vld [tilespmem:s19+$0x1430]  }
0x353: {  	[tilespmem:s19+$0x1010] =	vst v8;
	v8 =	vld [tilespmem:s19+$0x1450];
	v6 =	vmul.f32 $3.200000000e+01, v7  }
0x354: {  	[tilespmem:s19+$0x1410] =	vst v9;
	v7 =	vmul.f32 $3.200000000e+01, v10;
	v5 =	vld [tilespmem:s19+$0x1460]  }
0x355: {  	v9 =	vmul.f32 $3.200000000e+01, v11;
	[tilespmem:s19+$0x1070] =	vst v6;
	v6 =	vld [tilespmem:s19+$0x1470]  }
0x356: {  	s21 =	simm.s32 $0x0;
	s22 =	simm.s32 $0xFFFF8400;
	s23 =	simm.s32 $0x100;
	[tilespmem:s19+$0x1400] =	vst v7;
	v7 =	vld [tilespmem:s19+$0x1800];
	v3 =	vmul.f32 $3.200000000e+01, v3  }
.LBB2_12:
0x357: {  	p0 =	sne.s32 s23, $0xF80;
	[tilespmem:s19+$0x1420] =	vst v9;
	v4 =	vmul.f32 $3.200000000e+01, v4;
	v9 =	vld [tilespmem:s19+$0x1810]  }
0x358: {  	v8 =	vmul.f32 $3.200000000e+01, v8;
	v10 =	vld [tilespmem:s19+$0x1820];
	[tilespmem:s24+$0x10200] =	vst v3;
	s24 =	sor.u32 $0x1C60, s20  }
0x359: {  	[tilespmem:s19+$0x1430] =	vst v4;
	v3 =	vmul.f32 $3.200000000e+01, v5;
	v4 =	vld [tilespmem:s24+$0x10200]  }
0x35a: {  	[tilespmem:s19+$0x1450] =	vst v8;
	v5 =	vmul.f32 $3.200000000e+01, v6;
	v6 =	vld [tilespmem:s19+$0x1830]  }
0x35b: {  	[tilespmem:s19+$0x1460] =	vst v3;
	v3 =	vmul.f32 $3.200000000e+01, v7;
	v7 =	vld [tilespmem:s19+$0x1850]  }
0x35c: {  	[tilespmem:s19+$0x1470] =	vst v5;
	v5 =	vmul.f32 $3.200000000e+01, v9;
	v8 =	vld [tilespmem:s19+$0x1860]  }
0x35d: {  	[tilespmem:s19+$0x1800] =	vst v3;
	v3 =	vmul.f32 $3.200000000e+01, v10;
	v9 =	vld [tilespmem:s19+$0x1870]  }
0x35e: {  	v10 =	vld [tilespmem:s19+$0x10];
	[tilespmem:s19+$0x1810] =	vst v5;
	v4 =	vmul.f32 $3.200000000e+01, v4  }
0x35f: {  	v5 =	vld [tilespmem:s19+$0x20];
	[tilespmem:s19+$0x1820] =	vst v3;
	v3 =	vmul.f32 $3.200000000e+01, v6  }
0x360: {  	v6 =	vld [tilespmem:s19+$0x30];
	v7 =	vmul.f32 $3.200000000e+01, v7;
	[tilespmem:s24+$0x10200] =	vst v4;
	s24 =	sor.u32 $0x1C70, s20  }
0x361: {  	[tilespmem:s19+$0x1830] =	vst v3;
	v3 =	vmul.f32 $3.200000000e+01, v8;
	v4 =	vld [tilespmem:s24+$0x10200]  }
0x362: {  	v8 =	vld [tilespmem:s19+$0x40];
	[tilespmem:s19+$0x1850] =	vst v7;
	v7 =	vmul.f32 $3.200000000e+01, v9  }
0x363: {  	v9 =	vmul.f32 $3.200000000e+01, v10;
	v10 =	vld [tilespmem:s19+$0x440];
	[tilespmem:s19+$0x1860] =	vst v3  }
0x364: {  	s18 =	sadd.s32 $0x1, s18;
	v3 =	vmul.f32 $3.200000000e+01, v5;
	v5 =	vld [tilespmem:s19+$0x840];
	[tilespmem:s19+$0x1870] =	vst v7  }
0x365: {  	s20 =	sand.u32 $0x7, s18;
	[tilespmem:s19+$0x10] =	vst v9;
	v6 =	vmul.f32 $3.200000000e+01, v6;
	v7 =	vld [tilespmem:s19+$0xC40]  }
0x366: {  	s22 =	sadd.s32 $0x400, s22;
	s21 =	sadd.s32 $0x400, s21;
	s20 =	sshll.u32 s20, $0x7;
	[tilespmem:s19+$0x20] =	vst v3;
	v3 =	vld [tilespmem:s19+$0x1040];
	v4 =	vmul.f32 $3.200000000e+01, v4  }
0x367: {  	s25 =	sadd.s32 $0x8000, s22;
	s20 =	sadd.s32 s20, s21;
	[tilespmem:s19+$0x30] =	vst v6;
	v6 =	vmul.f32 $3.200000000e+01, v8;
	v8 =	vld [tilespmem:s19+$0x1440]  }
0x368: {  	s26 =	sand.u32 $0x380, s23;
	s25 =	sand.u32 $0x6000, s25;
	s28 =	sor.u32 $0x1C00, s20;
	v9 =	vmul.f32 $3.200000000e+01, v10;
	v10 =	vld [tilespmem:s19+$0x1840];
	[tilespmem:s24+$0x10200] =	vst v4  }
0x369: {  	s24 =	sor.u32 s26, s25;
	[tilespmem:s19+$0x40] =	vst v6;
	v4 =	vmul.f32 $3.200000000e+01, v5;
	v5 =	vld [tilespmem:s28+$0x10200]  }
0x36a: {  	s25 =	sadd.s32 $0x10200, s24;
	v6 =	vld [tilespmem:s24+$0x10200];
	[tilespmem:s19+$0x440] =	vst v9;
	v7 =	vmul.f32 $3.200000000e+01, v7  }
0x36b: {  	v9 =	vld [tilespmem:s25+$0x50];
	[tilespmem:s19+$0x840] =	vst v4;
	v3 =	vmul.f32 $3.200000000e+01, v3  }
0x36c: {  	v4 =	vld [tilespmem:s25+$0x60];
	[tilespmem:s19+$0xC40] =	vst v7;
	v7 =	vmul.f32 $3.200000000e+01, v8  }
0x36d: {  	v8 =	vld [tilespmem:s25+$0x70];
	[tilespmem:s19+$0x1040] =	vst v3;
	v3 =	vmul.f32 $3.200000000e+01, v10  }
0x36e: {  	v10 =	vld [tilespmem:s25+$0x400];
	[tilespmem:s19+$0x1440] =	vst v7;
	v5 =	vmul.f32 $3.200000000e+01, v5  }
0x36f: {  	v6 =	vmul.f32 $3.200000000e+01, v6;
	v7 =	vld [tilespmem:s25+$0x410];
	[tilespmem:s19+$0x1840] =	vst v3;
	s19 =	smov.u32 s25  }
0x370: {  	s25 =	sor.u32 $0x1C10, s20;
	v3 =	vmul.f32 $3.200000000e+01, v9;
	v9 =	vld [tilespmem:s19+$0x420];
	[tilespmem:s28+$0x10200] =	vst v5  }
0x371: {  	[tilespmem:s24+$0x10200] =	vst v6;
	v4 =	vmul.f32 $3.200000000e+01, v4;
	v5 =	vld [tilespmem:s25+$0x10200]  }
0x372: {  	[tilespmem:s19+$0x50] =	vst v3;
	v3 =	vmul.f32 $3.200000000e+01, v8;
	v6 =	vld [tilespmem:s19+$0x430]  }
0x373: {  	[tilespmem:s19+$0x60] =	vst v4;
	v4 =	vmul.f32 $3.200000000e+01, v10;
	v8 =	vld [tilespmem:s19+$0x450]  }
0x374: {  	[tilespmem:s19+$0x70] =	vst v3;
	v3 =	vmul.f32 $3.200000000e+01, v7;
	v7 =	vld [tilespmem:s19+$0x460]  }
0x375: {  	[tilespmem:s19+$0x400] =	vst v4;
	v4 =	vmul.f32 $3.200000000e+01, v9;
	v9 =	vld [tilespmem:s19+$0x470]  }
0x376: {  	[tilespmem:s19+$0x410] =	vst v3;
	v3 =	vld [tilespmem:s19+$0x800];
	v5 =	vmul.f32 $3.200000000e+01, v5  }
0x377: {  	[tilespmem:s19+$0x420] =	vst v4;
	v4 =	vmul.f32 $3.200000000e+01, v6;
	v6 =	vld [tilespmem:s19+$0x810]  }
0x378: {  	s24 =	sor.u32 $0x1C20, s20;
	v8 =	vmul.f32 $3.200000000e+01, v8;
	v10 =	vld [tilespmem:s19+$0x820];
	[tilespmem:s25+$0x10200] =	vst v5  }
0x379: {  	[tilespmem:s19+$0x430] =	vst v4;
	v4 =	vmul.f32 $3.200000000e+01, v7;
	v5 =	vld [tilespmem:s24+$0x10200]  }
0x37a: {  	[tilespmem:s19+$0x450] =	vst v8;
	v7 =	vmul.f32 $3.200000000e+01, v9;
	v8 =	vld [tilespmem:s19+$0x830]  }
0x37b: {  	[tilespmem:s19+$0x460] =	vst v4;
	v3 =	vmul.f32 $3.200000000e+01, v3;
	v4 =	vld [tilespmem:s19+$0x850]  }
0x37c: {  	[tilespmem:s19+$0x470] =	vst v7;
	v6 =	vmul.f32 $3.200000000e+01, v6;
	v7 =	vld [tilespmem:s19+$0x860]  }
0x37d: {  	[tilespmem:s19+$0x800] =	vst v3;
	v3 =	vmul.f32 $3.200000000e+01, v10;
	v9 =	vld [tilespmem:s19+$0x870]  }
0x37e: {  	[tilespmem:s19+$0x810] =	vst v6;
	v6 =	vld [tilespmem:s19+$0xC00];
	v5 =	vmul.f32 $3.200000000e+01, v5  }
0x37f: {  	[tilespmem:s19+$0x820] =	vst v3;
	v3 =	vmul.f32 $3.200000000e+01, v8;
	v8 =	vld [tilespmem:s19+$0xC10]  }
0x380: {  	v4 =	vmul.f32 $3.200000000e+01, v4;
	v10 =	vld [tilespmem:s19+$0xC20];
	[tilespmem:s24+$0x10200] =	vst v5;
	s24 =	sor.u32 $0x1C30, s20  }
0x381: {  	[tilespmem:s19+$0x830] =	vst v3;
	v3 =	vmul.f32 $3.200000000e+01, v7;
	v5 =	vld [tilespmem:s24+$0x10200]  }
0x382: {  	[tilespmem:s19+$0x850] =	vst v4;
	v4 =	vmul.f32 $3.200000000e+01, v9;
	v7 =	vld [tilespmem:s19+$0xC30]  }
0x383: {  	[tilespmem:s19+$0x860] =	vst v3;
	v3 =	vmul.f32 $3.200000000e+01, v6;
	v6 =	vld [tilespmem:s19+$0xC50]  }
0x384: {  	[tilespmem:s19+$0x870] =	vst v4;
	v4 =	vmul.f32 $3.200000000e+01, v8;
	v8 =	vld [tilespmem:s19+$0xC60]  }
0x385: {  	[tilespmem:s19+$0xC00] =	vst v3;
	v3 =	vmul.f32 $3.200000000e+01, v10;
	v9 =	vld [tilespmem:s19+$0xC70]  }
0x386: {  	[tilespmem:s19+$0xC10] =	vst v4;
	v4 =	vld [tilespmem:s19+$0x1000];
	v5 =	vmul.f32 $3.200000000e+01, v5  }
0x387: {  	[tilespmem:s19+$0xC20] =	vst v3;
	v3 =	vmul.f32 $3.200000000e+01, v7;
	v7 =	vld [tilespmem:s19+$0x1010]  }
0x388: {  	v6 =	vmul.f32 $3.200000000e+01, v6;
	v10 =	vld [tilespmem:s19+$0x1020];
	[tilespmem:s24+$0x10200] =	vst v5;
	s24 =	sor.u32 $0x1C40, s20  }
0x389: {  	[tilespmem:s19+$0xC30] =	vst v3;
	v3 =	vmul.f32 $3.200000000e+01, v8;
	v5 =	vld [tilespmem:s24+$0x10200]  }
0x38a: {  	[tilespmem:s19+$0xC50] =	vst v6;
	v6 =	vmul.f32 $3.200000000e+01, v9;
	v8 =	vld [tilespmem:s19+$0x1030]  }
0x38b: {  	[tilespmem:s19+$0xC60] =	vst v3;
	v3 =	vmul.f32 $3.200000000e+01, v4;
	v4 =	vld [tilespmem:s19+$0x1050]  }
0x38c: {  	[tilespmem:s19+$0xC70] =	vst v6;
	v6 =	vmul.f32 $3.200000000e+01, v7;
	v7 =	vld [tilespmem:s19+$0x1060]  }
0x38d: {  	[tilespmem:s19+$0x1000] =	vst v3;
	v3 =	vmul.f32 $3.200000000e+01, v10;
	v9 =	vld [tilespmem:s19+$0x1070]  }
0x38e: {  	[tilespmem:s19+$0x1010] =	vst v6;
	v6 =	vld [tilespmem:s19+$0x1400];
	v5 =	vmul.f32 $3.200000000e+01, v5  }
0x38f: {  	[tilespmem:s19+$0x1020] =	vst v3;
	v3 =	vmul.f32 $3.200000000e+01, v8;
	v10 =	vld [tilespmem:s19+$0x1410]  }
0x390: {  	v4 =	vmul.f32 $3.200000000e+01, v4;
	v11 =	vld [tilespmem:s19+$0x1420];
	[tilespmem:s24+$0x10200] =	vst v5;
	s24 =	sor.u32 $0x1C50, s20  }
0x391: {  	[tilespmem:s19+$0x1030] =	vst v3;
	v3 =	vmul.f32 $3.200000000e+01, v7;
	v12 =	vld [tilespmem:s24+$0x10200]  }
.Ltmp7:
0x392: {  	[tilespmem:s19+$0x1050] =	vst v4;
	v5 =	vmul.f32 $3.200000000e+01, v9;
	v4 =	vld [tilespmem:s19+$0x1430];
	(pc) =	sbr.rel @p0 .LBB2_12-.Ltmp7, $4  }
0x393: {  	[tilespmem:s19+$0x1060] =	vst v3;
	v3 =	vmul.f32 $3.200000000e+01, v6;
	v8 =	vld [tilespmem:s19+$0x1450]  }
0x394: {  	[tilespmem:s19+$0x1070] =	vst v5;
	v7 =	vmul.f32 $3.200000000e+01, v10;
	v5 =	vld [tilespmem:s19+$0x1460]  }
0x395: {  	[tilespmem:s19+$0x1400] =	vst v3;
	v9 =	vmul.f32 $3.200000000e+01, v11;
	v6 =	vld [tilespmem:s19+$0x1470]  }
0x396: {  	s23 =	sadd.s32 $0x80, s23;
	[tilespmem:s19+$0x1410] =	vst v7;
	v7 =	vld [tilespmem:s19+$0x1800];
	v3 =	vmul.f32 $3.200000000e+01, v12  }
0x397: {  	v4 =	vmul.f32 $3.200000000e+01, v4;
	v38 =	vld [tilespmem:s19+$0x1810]  }
0x398: {  	[tilespmem:s19+$0x1420] =	vst v9;
	v10 =	vld [tilespmem:s19+$0x1820];
	v8 =	vmul.f32 $3.200000000e+01, v8  }
0x399: {  	v40 =	vld [tilespmem:s19+$0x1830];
	[tilespmem:s19+$0x1430] =	vst v4;
	v39 =	vmul.f32 $3.200000000e+01, v5  }
0x39a: {  	v41 =	vld [tilespmem:s19+$0x1850];
	[tilespmem:s19+$0x1450] =	vst v8;
	v6 =	vmul.f32 $3.200000000e+01, v6  }
0x39b: {  	v42 =	vld [tilespmem:s19+$0x1860];
	[tilespmem:s19+$0x1460] =	vst v39;
	v7 =	vmul.f32 $3.200000000e+01, v7  }
0x39c: {  	v44 =	vld [tilespmem:s19+$0x1870];
	[tilespmem:s19+$0x1470] =	vst v6;
	v43 =	vmul.f32 $3.200000000e+01, v38  }
0x39d: {  	v45 =	vld [tilespmem:s19+$0x10];
	v10 =	vmul.f32 $3.200000000e+01, v10;
	[tilespmem:s19+$0x1800] =	vst v7  }
0x39e: {  	v47 =	vld [tilespmem:s19+$0x30];
	v5 =	vmul.f32 $3.200000000e+01, v40;
	[tilespmem:s19+$0x1810] =	vst v43  }
0x39f: {  	v46 =	vld [tilespmem:s19+$0x20];
	v4 =	vmul.f32 $3.200000000e+01, v41;
	[tilespmem:s19+$0x1820] =	vst v10  }
0x3a0: {  	v48 =	vld [tilespmem:s19+$0x40];
	v6 =	vmul.f32 $3.200000000e+01, v42;
	[tilespmem:s19+$0x1830] =	vst v5  }
0x3a1: {  	v8 =	vmul.f32 $3.200000000e+01, v44;
	[tilespmem:s19+$0x1850] =	vst v4  }
0x3a2: {  	v49 =	vld [tilespmem:s19+$0x440];
	v50 =	vmul.f32 $3.200000000e+01, v45;
	[tilespmem:s19+$0x1860] =	vst v6  }
0x3a3: {  	v51 =	vld [tilespmem:s19+$0x840];
	s18 =	sadd.s32 $0x1, s18;
	v53 =	vmul.f32 $3.200000000e+01, v47;
	[tilespmem:s19+$0x1870] =	vst v8  }
0x3a4: {  	v52 =	vld [tilespmem:s19+$0xC40];
	s18 =	sand.u32 $0x7, s18;
	v7 =	vmul.f32 $3.200000000e+01, v46;
	[tilespmem:s19+$0x10] =	vst v50  }
0x3a5: {  	v54 =	vld [tilespmem:s19+$0x1040];
	s21 =	sadd.s32 $0x400, s21;
	s18 =	sshll.u32 s18, $0x7;
	[tilespmem:s19+$0x30] =	vst v53;
	v5 =	vmul.f32 $3.200000000e+01, v48  }
0x3a6: {  	v55 =	vld [tilespmem:s19+$0x1440];
	s18 =	sadd.s32 s18, s21;
	[tilespmem:s19+$0x20] =	vst v7  }
0x3a7: {  	v56 =	vld [tilespmem:s19+$0x1840];
	s21 =	sor.u32 $0x1C00, s18;
	v4 =	vmul.f32 $3.200000000e+01, v49;
	[tilespmem:s19+$0x40] =	vst v5  }
0x3a8: {  	v57 =	vmul.f32 $3.200000000e+01, v51;
	v58 =	vld [tilespmem:s21+$0x10200]  }
0x3a9: {  	v59 =	vmul.f32 $3.200000000e+01, v52;
	[tilespmem:s19+$0x440] =	vst v4  }
0x3aa: {  	v60 =	vmul.f32 $3.200000000e+01, v54;
	[tilespmem:s19+$0x840] =	vst v57  }
0x3ab: {  	v61 =	vmul.f32 $3.200000000e+01, v55;
	[tilespmem:s19+$0xC40] =	vst v59  }
0x3ac: {  	v62 =	vmul.f32 $3.200000000e+01, v56;
	[tilespmem:s19+$0x1040] =	vst v60  }
0x3ad: {  	[tilespmem:s19+$0x1440] =	vst v61;
	v63 =	vmul.f32 $3.200000000e+01, v58  }
0x3ae: {  	[tilespmem:s19+$0x1840] =	vst v62  }
0x3af: {  	s29 =	sor.u32 $0x1C10, s18;
	[tilespmem:s21+$0x10200] =	vst v63  }
0x3b0: {  	v4 =	vld [tilespmem:s29+$0x10200];
	_ =	sdelay $0x4  }
0x3b1: {  	v4 =	vmul.f32 $3.200000000e+01, v4;
	_ =	sdelay $0x1  }
0x3b2: {  	s21 =	sor.u32 $0x1C20, s18;
	[tilespmem:s29+$0x10200] =	vst v4  }
0x3b3: {  	v4 =	vld [tilespmem:s21+$0x10200];
	_ =	sdelay $0x4  }
0x3b4: {  	v4 =	vmul.f32 $3.200000000e+01, v4;
	_ =	sdelay $0x1  }
0x3b5: {  	s22 =	sor.u32 $0x1C30, s18;
	[tilespmem:s21+$0x10200] =	vst v4  }
0x3b6: {  	v4 =	vld [tilespmem:s22+$0x10200];
	_ =	sdelay $0x4  }
0x3b7: {  	v4 =	vmul.f32 $3.200000000e+01, v4;
	_ =	sdelay $0x1  }
0x3b8: {  	s23 =	sor.u32 $0x1C40, s18;
	[tilespmem:s22+$0x10200] =	vst v4  }
0x3b9: {  	v4 =	vld [tilespmem:s23+$0x10200];
	_ =	sdelay $0x4  }
0x3ba: {  	v4 =	vmul.f32 $3.200000000e+01, v4;
	_ =	sdelay $0x1  }
0x3bb: {  	s25 =	sor.u32 $0x1C50, s18;
	[tilespmem:s23+$0x10200] =	vst v4  }
0x3bc: {  	v4 =	vld [tilespmem:s25+$0x10200];
	_ =	sdelay $0x4  }
0x3bd: {  	v4 =	vmul.f32 $3.200000000e+01, v4  }
0x3be: {  	s26 =	sor.u32 $0x1C60, s20;
	[tilespmem:s24+$0x10200] =	vst v3  }
0x3bf: {  	v3 =	vld [tilespmem:s26+$0x10200];
	s28 =	sor.u32 $0x1C60, s18;
	[tilespmem:s25+$0x10200] =	vst v4  }
0x3c0: {  	v4 =	vld [tilespmem:s28+$0x10200];
	_ =	sdelay $0x3  }
0x3c1: {  	v3 =	vmul.f32 $3.200000000e+01, v3  }
0x3c2: {  	v4 =	vmul.f32 $3.200000000e+01, v4  }
0x3c3: {  	[tilespmem:s26+$0x10200] =	vst v3;
	s29 =	sor.u32 $0x1C70, s20  }
0x3c4: {  	s18 =	sor.u32 $0x1C70, s18;
	v3 =	vld [tilespmem:s29+$0x10200];
	[tilespmem:s28+$0x10200] =	vst v4  }
0x3c5: {  	v4 =	vld [tilespmem:s18+$0x10200];
	_ =	sdelay $0x1  }
0x3c6: {  	s16 =	sadd.s32 $0x1, s16  }
0x3c7: {  	p0 =	sne.s32 s16, $0x6  }
.Ltmp8:
0x3c8: {  	v3 =	vmul.f32 $3.200000000e+01, v3;
	(pc) =	sbr.rel @p0 .LBB2_2-.Ltmp8, $4  }
.Ltmp9:
0x3c9: {  	v4 =	vmul.f32 $3.200000000e+01, v4;
	(pc) =	sbr.rel @!p0 .LBB2_14-.Ltmp9, $4  }
0x3ca: {  	s17 =	sshll.u32 s17, $0xC;
	[tilespmem:s29+$0x10200] =	vst v3  }
0x3cb: {  	s17 =	sadd.s32 s17, s11;
	[tilespmem:s18+$0x10200] =	vst v4  }
0x3cc: {  	[hbm4b:s17+s4] =	stream.linear.scatter [tilespmem:s0], [sflag:$0x6], $0x8000, $0x38;
	[tilespmem:$0x18200] =	vst v63  }
0x3cd: {  	_ = 	snop  }
.LBB2_15:
0x3ce: {  	_ =	sfence.sel $0x180000  }
0x3cf: {  	[bflag:$0x0] =	sbarrier.arrive $0xFFFF  }
0x3d0: {  	_ =	strace $0x90000047  }
0x3d1: {  	s0 =	stileid.u32;
	[bflag:$0x2] =	sbarrier.arrive $0xFFFF  }
0x3d2: {  	p0 =	sne.s32 s0, $0x0;
	s0 =	rddreg [dreg:$0x3]  }
0x3d3: {  	s0 =	sadd.s32 @!p0 $0x100000, s0  }
0x3d4: {  	[sflag:s0] =	ssyncadd.tile.s32 @!p0 $0x1;
	_ =	shalt  }
.Lfunc_end2:
_tile_overlayer_lowered:
.L_overlay_start_2:
0x3d5: {  	(tag) =	ssettag $0x2  }
0x3d6: {  	s0 =	rddreg [dreg:$0x0];
	s2 =	stileid.u32  }
0x3d7: {  	s1 =	rddreg [dreg:$0x1];
	p0 =	sne.s32 s2, $0x0  }
0x3d8: {  	s3 =	rddreg [dreg:$0x2];
	[bflag:$0x3] =	sbarrier.arrive $0xFFFF;
	s2 =	simm.s32 @!p0 $0x1C07  }
0x3d9: {  	[timem:s3], [sflag:s2] =	dma.local @!p0 [hbm:s0], s1  }
0x3da: {  	s0 =	simm.s32 @!p0 $0x7  }
0x3db: {  	_ =	swait.ge @!p0 [sflag:s0], s1  }
0x3dc: {  	s1 =	ssub.s32 @!p0 $0x0, s1;
	[sflag:s0] =	ssyncset.done @!p0 $0x0  }
0x3dd: {  	[sflag:s0] =	ssyncadd.s32 @!p0 s1  }
0x3de: {  	[bflag:$0x3] =	sbarrier.arrive $0xFFFF  }
0x3df: {  	_ =	shalt  }

</sc_bundles>
